<compile_context>
chip_gen: v7x
topology: tpu7x:2x2x1
jax: 0.10.2.dev20260603
libtpu: 0.0.44.dev20260713+nightly
codegen_flags: <defaults>
</compile_context>

<pallas_src>
import functools

import jax
import jax.numpy as jnp
from jax import lax
from jax.experimental import pallas as pl
from jax.experimental.pallas import tpu as pltpu
from jax.experimental.pallas import tpu_sc as plsc

NUM_EXPERTS = 64
TOP_K = 8
HIDDEN = 768
TOKENS = 32768

BLOCK_T = 4096
NUM_WORKERS = 32
HALF_T = TOKENS // 2
TOK_PER_W = HALF_T // NUM_WORKERS
CHUNK = 128
N_CHUNKS = TOK_PER_W // CHUNK
L = 16
NV = NUM_EXPERTS // L


HALF_H = HIDDEN // 2


def _logits_block(x1_ref, x2_ref, w1_ref, w2_ref, o_ref):
    dn = (((1,), (1,)), ((), ()))
    logits = (
        lax.dot_general(x1_ref[...], w1_ref[...], dn,
                        preferred_element_type=jnp.float32)
        + lax.dot_general(x2_ref[...], w2_ref[...], dn,
                          preferred_element_type=jnp.float32))
    row_max = jnp.max(logits, axis=-1, keepdims=True)
    ex = jnp.exp(logits - row_max)
    o_ref[...] = ex / jnp.sum(ex, axis=-1, keepdims=True)


def _tc_logits(x, W, half):
    off = half * (HALF_T // BLOCK_T)
    return pl.pallas_call(
        _logits_block,
        grid=(HALF_T // BLOCK_T,),
        in_specs=[
            pl.BlockSpec((BLOCK_T, HALF_H), lambda i: (i + off, 0)),
            pl.BlockSpec((BLOCK_T, HALF_H), lambda i: (i + off, 1)),
            pl.BlockSpec((NUM_EXPERTS, HALF_H), lambda i: (0, 0)),
            pl.BlockSpec((NUM_EXPERTS, HALF_H), lambda i: (0, 1)),
        ],
        out_specs=pl.BlockSpec((BLOCK_T, NUM_EXPERTS), lambda i: (i, 0)),
        out_shape=jax.ShapeDtypeStruct((HALF_T, NUM_EXPERTS), jnp.float32),
    )(x, x, W, W)


def _srt(v, iota):
    k, _ = plsc.sort_key_val(v, iota, descending=True)
    return k


def _tok_compute(buf_l, buf_g, buf_m, tk, iota):
    pr = [buf_l[tk, pl.ds(j * L, L)] for j in range(NV)]
    s0, s1, s2, s3 = (_srt(prj, iota) for prj in pr)
    m01 = _srt(jnp.maximum(s0, lax.rev(s1, (0,))), iota)
    m23 = _srt(jnp.maximum(s2, lax.rev(s3, (0,))), iota)
    mm = _srt(jnp.maximum(m01, lax.rev(m23, (0,))), iota)
    t = jnp.max(jnp.where(iota == TOP_K - 1, mm, -1.0))
    cnt_gt = plsc.all_reduce_population_count(mm > t)
    tie_seen = jnp.zeros((L,), jnp.int32)
    for j in range(NV):
        eqj = pr[j] == t
        rj = lax.cumsum(eqj.astype(jnp.int32)) + tie_seen
        selj = (pr[j] > t) | (eqj & ((rj + cnt_gt) <= TOP_K))
        tie_seen = tie_seen + plsc.all_reduce_population_count(eqj)
        buf_g[tk, pl.ds(j * L, L)] = jnp.where(selj, pr[j], 0.0)
        buf_m[tk, pl.ds(j * L, L)] = selj.astype(jnp.int32)


UNROLL = 2


def _route_body(logits_hbm, gates_hbm, map_hbm,
                bl0, bl1, bg0, bg1, bm0, bm1,
                si0, si1, sg0, sg1, sm0, sm1):
    cid = lax.axis_index("c")
    sid = lax.axis_index("s")
    wid = sid * 2 + cid
    base = wid * TOK_PER_W
    iota = lax.iota(jnp.int32, L)
    bl, bg, bm = [bl0, bl1], [bg0, bg1], [bm0, bm1]
    si, sg, sm = [si0, si1], [sg0, sg1], [sm0, sm1]

    def start_in(ci):
        return pltpu.async_copy(
            logits_hbm.at[pl.ds(base + ci * CHUNK, CHUNK)], bl[ci % 2],
            si[ci % 2])

    in_cp = {0: start_in(0)}
    out_cp = {}
    for ci in range(N_CHUNKS):
        s = ci % 2
        if ci + 1 < N_CHUNKS:
            in_cp[ci + 1] = start_in(ci + 1)
        in_cp[ci].wait()
        if ci >= 2:
            gcp, mcp = out_cp[ci - 2]
            gcp.wait()
            mcp.wait()

        @plsc.parallel_loop(0, CHUNK, 1, unroll=UNROLL)
        def tok_body(tk):
            _tok_compute(bl[s], bg[s], bm[s], tk, iota)
        cbase = base + ci * CHUNK
        out_cp[ci] = (
            pltpu.async_copy(bg[s], gates_hbm.at[pl.ds(cbase, CHUNK)], sg[s]),
            pltpu.async_copy(bm[s], map_hbm.at[pl.ds(cbase, CHUNK)], sm[s]),
        )
    for ci in (N_CHUNKS - 2, N_CHUNKS - 1):
        gcp, mcp = out_cp[ci]
        gcp.wait()
        mcp.wait()


def _sc_route(logits):
    mesh = plsc.VectorSubcoreMesh(core_axis_name="c", subcore_axis_name="s")
    fn = pl.kernel(
        _route_body,
        out_type=[
            jax.ShapeDtypeStruct((HALF_T, NUM_EXPERTS), jnp.float32),
            jax.ShapeDtypeStruct((HALF_T, NUM_EXPERTS), jnp.int32),
        ],
        mesh=mesh,
        compiler_params=pltpu.CompilerParams(needs_layout_passes=False),
        scratch_types=[
            pltpu.VMEM((CHUNK, NUM_EXPERTS), jnp.float32),
            pltpu.VMEM((CHUNK, NUM_EXPERTS), jnp.float32),
            pltpu.VMEM((CHUNK, NUM_EXPERTS), jnp.float32),
            pltpu.VMEM((CHUNK, NUM_EXPERTS), jnp.float32),
            pltpu.VMEM((CHUNK, NUM_EXPERTS), jnp.int32),
            pltpu.VMEM((CHUNK, NUM_EXPERTS), jnp.int32),
            pltpu.SemaphoreType.DMA,
            pltpu.SemaphoreType.DMA,
            pltpu.SemaphoreType.DMA,
            pltpu.SemaphoreType.DMA,
            pltpu.SemaphoreType.DMA,
            pltpu.SemaphoreType.DMA,
        ],
    )
    return fn(logits)


@jax.jit
def kernel(x, W):
    pa = _tc_logits(x, W, 0)
    ga, ma = _sc_route(pa)
    pb = _tc_logits(x, W, 1)
    gb, mb = _sc_route(pb)
    return (jnp.concatenate([ga, gb]), jnp.concatenate([ma, mb]))

# --- scband reference (transcript-rebuilt; emitter-appended) ---
"""Pipeline reference for scband-router-80676665688476 (READ-ONLY COPY).

The authoritative reference and input builder live on the scoring server;
editing this copy changes nothing except your own understanding.
"""

import jax, jax.numpy as jnp
import numpy as np

NUM_EXPERTS = 64
TOP_K = 8
HIDDEN = 768
TOKENS = 32768


def setup_inputs(seed: int = 0) -> dict:
    key = jax.random.key(seed)
    k1, k2 = jax.random.split(key)
    x = jax.random.normal(k1, (TOKENS, HIDDEN), dtype=jnp.float32)
    # Router weight parameter: nn.Parameter(torch.randn(num_experts, hidden_size))
    W = jax.random.normal(k2, (NUM_EXPERTS, HIDDEN), dtype=jnp.float32)
    return {"x": x, "W": W}


def reference(x, W):
    # gating: F.linear(x.float(), W) -> logits [T, E]
    logits = jnp.dot(x.astype(jnp.float32), W.T)
    # z_loss_coeff is None -> no z-loss; load_balancing_type None -> top_k_softmax
    probs = jax.nn.softmax(logits, axis=-1)
    routing_weights, routing_indices = jax.lax.top_k(probs, TOP_K)
    rows = jnp.arange(logits.shape[0])[:, None]
    # topk_version == False path: dense scatter of gates and a 0/1 map
    topk_masked_gates = jnp.zeros_like(logits).at[rows, routing_indices].set(routing_weights)
    topk_map = jnp.zeros(logits.shape, dtype=jnp.int32).at[rows, routing_indices].set(1)
    return (topk_masked_gates, topk_map)

if __name__ == "__main__":
    import jax
    _d = setup_inputs()
    print(jax.jit(kernel)(*tuple(_d.values())))

</pallas_src>

<mosaic_0001>
#map = affine_map<(d0, d1) -> (0, 0)>
module attributes {stable_mosaic.version = 14 : i64} {
  func.func @_route_body(%arg0: i32, %arg1: i32, %arg2: memref<16384x64xf32, #tpu.memory_space<hbm>>, %arg3: memref<16384x64xf32, #tpu.memory_space<hbm>>, %arg4: memref<16384x64xi32, #tpu.memory_space<hbm>>, %arg5: memref<128x64xf32, #tpu.memory_space<vmem>>, %arg6: memref<128x64xf32, #tpu.memory_space<vmem>>, %arg7: memref<128x64xf32, #tpu.memory_space<vmem>>, %arg8: memref<128x64xf32, #tpu.memory_space<vmem>>, %arg9: memref<128x64xi32, #tpu.memory_space<vmem>>, %arg10: memref<128x64xi32, #tpu.memory_space<vmem>>, %arg11: memref<!tpu.dma_semaphore, #tpu.memory_space<semaphore_mem>>, %arg12: memref<!tpu.dma_semaphore, #tpu.memory_space<semaphore_mem>>, %arg13: memref<!tpu.dma_semaphore, #tpu.memory_space<semaphore_mem>>, %arg14: memref<!tpu.dma_semaphore, #tpu.memory_space<semaphore_mem>>, %arg15: memref<!tpu.dma_semaphore, #tpu.memory_space<semaphore_mem>>, %arg16: memref<!tpu.dma_semaphore, #tpu.memory_space<semaphore_mem>>) attributes {dimension_semantics = [#tpu.dimension_semantics<core_parallel>, #tpu.dimension_semantics<subcore_parallel>], iteration_bounds = array<i64: 2, 16>, scalar_prefetch = 0 : i64, scratch_operands = 12 : i64, tpu.core_type = #tpu.core_type<sc_vector_subcore>, window_params = [{transform_indices = #map}, {transform_indices = #map}, {transform_indices = #map}]} {
    %mul3A = arith.constant 2 : i32
    %mul3A_0 = arith.muli %arg1, %mul3A : i32
    %add3A = arith.addi %mul3A_0, %arg0 : i32
    %mul3A_1 = arith.constant 512 : i32
    %mul3A_2 = arith.muli %add3A, %mul3A_1 : i32
    %iota3A = tpu.iota {dimensions = array<i32: 0>} : vector<16xi32>
    %add3A_3 = arith.constant 0 : i32
    %add3A_4 = arith.addi %mul3A_2, %add3A_3 : i32
    %dma_start3A = arith.constant 0 : i32
    %dma_start3A_5 = tpu.memref_slice %arg2[%add3A_4, %dma_start3A] : memref<16384x64xf32, #tpu.memory_space<hbm>> -> memref<128x64xf32, #tpu.memory_space<hbm>>
    %dma_start3A_6 = arith.constant 0 : i32
    %dma_start3A_7 = tpu.memref_slice %arg2[%add3A_4, %dma_start3A_6] : memref<16384x64xf32, #tpu.memory_space<hbm>> -> memref<128x64xf32, #tpu.memory_space<hbm>>
    tpu.enqueue_dma source(%dma_start3A_7 : memref<128x64xf32, #tpu.memory_space<hbm>>) target(%arg5 : memref<128x64xf32, #tpu.memory_space<vmem>>) target_semaphore(%arg11 : memref<!tpu.dma_semaphore, #tpu.memory_space<semaphore_mem>>)
    %add3A_8 = arith.constant 128 : i32
    %add3A_9 = arith.addi %mul3A_2, %add3A_8 : i32
    %dma_start3A_10 = arith.constant 0 : i32
    %dma_start3A_11 = tpu.memref_slice %arg2[%add3A_9, %dma_start3A_10] : memref<16384x64xf32, #tpu.memory_space<hbm>> -> memref<128x64xf32, #tpu.memory_space<hbm>>
    %dma_start3A_12 = arith.constant 0 : i32
    %dma_start3A_13 = tpu.memref_slice %arg2[%add3A_9, %dma_start3A_12] : memref<16384x64xf32, #tpu.memory_space<hbm>> -> memref<128x64xf32, #tpu.memory_space<hbm>>
    tpu.enqueue_dma source(%dma_start3A_13 : memref<128x64xf32, #tpu.memory_space<hbm>>) target(%arg6 : memref<128x64xf32, #tpu.memory_space<vmem>>) target_semaphore(%arg12 : memref<!tpu.dma_semaphore, #tpu.memory_space<semaphore_mem>>)
    %dma_wait3A = arith.constant 0 : i32
    %dma_wait3A_14 = tpu.memref_slice %arg2[%add3A_4, %dma_wait3A] : memref<16384x64xf32, #tpu.memory_space<hbm>> -> memref<128x64xf32, #tpu.memory_space<hbm>>
    %dma_wait3A_15 = arith.constant 0 : i32
    %dma_wait3A_16 = tpu.memref_slice %arg2[%add3A_4, %dma_wait3A_15] : memref<16384x64xf32, #tpu.memory_space<hbm>> -> memref<128x64xf32, #tpu.memory_space<hbm>>
    tpu.wait_dma2 semaphore(%arg11 : memref<!tpu.dma_semaphore, #tpu.memory_space<semaphore_mem>>) src(%dma_wait3A_16 : memref<128x64xf32, #tpu.memory_space<hbm>>) dst(%arg5 : memref<128x64xf32, #tpu.memory_space<vmem>>)
    %parallel_loop3A = arith.constant 0 : i32
    %parallel_loop3A_17 = arith.constant 128 : i32
    %parallel_loop3A_18 = arith.constant 1 : i32
    scf.for %parallel_loop3A_124 = %parallel_loop3A to %parallel_loop3A_17 step %parallel_loop3A_18  : i32 {
      %parallel_loop3A_125 = arith.index_cast %parallel_loop3A_124 : i32 to index
      %parallel_loop3A_126 = arith.constant 0 : index
      %parallel_loop3A_127 = tpu.vector_load %arg5[%parallel_loop3A_125, %parallel_loop3A_126] {strides = array<i32>} : memref<128x64xf32, #tpu.memory_space<vmem>>, vector<16xf32>,
      %parallel_loop3A_128 = arith.index_cast %parallel_loop3A_124 : i32 to index
      %parallel_loop3A_129 = arith.constant 16 : index
      %parallel_loop3A_130 = tpu.vector_load %arg5[%parallel_loop3A_128, %parallel_loop3A_129] {strides = array<i32>} : memref<128x64xf32, #tpu.memory_space<vmem>>, vector<16xf32>,
      %parallel_loop3A_131 = arith.index_cast %parallel_loop3A_124 : i32 to index
      %parallel_loop3A_132 = arith.constant 32 : index
      %parallel_loop3A_133 = tpu.vector_load %arg5[%parallel_loop3A_131, %parallel_loop3A_132] {strides = array<i32>} : memref<128x64xf32, #tpu.memory_space<vmem>>, vector<16xf32>,
      %parallel_loop3A_134 = arith.index_cast %parallel_loop3A_124 : i32 to index
      %parallel_loop3A_135 = arith.constant 48 : index
      %parallel_loop3A_136 = tpu.vector_load %arg5[%parallel_loop3A_134, %parallel_loop3A_135] {strides = array<i32>} : memref<128x64xf32, #tpu.memory_space<vmem>>, vector<16xf32>,
      %parallel_loop3A_137 = arith.constant dense<true> : vector<16xi1>
      %parallel_loop3A_138, %parallel_loop3A_139, %parallel_loop3A_140 = tpu.sort %parallel_loop3A_127, %iota3A masked %parallel_loop3A_137 {descending = true} : (vector<16xf32>, vector<16xi32>, vector<16xi1>) -> (vector<16xi1>, vector<16xf32>, vector<16xi32>)
      %parallel_loop3A_141 = arith.constant dense<true> : vector<16xi1>
      %parallel_loop3A_142, %parallel_loop3A_143, %parallel_loop3A_144 = tpu.sort %parallel_loop3A_130, %iota3A masked %parallel_loop3A_141 {descending = true} : (vector<16xf32>, vector<16xi32>, vector<16xi1>) -> (vector<16xi1>, vector<16xf32>, vector<16xi32>)
      %parallel_loop3A_145 = arith.constant dense<true> : vector<16xi1>
      %parallel_loop3A_146, %parallel_loop3A_147, %parallel_loop3A_148 = tpu.sort %parallel_loop3A_133, %iota3A masked %parallel_loop3A_145 {descending = true} : (vector<16xf32>, vector<16xi32>, vector<16xi1>) -> (vector<16xi1>, vector<16xf32>, vector<16xi32>)
      %parallel_loop3A_149 = arith.constant dense<true> : vector<16xi1>
      %parallel_loop3A_150, %parallel_loop3A_151, %parallel_loop3A_152 = tpu.sort %parallel_loop3A_136, %iota3A masked %parallel_loop3A_149 {descending = true} : (vector<16xf32>, vector<16xi32>, vector<16xi1>) -> (vector<16xi1>, vector<16xf32>, vector<16xi32>)
      %parallel_loop3A_153 = arith.constant 15 : i32
      %parallel_loop3A_154 = vector.broadcast %parallel_loop3A_153 : i32 to vector<16xi32>
      %parallel_loop3A_155 = tpu.iota {dimensions = array<i32: 0>} : vector<16xi32>
      %parallel_loop3A_156 = arith.subi %parallel_loop3A_154, %parallel_loop3A_155 : vector<16xi32>
      %parallel_loop3A_157 = tpu.dynamic_gather %parallel_loop3A_143[%parallel_loop3A_156] in [0] : vector<16xf32>, vector<16xi32> -> vector<16xf32>
      %parallel_loop3A_158 = arith.maximumf %parallel_loop3A_139, %parallel_loop3A_157 : vector<16xf32>
      %parallel_loop3A_159 = arith.constant dense<true> : vector<16xi1>
      %parallel_loop3A_160, %parallel_loop3A_161, %parallel_loop3A_162 = tpu.sort %parallel_loop3A_158, %iota3A masked %parallel_loop3A_159 {descending = true} : (vector<16xf32>, vector<16xi32>, vector<16xi1>) -> (vector<16xi1>, vector<16xf32>, vector<16xi32>)
      %parallel_loop3A_163 = arith.constant 15 : i32
      %parallel_loop3A_164 = vector.broadcast %parallel_loop3A_163 : i32 to vector<16xi32>
      %parallel_loop3A_165 = tpu.iota {dimensions = array<i32: 0>} : vector<16xi32>
      %parallel_loop3A_166 = arith.subi %parallel_loop3A_164, %parallel_loop3A_165 : vector<16xi32>
      %parallel_loop3A_167 = tpu.dynamic_gather %parallel_loop3A_151[%parallel_loop3A_166] in [0] : vector<16xf32>, vector<16xi32> -> vector<16xf32>
      %parallel_loop3A_168 = arith.maximumf %parallel_loop3A_147, %parallel_loop3A_167 : vector<16xf32>
      %parallel_loop3A_169 = arith.constant dense<true> : vector<16xi1>
      %parallel_loop3A_170, %parallel_loop3A_171, %parallel_loop3A_172 = tpu.sort %parallel_loop3A_168, %iota3A masked %parallel_loop3A_169 {descending = true} : (vector<16xf32>, vector<16xi32>, vector<16xi1>) -> (vector<16xi1>, vector<16xf32>, vector<16xi32>)
      %parallel_loop3A_173 = arith.constant 15 : i32
      %parallel_loop3A_174 = vector.broadcast %parallel_loop3A_173 : i32 to vector<16xi32>
      %parallel_loop3A_175 = tpu.iota {dimensions = array<i32: 0>} : vector<16xi32>
      %parallel_loop3A_176 = arith.subi %parallel_loop3A_174, %parallel_loop3A_175 : vector<16xi32>
      %parallel_loop3A_177 = tpu.dynamic_gather %parallel_loop3A_171[%parallel_loop3A_176] in [0] : vector<16xf32>, vector<16xi32> -> vector<16xf32>
      %parallel_loop3A_178 = arith.maximumf %parallel_loop3A_161, %parallel_loop3A_177 : vector<16xf32>
      %parallel_loop3A_179 = arith.constant dense<true> : vector<16xi1>
      %parallel_loop3A_180, %parallel_loop3A_181, %parallel_loop3A_182 = tpu.sort %parallel_loop3A_178, %iota3A masked %parallel_loop3A_179 {descending = true} : (vector<16xf32>, vector<16xi32>, vector<16xi1>) -> (vector<16xi1>, vector<16xf32>, vector<16xi32>)
      %parallel_loop3A_183 = arith.constant 7 : i32
      %parallel_loop3A_184 = vector.broadcast %parallel_loop3A_183 : i32 to vector<16xi32>
      %parallel_loop3A_185 = arith.cmpi eq, %iota3A, %parallel_loop3A_184 : vector<16xi32>
      %parallel_loop3A_186 = arith.constant -1.000000e+00 : f32
      %parallel_loop3A_187 = vector.broadcast %parallel_loop3A_186 : f32 to vector<16xf32>
      %parallel_loop3A_188 = arith.select %parallel_loop3A_185, %parallel_loop3A_181, %parallel_loop3A_187 : vector<16xi1>, vector<16xf32>
      %parallel_loop3A_189 = arith.constant true
      %parallel_loop3A_190 = vector.broadcast %parallel_loop3A_189 : i1 to vector<16xi1>
      %parallel_loop3A_191 = tpu.scan <max>, %parallel_loop3A_188 masked %parallel_loop3A_190 : vector<16xf32>, vector<16xi1> -> vector<16xf32>
      %parallel_loop3A_192 = vector.extract %parallel_loop3A_191[15] : f32 from vector<16xf32>
      %parallel_loop3A_193 = vector.broadcast %parallel_loop3A_192 : f32 to vector<16xf32>
      %parallel_loop3A_194 = arith.cmpf ogt, %parallel_loop3A_181, %parallel_loop3A_193 : vector<16xf32>
      %parallel_loop3A_195 = tpu.all_reduce %parallel_loop3A_194 {dim = 0 : i64, kind = #tpu.reduction_kind<sum>} : vector<16xi1> -> vector<16xi32>
      %parallel_loop3A_196 = arith.constant 0 : i32
      %parallel_loop3A_197 = vector.broadcast %parallel_loop3A_196 : i32 to vector<16xi32>
      %parallel_loop3A_198 = vector.broadcast %parallel_loop3A_192 : f32 to vector<16xf32>
      %parallel_loop3A_199 = arith.cmpf oeq, %parallel_loop3A_127, %parallel_loop3A_198 : vector<16xf32>
      %parallel_loop3A_200 = arith.extui %parallel_loop3A_199 : vector<16xi1> to vector<16xi32>
      %parallel_loop3A_201 = arith.constant true
      %parallel_loop3A_202 = vector.broadcast %parallel_loop3A_201 : i1 to vector<16xi1>
      %parallel_loop3A_203 = tpu.scan <sum>, %parallel_loop3A_200 masked %parallel_loop3A_202 : vector<16xi32>, vector<16xi1> -> vector<16xi32>
      %parallel_loop3A_204 = arith.addi %parallel_loop3A_203, %parallel_loop3A_197 : vector<16xi32>
      %parallel_loop3A_205 = vector.broadcast %parallel_loop3A_192 : f32 to vector<16xf32>
      %parallel_loop3A_206 = arith.cmpf ogt, %parallel_loop3A_127, %parallel_loop3A_205 : vector<16xf32>
      %parallel_loop3A_207 = arith.addi %parallel_loop3A_204, %parallel_loop3A_195 : vector<16xi32>
      %parallel_loop3A_208 = arith.constant 8 : i32
      %parallel_loop3A_209 = vector.broadcast %parallel_loop3A_208 : i32 to vector<16xi32>
      %parallel_loop3A_210 = arith.cmpi sle, %parallel_loop3A_207, %parallel_loop3A_209 : vector<16xi32>
      %parallel_loop3A_211 = arith.andi %parallel_loop3A_199, %parallel_loop3A_210 : vector<16xi1>
      %parallel_loop3A_212 = arith.ori %parallel_loop3A_206, %parallel_loop3A_211 : vector<16xi1>
      %parallel_loop3A_213 = tpu.all_reduce %parallel_loop3A_199 {dim = 0 : i64, kind = #tpu.reduction_kind<sum>} : vector<16xi1> -> vector<16xi32>
      %parallel_loop3A_214 = arith.addi %parallel_loop3A_197, %parallel_loop3A_213 : vector<16xi32>
      %parallel_loop3A_215 = arith.constant 0.000000e+00 : f32
      %parallel_loop3A_216 = vector.broadcast %parallel_loop3A_215 : f32 to vector<16xf32>
      %parallel_loop3A_217 = arith.select %parallel_loop3A_212, %parallel_loop3A_127, %parallel_loop3A_216 : vector<16xi1>, vector<16xf32>
      %parallel_loop3A_218 = arith.index_cast %parallel_loop3A_124 : i32 to index
      %parallel_loop3A_219 = arith.constant 0 : index
      %parallel_loop3A_220 = tpu.vector_load %arg7[%parallel_loop3A_218, %parallel_loop3A_219] {strides = array<i32>} : memref<128x64xf32, #tpu.memory_space<vmem>>, vector<16xf32>,
      tpu.vector_store %arg7[%parallel_loop3A_218, %parallel_loop3A_219], %parallel_loop3A_217 {strides = array<i32>} : memref<128x64xf32, #tpu.memory_space<vmem>>, vector<16xf32>,
      %parallel_loop3A_221 = arith.extui %parallel_loop3A_212 : vector<16xi1> to vector<16xi32>
      %parallel_loop3A_222 = arith.index_cast %parallel_loop3A_124 : i32 to index
      %parallel_loop3A_223 = arith.constant 0 : index
      %parallel_loop3A_224 = tpu.vector_load %arg9[%parallel_loop3A_222, %parallel_loop3A_223] {strides = array<i32>} : memref<128x64xi32, #tpu.memory_space<vmem>>, vector<16xi32>,
      tpu.vector_store %arg9[%parallel_loop3A_222, %parallel_loop3A_223], %parallel_loop3A_221 {strides = array<i32>} : memref<128x64xi32, #tpu.memory_space<vmem>>, vector<16xi32>,
      %parallel_loop3A_225 = vector.broadcast %parallel_loop3A_192 : f32 to vector<16xf32>
      %parallel_loop3A_226 = arith.cmpf oeq, %parallel_loop3A_130, %parallel_loop3A_225 : vector<16xf32>
      %parallel_loop3A_227 = arith.extui %parallel_loop3A_226 : vector<16xi1> to vector<16xi32>
      %parallel_loop3A_228 = arith.constant true
      %parallel_loop3A_229 = vector.broadcast %parallel_loop3A_228 : i1 to vector<16xi1>
      %parallel_loop3A_230 = tpu.scan <sum>, %parallel_loop3A_227 masked %parallel_loop3A_229 : vector<16xi32>, vector<16xi1> -> vector<16xi32>
      %parallel_loop3A_231 = arith.addi %parallel_loop3A_230, %parallel_loop3A_214 : vector<16xi32>
      %parallel_loop3A_232 = vector.broadcast %parallel_loop3A_192 : f32 to vector<16xf32>
      %parallel_loop3A_233 = arith.cmpf ogt, %parallel_loop3A_130, %parallel_loop3A_232 : vector<16xf32>
      %parallel_loop3A_234 = arith.addi %parallel_loop3A_231, %parallel_loop3A_195 : vector<16xi32>
      %parallel_loop3A_235 = arith.constant 8 : i32
      %parallel_loop3A_236 = vector.broadcast %parallel_loop3A_235 : i32 to vector<16xi32>
      %parallel_loop3A_237 = arith.cmpi sle, %parallel_loop3A_234, %parallel_loop3A_236 : vector<16xi32>
      %parallel_loop3A_238 = arith.andi %parallel_loop3A_226, %parallel_loop3A_237 : vector<16xi1>
      %parallel_loop3A_239 = arith.ori %parallel_loop3A_233, %parallel_loop3A_238 : vector<16xi1>
      %parallel_loop3A_240 = tpu.all_reduce %parallel_loop3A_226 {dim = 0 : i64, kind = #tpu.reduction_kind<sum>} : vector<16xi1> -> vector<16xi32>
      %parallel_loop3A_241 = arith.addi %parallel_loop3A_214, %parallel_loop3A_240 : vector<16xi32>
      %parallel_loop3A_242 = arith.constant 0.000000e+00 : f32
      %parallel_loop3A_243 = vector.broadcast %parallel_loop3A_242 : f32 to vector<16xf32>
      %parallel_loop3A_244 = arith.select %parallel_loop3A_239, %parallel_loop3A_130, %parallel_loop3A_243 : vector<16xi1>, vector<16xf32>
      %parallel_loop3A_245 = arith.index_cast %parallel_loop3A_124 : i32 to index
      %parallel_loop3A_246 = arith.constant 16 : index
      %parallel_loop3A_247 = tpu.vector_load %arg7[%parallel_loop3A_245, %parallel_loop3A_246] {strides = array<i32>} : memref<128x64xf32, #tpu.memory_space<vmem>>, vector<16xf32>,
      tpu.vector_store %arg7[%parallel_loop3A_245, %parallel_loop3A_246], %parallel_loop3A_244 {strides = array<i32>} : memref<128x64xf32, #tpu.memory_space<vmem>>, vector<16xf32>,
      %parallel_loop3A_248 = arith.extui %parallel_loop3A_239 : vector<16xi1> to vector<16xi32>
      %parallel_loop3A_249 = arith.index_cast %parallel_loop3A_124 : i32 to index
      %parallel_loop3A_250 = arith.constant 16 : index
      %parallel_loop3A_251 = tpu.vector_load %arg9[%parallel_loop3A_249, %parallel_loop3A_250] {strides = array<i32>} : memref<128x64xi32, #tpu.memory_space<vmem>>, vector<16xi32>,
      tpu.vector_store %arg9[%parallel_loop3A_249, %parallel_loop3A_250], %parallel_loop3A_248 {strides = array<i32>} : memref<128x64xi32, #tpu.memory_space<vmem>>, vector<16xi32>,
      %parallel_loop3A_252 = vector.broadcast %parallel_loop3A_192 : f32 to vector<16xf32>
      %parallel_loop3A_253 = arith.cmpf oeq, %parallel_loop3A_133, %parallel_loop3A_252 : vector<16xf32>
      %parallel_loop3A_254 = arith.extui %parallel_loop3A_253 : vector<16xi1> to vector<16xi32>
      %parallel_loop3A_255 = arith.constant true
      %parallel_loop3A_256 = vector.broadcast %parallel_loop3A_255 : i1 to vector<16xi1>
      %parallel_loop3A_257 = tpu.scan <sum>, %parallel_loop3A_254 masked %parallel_loop3A_256 : vector<16xi32>, vector<16xi1> -> vector<16xi32>
      %parallel_loop3A_258 = arith.addi %parallel_loop3A_257, %parallel_loop3A_241 : vector<16xi32>
      %parallel_loop3A_259 = vector.broadcast %parallel_loop3A_192 : f32 to vector<16xf32>
      %parallel_loop3A_260 = arith.cmpf ogt, %parallel_loop3A_133, %parallel_loop3A_259 : vector<16xf32>
      %parallel_loop3A_261 = arith.addi %parallel_loop3A_258, %parallel_loop3A_195 : vector<16xi32>
      %parallel_loop3A_262 = arith.constant 8 : i32
      %parallel_loop3A_263 = vector.broadcast %parallel_loop3A_262 : i32 to vector<16xi32>
      %parallel_loop3A_264 = arith.cmpi sle, %parallel_loop3A_261, %parallel_loop3A_263 : vector<16xi32>
      %parallel_loop3A_265 = arith.andi %parallel_loop3A_253, %parallel_loop3A_264 : vector<16xi1>
      %parallel_loop3A_266 = arith.ori %parallel_loop3A_260, %parallel_loop3A_265 : vector<16xi1>
      %parallel_loop3A_267 = tpu.all_reduce %parallel_loop3A_253 {dim = 0 : i64, kind = #tpu.reduction_kind<sum>} : vector<16xi1> -> vector<16xi32>
      %parallel_loop3A_268 = arith.addi %parallel_loop3A_241, %parallel_loop3A_267 : vector<16xi32>
      %parallel_loop3A_269 = arith.constant 0.000000e+00 : f32
      %parallel_loop3A_270 = vector.broadcast %parallel_loop3A_269 : f32 to vector<16xf32>
      %parallel_loop3A_271 = arith.select %parallel_loop3A_266, %parallel_loop3A_133, %parallel_loop3A_270 : vector<16xi1>, vector<16xf32>
      %parallel_loop3A_272 = arith.index_cast %parallel_loop3A_124 : i32 to index
      %parallel_loop3A_273 = arith.constant 32 : index
      %parallel_loop3A_274 = tpu.vector_load %arg7[%parallel_loop3A_272, %parallel_loop3A_273] {strides = array<i32>} : memref<128x64xf32, #tpu.memory_space<vmem>>, vector<16xf32>,
      tpu.vector_store %arg7[%parallel_loop3A_272, %parallel_loop3A_273], %parallel_loop3A_271 {strides = array<i32>} : memref<128x64xf32, #tpu.memory_space<vmem>>, vector<16xf32>,
      %parallel_loop3A_275 = arith.extui %parallel_loop3A_266 : vector<16xi1> to vector<16xi32>
      %parallel_loop3A_276 = arith.index_cast %parallel_loop3A_124 : i32 to index
      %parallel_loop3A_277 = arith.constant 32 : index
      %parallel_loop3A_278 = tpu.vector_load %arg9[%parallel_loop3A_276, %parallel_loop3A_277] {strides = array<i32>} : memref<128x64xi32, #tpu.memory_space<vmem>>, vector<16xi32>,
      tpu.vector_store %arg9[%parallel_loop3A_276, %parallel_loop3A_277], %parallel_loop3A_275 {strides = array<i32>} : memref<128x64xi32, #tpu.memory_space<vmem>>, vector<16xi32>,
      %parallel_loop3A_279 = vector.broadcast %parallel_loop3A_192 : f32 to vector<16xf32>
      %parallel_loop3A_280 = arith.cmpf oeq, %parallel_loop3A_136, %parallel_loop3A_279 : vector<16xf32>
      %parallel_loop3A_281 = arith.extui %parallel_loop3A_280 : vector<16xi1> to vector<16xi32>
      %parallel_loop3A_282 = arith.constant true
      %parallel_loop3A_283 = vector.broadcast %parallel_loop3A_282 : i1 to vector<16xi1>
      %parallel_loop3A_284 = tpu.scan <sum>, %parallel_loop3A_281 masked %parallel_loop3A_283 : vector<16xi32>, vector<16xi1> -> vector<16xi32>
      %parallel_loop3A_285 = arith.addi %parallel_loop3A_284, %parallel_loop3A_268 : vector<16xi32>
      %parallel_loop3A_286 = vector.broadcast %parallel_loop3A_192 : f32 to vector<16xf32>
      %parallel_loop3A_287 = arith.cmpf ogt, %parallel_loop3A_136, %parallel_loop3A_286 : vector<16xf32>
      %parallel_loop3A_288 = arith.addi %parallel_loop3A_285, %parallel_loop3A_195 : vector<16xi32>
      %parallel_loop3A_289 = arith.constant 8 : i32
      %parallel_loop3A_290 = vector.broadcast %parallel_loop3A_289 : i32 to vector<16xi32>
      %parallel_loop3A_291 = arith.cmpi sle, %parallel_loop3A_288, %parallel_loop3A_290 : vector<16xi32>
      %parallel_loop3A_292 = arith.andi %parallel_loop3A_280, %parallel_loop3A_291 : vector<16xi1>
      %parallel_loop3A_293 = arith.ori %parallel_loop3A_287, %parallel_loop3A_292 : vector<16xi1>
      %parallel_loop3A_294 = tpu.all_reduce %parallel_loop3A_280 {dim = 0 : i64, kind = #tpu.reduction_kind<sum>} : vector<16xi1> -> vector<16xi32>
      %parallel_loop3A_295 = arith.addi %parallel_loop3A_268, %parallel_loop3A_294 : vector<16xi32>
      %parallel_loop3A_296 = arith.constant 0.000000e+00 : f32
      %parallel_loop3A_297 = vector.broadcast %parallel_loop3A_296 : f32 to vector<16xf32>
      %parallel_loop3A_298 = arith.select %parallel_loop3A_293, %parallel_loop3A_136, %parallel_loop3A_297 : vector<16xi1>, vector<16xf32>
      %parallel_loop3A_299 = arith.index_cast %parallel_loop3A_124 : i32 to index
      %parallel_loop3A_300 = arith.constant 48 : index
      %parallel_loop3A_301 = tpu.vector_load %arg7[%parallel_loop3A_299, %parallel_loop3A_300] {strides = array<i32>} : memref<128x64xf32, #tpu.memory_space<vmem>>, vector<16xf32>,
      tpu.vector_store %arg7[%parallel_loop3A_299, %parallel_loop3A_300], %parallel_loop3A_298 {strides = array<i32>} : memref<128x64xf32, #tpu.memory_space<vmem>>, vector<16xf32>,
      %parallel_loop3A_302 = arith.extui %parallel_loop3A_293 : vector<16xi1> to vector<16xi32>
      %parallel_loop3A_303 = arith.index_cast %parallel_loop3A_124 : i32 to index
      %parallel_loop3A_304 = arith.constant 48 : index
      %parallel_loop3A_305 = tpu.vector_load %arg9[%parallel_loop3A_303, %parallel_loop3A_304] {strides = array<i32>} : memref<128x64xi32, #tpu.memory_space<vmem>>, vector<16xi32>,
      tpu.vector_store %arg9[%parallel_loop3A_303, %parallel_loop3A_304], %parallel_loop3A_302 {strides = array<i32>} : memref<128x64xi32, #tpu.memory_space<vmem>>, vector<16xi32>,
    } {sc.loop_unroll_factor = 2 : i64, sc.parallel_access}
    %add3A_19 = arith.constant 0 : i32
    %add3A_20 = arith.addi %mul3A_2, %add3A_19 : i32
    %dma_start3A_21 = arith.constant 0 : i32
    %dma_start3A_22 = tpu.memref_slice %arg3[%add3A_20, %dma_start3A_21] : memref<16384x64xf32, #tpu.memory_space<hbm>> -> memref<128x64xf32, #tpu.memory_space<hbm>>
    %dma_start3A_23 = arith.constant 0 : i32
    %dma_start3A_24 = tpu.memref_slice %arg3[%add3A_20, %dma_start3A_23] : memref<16384x64xf32, #tpu.memory_space<hbm>> -> memref<128x64xf32, #tpu.memory_space<hbm>>
    tpu.enqueue_dma source(%arg7 : memref<128x64xf32, #tpu.memory_space<vmem>>) target(%dma_start3A_24 : memref<128x64xf32, #tpu.memory_space<hbm>>) target_semaphore(%arg13 : memref<!tpu.dma_semaphore, #tpu.memory_space<semaphore_mem>>)
    %dma_start3A_25 = arith.constant 0 : i32
    %dma_start3A_26 = tpu.memref_slice %arg4[%add3A_20, %dma_start3A_25] : memref<16384x64xi32, #tpu.memory_space<hbm>> -> memref<128x64xi32, #tpu.memory_space<hbm>>
    %dma_start3A_27 = arith.constant 0 : i32
    %dma_start3A_28 = tpu.memref_slice %arg4[%add3A_20, %dma_start3A_27] : memref<16384x64xi32, #tpu.memory_space<hbm>> -> memref<128x64xi32, #tpu.memory_space<hbm>>
    tpu.enqueue_dma source(%arg9 : memref<128x64xi32, #tpu.memory_space<vmem>>) target(%dma_start3A_28 : memref<128x64xi32, #tpu.memory_space<hbm>>) target_semaphore(%arg15 : memref<!tpu.dma_semaphore, #tpu.memory_space<semaphore_mem>>)
    %add3A_29 = arith.constant 256 : i32
    %add3A_30 = arith.addi %mul3A_2, %add3A_29 : i32
    %dma_start3A_31 = arith.constant 0 : i32
    %dma_start3A_32 = tpu.memref_slice %arg2[%add3A_30, %dma_start3A_31] : memref<16384x64xf32, #tpu.memory_space<hbm>> -> memref<128x64xf32, #tpu.memory_space<hbm>>
    %dma_start3A_33 = arith.constant 0 : i32
    %dma_start3A_34 = tpu.memref_slice %arg2[%add3A_30, %dma_start3A_33] : memref<16384x64xf32, #tpu.memory_space<hbm>> -> memref<128x64xf32, #tpu.memory_space<hbm>>
    tpu.enqueue_dma source(%dma_start3A_34 : memref<128x64xf32, #tpu.memory_space<hbm>>) target(%arg5 : memref<128x64xf32, #tpu.memory_space<vmem>>) target_semaphore(%arg11 : memref<!tpu.dma_semaphore, #tpu.memory_space<semaphore_mem>>)
    %dma_wait3A_35 = arith.constant 0 : i32
    %dma_wait3A_36 = tpu.memref_slice %arg2[%add3A_9, %dma_wait3A_35] : memref<16384x64xf32, #tpu.memory_space<hbm>> -> memref<128x64xf32, #tpu.memory_space<hbm>>
    %dma_wait3A_37 = arith.constant 0 : i32
    %dma_wait3A_38 = tpu.memref_slice %arg2[%add3A_9, %dma_wait3A_37] : memref<16384x64xf32, #tpu.memory_space<hbm>> -> memref<128x64xf32, #tpu.memory_space<hbm>>
    tpu.wait_dma2 semaphore(%arg12 : memref<!tpu.dma_semaphore, #tpu.memory_space<semaphore_mem>>) src(%dma_wait3A_38 : memref<128x64xf32, #tpu.memory_space<hbm>>) dst(%arg6 : memref<128x64xf32, #tpu.memory_space<vmem>>)
    %parallel_loop3A_39 = arith.constant 0 : i32
    %parallel_loop3A_40 = arith.constant 128 : i32
    %parallel_loop3A_41 = arith.constant 1 : i32
    scf.for %parallel_loop3A_124 = %parallel_loop3A_39 to %parallel_loop3A_40 step %parallel_loop3A_41  : i32 {
      %parallel_loop3A_125 = arith.index_cast %parallel_loop3A_124 : i32 to index
      %parallel_loop3A_126 = arith.constant 0 : index
      %parallel_loop3A_127 = tpu.vector_load %arg6[%parallel_loop3A_125, %parallel_loop3A_126] {strides = array<i32>} : memref<128x64xf32, #tpu.memory_space<vmem>>, vector<16xf32>,
      %parallel_loop3A_128 = arith.index_cast %parallel_loop3A_124 : i32 to index
      %parallel_loop3A_129 = arith.constant 16 : index
      %parallel_loop3A_130 = tpu.vector_load %arg6[%parallel_loop3A_128, %parallel_loop3A_129] {strides = array<i32>} : memref<128x64xf32, #tpu.memory_space<vmem>>, vector<16xf32>,
      %parallel_loop3A_131 = arith.index_cast %parallel_loop3A_124 : i32 to index
      %parallel_loop3A_132 = arith.constant 32 : index
      %parallel_loop3A_133 = tpu.vector_load %arg6[%parallel_loop3A_131, %parallel_loop3A_132] {strides = array<i32>} : memref<128x64xf32, #tpu.memory_space<vmem>>, vector<16xf32>,
      %parallel_loop3A_134 = arith.index_cast %parallel_loop3A_124 : i32 to index
      %parallel_loop3A_135 = arith.constant 48 : index
      %parallel_loop3A_136 = tpu.vector_load %arg6[%parallel_loop3A_134, %parallel_loop3A_135] {strides = array<i32>} : memref<128x64xf32, #tpu.memory_space<vmem>>, vector<16xf32>,
      %parallel_loop3A_137 = arith.constant dense<true> : vector<16xi1>
      %parallel_loop3A_138, %parallel_loop3A_139, %parallel_loop3A_140 = tpu.sort %parallel_loop3A_127, %iota3A masked %parallel_loop3A_137 {descending = true} : (vector<16xf32>, vector<16xi32>, vector<16xi1>) -> (vector<16xi1>, vector<16xf32>, vector<16xi32>)
      %parallel_loop3A_141 = arith.constant dense<true> : vector<16xi1>
      %parallel_loop3A_142, %parallel_loop3A_143, %parallel_loop3A_144 = tpu.sort %parallel_loop3A_130, %iota3A masked %parallel_loop3A_141 {descending = true} : (vector<16xf32>, vector<16xi32>, vector<16xi1>) -> (vector<16xi1>, vector<16xf32>, vector<16xi32>)
      %parallel_loop3A_145 = arith.constant dense<true> : vector<16xi1>
      %parallel_loop3A_146, %parallel_loop3A_147, %parallel_loop3A_148 = tpu.sort %parallel_loop3A_133, %iota3A masked %parallel_loop3A_145 {descending = true} : (vector<16xf32>, vector<16xi32>, vector<16xi1>) -> (vector<16xi1>, vector<16xf32>, vector<16xi32>)
      %parallel_loop3A_149 = arith.constant dense<true> : vector<16xi1>
      %parallel_loop3A_150, %parallel_loop3A_151, %parallel_loop3A_152 = tpu.sort %parallel_loop3A_136, %iota3A masked %parallel_loop3A_149 {descending = true} : (vector<16xf32>, vector<16xi32>, vector<16xi1>) -> (vector<16xi1>, vector<16xf32>, vector<16xi32>)
      %parallel_loop3A_153 = arith.constant 15 : i32
      %parallel_loop3A_154 = vector.broadcast %parallel_loop3A_153 : i32 to vector<16xi32>
      %parallel_loop3A_155 = tpu.iota {dimensions = array<i32: 0>} : vector<16xi32>
      %parallel_loop3A_156 = arith.subi %parallel_loop3A_154, %parallel_loop3A_155 : vector<16xi32>
      %parallel_loop3A_157 = tpu.dynamic_gather %parallel_loop3A_143[%parallel_loop3A_156] in [0] : vector<16xf32>, vector<16xi32> -> vector<16xf32>
      %parallel_loop3A_158 = arith.maximumf %parallel_loop3A_139, %parallel_loop3A_157 : vector<16xf32>
      %parallel_loop3A_159 = arith.constant dense<true> : vector<16xi1>
      %parallel_loop3A_160, %parallel_loop3A_161, %parallel_loop3A_162 = tpu.sort %parallel_loop3A_158, %iota3A masked %parallel_loop3A_159 {descending = true} : (vector<16xf32>, vector<16xi32>, vector<16xi1>) -> (vector<16xi1>, vector<16xf32>, vector<16xi32>)
      %parallel_loop3A_163 = arith.constant 15 : i32
      %parallel_loop3A_164 = vector.broadcast %parallel_loop3A_163 : i32 to vector<16xi32>
      %parallel_loop3A_165 = tpu.iota {dimensions = array<i32: 0>} : vector<16xi32>
      %parallel_loop3A_166 = arith.subi %parallel_loop3A_164, %parallel_loop3A_165 : vector<16xi32>
      %parallel_loop3A_167 = tpu.dynamic_gather %parallel_loop3A_151[%parallel_loop3A_166] in [0] : vector<16xf32>, vector<16xi32> -> vector<16xf32>
      %parallel_loop3A_168 = arith.maximumf %parallel_loop3A_147, %parallel_loop3A_167 : vector<16xf32>
      %parallel_loop3A_169 = arith.constant dense<true> : vector<16xi1>
      %parallel_loop3A_170, %parallel_loop3A_171, %parallel_loop3A_172 = tpu.sort %parallel_loop3A_168, %iota3A masked %parallel_loop3A_169 {descending = true} : (vector<16xf32>, vector<16xi32>, vector<16xi1>) -> (vector<16xi1>, vector<16xf32>, vector<16xi32>)
      %parallel_loop3A_173 = arith.constant 15 : i32
      %parallel_loop3A_174 = vector.broadcast %parallel_loop3A_173 : i32 to vector<16xi32>
      %parallel_loop3A_175 = tpu.iota {dimensions = array<i32: 0>} : vector<16xi32>
      %parallel_loop3A_176 = arith.subi %parallel_loop3A_174, %parallel_loop3A_175 : vector<16xi32>
      %parallel_loop3A_177 = tpu.dynamic_gather %parallel_loop3A_171[%parallel_loop3A_176] in [0] : vector<16xf32>, vector<16xi32> -> vector<16xf32>
      %parallel_loop3A_178 = arith.maximumf %parallel_loop3A_161, %parallel_loop3A_177 : vector<16xf32>
      %parallel_loop3A_179 = arith.constant dense<true> : vector<16xi1>
      %parallel_loop3A_180, %parallel_loop3A_181, %parallel_loop3A_182 = tpu.sort %parallel_loop3A_178, %iota3A masked %parallel_loop3A_179 {descending = true} : (vector<16xf32>, vector<16xi32>, vector<16xi1>) -> (vector<16xi1>, vector<16xf32>, vector<16xi32>)
      %parallel_loop3A_183 = arith.constant 7 : i32
      %parallel_loop3A_184 = vector.broadcast %parallel_loop3A_183 : i32 to vector<16xi32>
      %parallel_loop3A_185 = arith.cmpi eq, %iota3A, %parallel_loop3A_184 : vector<16xi32>
      %parallel_loop3A_186 = arith.constant -1.000000e+00 : f32
      %parallel_loop3A_187 = vector.broadcast %parallel_loop3A_186 : f32 to vector<16xf32>
      %parallel_loop3A_188 = arith.select %parallel_loop3A_185, %parallel_loop3A_181, %parallel_loop3A_187 : vector<16xi1>, vector<16xf32>
      %parallel_loop3A_189 = arith.constant true
      %parallel_loop3A_190 = vector.broadcast %parallel_loop3A_189 : i1 to vector<16xi1>
      %parallel_loop3A_191 = tpu.scan <max>, %parallel_loop3A_188 masked %parallel_loop3A_190 : vector<16xf32>, vector<16xi1> -> vector<16xf32>
      %parallel_loop3A_192 = vector.extract %parallel_loop3A_191[15] : f32 from vector<16xf32>
      %parallel_loop3A_193 = vector.broadcast %parallel_loop3A_192 : f32 to vector<16xf32>
      %parallel_loop3A_194 = arith.cmpf ogt, %parallel_loop3A_181, %parallel_loop3A_193 : vector<16xf32>
      %parallel_loop3A_195 = tpu.all_reduce %parallel_loop3A_194 {dim = 0 : i64, kind = #tpu.reduction_kind<sum>} : vector<16xi1> -> vector<16xi32>
      %parallel_loop3A_196 = arith.constant 0 : i32
      %parallel_loop3A_197 = vector.broadcast %parallel_loop3A_196 : i32 to vector<16xi32>
      %parallel_loop3A_198 = vector.broadcast %parallel_loop3A_192 : f32 to vector<16xf32>
      %parallel_loop3A_199 = arith.cmpf oeq, %parallel_loop3A_127, %parallel_loop3A_198 : vector<16xf32>
      %parallel_loop3A_200 = arith.extui %parallel_loop3A_199 : vector<16xi1> to vector<16xi32>
      %parallel_loop3A_201 = arith.constant true
      %parallel_loop3A_202 = vector.broadcast %parallel_loop3A_201 : i1 to vector<16xi1>
      %parallel_loop3A_203 = tpu.scan <sum>, %parallel_loop3A_200 masked %parallel_loop3A_202 : vector<16xi32>, vector<16xi1> -> vector<16xi32>
      %parallel_loop3A_204 = arith.addi %parallel_loop3A_203, %parallel_loop3A_197 : vector<16xi32>
      %parallel_loop3A_205 = vector.broadcast %parallel_loop3A_192 : f32 to vector<16xf32>
      %parallel_loop3A_206 = arith.cmpf ogt, %parallel_loop3A_127, %parallel_loop3A_205 : vector<16xf32>
      %parallel_loop3A_207 = arith.addi %parallel_loop3A_204, %parallel_loop3A_195 : vector<16xi32>
      %parallel_loop3A_208 = arith.constant 8 : i32
      %parallel_loop3A_209 = vector.broadcast %parallel_loop3A_208 : i32 to vector<16xi32>
      %parallel_loop3A_210 = arith.cmpi sle, %parallel_loop3A_207, %parallel_loop3A_209 : vector<16xi32>
      %parallel_loop3A_211 = arith.andi %parallel_loop3A_199, %parallel_loop3A_210 : vector<16xi1>
      %parallel_loop3A_212 = arith.ori %parallel_loop3A_206, %parallel_loop3A_211 : vector<16xi1>
      %parallel_loop3A_213 = tpu.all_reduce %parallel_loop3A_199 {dim = 0 : i64, kind = #tpu.reduction_kind<sum>} : vector<16xi1> -> vector<16xi32>
      %parallel_loop3A_214 = arith.addi %parallel_loop3A_197, %parallel_loop3A_213 : vector<16xi32>
      %parallel_loop3A_215 = arith.constant 0.000000e+00 : f32
      %parallel_loop3A_216 = vector.broadcast %parallel_loop3A_215 : f32 to vector<16xf32>
      %parallel_loop3A_217 = arith.select %parallel_loop3A_212, %parallel_loop3A_127, %parallel_loop3A_216 : vector<16xi1>, vector<16xf32>
      %parallel_loop3A_218 = arith.index_cast %parallel_loop3A_124 : i32 to index
      %parallel_loop3A_219 = arith.constant 0 : index
      %parallel_loop3A_220 = tpu.vector_load %arg8[%parallel_loop3A_218, %parallel_loop3A_219] {strides = array<i32>} : memref<128x64xf32, #tpu.memory_space<vmem>>, vector<16xf32>,
      tpu.vector_store %arg8[%parallel_loop3A_218, %parallel_loop3A_219], %parallel_loop3A_217 {strides = array<i32>} : memref<128x64xf32, #tpu.memory_space<vmem>>, vector<16xf32>,
      %parallel_loop3A_221 = arith.extui %parallel_loop3A_212 : vector<16xi1> to vector<16xi32>
      %parallel_loop3A_222 = arith.index_cast %parallel_loop3A_124 : i32 to index
      %parallel_loop3A_223 = arith.constant 0 : index
      %parallel_loop3A_224 = tpu.vector_load %arg10[%parallel_loop3A_222, %parallel_loop3A_223] {strides = array<i32>} : memref<128x64xi32, #tpu.memory_space<vmem>>, vector<16xi32>,
      tpu.vector_store %arg10[%parallel_loop3A_222, %parallel_loop3A_223], %parallel_loop3A_221 {strides = array<i32>} : memref<128x64xi32, #tpu.memory_space<vmem>>, vector<16xi32>,
      %parallel_loop3A_225 = vector.broadcast %parallel_loop3A_192 : f32 to vector<16xf32>
      %parallel_loop3A_226 = arith.cmpf oeq, %parallel_loop3A_130, %parallel_loop3A_225 : vector<16xf32>
      %parallel_loop3A_227 = arith.extui %parallel_loop3A_226 : vector<16xi1> to vector<16xi32>
      %parallel_loop3A_228 = arith.constant true
      %parallel_loop3A_229 = vector.broadcast %parallel_loop3A_228 : i1 to vector<16xi1>
      %parallel_loop3A_230 = tpu.scan <sum>, %parallel_loop3A_227 masked %parallel_loop3A_229 : vector<16xi32>, vector<16xi1> -> vector<16xi32>
      %parallel_loop3A_231 = arith.addi %parallel_loop3A_230, %parallel_loop3A_214 : vector<16xi32>
      %parallel_loop3A_232 = vector.broadcast %parallel_loop3A_192 : f32 to vector<16xf32>
      %parallel_loop3A_233 = arith.cmpf ogt, %parallel_loop3A_130, %parallel_loop3A_232 : vector<16xf32>
      %parallel_loop3A_234 = arith.addi %parallel_loop3A_231, %parallel_loop3A_195 : vector<16xi32>
      %parallel_loop3A_235 = arith.constant 8 : i32
      %parallel_loop3A_236 = vector.broadcast %parallel_loop3A_235 : i32 to vector<16xi32>
      %parallel_loop3A_237 = arith.cmpi sle, %parallel_loop3A_234, %parallel_loop3A_236 : vector<16xi32>
      %parallel_loop3A_238 = arith.andi %parallel_loop3A_226, %parallel_loop3A_237 : vector<16xi1>
      %parallel_loop3A_239 = arith.ori %parallel_loop3A_233, %parallel_loop3A_238 : vector<16xi1>
      %parallel_loop3A_240 = tpu.all_reduce %parallel_loop3A_226 {dim = 0 : i64, kind = #tpu.reduction_kind<sum>} : vector<16xi1> -> vector<16xi32>
      %parallel_loop3A_241 = arith.addi %parallel_loop3A_214, %parallel_loop3A_240 : vector<16xi32>
      %parallel_loop3A_242 = arith.constant 0.000000e+00 : f32
      %parallel_loop3A_243 = vector.broadcast %parallel_loop3A_242 : f32 to vector<16xf32>
      %parallel_loop3A_244 = arith.select %parallel_loop3A_239, %parallel_loop3A_130, %parallel_loop3A_243 : vector<16xi1>, vector<16xf32>
      %parallel_loop3A_245 = arith.index_cast %parallel_loop3A_124 : i32 to index
      %parallel_loop3A_246 = arith.constant 16 : index
      %parallel_loop3A_247 = tpu.vector_load %arg8[%parallel_loop3A_245, %parallel_loop3A_246] {strides = array<i32>} : memref<128x64xf32, #tpu.memory_space<vmem>>, vector<16xf32>,
      tpu.vector_store %arg8[%parallel_loop3A_245, %parallel_loop3A_246], %parallel_loop3A_244 {strides = array<i32>} : memref<128x64xf32, #tpu.memory_space<vmem>>, vector<16xf32>,
      %parallel_loop3A_248 = arith.extui %parallel_loop3A_239 : vector<16xi1> to vector<16xi32>
      %parallel_loop3A_249 = arith.index_cast %parallel_loop3A_124 : i32 to index
      %parallel_loop3A_250 = arith.constant 16 : index
      %parallel_loop3A_251 = tpu.vector_load %arg10[%parallel_loop3A_249, %parallel_loop3A_250] {strides = array<i32>} : memref<128x64xi32, #tpu.memory_space<vmem>>, vector<16xi32>,
      tpu.vector_store %arg10[%parallel_loop3A_249, %parallel_loop3A_250], %parallel_loop3A_248 {strides = array<i32>} : memref<128x64xi32, #tpu.memory_space<vmem>>, vector<16xi32>,
      %parallel_loop3A_252 = vector.broadcast %parallel_loop3A_192 : f32 to vector<16xf32>
      %parallel_loop3A_253 = arith.cmpf oeq, %parallel_loop3A_133, %parallel_loop3A_252 : vector<16xf32>
      %parallel_loop3A_254 = arith.extui %parallel_loop3A_253 : vector<16xi1> to vector<16xi32>
      %parallel_loop3A_255 = arith.constant true
      %parallel_loop3A_256 = vector.broadcast %parallel_loop3A_255 : i1 to vector<16xi1>
      %parallel_loop3A_257 = tpu.scan <sum>, %parallel_loop3A_254 masked %parallel_loop3A_256 : vector<16xi32>, vector<16xi1> -> vector<16xi32>
      %parallel_loop3A_258 = arith.addi %parallel_loop3A_257, %parallel_loop3A_241 : vector<16xi32>
      %parallel_loop3A_259 = vector.broadcast %parallel_loop3A_192 : f32 to vector<16xf32>
      %parallel_loop3A_260 = arith.cmpf ogt, %parallel_loop3A_133, %parallel_loop3A_259 : vector<16xf32>
      %parallel_loop3A_261 = arith.addi %parallel_loop3A_258, %parallel_loop3A_195 : vector<16xi32>
      %parallel_loop3A_262 = arith.constant 8 : i32
      %parallel_loop3A_263 = vector.broadcast %parallel_loop3A_262 : i32 to vector<16xi32>
      %parallel_loop3A_264 = arith.cmpi sle, %parallel_loop3A_261, %parallel_loop3A_263 : vector<16xi32>
      %parallel_loop3A_265 = arith.andi %parallel_loop3A_253, %parallel_loop3A_264 : vector<16xi1>
      %parallel_loop3A_266 = arith.ori %parallel_loop3A_260, %parallel_loop3A_265 : vector<16xi1>
      %parallel_loop3A_267 = tpu.all_reduce %parallel_loop3A_253 {dim = 0 : i64, kind = #tpu.reduction_kind<sum>} : vector<16xi1> -> vector<16xi32>
      %parallel_loop3A_268 = arith.addi %parallel_loop3A_241, %parallel_loop3A_267 : vector<16xi32>
      %parallel_loop3A_269 = arith.constant 0.000000e+00 : f32
      %parallel_loop3A_270 = vector.broadcast %parallel_loop3A_269 : f32 to vector<16xf32>
      %parallel_loop3A_271 = arith.select %parallel_loop3A_266, %parallel_loop3A_133, %parallel_loop3A_270 : vector<16xi1>, vector<16xf32>
      %parallel_loop3A_272 = arith.index_cast %parallel_loop3A_124 : i32 to index
      %parallel_loop3A_273 = arith.constant 32 : index
      %parallel_loop3A_274 = tpu.vector_load %arg8[%parallel_loop3A_272, %parallel_loop3A_273] {strides = array<i32>} : memref<128x64xf32, #tpu.memory_space<vmem>>, vector<16xf32>,
      tpu.vector_store %arg8[%parallel_loop3A_272, %parallel_loop3A_273], %parallel_loop3A_271 {strides = array<i32>} : memref<128x64xf32, #tpu.memory_space<vmem>>, vector<16xf32>,
      %parallel_loop3A_275 = arith.extui %parallel_loop3A_266 : vector<16xi1> to vector<16xi32>
      %parallel_loop3A_276 = arith.index_cast %parallel_loop3A_124 : i32 to index
      %parallel_loop3A_277 = arith.constant 32 : index
      %parallel_loop3A_278 = tpu.vector_load %arg10[%parallel_loop3A_276, %parallel_loop3A_277] {strides = array<i32>} : memref<128x64xi32, #tpu.memory_space<vmem>>, vector<16xi32>,
      tpu.vector_store %arg10[%parallel_loop3A_276, %parallel_loop3A_277], %parallel_loop3A_275 {strides = array<i32>} : memref<128x64xi32, #tpu.memory_space<vmem>>, vector<16xi32>,
      %parallel_loop3A_279 = vector.broadcast %parallel_loop3A_192 : f32 to vector<16xf32>
      %parallel_loop3A_280 = arith.cmpf oeq, %parallel_loop3A_136, %parallel_loop3A_279 : vector<16xf32>
      %parallel_loop3A_281 = arith.extui %parallel_loop3A_280 : vector<16xi1> to vector<16xi32>
      %parallel_loop3A_282 = arith.constant true
      %parallel_loop3A_283 = vector.broadcast %parallel_loop3A_282 : i1 to vector<16xi1>
      %parallel_loop3A_284 = tpu.scan <sum>, %parallel_loop3A_281 masked %parallel_loop3A_283 : vector<16xi32>, vector<16xi1> -> vector<16xi32>
      %parallel_loop3A_285 = arith.addi %parallel_loop3A_284, %parallel_loop3A_268 : vector<16xi32>
      %parallel_loop3A_286 = vector.broadcast %parallel_loop3A_192 : f32 to vector<16xf32>
      %parallel_loop3A_287 = arith.cmpf ogt, %parallel_loop3A_136, %parallel_loop3A_286 : vector<16xf32>
      %parallel_loop3A_288 = arith.addi %parallel_loop3A_285, %parallel_loop3A_195 : vector<16xi32>
      %parallel_loop3A_289 = arith.constant 8 : i32
      %parallel_loop3A_290 = vector.broadcast %parallel_loop3A_289 : i32 to vector<16xi32>
      %parallel_loop3A_291 = arith.cmpi sle, %parallel_loop3A_288, %parallel_loop3A_290 : vector<16xi32>
      %parallel_loop3A_292 = arith.andi %parallel_loop3A_280, %parallel_loop3A_291 : vector<16xi1>
      %parallel_loop3A_293 = arith.ori %parallel_loop3A_287, %parallel_loop3A_292 : vector<16xi1>
      %parallel_loop3A_294 = tpu.all_reduce %parallel_loop3A_280 {dim = 0 : i64, kind = #tpu.reduction_kind<sum>} : vector<16xi1> -> vector<16xi32>
      %parallel_loop3A_295 = arith.addi %parallel_loop3A_268, %parallel_loop3A_294 : vector<16xi32>
      %parallel_loop3A_296 = arith.constant 0.000000e+00 : f32
      %parallel_loop3A_297 = vector.broadcast %parallel_loop3A_296 : f32 to vector<16xf32>
      %parallel_loop3A_298 = arith.select %parallel_loop3A_293, %parallel_loop3A_136, %parallel_loop3A_297 : vector<16xi1>, vector<16xf32>
      %parallel_loop3A_299 = arith.index_cast %parallel_loop3A_124 : i32 to index
      %parallel_loop3A_300 = arith.constant 48 : index
      %parallel_loop3A_301 = tpu.vector_load %arg8[%parallel_loop3A_299, %parallel_loop3A_300] {strides = array<i32>} : memref<128x64xf32, #tpu.memory_space<vmem>>, vector<16xf32>,
      tpu.vector_store %arg8[%parallel_loop3A_299, %parallel_loop3A_300], %parallel_loop3A_298 {strides = array<i32>} : memref<128x64xf32, #tpu.memory_space<vmem>>, vector<16xf32>,
      %parallel_loop3A_302 = arith.extui %parallel_loop3A_293 : vector<16xi1> to vector<16xi32>
      %parallel_loop3A_303 = arith.index_cast %parallel_loop3A_124 : i32 to index
      %parallel_loop3A_304 = arith.constant 48 : index
      %parallel_loop3A_305 = tpu.vector_load %arg10[%parallel_loop3A_303, %parallel_loop3A_304] {strides = array<i32>} : memref<128x64xi32, #tpu.memory_space<vmem>>, vector<16xi32>,
      tpu.vector_store %arg10[%parallel_loop3A_303, %parallel_loop3A_304], %parallel_loop3A_302 {strides = array<i32>} : memref<128x64xi32, #tpu.memory_space<vmem>>, vector<16xi32>,
    } {sc.loop_unroll_factor = 2 : i64, sc.parallel_access}
    %add3A_42 = arith.constant 128 : i32
    %add3A_43 = arith.addi %mul3A_2, %add3A_42 : i32
    %dma_start3A_44 = arith.constant 0 : i32
    %dma_start3A_45 = tpu.memref_slice %arg3[%add3A_43, %dma_start3A_44] : memref<16384x64xf32, #tpu.memory_space<hbm>> -> memref<128x64xf32, #tpu.memory_space<hbm>>
    %dma_start3A_46 = arith.constant 0 : i32
    %dma_start3A_47 = tpu.memref_slice %arg3[%add3A_43, %dma_start3A_46] : memref<16384x64xf32, #tpu.memory_space<hbm>> -> memref<128x64xf32, #tpu.memory_space<hbm>>
    tpu.enqueue_dma source(%arg8 : memref<128x64xf32, #tpu.memory_space<vmem>>) target(%dma_start3A_47 : memref<128x64xf32, #tpu.memory_space<hbm>>) target_semaphore(%arg14 : memref<!tpu.dma_semaphore, #tpu.memory_space<semaphore_mem>>)
    %dma_start3A_48 = arith.constant 0 : i32
    %dma_start3A_49 = tpu.memref_slice %arg4[%add3A_43, %dma_start3A_48] : memref<16384x64xi32, #tpu.memory_space<hbm>> -> memref<128x64xi32, #tpu.memory_space<hbm>>
    %dma_start3A_50 = arith.constant 0 : i32
    %dma_start3A_51 = tpu.memref_slice %arg4[%add3A_43, %dma_start3A_50] : memref<16384x64xi32, #tpu.memory_space<hbm>> -> memref<128x64xi32, #tpu.memory_space<hbm>>
    tpu.enqueue_dma source(%arg10 : memref<128x64xi32, #tpu.memory_space<vmem>>) target(%dma_start3A_51 : memref<128x64xi32, #tpu.memory_space<hbm>>) target_semaphore(%arg16 : memref<!tpu.dma_semaphore, #tpu.memory_space<semaphore_mem>>)
    %add3A_52 = arith.constant 384 : i32
    %add3A_53 = arith.addi %mul3A_2, %add3A_52 : i32
    %dma_start3A_54 = arith.constant 0 : i32
    %dma_start3A_55 = tpu.memref_slice %arg2[%add3A_53, %dma_start3A_54] : memref<16384x64xf32, #tpu.memory_space<hbm>> -> memref<128x64xf32, #tpu.memory_space<hbm>>
    %dma_start3A_56 = arith.constant 0 : i32
    %dma_start3A_57 = tpu.memref_slice %arg2[%add3A_53, %dma_start3A_56] : memref<16384x64xf32, #tpu.memory_space<hbm>> -> memref<128x64xf32, #tpu.memory_space<hbm>>
    tpu.enqueue_dma source(%dma_start3A_57 : memref<128x64xf32, #tpu.memory_space<hbm>>) target(%arg6 : memref<128x64xf32, #tpu.memory_space<vmem>>) target_semaphore(%arg12 : memref<!tpu.dma_semaphore, #tpu.memory_space<semaphore_mem>>)
    %dma_wait3A_58 = arith.constant 0 : i32
    %dma_wait3A_59 = tpu.memref_slice %arg2[%add3A_30, %dma_wait3A_58] : memref<16384x64xf32, #tpu.memory_space<hbm>> -> memref<128x64xf32, #tpu.memory_space<hbm>>
    %dma_wait3A_60 = arith.constant 0 : i32
    %dma_wait3A_61 = tpu.memref_slice %arg2[%add3A_30, %dma_wait3A_60] : memref<16384x64xf32, #tpu.memory_space<hbm>> -> memref<128x64xf32, #tpu.memory_space<hbm>>
    tpu.wait_dma2 semaphore(%arg11 : memref<!tpu.dma_semaphore, #tpu.memory_space<semaphore_mem>>) src(%dma_wait3A_61 : memref<128x64xf32, #tpu.memory_space<hbm>>) dst(%arg5 : memref<128x64xf32, #tpu.memory_space<vmem>>)
    %dma_wait3A_62 = arith.constant 0 : i32
    %dma_wait3A_63 = tpu.memref_slice %arg3[%add3A_20, %dma_wait3A_62] : memref<16384x64xf32, #tpu.memory_space<hbm>> -> memref<128x64xf32, #tpu.memory_space<hbm>>
    %dma_wait3A_64 = arith.constant 0 : i32
    %dma_wait3A_65 = tpu.memref_slice %arg3[%add3A_20, %dma_wait3A_64] : memref<16384x64xf32, #tpu.memory_space<hbm>> -> memref<128x64xf32, #tpu.memory_space<hbm>>
    tpu.wait_dma2 semaphore(%arg13 : memref<!tpu.dma_semaphore, #tpu.memory_space<semaphore_mem>>) src(%arg7 : memref<128x64xf32, #tpu.memory_space<vmem>>) dst(%dma_wait3A_65 : memref<128x64xf32, #tpu.memory_space<hbm>>)
    %dma_wait3A_66 = arith.constant 0 : i32
    %dma_wait3A_67 = tpu.memref_slice %arg4[%add3A_20, %dma_wait3A_66] : memref<16384x64xi32, #tpu.memory_space<hbm>> -> memref<128x64xi32, #tpu.memory_space<hbm>>
    %dma_wait3A_68 = arith.constant 0 : i32
    %dma_wait3A_69 = tpu.memref_slice %arg4[%add3A_20, %dma_wait3A_68] : memref<16384x64xi32, #tpu.memory_space<hbm>> -> memref<128x64xi32, #tpu.memory_space<hbm>>
    tpu.wait_dma2 semaphore(%arg15 : memref<!tpu.dma_semaphore, #tpu.memory_space<semaphore_mem>>) src(%arg9 : memref<128x64xi32, #tpu.memory_space<vmem>>) dst(%dma_wait3A_69 : memref<128x64xi32, #tpu.memory_space<hbm>>)
    %parallel_loop3A_70 = arith.constant 0 : i32
    %parallel_loop3A_71 = arith.constant 128 : i32
    %parallel_loop3A_72 = arith.constant 1 : i32
    scf.for %parallel_loop3A_124 = %parallel_loop3A_70 to %parallel_loop3A_71 step %parallel_loop3A_72  : i32 {
      %parallel_loop3A_125 = arith.index_cast %parallel_loop3A_124 : i32 to index
      %parallel_loop3A_126 = arith.constant 0 : index
      %parallel_loop3A_127 = tpu.vector_load %arg5[%parallel_loop3A_125, %parallel_loop3A_126] {strides = array<i32>} : memref<128x64xf32, #tpu.memory_space<vmem>>, vector<16xf32>,
      %parallel_loop3A_128 = arith.index_cast %parallel_loop3A_124 : i32 to index
      %parallel_loop3A_129 = arith.constant 16 : index
      %parallel_loop3A_130 = tpu.vector_load %arg5[%parallel_loop3A_128, %parallel_loop3A_129] {strides = array<i32>} : memref<128x64xf32, #tpu.memory_space<vmem>>, vector<16xf32>,
      %parallel_loop3A_131 = arith.index_cast %parallel_loop3A_124 : i32 to index
      %parallel_loop3A_132 = arith.constant 32 : index
      %parallel_loop3A_133 = tpu.vector_load %arg5[%parallel_loop3A_131, %parallel_loop3A_132] {strides = array<i32>} : memref<128x64xf32, #tpu.memory_space<vmem>>, vector<16xf32>,
      %parallel_loop3A_134 = arith.index_cast %parallel_loop3A_124 : i32 to index
      %parallel_loop3A_135 = arith.constant 48 : index
      %parallel_loop3A_136 = tpu.vector_load %arg5[%parallel_loop3A_134, %parallel_loop3A_135] {strides = array<i32>} : memref<128x64xf32, #tpu.memory_space<vmem>>, vector<16xf32>,
      %parallel_loop3A_137 = arith.constant dense<true> : vector<16xi1>
      %parallel_loop3A_138, %parallel_loop3A_139, %parallel_loop3A_140 = tpu.sort %parallel_loop3A_127, %iota3A masked %parallel_loop3A_137 {descending = true} : (vector<16xf32>, vector<16xi32>, vector<16xi1>) -> (vector<16xi1>, vector<16xf32>, vector<16xi32>)
      %parallel_loop3A_141 = arith.constant dense<true> : vector<16xi1>
      %parallel_loop3A_142, %parallel_loop3A_143, %parallel_loop3A_144 = tpu.sort %parallel_loop3A_130, %iota3A masked %parallel_loop3A_141 {descending = true} : (vector<16xf32>, vector<16xi32>, vector<16xi1>) -> (vector<16xi1>, vector<16xf32>, vector<16xi32>)
      %parallel_loop3A_145 = arith.constant dense<true> : vector<16xi1>
      %parallel_loop3A_146, %parallel_loop3A_147, %parallel_loop3A_148 = tpu.sort %parallel_loop3A_133, %iota3A masked %parallel_loop3A_145 {descending = true} : (vector<16xf32>, vector<16xi32>, vector<16xi1>) -> (vector<16xi1>, vector<16xf32>, vector<16xi32>)
      %parallel_loop3A_149 = arith.constant dense<true> : vector<16xi1>
      %parallel_loop3A_150, %parallel_loop3A_151, %parallel_loop3A_152 = tpu.sort %parallel_loop3A_136, %iota3A masked %parallel_loop3A_149 {descending = true} : (vector<16xf32>, vector<16xi32>, vector<16xi1>) -> (vector<16xi1>, vector<16xf32>, vector<16xi32>)
      %parallel_loop3A_153 = arith.constant 15 : i32
      %parallel_loop3A_154 = vector.broadcast %parallel_loop3A_153 : i32 to vector<16xi32>
      %parallel_loop3A_155 = tpu.iota {dimensions = array<i32: 0>} : vector<16xi32>
      %parallel_loop3A_156 = arith.subi %parallel_loop3A_154, %parallel_loop3A_155 : vector<16xi32>
      %parallel_loop3A_157 = tpu.dynamic_gather %parallel_loop3A_143[%parallel_loop3A_156] in [0] : vector<16xf32>, vector<16xi32> -> vector<16xf32>
      %parallel_loop3A_158 = arith.maximumf %parallel_loop3A_139, %parallel_loop3A_157 : vector<16xf32>
      %parallel_loop3A_159 = arith.constant dense<true> : vector<16xi1>
      %parallel_loop3A_160, %parallel_loop3A_161, %parallel_loop3A_162 = tpu.sort %parallel_loop3A_158, %iota3A masked %parallel_loop3A_159 {descending = true} : (vector<16xf32>, vector<16xi32>, vector<16xi1>) -> (vector<16xi1>, vector<16xf32>, vector<16xi32>)
      %parallel_loop3A_163 = arith.constant 15 : i32
      %parallel_loop3A_164 = vector.broadcast %parallel_loop3A_163 : i32 to vector<16xi32>
      %parallel_loop3A_165 = tpu.iota {dimensions = array<i32: 0>} : vector<16xi32>
      %parallel_loop3A_166 = arith.subi %parallel_loop3A_164, %parallel_loop3A_165 : vector<16xi32>
      %parallel_loop3A_167 = tpu.dynamic_gather %parallel_loop3A_151[%parallel_loop3A_166] in [0] : vector<16xf32>, vector<16xi32> -> vector<16xf32>
      %parallel_loop3A_168 = arith.maximumf %parallel_loop3A_147, %parallel_loop3A_167 : vector<16xf32>
      %parallel_loop3A_169 = arith.constant dense<true> : vector<16xi1>
      %parallel_loop3A_170, %parallel_loop3A_171, %parallel_loop3A_172 = tpu.sort %parallel_loop3A_168, %iota3A masked %parallel_loop3A_169 {descending = true} : (vector<16xf32>, vector<16xi32>, vector<16xi1>) -> (vector<16xi1>, vector<16xf32>, vector<16xi32>)
      %parallel_loop3A_173 = arith.constant 15 : i32
      %parallel_loop3A_174 = vector.broadcast %parallel_loop3A_173 : i32 to vector<16xi32>
      %parallel_loop3A_175 = tpu.iota {dimensions = array<i32: 0>} : vector<16xi32>
      %parallel_loop3A_176 = arith.subi %parallel_loop3A_174, %parallel_loop3A_175 : vector<16xi32>
      %parallel_loop3A_177 = tpu.dynamic_gather %parallel_loop3A_171[%parallel_loop3A_176] in [0] : vector<16xf32>, vector<16xi32> -> vector<16xf32>
      %parallel_loop3A_178 = arith.maximumf %parallel_loop3A_161, %parallel_loop3A_177 : vector<16xf32>
      %parallel_loop3A_179 = arith.constant dense<true> : vector<16xi1>
      %parallel_loop3A_180, %parallel_loop3A_181, %parallel_loop3A_182 = tpu.sort %parallel_loop3A_178, %iota3A masked %parallel_loop3A_179 {descending = true} : (vector<16xf32>, vector<16xi32>, vector<16xi1>) -> (vector<16xi1>, vector<16xf32>, vector<16xi32>)
      %parallel_loop3A_183 = arith.constant 7 : i32
      %parallel_loop3A_184 = vector.broadcast %parallel_loop3A_183 : i32 to vector<16xi32>
      %parallel_loop3A_185 = arith.cmpi eq, %iota3A, %parallel_loop3A_184 : vector<16xi32>
      %parallel_loop3A_186 = arith.constant -1.000000e+00 : f32
      %parallel_loop3A_187 = vector.broadcast %parallel_loop3A_186 : f32 to vector<16xf32>
      %parallel_loop3A_188 = arith.select %parallel_loop3A_185, %parallel_loop3A_181, %parallel_loop3A_187 : vector<16xi1>, vector<16xf32>
      %parallel_loop3A_189 = arith.constant true
      %parallel_loop3A_190 = vector.broadcast %parallel_loop3A_189 : i1 to vector<16xi1>
      %parallel_loop3A_191 = tpu.scan <max>, %parallel_loop3A_188 masked %parallel_loop3A_190 : vector<16xf32>, vector<16xi1> -> vector<16xf32>
      %parallel_loop3A_192 = vector.extract %parallel_loop3A_191[15] : f32 from vector<16xf32>
      %parallel_loop3A_193 = vector.broadcast %parallel_loop3A_192 : f32 to vector<16xf32>
      %parallel_loop3A_194 = arith.cmpf ogt, %parallel_loop3A_181, %parallel_loop3A_193 : vector<16xf32>
      %parallel_loop3A_195 = tpu.all_reduce %parallel_loop3A_194 {dim = 0 : i64, kind = #tpu.reduction_kind<sum>} : vector<16xi1> -> vector<16xi32>
      %parallel_loop3A_196 = arith.constant 0 : i32
      %parallel_loop3A_197 = vector.broadcast %parallel_loop3A_196 : i32 to vector<16xi32>
      %parallel_loop3A_198 = vector.broadcast %parallel_loop3A_192 : f32 to vector<16xf32>
      %parallel_loop3A_199 = arith.cmpf oeq, %parallel_loop3A_127, %parallel_loop3A_198 : vector<16xf32>
      %parallel_loop3A_200 = arith.extui %parallel_loop3A_199 : vector<16xi1> to vector<16xi32>
      %parallel_loop3A_201 = arith.constant true
      %parallel_loop3A_202 = vector.broadcast %parallel_loop3A_201 : i1 to vector<16xi1>
      %parallel_loop3A_203 = tpu.scan <sum>, %parallel_loop3A_200 masked %parallel_loop3A_202 : vector<16xi32>, vector<16xi1> -> vector<16xi32>
      %parallel_loop3A_204 = arith.addi %parallel_loop3A_203, %parallel_loop3A_197 : vector<16xi32>
      %parallel_loop3A_205 = vector.broadcast %parallel_loop3A_192 : f32 to vector<16xf32>
      %parallel_loop3A_206 = arith.cmpf ogt, %parallel_loop3A_127, %parallel_loop3A_205 : vector<16xf32>
      %parallel_loop3A_207 = arith.addi %parallel_loop3A_204, %parallel_loop3A_195 : vector<16xi32>
      %parallel_loop3A_208 = arith.constant 8 : i32
      %parallel_loop3A_209 = vector.broadcast %parallel_loop3A_208 : i32 to vector<16xi32>
      %parallel_loop3A_210 = arith.cmpi sle, %parallel_loop3A_207, %parallel_loop3A_209 : vector<16xi32>
      %parallel_loop3A_211 = arith.andi %parallel_loop3A_199, %parallel_loop3A_210 : vector<16xi1>
      %parallel_loop3A_212 = arith.ori %parallel_loop3A_206, %parallel_loop3A_211 : vector<16xi1>
      %parallel_loop3A_213 = tpu.all_reduce %parallel_loop3A_199 {dim = 0 : i64, kind = #tpu.reduction_kind<sum>} : vector<16xi1> -> vector<16xi32>
      %parallel_loop3A_214 = arith.addi %parallel_loop3A_197, %parallel_loop3A_213 : vector<16xi32>
      %parallel_loop3A_215 = arith.constant 0.000000e+00 : f32
      %parallel_loop3A_216 = vector.broadcast %parallel_loop3A_215 : f32 to vector<16xf32>
      %parallel_loop3A_217 = arith.select %parallel_loop3A_212, %parallel_loop3A_127, %parallel_loop3A_216 : vector<16xi1>, vector<16xf32>
      %parallel_loop3A_218 = arith.index_cast %parallel_loop3A_124 : i32 to index
      %parallel_loop3A_219 = arith.constant 0 : index
      %parallel_loop3A_220 = tpu.vector_load %arg7[%parallel_loop3A_218, %parallel_loop3A_219] {strides = array<i32>} : memref<128x64xf32, #tpu.memory_space<vmem>>, vector<16xf32>,
      tpu.vector_store %arg7[%parallel_loop3A_218, %parallel_loop3A_219], %parallel_loop3A_217 {strides = array<i32>} : memref<128x64xf32, #tpu.memory_space<vmem>>, vector<16xf32>,
      %parallel_loop3A_221 = arith.extui %parallel_loop3A_212 : vector<16xi1> to vector<16xi32>
      %parallel_loop3A_222 = arith.index_cast %parallel_loop3A_124 : i32 to index
      %parallel_loop3A_223 = arith.constant 0 : index
      %parallel_loop3A_224 = tpu.vector_load %arg9[%parallel_loop3A_222, %parallel_loop3A_223] {strides = array<i32>} : memref<128x64xi32, #tpu.memory_space<vmem>>, vector<16xi32>,
      tpu.vector_store %arg9[%parallel_loop3A_222, %parallel_loop3A_223], %parallel_loop3A_221 {strides = array<i32>} : memref<128x64xi32, #tpu.memory_space<vmem>>, vector<16xi32>,
      %parallel_loop3A_225 = vector.broadcast %parallel_loop3A_192 : f32 to vector<16xf32>
      %parallel_loop3A_226 = arith.cmpf oeq, %parallel_loop3A_130, %parallel_loop3A_225 : vector<16xf32>
      %parallel_loop3A_227 = arith.extui %parallel_loop3A_226 : vector<16xi1> to vector<16xi32>
      %parallel_loop3A_228 = arith.constant true
      %parallel_loop3A_229 = vector.broadcast %parallel_loop3A_228 : i1 to vector<16xi1>
      %parallel_loop3A_230 = tpu.scan <sum>, %parallel_loop3A_227 masked %parallel_loop3A_229 : vector<16xi32>, vector<16xi1> -> vector<16xi32>
      %parallel_loop3A_231 = arith.addi %parallel_loop3A_230, %parallel_loop3A_214 : vector<16xi32>
      %parallel_loop3A_232 = vector.broadcast %parallel_loop3A_192 : f32 to vector<16xf32>
      %parallel_loop3A_233 = arith.cmpf ogt, %parallel_loop3A_130, %parallel_loop3A_232 : vector<16xf32>
      %parallel_loop3A_234 = arith.addi %parallel_loop3A_231, %parallel_loop3A_195 : vector<16xi32>
      %parallel_loop3A_235 = arith.constant 8 : i32
      %parallel_loop3A_236 = vector.broadcast %parallel_loop3A_235 : i32 to vector<16xi32>
      %parallel_loop3A_237 = arith.cmpi sle, %parallel_loop3A_234, %parallel_loop3A_236 : vector<16xi32>
      %parallel_loop3A_238 = arith.andi %parallel_loop3A_226, %parallel_loop3A_237 : vector<16xi1>
      %parallel_loop3A_239 = arith.ori %parallel_loop3A_233, %parallel_loop3A_238 : vector<16xi1>
      %parallel_loop3A_240 = tpu.all_reduce %parallel_loop3A_226 {dim = 0 : i64, kind = #tpu.reduction_kind<sum>} : vector<16xi1> -> vector<16xi32>
      %parallel_loop3A_241 = arith.addi %parallel_loop3A_214, %parallel_loop3A_240 : vector<16xi32>
      %parallel_loop3A_242 = arith.constant 0.000000e+00 : f32
      %parallel_loop3A_243 = vector.broadcast %parallel_loop3A_242 : f32 to vector<16xf32>
      %parallel_loop3A_244 = arith.select %parallel_loop3A_239, %parallel_loop3A_130, %parallel_loop3A_243 : vector<16xi1>, vector<16xf32>
      %parallel_loop3A_245 = arith.index_cast %parallel_loop3A_124 : i32 to index
      %parallel_loop3A_246 = arith.constant 16 : index
      %parallel_loop3A_247 = tpu.vector_load %arg7[%parallel_loop3A_245, %parallel_loop3A_246] {strides = array<i32>} : memref<128x64xf32, #tpu.memory_space<vmem>>, vector<16xf32>,
      tpu.vector_store %arg7[%parallel_loop3A_245, %parallel_loop3A_246], %parallel_loop3A_244 {strides = array<i32>} : memref<128x64xf32, #tpu.memory_space<vmem>>, vector<16xf32>,
      %parallel_loop3A_248 = arith.extui %parallel_loop3A_239 : vector<16xi1> to vector<16xi32>
      %parallel_loop3A_249 = arith.index_cast %parallel_loop3A_124 : i32 to index
      %parallel_loop3A_250 = arith.constant 16 : index
      %parallel_loop3A_251 = tpu.vector_load %arg9[%parallel_loop3A_249, %parallel_loop3A_250] {strides = array<i32>} : memref<128x64xi32, #tpu.memory_space<vmem>>, vector<16xi32>,
      tpu.vector_store %arg9[%parallel_loop3A_249, %parallel_loop3A_250], %parallel_loop3A_248 {strides = array<i32>} : memref<128x64xi32, #tpu.memory_space<vmem>>, vector<16xi32>,
      %parallel_loop3A_252 = vector.broadcast %parallel_loop3A_192 : f32 to vector<16xf32>
      %parallel_loop3A_253 = arith.cmpf oeq, %parallel_loop3A_133, %parallel_loop3A_252 : vector<16xf32>
      %parallel_loop3A_254 = arith.extui %parallel_loop3A_253 : vector<16xi1> to vector<16xi32>
      %parallel_loop3A_255 = arith.constant true
      %parallel_loop3A_256 = vector.broadcast %parallel_loop3A_255 : i1 to vector<16xi1>
      %parallel_loop3A_257 = tpu.scan <sum>, %parallel_loop3A_254 masked %parallel_loop3A_256 : vector<16xi32>, vector<16xi1> -> vector<16xi32>
      %parallel_loop3A_258 = arith.addi %parallel_loop3A_257, %parallel_loop3A_241 : vector<16xi32>
      %parallel_loop3A_259 = vector.broadcast %parallel_loop3A_192 : f32 to vector<16xf32>
      %parallel_loop3A_260 = arith.cmpf ogt, %parallel_loop3A_133, %parallel_loop3A_259 : vector<16xf32>
      %parallel_loop3A_261 = arith.addi %parallel_loop3A_258, %parallel_loop3A_195 : vector<16xi32>
      %parallel_loop3A_262 = arith.constant 8 : i32
      %parallel_loop3A_263 = vector.broadcast %parallel_loop3A_262 : i32 to vector<16xi32>
      %parallel_loop3A_264 = arith.cmpi sle, %parallel_loop3A_261, %parallel_loop3A_263 : vector<16xi32>
      %parallel_loop3A_265 = arith.andi %parallel_loop3A_253, %parallel_loop3A_264 : vector<16xi1>
      %parallel_loop3A_266 = arith.ori %parallel_loop3A_260, %parallel_loop3A_265 : vector<16xi1>
      %parallel_loop3A_267 = tpu.all_reduce %parallel_loop3A_253 {dim = 0 : i64, kind = #tpu.reduction_kind<sum>} : vector<16xi1> -> vector<16xi32>
      %parallel_loop3A_268 = arith.addi %parallel_loop3A_241, %parallel_loop3A_267 : vector<16xi32>
      %parallel_loop3A_269 = arith.constant 0.000000e+00 : f32
      %parallel_loop3A_270 = vector.broadcast %parallel_loop3A_269 : f32 to vector<16xf32>
      %parallel_loop3A_271 = arith.select %parallel_loop3A_266, %parallel_loop3A_133, %parallel_loop3A_270 : vector<16xi1>, vector<16xf32>
      %parallel_loop3A_272 = arith.index_cast %parallel_loop3A_124 : i32 to index
      %parallel_loop3A_273 = arith.constant 32 : index
      %parallel_loop3A_274 = tpu.vector_load %arg7[%parallel_loop3A_272, %parallel_loop3A_273] {strides = array<i32>} : memref<128x64xf32, #tpu.memory_space<vmem>>, vector<16xf32>,
      tpu.vector_store %arg7[%parallel_loop3A_272, %parallel_loop3A_273], %parallel_loop3A_271 {strides = array<i32>} : memref<128x64xf32, #tpu.memory_space<vmem>>, vector<16xf32>,
      %parallel_loop3A_275 = arith.extui %parallel_loop3A_266 : vector<16xi1> to vector<16xi32>
      %parallel_loop3A_276 = arith.index_cast %parallel_loop3A_124 : i32 to index
      %parallel_loop3A_277 = arith.constant 32 : index
      %parallel_loop3A_278 = tpu.vector_load %arg9[%parallel_loop3A_276, %parallel_loop3A_277] {strides = array<i32>} : memref<128x64xi32, #tpu.memory_space<vmem>>, vector<16xi32>,
      tpu.vector_store %arg9[%parallel_loop3A_276, %parallel_loop3A_277], %parallel_loop3A_275 {strides = array<i32>} : memref<128x64xi32, #tpu.memory_space<vmem>>, vector<16xi32>,
      %parallel_loop3A_279 = vector.broadcast %parallel_loop3A_192 : f32 to vector<16xf32>
      %parallel_loop3A_280 = arith.cmpf oeq, %parallel_loop3A_136, %parallel_loop3A_279 : vector<16xf32>
      %parallel_loop3A_281 = arith.extui %parallel_loop3A_280 : vector<16xi1> to vector<16xi32>
      %parallel_loop3A_282 = arith.constant true
      %parallel_loop3A_283 = vector.broadcast %parallel_loop3A_282 : i1 to vector<16xi1>
      %parallel_loop3A_284 = tpu.scan <sum>, %parallel_loop3A_281 masked %parallel_loop3A_283 : vector<16xi32>, vector<16xi1> -> vector<16xi32>
      %parallel_loop3A_285 = arith.addi %parallel_loop3A_284, %parallel_loop3A_268 : vector<16xi32>
      %parallel_loop3A_286 = vector.broadcast %parallel_loop3A_192 : f32 to vector<16xf32>
      %parallel_loop3A_287 = arith.cmpf ogt, %parallel_loop3A_136, %parallel_loop3A_286 : vector<16xf32>
      %parallel_loop3A_288 = arith.addi %parallel_loop3A_285, %parallel_loop3A_195 : vector<16xi32>
      %parallel_loop3A_289 = arith.constant 8 : i32
      %parallel_loop3A_290 = vector.broadcast %parallel_loop3A_289 : i32 to vector<16xi32>
      %parallel_loop3A_291 = arith.cmpi sle, %parallel_loop3A_288, %parallel_loop3A_290 : vector<16xi32>
      %parallel_loop3A_292 = arith.andi %parallel_loop3A_280, %parallel_loop3A_291 : vector<16xi1>
      %parallel_loop3A_293 = arith.ori %parallel_loop3A_287, %parallel_loop3A_292 : vector<16xi1>
      %parallel_loop3A_294 = tpu.all_reduce %parallel_loop3A_280 {dim = 0 : i64, kind = #tpu.reduction_kind<sum>} : vector<16xi1> -> vector<16xi32>
      %parallel_loop3A_295 = arith.addi %parallel_loop3A_268, %parallel_loop3A_294 : vector<16xi32>
      %parallel_loop3A_296 = arith.constant 0.000000e+00 : f32
      %parallel_loop3A_297 = vector.broadcast %parallel_loop3A_296 : f32 to vector<16xf32>
      %parallel_loop3A_298 = arith.select %parallel_loop3A_293, %parallel_loop3A_136, %parallel_loop3A_297 : vector<16xi1>, vector<16xf32>
      %parallel_loop3A_299 = arith.index_cast %parallel_loop3A_124 : i32 to index
      %parallel_loop3A_300 = arith.constant 48 : index
      %parallel_loop3A_301 = tpu.vector_load %arg7[%parallel_loop3A_299, %parallel_loop3A_300] {strides = array<i32>} : memref<128x64xf32, #tpu.memory_space<vmem>>, vector<16xf32>,
      tpu.vector_store %arg7[%parallel_loop3A_299, %parallel_loop3A_300], %parallel_loop3A_298 {strides = array<i32>} : memref<128x64xf32, #tpu.memory_space<vmem>>, vector<16xf32>,
      %parallel_loop3A_302 = arith.extui %parallel_loop3A_293 : vector<16xi1> to vector<16xi32>
      %parallel_loop3A_303 = arith.index_cast %parallel_loop3A_124 : i32 to index
      %parallel_loop3A_304 = arith.constant 48 : index
      %parallel_loop3A_305 = tpu.vector_load %arg9[%parallel_loop3A_303, %parallel_loop3A_304] {strides = array<i32>} : memref<128x64xi32, #tpu.memory_space<vmem>>, vector<16xi32>,
      tpu.vector_store %arg9[%parallel_loop3A_303, %parallel_loop3A_304], %parallel_loop3A_302 {strides = array<i32>} : memref<128x64xi32, #tpu.memory_space<vmem>>, vector<16xi32>,
    } {sc.loop_unroll_factor = 2 : i64, sc.parallel_access}
    %add3A_73 = arith.constant 256 : i32
    %add3A_74 = arith.addi %mul3A_2, %add3A_73 : i32
    %dma_start3A_75 = arith.constant 0 : i32
    %dma_start3A_76 = tpu.memref_slice %arg3[%add3A_74, %dma_start3A_75] : memref<16384x64xf32, #tpu.memory_space<hbm>> -> memref<128x64xf32, #tpu.memory_space<hbm>>
    %dma_start3A_77 = arith.constant 0 : i32
    %dma_start3A_78 = tpu.memref_slice %arg3[%add3A_74, %dma_start3A_77] : memref<16384x64xf32, #tpu.memory_space<hbm>> -> memref<128x64xf32, #tpu.memory_space<hbm>>
    tpu.enqueue_dma source(%arg7 : memref<128x64xf32, #tpu.memory_space<vmem>>) target(%dma_start3A_78 : memref<128x64xf32, #tpu.memory_space<hbm>>) target_semaphore(%arg13 : memref<!tpu.dma_semaphore, #tpu.memory_space<semaphore_mem>>)
    %dma_start3A_79 = arith.constant 0 : i32
    %dma_start3A_80 = tpu.memref_slice %arg4[%add3A_74, %dma_start3A_79] : memref<16384x64xi32, #tpu.memory_space<hbm>> -> memref<128x64xi32, #tpu.memory_space<hbm>>
    %dma_start3A_81 = arith.constant 0 : i32
    %dma_start3A_82 = tpu.memref_slice %arg4[%add3A_74, %dma_start3A_81] : memref<16384x64xi32, #tpu.memory_space<hbm>> -> memref<128x64xi32, #tpu.memory_space<hbm>>
    tpu.enqueue_dma source(%arg9 : memref<128x64xi32, #tpu.memory_space<vmem>>) target(%dma_start3A_82 : memref<128x64xi32, #tpu.memory_space<hbm>>) target_semaphore(%arg15 : memref<!tpu.dma_semaphore, #tpu.memory_space<semaphore_mem>>)
    %dma_wait3A_83 = arith.constant 0 : i32
    %dma_wait3A_84 = tpu.memref_slice %arg2[%add3A_53, %dma_wait3A_83] : memref<16384x64xf32, #tpu.memory_space<hbm>> -> memref<128x64xf32, #tpu.memory_space<hbm>>
    %dma_wait3A_85 = arith.constant 0 : i32
    %dma_wait3A_86 = tpu.memref_slice %arg2[%add3A_53, %dma_wait3A_85] : memref<16384x64xf32, #tpu.memory_space<hbm>> -> memref<128x64xf32, #tpu.memory_space<hbm>>
    tpu.wait_dma2 semaphore(%arg12 : memref<!tpu.dma_semaphore, #tpu.memory_space<semaphore_mem>>) src(%dma_wait3A_86 : memref<128x64xf32, #tpu.memory_space<hbm>>) dst(%arg6 : memref<128x64xf32, #tpu.memory_space<vmem>>)
    %dma_wait3A_87 = arith.constant 0 : i32
    %dma_wait3A_88 = tpu.memref_slice %arg3[%add3A_43, %dma_wait3A_87] : memref<16384x64xf32, #tpu.memory_space<hbm>> -> memref<128x64xf32, #tpu.memory_space<hbm>>
    %dma_wait3A_89 = arith.constant 0 : i32
    %dma_wait3A_90 = tpu.memref_slice %arg3[%add3A_43, %dma_wait3A_89] : memref<16384x64xf32, #tpu.memory_space<hbm>> -> memref<128x64xf32, #tpu.memory_space<hbm>>
    tpu.wait_dma2 semaphore(%arg14 : memref<!tpu.dma_semaphore, #tpu.memory_space<semaphore_mem>>) src(%arg8 : memref<128x64xf32, #tpu.memory_space<vmem>>) dst(%dma_wait3A_90 : memref<128x64xf32, #tpu.memory_space<hbm>>)
    %dma_wait3A_91 = arith.constant 0 : i32
    %dma_wait3A_92 = tpu.memref_slice %arg4[%add3A_43, %dma_wait3A_91] : memref<16384x64xi32, #tpu.memory_space<hbm>> -> memref<128x64xi32, #tpu.memory_space<hbm>>
    %dma_wait3A_93 = arith.constant 0 : i32
    %dma_wait3A_94 = tpu.memref_slice %arg4[%add3A_43, %dma_wait3A_93] : memref<16384x64xi32, #tpu.memory_space<hbm>> -> memref<128x64xi32, #tpu.memory_space<hbm>>
    tpu.wait_dma2 semaphore(%arg16 : memref<!tpu.dma_semaphore, #tpu.memory_space<semaphore_mem>>) src(%arg10 : memref<128x64xi32, #tpu.memory_space<vmem>>) dst(%dma_wait3A_94 : memref<128x64xi32, #tpu.memory_space<hbm>>)
    %parallel_loop3A_95 = arith.constant 0 : i32
    %parallel_loop3A_96 = arith.constant 128 : i32
    %parallel_loop3A_97 = arith.constant 1 : i32
    scf.for %parallel_loop3A_124 = %parallel_loop3A_95 to %parallel_loop3A_96 step %parallel_loop3A_97  : i32 {
      %parallel_loop3A_125 = arith.index_cast %parallel_loop3A_124 : i32 to index
      %parallel_loop3A_126 = arith.constant 0 : index
      %parallel_loop3A_127 = tpu.vector_load %arg6[%parallel_loop3A_125, %parallel_loop3A_126] {strides = array<i32>} : memref<128x64xf32, #tpu.memory_space<vmem>>, vector<16xf32>,
      %parallel_loop3A_128 = arith.index_cast %parallel_loop3A_124 : i32 to index
      %parallel_loop3A_129 = arith.constant 16 : index
      %parallel_loop3A_130 = tpu.vector_load %arg6[%parallel_loop3A_128, %parallel_loop3A_129] {strides = array<i32>} : memref<128x64xf32, #tpu.memory_space<vmem>>, vector<16xf32>,
      %parallel_loop3A_131 = arith.index_cast %parallel_loop3A_124 : i32 to index
      %parallel_loop3A_132 = arith.constant 32 : index
      %parallel_loop3A_133 = tpu.vector_load %arg6[%parallel_loop3A_131, %parallel_loop3A_132] {strides = array<i32>} : memref<128x64xf32, #tpu.memory_space<vmem>>, vector<16xf32>,
      %parallel_loop3A_134 = arith.index_cast %parallel_loop3A_124 : i32 to index
      %parallel_loop3A_135 = arith.constant 48 : index
      %parallel_loop3A_136 = tpu.vector_load %arg6[%parallel_loop3A_134, %parallel_loop3A_135] {strides = array<i32>} : memref<128x64xf32, #tpu.memory_space<vmem>>, vector<16xf32>,
      %parallel_loop3A_137 = arith.constant dense<true> : vector<16xi1>
      %parallel_loop3A_138, %parallel_loop3A_139, %parallel_loop3A_140 = tpu.sort %parallel_loop3A_127, %iota3A masked %parallel_loop3A_137 {descending = true} : (vector<16xf32>, vector<16xi32>, vector<16xi1>) -> (vector<16xi1>, vector<16xf32>, vector<16xi32>)
      %parallel_loop3A_141 = arith.constant dense<true> : vector<16xi1>
      %parallel_loop3A_142, %parallel_loop3A_143, %parallel_loop3A_144 = tpu.sort %parallel_loop3A_130, %iota3A masked %parallel_loop3A_141 {descending = true} : (vector<16xf32>, vector<16xi32>, vector<16xi1>) -> (vector<16xi1>, vector<16xf32>, vector<16xi32>)
      %parallel_loop3A_145 = arith.constant dense<true> : vector<16xi1>
      %parallel_loop3A_146, %parallel_loop3A_147, %parallel_loop3A_148 = tpu.sort %parallel_loop3A_133, %iota3A masked %parallel_loop3A_145 {descending = true} : (vector<16xf32>, vector<16xi32>, vector<16xi1>) -> (vector<16xi1>, vector<16xf32>, vector<16xi32>)
      %parallel_loop3A_149 = arith.constant dense<true> : vector<16xi1>
      %parallel_loop3A_150, %parallel_loop3A_151, %parallel_loop3A_152 = tpu.sort %parallel_loop3A_136, %iota3A masked %parallel_loop3A_149 {descending = true} : (vector<16xf32>, vector<16xi32>, vector<16xi1>) -> (vector<16xi1>, vector<16xf32>, vector<16xi32>)
      %parallel_loop3A_153 = arith.constant 15 : i32
      %parallel_loop3A_154 = vector.broadcast %parallel_loop3A_153 : i32 to vector<16xi32>
      %parallel_loop3A_155 = tpu.iota {dimensions = array<i32: 0>} : vector<16xi32>
      %parallel_loop3A_156 = arith.subi %parallel_loop3A_154, %parallel_loop3A_155 : vector<16xi32>
      %parallel_loop3A_157 = tpu.dynamic_gather %parallel_loop3A_143[%parallel_loop3A_156] in [0] : vector<16xf32>, vector<16xi32> -> vector<16xf32>
      %parallel_loop3A_158 = arith.maximumf %parallel_loop3A_139, %parallel_loop3A_157 : vector<16xf32>
      %parallel_loop3A_159 = arith.constant dense<true> : vector<16xi1>
      %parallel_loop3A_160, %parallel_loop3A_161, %parallel_loop3A_162 = tpu.sort %parallel_loop3A_158, %iota3A masked %parallel_loop3A_159 {descending = true} : (vector<16xf32>, vector<16xi32>, vector<16xi1>) -> (vector<16xi1>, vector<16xf32>, vector<16xi32>)
      %parallel_loop3A_163 = arith.constant 15 : i32
      %parallel_loop3A_164 = vector.broadcast %parallel_loop3A_163 : i32 to vector<16xi32>
      %parallel_loop3A_165 = tpu.iota {dimensions = array<i32: 0>} : vector<16xi32>
      %parallel_loop3A_166 = arith.subi %parallel_loop3A_164, %parallel_loop3A_165 : vector<16xi32>
      %parallel_loop3A_167 = tpu.dynamic_gather %parallel_loop3A_151[%parallel_loop3A_166] in [0] : vector<16xf32>, vector<16xi32> -> vector<16xf32>
      %parallel_loop3A_168 = arith.maximumf %parallel_loop3A_147, %parallel_loop3A_167 : vector<16xf32>
      %parallel_loop3A_169 = arith.constant dense<true> : vector<16xi1>
      %parallel_loop3A_170, %parallel_loop3A_171, %parallel_loop3A_172 = tpu.sort %parallel_loop3A_168, %iota3A masked %parallel_loop3A_169 {descending = true} : (vector<16xf32>, vector<16xi32>, vector<16xi1>) -> (vector<16xi1>, vector<16xf32>, vector<16xi32>)
      %parallel_loop3A_173 = arith.constant 15 : i32
      %parallel_loop3A_174 = vector.broadcast %parallel_loop3A_173 : i32 to vector<16xi32>
      %parallel_loop3A_175 = tpu.iota {dimensions = array<i32: 0>} : vector<16xi32>
      %parallel_loop3A_176 = arith.subi %parallel_loop3A_174, %parallel_loop3A_175 : vector<16xi32>
      %parallel_loop3A_177 = tpu.dynamic_gather %parallel_loop3A_171[%parallel_loop3A_176] in [0] : vector<16xf32>, vector<16xi32> -> vector<16xf32>
      %parallel_loop3A_178 = arith.maximumf %parallel_loop3A_161, %parallel_loop3A_177 : vector<16xf32>
      %parallel_loop3A_179 = arith.constant dense<true> : vector<16xi1>
      %parallel_loop3A_180, %parallel_loop3A_181, %parallel_loop3A_182 = tpu.sort %parallel_loop3A_178, %iota3A masked %parallel_loop3A_179 {descending = true} : (vector<16xf32>, vector<16xi32>, vector<16xi1>) -> (vector<16xi1>, vector<16xf32>, vector<16xi32>)
      %parallel_loop3A_183 = arith.constant 7 : i32
      %parallel_loop3A_184 = vector.broadcast %parallel_loop3A_183 : i32 to vector<16xi32>
      %parallel_loop3A_185 = arith.cmpi eq, %iota3A, %parallel_loop3A_184 : vector<16xi32>
      %parallel_loop3A_186 = arith.constant -1.000000e+00 : f32
      %parallel_loop3A_187 = vector.broadcast %parallel_loop3A_186 : f32 to vector<16xf32>
      %parallel_loop3A_188 = arith.select %parallel_loop3A_185, %parallel_loop3A_181, %parallel_loop3A_187 : vector<16xi1>, vector<16xf32>
      %parallel_loop3A_189 = arith.constant true
      %parallel_loop3A_190 = vector.broadcast %parallel_loop3A_189 : i1 to vector<16xi1>
      %parallel_loop3A_191 = tpu.scan <max>, %parallel_loop3A_188 masked %parallel_loop3A_190 : vector<16xf32>, vector<16xi1> -> vector<16xf32>
      %parallel_loop3A_192 = vector.extract %parallel_loop3A_191[15] : f32 from vector<16xf32>
      %parallel_loop3A_193 = vector.broadcast %parallel_loop3A_192 : f32 to vector<16xf32>
      %parallel_loop3A_194 = arith.cmpf ogt, %parallel_loop3A_181, %parallel_loop3A_193 : vector<16xf32>
      %parallel_loop3A_195 = tpu.all_reduce %parallel_loop3A_194 {dim = 0 : i64, kind = #tpu.reduction_kind<sum>} : vector<16xi1> -> vector<16xi32>
      %parallel_loop3A_196 = arith.constant 0 : i32
      %parallel_loop3A_197 = vector.broadcast %parallel_loop3A_196 : i32 to vector<16xi32>
      %parallel_loop3A_198 = vector.broadcast %parallel_loop3A_192 : f32 to vector<16xf32>
      %parallel_loop3A_199 = arith.cmpf oeq, %parallel_loop3A_127, %parallel_loop3A_198 : vector<16xf32>
      %parallel_loop3A_200 = arith.extui %parallel_loop3A_199 : vector<16xi1> to vector<16xi32>
      %parallel_loop3A_201 = arith.constant true
      %parallel_loop3A_202 = vector.broadcast %parallel_loop3A_201 : i1 to vector<16xi1>
      %parallel_loop3A_203 = tpu.scan <sum>, %parallel_loop3A_200 masked %parallel_loop3A_202 : vector<16xi32>, vector<16xi1> -> vector<16xi32>
      %parallel_loop3A_204 = arith.addi %parallel_loop3A_203, %parallel_loop3A_197 : vector<16xi32>
      %parallel_loop3A_205 = vector.broadcast %parallel_loop3A_192 : f32 to vector<16xf32>
      %parallel_loop3A_206 = arith.cmpf ogt, %parallel_loop3A_127, %parallel_loop3A_205 : vector<16xf32>
      %parallel_loop3A_207 = arith.addi %parallel_loop3A_204, %parallel_loop3A_195 : vector<16xi32>
      %parallel_loop3A_208 = arith.constant 8 : i32
      %parallel_loop3A_209 = vector.broadcast %parallel_loop3A_208 : i32 to vector<16xi32>
      %parallel_loop3A_210 = arith.cmpi sle, %parallel_loop3A_207, %parallel_loop3A_209 : vector<16xi32>
      %parallel_loop3A_211 = arith.andi %parallel_loop3A_199, %parallel_loop3A_210 : vector<16xi1>
      %parallel_loop3A_212 = arith.ori %parallel_loop3A_206, %parallel_loop3A_211 : vector<16xi1>
      %parallel_loop3A_213 = tpu.all_reduce %parallel_loop3A_199 {dim = 0 : i64, kind = #tpu.reduction_kind<sum>} : vector<16xi1> -> vector<16xi32>
      %parallel_loop3A_214 = arith.addi %parallel_loop3A_197, %parallel_loop3A_213 : vector<16xi32>
      %parallel_loop3A_215 = arith.constant 0.000000e+00 : f32
      %parallel_loop3A_216 = vector.broadcast %parallel_loop3A_215 : f32 to vector<16xf32>
      %parallel_loop3A_217 = arith.select %parallel_loop3A_212, %parallel_loop3A_127, %parallel_loop3A_216 : vector<16xi1>, vector<16xf32>
      %parallel_loop3A_218 = arith.index_cast %parallel_loop3A_124 : i32 to index
      %parallel_loop3A_219 = arith.constant 0 : index
      %parallel_loop3A_220 = tpu.vector_load %arg8[%parallel_loop3A_218, %parallel_loop3A_219] {strides = array<i32>} : memref<128x64xf32, #tpu.memory_space<vmem>>, vector<16xf32>,
      tpu.vector_store %arg8[%parallel_loop3A_218, %parallel_loop3A_219], %parallel_loop3A_217 {strides = array<i32>} : memref<128x64xf32, #tpu.memory_space<vmem>>, vector<16xf32>,
      %parallel_loop3A_221 = arith.extui %parallel_loop3A_212 : vector<16xi1> to vector<16xi32>
      %parallel_loop3A_222 = arith.index_cast %parallel_loop3A_124 : i32 to index
      %parallel_loop3A_223 = arith.constant 0 : index
      %parallel_loop3A_224 = tpu.vector_load %arg10[%parallel_loop3A_222, %parallel_loop3A_223] {strides = array<i32>} : memref<128x64xi32, #tpu.memory_space<vmem>>, vector<16xi32>,
      tpu.vector_store %arg10[%parallel_loop3A_222, %parallel_loop3A_223], %parallel_loop3A_221 {strides = array<i32>} : memref<128x64xi32, #tpu.memory_space<vmem>>, vector<16xi32>,
      %parallel_loop3A_225 = vector.broadcast %parallel_loop3A_192 : f32 to vector<16xf32>
      %parallel_loop3A_226 = arith.cmpf oeq, %parallel_loop3A_130, %parallel_loop3A_225 : vector<16xf32>
      %parallel_loop3A_227 = arith.extui %parallel_loop3A_226 : vector<16xi1> to vector<16xi32>
      %parallel_loop3A_228 = arith.constant true
      %parallel_loop3A_229 = vector.broadcast %parallel_loop3A_228 : i1 to vector<16xi1>
      %parallel_loop3A_230 = tpu.scan <sum>, %parallel_loop3A_227 masked %parallel_loop3A_229 : vector<16xi32>, vector<16xi1> -> vector<16xi32>
      %parallel_loop3A_231 = arith.addi %parallel_loop3A_230, %parallel_loop3A_214 : vector<16xi32>
      %parallel_loop3A_232 = vector.broadcast %parallel_loop3A_192 : f32 to vector<16xf32>
      %parallel_loop3A_233 = arith.cmpf ogt, %parallel_loop3A_130, %parallel_loop3A_232 : vector<16xf32>
      %parallel_loop3A_234 = arith.addi %parallel_loop3A_231, %parallel_loop3A_195 : vector<16xi32>
      %parallel_loop3A_235 = arith.constant 8 : i32
      %parallel_loop3A_236 = vector.broadcast %parallel_loop3A_235 : i32 to vector<16xi32>
      %parallel_loop3A_237 = arith.cmpi sle, %parallel_loop3A_234, %parallel_loop3A_236 : vector<16xi32>
      %parallel_loop3A_238 = arith.andi %parallel_loop3A_226, %parallel_loop3A_237 : vector<16xi1>
      %parallel_loop3A_239 = arith.ori %parallel_loop3A_233, %parallel_loop3A_238 : vector<16xi1>
      %parallel_loop3A_240 = tpu.all_reduce %parallel_loop3A_226 {dim = 0 : i64, kind = #tpu.reduction_kind<sum>} : vector<16xi1> -> vector<16xi32>
      %parallel_loop3A_241 = arith.addi %parallel_loop3A_214, %parallel_loop3A_240 : vector<16xi32>
      %parallel_loop3A_242 = arith.constant 0.000000e+00 : f32
      %parallel_loop3A_243 = vector.broadcast %parallel_loop3A_242 : f32 to vector<16xf32>
      %parallel_loop3A_244 = arith.select %parallel_loop3A_239, %parallel_loop3A_130, %parallel_loop3A_243 : vector<16xi1>, vector<16xf32>
      %parallel_loop3A_245 = arith.index_cast %parallel_loop3A_124 : i32 to index
      %parallel_loop3A_246 = arith.constant 16 : index
      %parallel_loop3A_247 = tpu.vector_load %arg8[%parallel_loop3A_245, %parallel_loop3A_246] {strides = array<i32>} : memref<128x64xf32, #tpu.memory_space<vmem>>, vector<16xf32>,
      tpu.vector_store %arg8[%parallel_loop3A_245, %parallel_loop3A_246], %parallel_loop3A_244 {strides = array<i32>} : memref<128x64xf32, #tpu.memory_space<vmem>>, vector<16xf32>,
      %parallel_loop3A_248 = arith.extui %parallel_loop3A_239 : vector<16xi1> to vector<16xi32>
      %parallel_loop3A_249 = arith.index_cast %parallel_loop3A_124 : i32 to index
      %parallel_loop3A_250 = arith.constant 16 : index
      %parallel_loop3A_251 = tpu.vector_load %arg10[%parallel_loop3A_249, %parallel_loop3A_250] {strides = array<i32>} : memref<128x64xi32, #tpu.memory_space<vmem>>, vector<16xi32>,
      tpu.vector_store %arg10[%parallel_loop3A_249, %parallel_loop3A_250], %parallel_loop3A_248 {strides = array<i32>} : memref<128x64xi32, #tpu.memory_space<vmem>>, vector<16xi32>,
      %parallel_loop3A_252 = vector.broadcast %parallel_loop3A_192 : f32 to vector<16xf32>
      %parallel_loop3A_253 = arith.cmpf oeq, %parallel_loop3A_133, %parallel_loop3A_252 : vector<16xf32>
      %parallel_loop3A_254 = arith.extui %parallel_loop3A_253 : vector<16xi1> to vector<16xi32>
      %parallel_loop3A_255 = arith.constant true
      %parallel_loop3A_256 = vector.broadcast %parallel_loop3A_255 : i1 to vector<16xi1>
      %parallel_loop3A_257 = tpu.scan <sum>, %parallel_loop3A_254 masked %parallel_loop3A_256 : vector<16xi32>, vector<16xi1> -> vector<16xi32>
      %parallel_loop3A_258 = arith.addi %parallel_loop3A_257, %parallel_loop3A_241 : vector<16xi32>
      %parallel_loop3A_259 = vector.broadcast %parallel_loop3A_192 : f32 to vector<16xf32>
      %parallel_loop3A_260 = arith.cmpf ogt, %parallel_loop3A_133, %parallel_loop3A_259 : vector<16xf32>
      %parallel_loop3A_261 = arith.addi %parallel_loop3A_258, %parallel_loop3A_195 : vector<16xi32>
      %parallel_loop3A_262 = arith.constant 8 : i32
      %parallel_loop3A_263 = vector.broadcast %parallel_loop3A_262 : i32 to vector<16xi32>
      %parallel_loop3A_264 = arith.cmpi sle, %parallel_loop3A_261, %parallel_loop3A_263 : vector<16xi32>
      %parallel_loop3A_265 = arith.andi %parallel_loop3A_253, %parallel_loop3A_264 : vector<16xi1>
      %parallel_loop3A_266 = arith.ori %parallel_loop3A_260, %parallel_loop3A_265 : vector<16xi1>
      %parallel_loop3A_267 = tpu.all_reduce %parallel_loop3A_253 {dim = 0 : i64, kind = #tpu.reduction_kind<sum>} : vector<16xi1> -> vector<16xi32>
      %parallel_loop3A_268 = arith.addi %parallel_loop3A_241, %parallel_loop3A_267 : vector<16xi32>
      %parallel_loop3A_269 = arith.constant 0.000000e+00 : f32
      %parallel_loop3A_270 = vector.broadcast %parallel_loop3A_269 : f32 to vector<16xf32>
      %parallel_loop3A_271 = arith.select %parallel_loop3A_266, %parallel_loop3A_133, %parallel_loop3A_270 : vector<16xi1>, vector<16xf32>
      %parallel_loop3A_272 = arith.index_cast %parallel_loop3A_124 : i32 to index
      %parallel_loop3A_273 = arith.constant 32 : index
      %parallel_loop3A_274 = tpu.vector_load %arg8[%parallel_loop3A_272, %parallel_loop3A_273] {strides = array<i32>} : memref<128x64xf32, #tpu.memory_space<vmem>>, vector<16xf32>,
      tpu.vector_store %arg8[%parallel_loop3A_272, %parallel_loop3A_273], %parallel_loop3A_271 {strides = array<i32>} : memref<128x64xf32, #tpu.memory_space<vmem>>, vector<16xf32>,
      %parallel_loop3A_275 = arith.extui %parallel_loop3A_266 : vector<16xi1> to vector<16xi32>
      %parallel_loop3A_276 = arith.index_cast %parallel_loop3A_124 : i32 to index
      %parallel_loop3A_277 = arith.constant 32 : index
      %parallel_loop3A_278 = tpu.vector_load %arg10[%parallel_loop3A_276, %parallel_loop3A_277] {strides = array<i32>} : memref<128x64xi32, #tpu.memory_space<vmem>>, vector<16xi32>,
      tpu.vector_store %arg10[%parallel_loop3A_276, %parallel_loop3A_277], %parallel_loop3A_275 {strides = array<i32>} : memref<128x64xi32, #tpu.memory_space<vmem>>, vector<16xi32>,
      %parallel_loop3A_279 = vector.broadcast %parallel_loop3A_192 : f32 to vector<16xf32>
      %parallel_loop3A_280 = arith.cmpf oeq, %parallel_loop3A_136, %parallel_loop3A_279 : vector<16xf32>
      %parallel_loop3A_281 = arith.extui %parallel_loop3A_280 : vector<16xi1> to vector<16xi32>
      %parallel_loop3A_282 = arith.constant true
      %parallel_loop3A_283 = vector.broadcast %parallel_loop3A_282 : i1 to vector<16xi1>
      %parallel_loop3A_284 = tpu.scan <sum>, %parallel_loop3A_281 masked %parallel_loop3A_283 : vector<16xi32>, vector<16xi1> -> vector<16xi32>
      %parallel_loop3A_285 = arith.addi %parallel_loop3A_284, %parallel_loop3A_268 : vector<16xi32>
      %parallel_loop3A_286 = vector.broadcast %parallel_loop3A_192 : f32 to vector<16xf32>
      %parallel_loop3A_287 = arith.cmpf ogt, %parallel_loop3A_136, %parallel_loop3A_286 : vector<16xf32>
      %parallel_loop3A_288 = arith.addi %parallel_loop3A_285, %parallel_loop3A_195 : vector<16xi32>
      %parallel_loop3A_289 = arith.constant 8 : i32
      %parallel_loop3A_290 = vector.broadcast %parallel_loop3A_289 : i32 to vector<16xi32>
      %parallel_loop3A_291 = arith.cmpi sle, %parallel_loop3A_288, %parallel_loop3A_290 : vector<16xi32>
      %parallel_loop3A_292 = arith.andi %parallel_loop3A_280, %parallel_loop3A_291 : vector<16xi1>
      %parallel_loop3A_293 = arith.ori %parallel_loop3A_287, %parallel_loop3A_292 : vector<16xi1>
      %parallel_loop3A_294 = tpu.all_reduce %parallel_loop3A_280 {dim = 0 : i64, kind = #tpu.reduction_kind<sum>} : vector<16xi1> -> vector<16xi32>
      %parallel_loop3A_295 = arith.addi %parallel_loop3A_268, %parallel_loop3A_294 : vector<16xi32>
      %parallel_loop3A_296 = arith.constant 0.000000e+00 : f32
      %parallel_loop3A_297 = vector.broadcast %parallel_loop3A_296 : f32 to vector<16xf32>
      %parallel_loop3A_298 = arith.select %parallel_loop3A_293, %parallel_loop3A_136, %parallel_loop3A_297 : vector<16xi1>, vector<16xf32>
      %parallel_loop3A_299 = arith.index_cast %parallel_loop3A_124 : i32 to index
      %parallel_loop3A_300 = arith.constant 48 : index
      %parallel_loop3A_301 = tpu.vector_load %arg8[%parallel_loop3A_299, %parallel_loop3A_300] {strides = array<i32>} : memref<128x64xf32, #tpu.memory_space<vmem>>, vector<16xf32>,
      tpu.vector_store %arg8[%parallel_loop3A_299, %parallel_loop3A_300], %parallel_loop3A_298 {strides = array<i32>} : memref<128x64xf32, #tpu.memory_space<vmem>>, vector<16xf32>,
      %parallel_loop3A_302 = arith.extui %parallel_loop3A_293 : vector<16xi1> to vector<16xi32>
      %parallel_loop3A_303 = arith.index_cast %parallel_loop3A_124 : i32 to index
      %parallel_loop3A_304 = arith.constant 48 : index
      %parallel_loop3A_305 = tpu.vector_load %arg10[%parallel_loop3A_303, %parallel_loop3A_304] {strides = array<i32>} : memref<128x64xi32, #tpu.memory_space<vmem>>, vector<16xi32>,
      tpu.vector_store %arg10[%parallel_loop3A_303, %parallel_loop3A_304], %parallel_loop3A_302 {strides = array<i32>} : memref<128x64xi32, #tpu.memory_space<vmem>>, vector<16xi32>,
    } {sc.loop_unroll_factor = 2 : i64, sc.parallel_access}
    %add3A_98 = arith.constant 384 : i32
    %add3A_99 = arith.addi %mul3A_2, %add3A_98 : i32
    %dma_start3A_100 = arith.constant 0 : i32
    %dma_start3A_101 = tpu.memref_slice %arg3[%add3A_99, %dma_start3A_100] : memref<16384x64xf32, #tpu.memory_space<hbm>> -> memref<128x64xf32, #tpu.memory_space<hbm>>
    %dma_start3A_102 = arith.constant 0 : i32
    %dma_start3A_103 = tpu.memref_slice %arg3[%add3A_99, %dma_start3A_102] : memref<16384x64xf32, #tpu.memory_space<hbm>> -> memref<128x64xf32, #tpu.memory_space<hbm>>
    tpu.enqueue_dma source(%arg8 : memref<128x64xf32, #tpu.memory_space<vmem>>) target(%dma_start3A_103 : memref<128x64xf32, #tpu.memory_space<hbm>>) target_semaphore(%arg14 : memref<!tpu.dma_semaphore, #tpu.memory_space<semaphore_mem>>)
    %dma_start3A_104 = arith.constant 0 : i32
    %dma_start3A_105 = tpu.memref_slice %arg4[%add3A_99, %dma_start3A_104] : memref<16384x64xi32, #tpu.memory_space<hbm>> -> memref<128x64xi32, #tpu.memory_space<hbm>>
    %dma_start3A_106 = arith.constant 0 : i32
    %dma_start3A_107 = tpu.memref_slice %arg4[%add3A_99, %dma_start3A_106] : memref<16384x64xi32, #tpu.memory_space<hbm>> -> memref<128x64xi32, #tpu.memory_space<hbm>>
    tpu.enqueue_dma source(%arg10 : memref<128x64xi32, #tpu.memory_space<vmem>>) target(%dma_start3A_107 : memref<128x64xi32, #tpu.memory_space<hbm>>) target_semaphore(%arg16 : memref<!tpu.dma_semaphore, #tpu.memory_space<semaphore_mem>>)
    %dma_wait3A_108 = arith.constant 0 : i32
    %dma_wait3A_109 = tpu.memref_slice %arg3[%add3A_74, %dma_wait3A_108] : memref<16384x64xf32, #tpu.memory_space<hbm>> -> memref<128x64xf32, #tpu.memory_space<hbm>>
    %dma_wait3A_110 = arith.constant 0 : i32
    %dma_wait3A_111 = tpu.memref_slice %arg3[%add3A_74, %dma_wait3A_110] : memref<16384x64xf32, #tpu.memory_space<hbm>> -> memref<128x64xf32, #tpu.memory_space<hbm>>
    tpu.wait_dma2 semaphore(%arg13 : memref<!tpu.dma_semaphore, #tpu.memory_space<semaphore_mem>>) src(%arg7 : memref<128x64xf32, #tpu.memory_space<vmem>>) dst(%dma_wait3A_111 : memref<128x64xf32, #tpu.memory_space<hbm>>)
    %dma_wait3A_112 = arith.constant 0 : i32
    %dma_wait3A_113 = tpu.memref_slice %arg4[%add3A_74, %dma_wait3A_112] : memref<16384x64xi32, #tpu.memory_space<hbm>> -> memref<128x64xi32, #tpu.memory_space<hbm>>
    %dma_wait3A_114 = arith.constant 0 : i32
    %dma_wait3A_115 = tpu.memref_slice %arg4[%add3A_74, %dma_wait3A_114] : memref<16384x64xi32, #tpu.memory_space<hbm>> -> memref<128x64xi32, #tpu.memory_space<hbm>>
    tpu.wait_dma2 semaphore(%arg15 : memref<!tpu.dma_semaphore, #tpu.memory_space<semaphore_mem>>) src(%arg9 : memref<128x64xi32, #tpu.memory_space<vmem>>) dst(%dma_wait3A_115 : memref<128x64xi32, #tpu.memory_space<hbm>>)
    %dma_wait3A_116 = arith.constant 0 : i32
    %dma_wait3A_117 = tpu.memref_slice %arg3[%add3A_99, %dma_wait3A_116] : memref<16384x64xf32, #tpu.memory_space<hbm>> -> memref<128x64xf32, #tpu.memory_space<hbm>>
    %dma_wait3A_118 = arith.constant 0 : i32
    %dma_wait3A_119 = tpu.memref_slice %arg3[%add3A_99, %dma_wait3A_118] : memref<16384x64xf32, #tpu.memory_space<hbm>> -> memref<128x64xf32, #tpu.memory_space<hbm>>
    tpu.wait_dma2 semaphore(%arg14 : memref<!tpu.dma_semaphore, #tpu.memory_space<semaphore_mem>>) src(%arg8 : memref<128x64xf32, #tpu.memory_space<vmem>>) dst(%dma_wait3A_119 : memref<128x64xf32, #tpu.memory_space<hbm>>)
    %dma_wait3A_120 = arith.constant 0 : i32
    %dma_wait3A_121 = tpu.memref_slice %arg4[%add3A_99, %dma_wait3A_120] : memref<16384x64xi32, #tpu.memory_space<hbm>> -> memref<128x64xi32, #tpu.memory_space<hbm>>
    %dma_wait3A_122 = arith.constant 0 : i32
    %dma_wait3A_123 = tpu.memref_slice %arg4[%add3A_99, %dma_wait3A_122] : memref<16384x64xi32, #tpu.memory_space<hbm>> -> memref<128x64xi32, #tpu.memory_space<hbm>>
    tpu.wait_dma2 semaphore(%arg16 : memref<!tpu.dma_semaphore, #tpu.memory_space<semaphore_mem>>) src(%arg10 : memref<128x64xi32, #tpu.memory_space<vmem>>) dst(%dma_wait3A_123 : memref<128x64xi32, #tpu.memory_space<hbm>>)
    return
  }
}

#map = affine_map<(d0, d1) -> (0, 0)>
module attributes {stable_mosaic.version = 14 : i64} {
  func.func @_route_body(%arg0: i32, %arg1: i32, %arg2: memref<16384x64xf32, #tpu.memory_space<hbm>>, %arg3: memref<16384x64xf32, #tpu.memory_space<hbm>>, %arg4: memref<16384x64xi32, #tpu.memory_space<hbm>>, %arg5: memref<128x64xf32, #tpu.memory_space<vmem>>, %arg6: memref<128x64xf32, #tpu.memory_space<vmem>>, %arg7: memref<128x64xf32, #tpu.memory_space<vmem>>, %arg8: memref<128x64xf32, #tpu.memory_space<vmem>>, %arg9: memref<128x64xi32, #tpu.memory_space<vmem>>, %arg10: memref<128x64xi32, #tpu.memory_space<vmem>>, %arg11: memref<!tpu.dma_semaphore, #tpu.memory_space<semaphore_mem>>, %arg12: memref<!tpu.dma_semaphore, #tpu.memory_space<semaphore_mem>>, %arg13: memref<!tpu.dma_semaphore, #tpu.memory_space<semaphore_mem>>, %arg14: memref<!tpu.dma_semaphore, #tpu.memory_space<semaphore_mem>>, %arg15: memref<!tpu.dma_semaphore, #tpu.memory_space<semaphore_mem>>, %arg16: memref<!tpu.dma_semaphore, #tpu.memory_space<semaphore_mem>>) attributes {dimension_semantics = [#tpu.dimension_semantics<core_parallel>, #tpu.dimension_semantics<subcore_parallel>], iteration_bounds = array<i64: 2, 16>, scalar_prefetch = 0 : i64, scratch_operands = 12 : i64, tpu.core_type = #tpu.core_type<sc_vector_subcore>, window_params = [{transform_indices = #map}, {transform_indices = #map}, {transform_indices = #map}]} {
    %mul3A = arith.constant 2 : i32
    %mul3A_0 = arith.muli %arg1, %mul3A : i32
    %add3A = arith.addi %mul3A_0, %arg0 : i32
    %mul3A_1 = arith.constant 512 : i32
    %mul3A_2 = arith.muli %add3A, %mul3A_1 : i32
    %iota3A = tpu.iota {dimensions = array<i32: 0>} : vector<16xi32>
    %add3A_3 = arith.constant 0 : i32
    %add3A_4 = arith.addi %mul3A_2, %add3A_3 : i32
    %dma_start3A = arith.constant 0 : i32
    %dma_start3A_5 = tpu.memref_slice %arg2[%add3A_4, %dma_start3A] : memref<16384x64xf32, #tpu.memory_space<hbm>> -> memref<128x64xf32, #tpu.memory_space<hbm>>
    %dma_start3A_6 = arith.constant 0 : i32
    %dma_start3A_7 = tpu.memref_slice %arg2[%add3A_4, %dma_start3A_6] : memref<16384x64xf32, #tpu.memory_space<hbm>> -> memref<128x64xf32, #tpu.memory_space<hbm>>
    tpu.enqueue_dma source(%dma_start3A_7 : memref<128x64xf32, #tpu.memory_space<hbm>>) target(%arg5 : memref<128x64xf32, #tpu.memory_space<vmem>>) target_semaphore(%arg11 : memref<!tpu.dma_semaphore, #tpu.memory_space<semaphore_mem>>)
    %add3A_8 = arith.constant 128 : i32
    %add3A_9 = arith.addi %mul3A_2, %add3A_8 : i32
    %dma_start3A_10 = arith.constant 0 : i32
    %dma_start3A_11 = tpu.memref_slice %arg2[%add3A_9, %dma_start3A_10] : memref<16384x64xf32, #tpu.memory_space<hbm>> -> memref<128x64xf32, #tpu.memory_space<hbm>>
    %dma_start3A_12 = arith.constant 0 : i32
    %dma_start3A_13 = tpu.memref_slice %arg2[%add3A_9, %dma_start3A_12] : memref<16384x64xf32, #tpu.memory_space<hbm>> -> memref<128x64xf32, #tpu.memory_space<hbm>>
    tpu.enqueue_dma source(%dma_start3A_13 : memref<128x64xf32, #tpu.memory_space<hbm>>) target(%arg6 : memref<128x64xf32, #tpu.memory_space<vmem>>) target_semaphore(%arg12 : memref<!tpu.dma_semaphore, #tpu.memory_space<semaphore_mem>>)
    %dma_wait3A = arith.constant 0 : i32
    %dma_wait3A_14 = tpu.memref_slice %arg2[%add3A_4, %dma_wait3A] : memref<16384x64xf32, #tpu.memory_space<hbm>> -> memref<128x64xf32, #tpu.memory_space<hbm>>
    %dma_wait3A_15 = arith.constant 0 : i32
    %dma_wait3A_16 = tpu.memref_slice %arg2[%add3A_4, %dma_wait3A_15] : memref<16384x64xf32, #tpu.memory_space<hbm>> -> memref<128x64xf32, #tpu.memory_space<hbm>>
    tpu.wait_dma2 semaphore(%arg11 : memref<!tpu.dma_semaphore, #tpu.memory_space<semaphore_mem>>) src(%dma_wait3A_16 : memref<128x64xf32, #tpu.memory_space<hbm>>) dst(%arg5 : memref<128x64xf32, #tpu.memory_space<vmem>>)
    %parallel_loop3A = arith.constant 0 : i32
    %parallel_loop3A_17 = arith.constant 128 : i32
    %parallel_loop3A_18 = arith.constant 1 : i32
    scf.for %parallel_loop3A_124 = %parallel_loop3A to %parallel_loop3A_17 step %parallel_loop3A_18  : i32 {
      %parallel_loop3A_125 = arith.index_cast %parallel_loop3A_124 : i32 to index
      %parallel_loop3A_126 = arith.constant 0 : index
      %parallel_loop3A_127 = tpu.vector_load %arg5[%parallel_loop3A_125, %parallel_loop3A_126] {strides = array<i32>} : memref<128x64xf32, #tpu.memory_space<vmem>>, vector<16xf32>,
      %parallel_loop3A_128 = arith.index_cast %parallel_loop3A_124 : i32 to index
      %parallel_loop3A_129 = arith.constant 16 : index
      %parallel_loop3A_130 = tpu.vector_load %arg5[%parallel_loop3A_128, %parallel_loop3A_129] {strides = array<i32>} : memref<128x64xf32, #tpu.memory_space<vmem>>, vector<16xf32>,
      %parallel_loop3A_131 = arith.index_cast %parallel_loop3A_124 : i32 to index
      %parallel_loop3A_132 = arith.constant 32 : index
      %parallel_loop3A_133 = tpu.vector_load %arg5[%parallel_loop3A_131, %parallel_loop3A_132] {strides = array<i32>} : memref<128x64xf32, #tpu.memory_space<vmem>>, vector<16xf32>,
      %parallel_loop3A_134 = arith.index_cast %parallel_loop3A_124 : i32 to index
      %parallel_loop3A_135 = arith.constant 48 : index
      %parallel_loop3A_136 = tpu.vector_load %arg5[%parallel_loop3A_134, %parallel_loop3A_135] {strides = array<i32>} : memref<128x64xf32, #tpu.memory_space<vmem>>, vector<16xf32>,
      %parallel_loop3A_137 = arith.constant dense<true> : vector<16xi1>
      %parallel_loop3A_138, %parallel_loop3A_139, %parallel_loop3A_140 = tpu.sort %parallel_loop3A_127, %iota3A masked %parallel_loop3A_137 {descending = true} : (vector<16xf32>, vector<16xi32>, vector<16xi1>) -> (vector<16xi1>, vector<16xf32>, vector<16xi32>)
      %parallel_loop3A_141 = arith.constant dense<true> : vector<16xi1>
      %parallel_loop3A_142, %parallel_loop3A_143, %parallel_loop3A_144 = tpu.sort %parallel_loop3A_130, %iota3A masked %parallel_loop3A_141 {descending = true} : (vector<16xf32>, vector<16xi32>, vector<16xi1>) -> (vector<16xi1>, vector<16xf32>, vector<16xi32>)
      %parallel_loop3A_145 = arith.constant dense<true> : vector<16xi1>
      %parallel_loop3A_146, %parallel_loop3A_147, %parallel_loop3A_148 = tpu.sort %parallel_loop3A_133, %iota3A masked %parallel_loop3A_145 {descending = true} : (vector<16xf32>, vector<16xi32>, vector<16xi1>) -> (vector<16xi1>, vector<16xf32>, vector<16xi32>)
      %parallel_loop3A_149 = arith.constant dense<true> : vector<16xi1>
      %parallel_loop3A_150, %parallel_loop3A_151, %parallel_loop3A_152 = tpu.sort %parallel_loop3A_136, %iota3A masked %parallel_loop3A_149 {descending = true} : (vector<16xf32>, vector<16xi32>, vector<16xi1>) -> (vector<16xi1>, vector<16xf32>, vector<16xi32>)
      %parallel_loop3A_153 = arith.constant 15 : i32
      %parallel_loop3A_154 = vector.broadcast %parallel_loop3A_153 : i32 to vector<16xi32>
      %parallel_loop3A_155 = tpu.iota {dimensions = array<i32: 0>} : vector<16xi32>
      %parallel_loop3A_156 = arith.subi %parallel_loop3A_154, %parallel_loop3A_155 : vector<16xi32>
      %parallel_loop3A_157 = tpu.dynamic_gather %parallel_loop3A_143[%parallel_loop3A_156] in [0] : vector<16xf32>, vector<16xi32> -> vector<16xf32>
      %parallel_loop3A_158 = arith.maximumf %parallel_loop3A_139, %parallel_loop3A_157 : vector<16xf32>
      %parallel_loop3A_159 = arith.constant dense<true> : vector<16xi1>
      %parallel_loop3A_160, %parallel_loop3A_161, %parallel_loop3A_162 = tpu.sort %parallel_loop3A_158, %iota3A masked %parallel_loop3A_159 {descending = true} : (vector<16xf32>, vector<16xi32>, vector<16xi1>) -> (vector<16xi1>, vector<16xf32>, vector<16xi32>)
      %parallel_loop3A_163 = arith.constant 15 : i32
      %parallel_loop3A_164 = vector.broadcast %parallel_loop3A_163 : i32 to vector<16xi32>
      %parallel_loop3A_165 = tpu.iota {dimensions = array<i32: 0>} : vector<16xi32>
      %parallel_loop3A_166 = arith.subi %parallel_loop3A_164, %parallel_loop3A_165 : vector<16xi32>
      %parallel_loop3A_167 = tpu.dynamic_gather %parallel_loop3A_151[%parallel_loop3A_166] in [0] : vector<16xf32>, vector<16xi32> -> vector<16xf32>
      %parallel_loop3A_168 = arith.maximumf %parallel_loop3A_147, %parallel_loop3A_167 : vector<16xf32>
      %parallel_loop3A_169 = arith.constant dense<true> : vector<16xi1>
      %parallel_loop3A_170, %parallel_loop3A_171, %parallel_loop3A_172 = tpu.sort %parallel_loop3A_168, %iota3A masked %parallel_loop3A_169 {descending = true} : (vector<16xf32>, vector<16xi32>, vector<16xi1>) -> (vector<16xi1>, vector<16xf32>, vector<16xi32>)
      %parallel_loop3A_173 = arith.constant 15 : i32
      %parallel_loop3A_174 = vector.broadcast %parallel_loop3A_173 : i32 to vector<16xi32>
      %parallel_loop3A_175 = tpu.iota {dimensions = array<i32: 0>} : vector<16xi32>
      %parallel_loop3A_176 = arith.subi %parallel_loop3A_174, %parallel_loop3A_175 : vector<16xi32>
      %parallel_loop3A_177 = tpu.dynamic_gather %parallel_loop3A_171[%parallel_loop3A_176] in [0] : vector<16xf32>, vector<16xi32> -> vector<16xf32>
      %parallel_loop3A_178 = arith.maximumf %parallel_loop3A_161, %parallel_loop3A_177 : vector<16xf32>
      %parallel_loop3A_179 = arith.constant dense<true> : vector<16xi1>
      %parallel_loop3A_180, %parallel_loop3A_181, %parallel_loop3A_182 = tpu.sort %parallel_loop3A_178, %iota3A masked %parallel_loop3A_179 {descending = true} : (vector<16xf32>, vector<16xi32>, vector<16xi1>) -> (vector<16xi1>, vector<16xf32>, vector<16xi32>)
      %parallel_loop3A_183 = arith.constant 7 : i32
      %parallel_loop3A_184 = vector.broadcast %parallel_loop3A_183 : i32 to vector<16xi32>
      %parallel_loop3A_185 = arith.cmpi eq, %iota3A, %parallel_loop3A_184 : vector<16xi32>
      %parallel_loop3A_186 = arith.constant -1.000000e+00 : f32
      %parallel_loop3A_187 = vector.broadcast %parallel_loop3A_186 : f32 to vector<16xf32>
      %parallel_loop3A_188 = arith.select %parallel_loop3A_185, %parallel_loop3A_181, %parallel_loop3A_187 : vector<16xi1>, vector<16xf32>
      %parallel_loop3A_189 = arith.constant true
      %parallel_loop3A_190 = vector.broadcast %parallel_loop3A_189 : i1 to vector<16xi1>
      %parallel_loop3A_191 = tpu.scan <max>, %parallel_loop3A_188 masked %parallel_loop3A_190 : vector<16xf32>, vector<16xi1> -> vector<16xf32>
      %parallel_loop3A_192 = vector.extract %parallel_loop3A_191[15] : f32 from vector<16xf32>
      %parallel_loop3A_193 = vector.broadcast %parallel_loop3A_192 : f32 to vector<16xf32>
      %parallel_loop3A_194 = arith.cmpf ogt, %parallel_loop3A_181, %parallel_loop3A_193 : vector<16xf32>
      %parallel_loop3A_195 = tpu.all_reduce %parallel_loop3A_194 {dim = 0 : i64, kind = #tpu.reduction_kind<sum>} : vector<16xi1> -> vector<16xi32>
      %parallel_loop3A_196 = arith.constant 0 : i32
      %parallel_loop3A_197 = vector.broadcast %parallel_loop3A_196 : i32 to vector<16xi32>
      %parallel_loop3A_198 = vector.broadcast %parallel_loop3A_192 : f32 to vector<16xf32>
      %parallel_loop3A_199 = arith.cmpf oeq, %parallel_loop3A_127, %parallel_loop3A_198 : vector<16xf32>
      %parallel_loop3A_200 = arith.extui %parallel_loop3A_199 : vector<16xi1> to vector<16xi32>
      %parallel_loop3A_201 = arith.constant true
      %parallel_loop3A_202 = vector.broadcast %parallel_loop3A_201 : i1 to vector<16xi1>
      %parallel_loop3A_203 = tpu.scan <sum>, %parallel_loop3A_200 masked %parallel_loop3A_202 : vector<16xi32>, vector<16xi1> -> vector<16xi32>
      %parallel_loop3A_204 = arith.addi %parallel_loop3A_203, %parallel_loop3A_197 : vector<16xi32>
      %parallel_loop3A_205 = vector.broadcast %parallel_loop3A_192 : f32 to vector<16xf32>
      %parallel_loop3A_206 = arith.cmpf ogt, %parallel_loop3A_127, %parallel_loop3A_205 : vector<16xf32>
      %parallel_loop3A_207 = arith.addi %parallel_loop3A_204, %parallel_loop3A_195 : vector<16xi32>
      %parallel_loop3A_208 = arith.constant 8 : i32
      %parallel_loop3A_209 = vector.broadcast %parallel_loop3A_208 : i32 to vector<16xi32>
      %parallel_loop3A_210 = arith.cmpi sle, %parallel_loop3A_207, %parallel_loop3A_209 : vector<16xi32>
      %parallel_loop3A_211 = arith.andi %parallel_loop3A_199, %parallel_loop3A_210 : vector<16xi1>
      %parallel_loop3A_212 = arith.ori %parallel_loop3A_206, %parallel_loop3A_211 : vector<16xi1>
      %parallel_loop3A_213 = tpu.all_reduce %parallel_loop3A_199 {dim = 0 : i64, kind = #tpu.reduction_kind<sum>} : vector<16xi1> -> vector<16xi32>
      %parallel_loop3A_214 = arith.addi %parallel_loop3A_197, %parallel_loop3A_213 : vector<16xi32>
      %parallel_loop3A_215 = arith.constant 0.000000e+00 : f32
      %parallel_loop3A_216 = vector.broadcast %parallel_loop3A_215 : f32 to vector<16xf32>
      %parallel_loop3A_217 = arith.select %parallel_loop3A_212, %parallel_loop3A_127, %parallel_loop3A_216 : vector<16xi1>, vector<16xf32>
      %parallel_loop3A_218 = arith.index_cast %parallel_loop3A_124 : i32 to index
      %parallel_loop3A_219 = arith.constant 0 : index
      %parallel_loop3A_220 = tpu.vector_load %arg7[%parallel_loop3A_218, %parallel_loop3A_219] {strides = array<i32>} : memref<128x64xf32, #tpu.memory_space<vmem>>, vector<16xf32>,
      tpu.vector_store %arg7[%parallel_loop3A_218, %parallel_loop3A_219], %parallel_loop3A_217 {strides = array<i32>} : memref<128x64xf32, #tpu.memory_space<vmem>>, vector<16xf32>,
      %parallel_loop3A_221 = arith.extui %parallel_loop3A_212 : vector<16xi1> to vector<16xi32>
      %parallel_loop3A_222 = arith.index_cast %parallel_loop3A_124 : i32 to index
      %parallel_loop3A_223 = arith.constant 0 : index
      %parallel_loop3A_224 = tpu.vector_load %arg9[%parallel_loop3A_222, %parallel_loop3A_223] {strides = array<i32>} : memref<128x64xi32, #tpu.memory_space<vmem>>, vector<16xi32>,
      tpu.vector_store %arg9[%parallel_loop3A_222, %parallel_loop3A_223], %parallel_loop3A_221 {strides = array<i32>} : memref<128x64xi32, #tpu.memory_space<vmem>>, vector<16xi32>,
      %parallel_loop3A_225 = vector.broadcast %parallel_loop3A_192 : f32 to vector<16xf32>
      %parallel_loop3A_226 = arith.cmpf oeq, %parallel_loop3A_130, %parallel_loop3A_225 : vector<16xf32>
      %parallel_loop3A_227 = arith.extui %parallel_loop3A_226 : vector<16xi1> to vector<16xi32>
      %parallel_loop3A_228 = arith.constant true
      %parallel_loop3A_229 = vector.broadcast %parallel_loop3A_228 : i1 to vector<16xi1>
      %parallel_loop3A_230 = tpu.scan <sum>, %parallel_loop3A_227 masked %parallel_loop3A_229 : vector<16xi32>, vector<16xi1> -> vector<16xi32>
      %parallel_loop3A_231 = arith.addi %parallel_loop3A_230, %parallel_loop3A_214 : vector<16xi32>
      %parallel_loop3A_232 = vector.broadcast %parallel_loop3A_192 : f32 to vector<16xf32>
      %parallel_loop3A_233 = arith.cmpf ogt, %parallel_loop3A_130, %parallel_loop3A_232 : vector<16xf32>
      %parallel_loop3A_234 = arith.addi %parallel_loop3A_231, %parallel_loop3A_195 : vector<16xi32>
      %parallel_loop3A_235 = arith.constant 8 : i32
      %parallel_loop3A_236 = vector.broadcast %parallel_loop3A_235 : i32 to vector<16xi32>
      %parallel_loop3A_237 = arith.cmpi sle, %parallel_loop3A_234, %parallel_loop3A_236 : vector<16xi32>
      %parallel_loop3A_238 = arith.andi %parallel_loop3A_226, %parallel_loop3A_237 : vector<16xi1>
      %parallel_loop3A_239 = arith.ori %parallel_loop3A_233, %parallel_loop3A_238 : vector<16xi1>
      %parallel_loop3A_240 = tpu.all_reduce %parallel_loop3A_226 {dim = 0 : i64, kind = #tpu.reduction_kind<sum>} : vector<16xi1> -> vector<16xi32>
      %parallel_loop3A_241 = arith.addi %parallel_loop3A_214, %parallel_loop3A_240 : vector<16xi32>
      %parallel_loop3A_242 = arith.constant 0.000000e+00 : f32
      %parallel_loop3A_243 = vector.broadcast %parallel_loop3A_242 : f32 to vector<16xf32>
      %parallel_loop3A_244 = arith.select %parallel_loop3A_239, %parallel_loop3A_130, %parallel_loop3A_243 : vector<16xi1>, vector<16xf32>
      %parallel_loop3A_245 = arith.index_cast %parallel_loop3A_124 : i32 to index
      %parallel_loop3A_246 = arith.constant 16 : index
      %parallel_loop3A_247 = tpu.vector_load %arg7[%parallel_loop3A_245, %parallel_loop3A_246] {strides = array<i32>} : memref<128x64xf32, #tpu.memory_space<vmem>>, vector<16xf32>,
      tpu.vector_store %arg7[%parallel_loop3A_245, %parallel_loop3A_246], %parallel_loop3A_244 {strides = array<i32>} : memref<128x64xf32, #tpu.memory_space<vmem>>, vector<16xf32>,
      %parallel_loop3A_248 = arith.extui %parallel_loop3A_239 : vector<16xi1> to vector<16xi32>
      %parallel_loop3A_249 = arith.index_cast %parallel_loop3A_124 : i32 to index
      %parallel_loop3A_250 = arith.constant 16 : index
      %parallel_loop3A_251 = tpu.vector_load %arg9[%parallel_loop3A_249, %parallel_loop3A_250] {strides = array<i32>} : memref<128x64xi32, #tpu.memory_space<vmem>>, vector<16xi32>,
      tpu.vector_store %arg9[%parallel_loop3A_249, %parallel_loop3A_250], %parallel_loop3A_248 {strides = array<i32>} : memref<128x64xi32, #tpu.memory_space<vmem>>, vector<16xi32>,
      %parallel_loop3A_252 = vector.broadcast %parallel_loop3A_192 : f32 to vector<16xf32>
      %parallel_loop3A_253 = arith.cmpf oeq, %parallel_loop3A_133, %parallel_loop3A_252 : vector<16xf32>
      %parallel_loop3A_254 = arith.extui %parallel_loop3A_253 : vector<16xi1> to vector<16xi32>
      %parallel_loop3A_255 = arith.constant true
      %parallel_loop3A_256 = vector.broadcast %parallel_loop3A_255 : i1 to vector<16xi1>
      %parallel_loop3A_257 = tpu.scan <sum>, %parallel_loop3A_254 masked %parallel_loop3A_256 : vector<16xi32>, vector<16xi1> -> vector<16xi32>
      %parallel_loop3A_258 = arith.addi %parallel_loop3A_257, %parallel_loop3A_241 : vector<16xi32>
      %parallel_loop3A_259 = vector.broadcast %parallel_loop3A_192 : f32 to vector<16xf32>
      %parallel_loop3A_260 = arith.cmpf ogt, %parallel_loop3A_133, %parallel_loop3A_259 : vector<16xf32>
      %parallel_loop3A_261 = arith.addi %parallel_loop3A_258, %parallel_loop3A_195 : vector<16xi32>
      %parallel_loop3A_262 = arith.constant 8 : i32
      %parallel_loop3A_263 = vector.broadcast %parallel_loop3A_262 : i32 to vector<16xi32>
      %parallel_loop3A_264 = arith.cmpi sle, %parallel_loop3A_261, %parallel_loop3A_263 : vector<16xi32>
      %parallel_loop3A_265 = arith.andi %parallel_loop3A_253, %parallel_loop3A_264 : vector<16xi1>
      %parallel_loop3A_266 = arith.ori %parallel_loop3A_260, %parallel_loop3A_265 : vector<16xi1>
      %parallel_loop3A_267 = tpu.all_reduce %parallel_loop3A_253 {dim = 0 : i64, kind = #tpu.reduction_kind<sum>} : vector<16xi1> -> vector<16xi32>
      %parallel_loop3A_268 = arith.addi %parallel_loop3A_241, %parallel_loop3A_267 : vector<16xi32>
      %parallel_loop3A_269 = arith.constant 0.000000e+00 : f32
      %parallel_loop3A_270 = vector.broadcast %parallel_loop3A_269 : f32 to vector<16xf32>
      %parallel_loop3A_271 = arith.select %parallel_loop3A_266, %parallel_loop3A_133, %parallel_loop3A_270 : vector<16xi1>, vector<16xf32>
      %parallel_loop3A_272 = arith.index_cast %parallel_loop3A_124 : i32 to index
      %parallel_loop3A_273 = arith.constant 32 : index
      %parallel_loop3A_274 = tpu.vector_load %arg7[%parallel_loop3A_272, %parallel_loop3A_273] {strides = array<i32>} : memref<128x64xf32, #tpu.memory_space<vmem>>, vector<16xf32>,
      tpu.vector_store %arg7[%parallel_loop3A_272, %parallel_loop3A_273], %parallel_loop3A_271 {strides = array<i32>} : memref<128x64xf32, #tpu.memory_space<vmem>>, vector<16xf32>,
      %parallel_loop3A_275 = arith.extui %parallel_loop3A_266 : vector<16xi1> to vector<16xi32>
      %parallel_loop3A_276 = arith.index_cast %parallel_loop3A_124 : i32 to index
      %parallel_loop3A_277 = arith.constant 32 : index
      %parallel_loop3A_278 = tpu.vector_load %arg9[%parallel_loop3A_276, %parallel_loop3A_277] {strides = array<i32>} : memref<128x64xi32, #tpu.memory_space<vmem>>, vector<16xi32>,
      tpu.vector_store %arg9[%parallel_loop3A_276, %parallel_loop3A_277], %parallel_loop3A_275 {strides = array<i32>} : memref<128x64xi32, #tpu.memory_space<vmem>>, vector<16xi32>,
      %parallel_loop3A_279 = vector.broadcast %parallel_loop3A_192 : f32 to vector<16xf32>
      %parallel_loop3A_280 = arith.cmpf oeq, %parallel_loop3A_136, %parallel_loop3A_279 : vector<16xf32>
      %parallel_loop3A_281 = arith.extui %parallel_loop3A_280 : vector<16xi1> to vector<16xi32>
      %parallel_loop3A_282 = arith.constant true
      %parallel_loop3A_283 = vector.broadcast %parallel_loop3A_282 : i1 to vector<16xi1>
      %parallel_loop3A_284 = tpu.scan <sum>, %parallel_loop3A_281 masked %parallel_loop3A_283 : vector<16xi32>, vector<16xi1> -> vector<16xi32>
      %parallel_loop3A_285 = arith.addi %parallel_loop3A_284, %parallel_loop3A_268 : vector<16xi32>
      %parallel_loop3A_286 = vector.broadcast %parallel_loop3A_192 : f32 to vector<16xf32>
      %parallel_loop3A_287 = arith.cmpf ogt, %parallel_loop3A_136, %parallel_loop3A_286 : vector<16xf32>
      %parallel_loop3A_288 = arith.addi %parallel_loop3A_285, %parallel_loop3A_195 : vector<16xi32>
      %parallel_loop3A_289 = arith.constant 8 : i32
      %parallel_loop3A_290 = vector.broadcast %parallel_loop3A_289 : i32 to vector<16xi32>
      %parallel_loop3A_291 = arith.cmpi sle, %parallel_loop3A_288, %parallel_loop3A_290 : vector<16xi32>
      %parallel_loop3A_292 = arith.andi %parallel_loop3A_280, %parallel_loop3A_291 : vector<16xi1>
      %parallel_loop3A_293 = arith.ori %parallel_loop3A_287, %parallel_loop3A_292 : vector<16xi1>
      %parallel_loop3A_294 = tpu.all_reduce %parallel_loop3A_280 {dim = 0 : i64, kind = #tpu.reduction_kind<sum>} : vector<16xi1> -> vector<16xi32>
      %parallel_loop3A_295 = arith.addi %parallel_loop3A_268, %parallel_loop3A_294 : vector<16xi32>
      %parallel_loop3A_296 = arith.constant 0.000000e+00 : f32
      %parallel_loop3A_297 = vector.broadcast %parallel_loop3A_296 : f32 to vector<16xf32>
      %parallel_loop3A_298 = arith.select %parallel_loop3A_293, %parallel_loop3A_136, %parallel_loop3A_297 : vector<16xi1>, vector<16xf32>
      %parallel_loop3A_299 = arith.index_cast %parallel_loop3A_124 : i32 to index
      %parallel_loop3A_300 = arith.constant 48 : index
      %parallel_loop3A_301 = tpu.vector_load %arg7[%parallel_loop3A_299, %parallel_loop3A_300] {strides = array<i32>} : memref<128x64xf32, #tpu.memory_space<vmem>>, vector<16xf32>,
      tpu.vector_store %arg7[%parallel_loop3A_299, %parallel_loop3A_300], %parallel_loop3A_298 {strides = array<i32>} : memref<128x64xf32, #tpu.memory_space<vmem>>, vector<16xf32>,
      %parallel_loop3A_302 = arith.extui %parallel_loop3A_293 : vector<16xi1> to vector<16xi32>
      %parallel_loop3A_303 = arith.index_cast %parallel_loop3A_124 : i32 to index
      %parallel_loop3A_304 = arith.constant 48 : index
      %parallel_loop3A_305 = tpu.vector_load %arg9[%parallel_loop3A_303, %parallel_loop3A_304] {strides = array<i32>} : memref<128x64xi32, #tpu.memory_space<vmem>>, vector<16xi32>,
      tpu.vector_store %arg9[%parallel_loop3A_303, %parallel_loop3A_304], %parallel_loop3A_302 {strides = array<i32>} : memref<128x64xi32, #tpu.memory_space<vmem>>, vector<16xi32>,
    } {sc.loop_unroll_factor = 2 : i64, sc.parallel_access}
    %add3A_19 = arith.constant 0 : i32
    %add3A_20 = arith.addi %mul3A_2, %add3A_19 : i32
    %dma_start3A_21 = arith.constant 0 : i32
    %dma_start3A_22 = tpu.memref_slice %arg3[%add3A_20, %dma_start3A_21] : memref<16384x64xf32, #tpu.memory_space<hbm>> -> memref<128x64xf32, #tpu.memory_space<hbm>>
    %dma_start3A_23 = arith.constant 0 : i32
    %dma_start3A_24 = tpu.memref_slice %arg3[%add3A_20, %dma_start3A_23] : memref<16384x64xf32, #tpu.memory_space<hbm>> -> memref<128x64xf32, #tpu.memory_space<hbm>>
    tpu.enqueue_dma source(%arg7 : memref<128x64xf32, #tpu.memory_space<vmem>>) target(%dma_start3A_24 : memref<128x64xf32, #tpu.memory_space<hbm>>) target_semaphore(%arg13 : memref<!tpu.dma_semaphore, #tpu.memory_space<semaphore_mem>>)
    %dma_start3A_25 = arith.constant 0 : i32
    %dma_start3A_26 = tpu.memref_slice %arg4[%add3A_20, %dma_start3A_25] : memref<16384x64xi32, #tpu.memory_space<hbm>> -> memref<128x64xi32, #tpu.memory_space<hbm>>
    %dma_start3A_27 = arith.constant 0 : i32
    %dma_start3A_28 = tpu.memref_slice %arg4[%add3A_20, %dma_start3A_27] : memref<16384x64xi32, #tpu.memory_space<hbm>> -> memref<128x64xi32, #tpu.memory_space<hbm>>
    tpu.enqueue_dma source(%arg9 : memref<128x64xi32, #tpu.memory_space<vmem>>) target(%dma_start3A_28 : memref<128x64xi32, #tpu.memory_space<hbm>>) target_semaphore(%arg15 : memref<!tpu.dma_semaphore, #tpu.memory_space<semaphore_mem>>)
    %add3A_29 = arith.constant 256 : i32
    %add3A_30 = arith.addi %mul3A_2, %add3A_29 : i32
    %dma_start3A_31 = arith.constant 0 : i32
    %dma_start3A_32 = tpu.memref_slice %arg2[%add3A_30, %dma_start3A_31] : memref<16384x64xf32, #tpu.memory_space<hbm>> -> memref<128x64xf32, #tpu.memory_space<hbm>>
    %dma_start3A_33 = arith.constant 0 : i32
    %dma_start3A_34 = tpu.memref_slice %arg2[%add3A_30, %dma_start3A_33] : memref<16384x64xf32, #tpu.memory_space<hbm>> -> memref<128x64xf32, #tpu.memory_space<hbm>>
    tpu.enqueue_dma source(%dma_start3A_34 : memref<128x64xf32, #tpu.memory_space<hbm>>) target(%arg5 : memref<128x64xf32, #tpu.memory_space<vmem>>) target_semaphore(%arg11 : memref<!tpu.dma_semaphore, #tpu.memory_space<semaphore_mem>>)
    %dma_wait3A_35 = arith.constant 0 : i32
    %dma_wait3A_36 = tpu.memref_slice %arg2[%add3A_9, %dma_wait3A_35] : memref<16384x64xf32, #tpu.memory_space<hbm>> -> memref<128x64xf32, #tpu.memory_space<hbm>>
    %dma_wait3A_37 = arith.constant 0 : i32
    %dma_wait3A_38 = tpu.memref_slice %arg2[%add3A_9, %dma_wait3A_37] : memref<16384x64xf32, #tpu.memory_space<hbm>> -> memref<128x64xf32, #tpu.memory_space<hbm>>
    tpu.wait_dma2 semaphore(%arg12 : memref<!tpu.dma_semaphore, #tpu.memory_space<semaphore_mem>>) src(%dma_wait3A_38 : memref<128x64xf32, #tpu.memory_space<hbm>>) dst(%arg6 : memref<128x64xf32, #tpu.memory_space<vmem>>)
    %parallel_loop3A_39 = arith.constant 0 : i32
    %parallel_loop3A_40 = arith.constant 128 : i32
    %parallel_loop3A_41 = arith.constant 1 : i32
    scf.for %parallel_loop3A_124 = %parallel_loop3A_39 to %parallel_loop3A_40 step %parallel_loop3A_41  : i32 {
      %parallel_loop3A_125 = arith.index_cast %parallel_loop3A_124 : i32 to index
      %parallel_loop3A_126 = arith.constant 0 : index
      %parallel_loop3A_127 = tpu.vector_load %arg6[%parallel_loop3A_125, %parallel_loop3A_126] {strides = array<i32>} : memref<128x64xf32, #tpu.memory_space<vmem>>, vector<16xf32>,
      %parallel_loop3A_128 = arith.index_cast %parallel_loop3A_124 : i32 to index
      %parallel_loop3A_129 = arith.constant 16 : index
      %parallel_loop3A_130 = tpu.vector_load %arg6[%parallel_loop3A_128, %parallel_loop3A_129] {strides = array<i32>} : memref<128x64xf32, #tpu.memory_space<vmem>>, vector<16xf32>,
      %parallel_loop3A_131 = arith.index_cast %parallel_loop3A_124 : i32 to index
      %parallel_loop3A_132 = arith.constant 32 : index
      %parallel_loop3A_133 = tpu.vector_load %arg6[%parallel_loop3A_131, %parallel_loop3A_132] {strides = array<i32>} : memref<128x64xf32, #tpu.memory_space<vmem>>, vector<16xf32>,
      %parallel_loop3A_134 = arith.index_cast %parallel_loop3A_124 : i32 to index
      %parallel_loop3A_135 = arith.constant 48 : index
      %parallel_loop3A_136 = tpu.vector_load %arg6[%parallel_loop3A_134, %parallel_loop3A_135] {strides = array<i32>} : memref<128x64xf32, #tpu.memory_space<vmem>>, vector<16xf32>,
      %parallel_loop3A_137 = arith.constant dense<true> : vector<16xi1>
      %parallel_loop3A_138, %parallel_loop3A_139, %parallel_loop3A_140 = tpu.sort %parallel_loop3A_127, %iota3A masked %parallel_loop3A_137 {descending = true} : (vector<16xf32>, vector<16xi32>, vector<16xi1>) -> (vector<16xi1>, vector<16xf32>, vector<16xi32>)
      %parallel_loop3A_141 = arith.constant dense<true> : vector<16xi1>
      %parallel_loop3A_142, %parallel_loop3A_143, %parallel_loop3A_144 = tpu.sort %parallel_loop3A_130, %iota3A masked %parallel_loop3A_141 {descending = true} : (vector<16xf32>, vector<16xi32>, vector<16xi1>) -> (vector<16xi1>, vector<16xf32>, vector<16xi32>)
      %parallel_loop3A_145 = arith.constant dense<true> : vector<16xi1>
      %parallel_loop3A_146, %parallel_loop3A_147, %parallel_loop3A_148 = tpu.sort %parallel_loop3A_133, %iota3A masked %parallel_loop3A_145 {descending = true} : (vector<16xf32>, vector<16xi32>, vector<16xi1>) -> (vector<16xi1>, vector<16xf32>, vector<16xi32>)
      %parallel_loop3A_149 = arith.constant dense<true> : vector<16xi1>
      %parallel_loop3A_150, %parallel_loop3A_151, %parallel_loop3A_152 = tpu.sort %parallel_loop3A_136, %iota3A masked %parallel_loop3A_149 {descending = true} : (vector<16xf32>, vector<16xi32>, vector<16xi1>) -> (vector<16xi1>, vector<16xf32>, vector<16xi32>)
      %parallel_loop3A_153 = arith.constant 15 : i32
      %parallel_loop3A_154 = vector.broadcast %parallel_loop3A_153 : i32 to vector<16xi32>
      %parallel_loop3A_155 = tpu.iota {dimensions = array<i32: 0>} : vector<16xi32>
      %parallel_loop3A_156 = arith.subi %parallel_loop3A_154, %parallel_loop3A_155 : vector<16xi32>
      %parallel_loop3A_157 = tpu.dynamic_gather %parallel_loop3A_143[%parallel_loop3A_156] in [0] : vector<16xf32>, vector<16xi32> -> vector<16xf32>
      %parallel_loop3A_158 = arith.maximumf %parallel_loop3A_139, %parallel_loop3A_157 : vector<16xf32>
      %parallel_loop3A_159 = arith.constant dense<true> : vector<16xi1>
      %parallel_loop3A_160, %parallel_loop3A_161, %parallel_loop3A_162 = tpu.sort %parallel_loop3A_158, %iota3A masked %parallel_loop3A_159 {descending = true} : (vector<16xf32>, vector<16xi32>, vector<16xi1>) -> (vector<16xi1>, vector<16xf32>, vector<16xi32>)
      %parallel_loop3A_163 = arith.constant 15 : i32
      %parallel_loop3A_164 = vector.broadcast %parallel_loop3A_163 : i32 to vector<16xi32>
      %parallel_loop3A_165 = tpu.iota {dimensions = array<i32: 0>} : vector<16xi32>
      %parallel_loop3A_166 = arith.subi %parallel_loop3A_164, %parallel_loop3A_165 : vector<16xi32>
      %parallel_loop3A_167 = tpu.dynamic_gather %parallel_loop3A_151[%parallel_loop3A_166] in [0] : vector<16xf32>, vector<16xi32> -> vector<16xf32>
      %parallel_loop3A_168 = arith.maximumf %parallel_loop3A_147, %parallel_loop3A_167 : vector<16xf32>
      %parallel_loop3A_169 = arith.constant dense<true> : vector<16xi1>
      %parallel_loop3A_170, %parallel_loop3A_171, %parallel_loop3A_172 = tpu.sort %parallel_loop3A_168, %iota3A masked %parallel_loop3A_169 {descending = true} : (vector<16xf32>, vector<16xi32>, vector<16xi1>) -> (vector<16xi1>, vector<16xf32>, vector<16xi32>)
      %parallel_loop3A_173 = arith.constant 15 : i32
      %parallel_loop3A_174 = vector.broadcast %parallel_loop3A_173 : i32 to vector<16xi32>
      %parallel_loop3A_175 = tpu.iota {dimensions = array<i32: 0>} : vector<16xi32>
      %parallel_loop3A_176 = arith.subi %parallel_loop3A_174, %parallel_loop3A_175 : vector<16xi32>
      %parallel_loop3A_177 = tpu.dynamic_gather %parallel_loop3A_171[%parallel_loop3A_176] in [0] : vector<16xf32>, vector<16xi32> -> vector<16xf32>
      %parallel_loop3A_178 = arith.maximumf %parallel_loop3A_161, %parallel_loop3A_177 : vector<16xf32>
      %parallel_loop3A_179 = arith.constant dense<true> : vector<16xi1>
      %parallel_loop3A_180, %parallel_loop3A_181, %parallel_loop3A_182 = tpu.sort %parallel_loop3A_178, %iota3A masked %parallel_loop3A_179 {descending = true} : (vector<16xf32>, vector<16xi32>, vector<16xi1>) -> (vector<16xi1>, vector<16xf32>, vector<16xi32>)
      %parallel_loop3A_183 = arith.constant 7 : i32
      %parallel_loop3A_184 = vector.broadcast %parallel_loop3A_183 : i32 to vector<16xi32>
      %parallel_loop3A_185 = arith.cmpi eq, %iota3A, %parallel_loop3A_184 : vector<16xi32>
      %parallel_loop3A_186 = arith.constant -1.000000e+00 : f32
      %parallel_loop3A_187 = vector.broadcast %parallel_loop3A_186 : f32 to vector<16xf32>
      %parallel_loop3A_188 = arith.select %parallel_loop3A_185, %parallel_loop3A_181, %parallel_loop3A_187 : vector<16xi1>, vector<16xf32>
      %parallel_loop3A_189 = arith.constant true
      %parallel_loop3A_190 = vector.broadcast %parallel_loop3A_189 : i1 to vector<16xi1>
      %parallel_loop3A_191 = tpu.scan <max>, %parallel_loop3A_188 masked %parallel_loop3A_190 : vector<16xf32>, vector<16xi1> -> vector<16xf32>
      %parallel_loop3A_192 = vector.extract %parallel_loop3A_191[15] : f32 from vector<16xf32>
      %parallel_loop3A_193 = vector.broadcast %parallel_loop3A_192 : f32 to vector<16xf32>
      %parallel_loop3A_194 = arith.cmpf ogt, %parallel_loop3A_181, %parallel_loop3A_193 : vector<16xf32>
      %parallel_loop3A_195 = tpu.all_reduce %parallel_loop3A_194 {dim = 0 : i64, kind = #tpu.reduction_kind<sum>} : vector<16xi1> -> vector<16xi32>
      %parallel_loop3A_196 = arith.constant 0 : i32
      %parallel_loop3A_197 = vector.broadcast %parallel_loop3A_196 : i32 to vector<16xi32>
      %parallel_loop3A_198 = vector.broadcast %parallel_loop3A_192 : f32 to vector<16xf32>
      %parallel_loop3A_199 = arith.cmpf oeq, %parallel_loop3A_127, %parallel_loop3A_198 : vector<16xf32>
      %parallel_loop3A_200 = arith.extui %parallel_loop3A_199 : vector<16xi1> to vector<16xi32>
      %parallel_loop3A_201 = arith.constant true
      %parallel_loop3A_202 = vector.broadcast %parallel_loop3A_201 : i1 to vector<16xi1>
      %parallel_loop3A_203 = tpu.scan <sum>, %parallel_loop3A_200 masked %parallel_loop3A_202 : vector<16xi32>, vector<16xi1> -> vector<16xi32>
      %parallel_loop3A_204 = arith.addi %parallel_loop3A_203, %parallel_loop3A_197 : vector<16xi32>
      %parallel_loop3A_205 = vector.broadcast %parallel_loop3A_192 : f32 to vector<16xf32>
      %parallel_loop3A_206 = arith.cmpf ogt, %parallel_loop3A_127, %parallel_loop3A_205 : vector<16xf32>
      %parallel_loop3A_207 = arith.addi %parallel_loop3A_204, %parallel_loop3A_195 : vector<16xi32>
      %parallel_loop3A_208 = arith.constant 8 : i32
      %parallel_loop3A_209 = vector.broadcast %parallel_loop3A_208 : i32 to vector<16xi32>
      %parallel_loop3A_210 = arith.cmpi sle, %parallel_loop3A_207, %parallel_loop3A_209 : vector<16xi32>
      %parallel_loop3A_211 = arith.andi %parallel_loop3A_199, %parallel_loop3A_210 : vector<16xi1>
      %parallel_loop3A_212 = arith.ori %parallel_loop3A_206, %parallel_loop3A_211 : vector<16xi1>
      %parallel_loop3A_213 = tpu.all_reduce %parallel_loop3A_199 {dim = 0 : i64, kind = #tpu.reduction_kind<sum>} : vector<16xi1> -> vector<16xi32>
      %parallel_loop3A_214 = arith.addi %parallel_loop3A_197, %parallel_loop3A_213 : vector<16xi32>
      %parallel_loop3A_215 = arith.constant 0.000000e+00 : f32
      %parallel_loop3A_216 = vector.broadcast %parallel_loop3A_215 : f32 to vector<16xf32>
      %parallel_loop3A_217 = arith.select %parallel_loop3A_212, %parallel_loop3A_127, %parallel_loop3A_216 : vector<16xi1>, vector<16xf32>
      %parallel_loop3A_218 = arith.index_cast %parallel_loop3A_124 : i32 to index
      %parallel_loop3A_219 = arith.constant 0 : index
      %parallel_loop3A_220 = tpu.vector_load %arg8[%parallel_loop3A_218, %parallel_loop3A_219] {strides = array<i32>} : memref<128x64xf32, #tpu.memory_space<vmem>>, vector<16xf32>,
      tpu.vector_store %arg8[%parallel_loop3A_218, %parallel_loop3A_219], %parallel_loop3A_217 {strides = array<i32>} : memref<128x64xf32, #tpu.memory_space<vmem>>, vector<16xf32>,
      %parallel_loop3A_221 = arith.extui %parallel_loop3A_212 : vector<16xi1> to vector<16xi32>
      %parallel_loop3A_222 = arith.index_cast %parallel_loop3A_124 : i32 to index
      %parallel_loop3A_223 = arith.constant 0 : index
      %parallel_loop3A_224 = tpu.vector_load %arg10[%parallel_loop3A_222, %parallel_loop3A_223] {strides = array<i32>} : memref<128x64xi32, #tpu.memory_space<vmem>>, vector<16xi32>,
      tpu.vector_store %arg10[%parallel_loop3A_222, %parallel_loop3A_223], %parallel_loop3A_221 {strides = array<i32>} : memref<128x64xi32, #tpu.memory_space<vmem>>, vector<16xi32>,
      %parallel_loop3A_225 = vector.broadcast %parallel_loop3A_192 : f32 to vector<16xf32>
      %parallel_loop3A_226 = arith.cmpf oeq, %parallel_loop3A_130, %parallel_loop3A_225 : vector<16xf32>
      %parallel_loop3A_227 = arith.extui %parallel_loop3A_226 : vector<16xi1> to vector<16xi32>
      %parallel_loop3A_228 = arith.constant true
      %parallel_loop3A_229 = vector.broadcast %parallel_loop3A_228 : i1 to vector<16xi1>
      %parallel_loop3A_230 = tpu.scan <sum>, %parallel_loop3A_227 masked %parallel_loop3A_229 : vector<16xi32>, vector<16xi1> -> vector<16xi32>
      %parallel_loop3A_231 = arith.addi %parallel_loop3A_230, %parallel_loop3A_214 : vector<16xi32>
      %parallel_loop3A_232 = vector.broadcast %parallel_loop3A_192 : f32 to vector<16xf32>
      %parallel_loop3A_233 = arith.cmpf ogt, %parallel_loop3A_130, %parallel_loop3A_232 : vector<16xf32>
      %parallel_loop3A_234 = arith.addi %parallel_loop3A_231, %parallel_loop3A_195 : vector<16xi32>
      %parallel_loop3A_235 = arith.constant 8 : i32
      %parallel_loop3A_236 = vector.broadcast %parallel_loop3A_235 : i32 to vector<16xi32>
      %parallel_loop3A_237 = arith.cmpi sle, %parallel_loop3A_234, %parallel_loop3A_236 : vector<16xi32>
      %parallel_loop3A_238 = arith.andi %parallel_loop3A_226, %parallel_loop3A_237 : vector<16xi1>
      %parallel_loop3A_239 = arith.ori %parallel_loop3A_233, %parallel_loop3A_238 : vector<16xi1>
      %parallel_loop3A_240 = tpu.all_reduce %parallel_loop3A_226 {dim = 0 : i64, kind = #tpu.reduction_kind<sum>} : vector<16xi1> -> vector<16xi32>
      %parallel_loop3A_241 = arith.addi %parallel_loop3A_214, %parallel_loop3A_240 : vector<16xi32>
      %parallel_loop3A_242 = arith.constant 0.000000e+00 : f32
      %parallel_loop3A_243 = vector.broadcast %parallel_loop3A_242 : f32 to vector<16xf32>
      %parallel_loop3A_244 = arith.select %parallel_loop3A_239, %parallel_loop3A_130, %parallel_loop3A_243 : vector<16xi1>, vector<16xf32>
      %parallel_loop3A_245 = arith.index_cast %parallel_loop3A_124 : i32 to index
      %parallel_loop3A_246 = arith.constant 16 : index
      %parallel_loop3A_247 = tpu.vector_load %arg8[%parallel_loop3A_245, %parallel_loop3A_246] {strides = array<i32>} : memref<128x64xf32, #tpu.memory_space<vmem>>, vector<16xf32>,
      tpu.vector_store %arg8[%parallel_loop3A_245, %parallel_loop3A_246], %parallel_loop3A_244 {strides = array<i32>} : memref<128x64xf32, #tpu.memory_space<vmem>>, vector<16xf32>,
      %parallel_loop3A_248 = arith.extui %parallel_loop3A_239 : vector<16xi1> to vector<16xi32>
      %parallel_loop3A_249 = arith.index_cast %parallel_loop3A_124 : i32 to index
      %parallel_loop3A_250 = arith.constant 16 : index
      %parallel_loop3A_251 = tpu.vector_load %arg10[%parallel_loop3A_249, %parallel_loop3A_250] {strides = array<i32>} : memref<128x64xi32, #tpu.memory_space<vmem>>, vector<16xi32>,
      tpu.vector_store %arg10[%parallel_loop3A_249, %parallel_loop3A_250], %parallel_loop3A_248 {strides = array<i32>} : memref<128x64xi32, #tpu.memory_space<vmem>>, vector<16xi32>,
      %parallel_loop3A_252 = vector.broadcast %parallel_loop3A_192 : f32 to vector<16xf32>
      %parallel_loop3A_253 = arith.cmpf oeq, %parallel_loop3A_133, %parallel_loop3A_252 : vector<16xf32>
      %parallel_loop3A_254 = arith.extui %parallel_loop3A_253 : vector<16xi1> to vector<16xi32>
      %parallel_loop3A_255 = arith.constant true
      %parallel_loop3A_256 = vector.broadcast %parallel_loop3A_255 : i1 to vector<16xi1>
      %parallel_loop3A_257 = tpu.scan <sum>, %parallel_loop3A_254 masked %parallel_loop3A_256 : vector<16xi32>, vector<16xi1> -> vector<16xi32>
      %parallel_loop3A_258 = arith.addi %parallel_loop3A_257, %parallel_loop3A_241 : vector<16xi32>
      %parallel_loop3A_259 = vector.broadcast %parallel_loop3A_192 : f32 to vector<16xf32>
      %parallel_loop3A_260 = arith.cmpf ogt, %parallel_loop3A_133, %parallel_loop3A_259 : vector<16xf32>
      %parallel_loop3A_261 = arith.addi %parallel_loop3A_258, %parallel_loop3A_195 : vector<16xi32>
      %parallel_loop3A_262 = arith.constant 8 : i32
      %parallel_loop3A_263 = vector.broadcast %parallel_loop3A_262 : i32 to vector<16xi32>
      %parallel_loop3A_264 = arith.cmpi sle, %parallel_loop3A_261, %parallel_loop3A_263 : vector<16xi32>
      %parallel_loop3A_265 = arith.andi %parallel_loop3A_253, %parallel_loop3A_264 : vector<16xi1>
      %parallel_loop3A_266 = arith.ori %parallel_loop3A_260, %parallel_loop3A_265 : vector<16xi1>
      %parallel_loop3A_267 = tpu.all_reduce %parallel_loop3A_253 {dim = 0 : i64, kind = #tpu.reduction_kind<sum>} : vector<16xi1> -> vector<16xi32>
      %parallel_loop3A_268 = arith.addi %parallel_loop3A_241, %parallel_loop3A_267 : vector<16xi32>
      %parallel_loop3A_269 = arith.constant 0.000000e+00 : f32
      %parallel_loop3A_270 = vector.broadcast %parallel_loop3A_269 : f32 to vector<16xf32>
      %parallel_loop3A_271 = arith.select %parallel_loop3A_266, %parallel_loop3A_133, %parallel_loop3A_270 : vector<16xi1>, vector<16xf32>
      %parallel_loop3A_272 = arith.index_cast %parallel_loop3A_124 : i32 to index
      %parallel_loop3A_273 = arith.constant 32 : index
      %parallel_loop3A_274 = tpu.vector_load %arg8[%parallel_loop3A_272, %parallel_loop3A_273] {strides = array<i32>} : memref<128x64xf32, #tpu.memory_space<vmem>>, vector<16xf32>,
      tpu.vector_store %arg8[%parallel_loop3A_272, %parallel_loop3A_273], %parallel_loop3A_271 {strides = array<i32>} : memref<128x64xf32, #tpu.memory_space<vmem>>, vector<16xf32>,
      %parallel_loop3A_275 = arith.extui %parallel_loop3A_266 : vector<16xi1> to vector<16xi32>
      %parallel_loop3A_276 = arith.index_cast %parallel_loop3A_124 : i32 to index
      %parallel_loop3A_277 = arith.constant 32 : index
      %parallel_loop3A_278 = tpu.vector_load %arg10[%parallel_loop3A_276, %parallel_loop3A_277] {strides = array<i32>} : memref<128x64xi32, #tpu.memory_space<vmem>>, vector<16xi32>,
      tpu.vector_store %arg10[%parallel_loop3A_276, %parallel_loop3A_277], %parallel_loop3A_275 {strides = array<i32>} : memref<128x64xi32, #tpu.memory_space<vmem>>, vector<16xi32>,
      %parallel_loop3A_279 = vector.broadcast %parallel_loop3A_192 : f32 to vector<16xf32>
      %parallel_loop3A_280 = arith.cmpf oeq, %parallel_loop3A_136, %parallel_loop3A_279 : vector<16xf32>
      %parallel_loop3A_281 = arith.extui %parallel_loop3A_280 : vector<16xi1> to vector<16xi32>
      %parallel_loop3A_282 = arith.constant true
      %parallel_loop3A_283 = vector.broadcast %parallel_loop3A_282 : i1 to vector<16xi1>
      %parallel_loop3A_284 = tpu.scan <sum>, %parallel_loop3A_281 masked %parallel_loop3A_283 : vector<16xi32>, vector<16xi1> -> vector<16xi32>
      %parallel_loop3A_285 = arith.addi %parallel_loop3A_284, %parallel_loop3A_268 : vector<16xi32>
      %parallel_loop3A_286 = vector.broadcast %parallel_loop3A_192 : f32 to vector<16xf32>
      %parallel_loop3A_287 = arith.cmpf ogt, %parallel_loop3A_136, %parallel_loop3A_286 : vector<16xf32>
      %parallel_loop3A_288 = arith.addi %parallel_loop3A_285, %parallel_loop3A_195 : vector<16xi32>
      %parallel_loop3A_289 = arith.constant 8 : i32
      %parallel_loop3A_290 = vector.broadcast %parallel_loop3A_289 : i32 to vector<16xi32>
      %parallel_loop3A_291 = arith.cmpi sle, %parallel_loop3A_288, %parallel_loop3A_290 : vector<16xi32>
      %parallel_loop3A_292 = arith.andi %parallel_loop3A_280, %parallel_loop3A_291 : vector<16xi1>
      %parallel_loop3A_293 = arith.ori %parallel_loop3A_287, %parallel_loop3A_292 : vector<16xi1>
      %parallel_loop3A_294 = tpu.all_reduce %parallel_loop3A_280 {dim = 0 : i64, kind = #tpu.reduction_kind<sum>} : vector<16xi1> -> vector<16xi32>
      %parallel_loop3A_295 = arith.addi %parallel_loop3A_268, %parallel_loop3A_294 : vector<16xi32>
      %parallel_loop3A_296 = arith.constant 0.000000e+00 : f32
      %parallel_loop3A_297 = vector.broadcast %parallel_loop3A_296 : f32 to vector<16xf32>
      %parallel_loop3A_298 = arith.select %parallel_loop3A_293, %parallel_loop3A_136, %parallel_loop3A_297 : vector<16xi1>, vector<16xf32>
      %parallel_loop3A_299 = arith.index_cast %parallel_loop3A_124 : i32 to index
      %parallel_loop3A_300 = arith.constant 48 : index
      %parallel_loop3A_301 = tpu.vector_load %arg8[%parallel_loop3A_299, %parallel_loop3A_300] {strides = array<i32>} : memref<128x64xf32, #tpu.memory_space<vmem>>, vector<16xf32>,
      tpu.vector_store %arg8[%parallel_loop3A_299, %parallel_loop3A_300], %parallel_loop3A_298 {strides = array<i32>} : memref<128x64xf32, #tpu.memory_space<vmem>>, vector<16xf32>,
      %parallel_loop3A_302 = arith.extui %parallel_loop3A_293 : vector<16xi1> to vector<16xi32>
      %parallel_loop3A_303 = arith.index_cast %parallel_loop3A_124 : i32 to index
      %parallel_loop3A_304 = arith.constant 48 : index
      %parallel_loop3A_305 = tpu.vector_load %arg10[%parallel_loop3A_303, %parallel_loop3A_304] {strides = array<i32>} : memref<128x64xi32, #tpu.memory_space<vmem>>, vector<16xi32>,
      tpu.vector_store %arg10[%parallel_loop3A_303, %parallel_loop3A_304], %parallel_loop3A_302 {strides = array<i32>} : memref<128x64xi32, #tpu.memory_space<vmem>>, vector<16xi32>,
    } {sc.loop_unroll_factor = 2 : i64, sc.parallel_access}
    %add3A_42 = arith.constant 128 : i32
    %add3A_43 = arith.addi %mul3A_2, %add3A_42 : i32
    %dma_start3A_44 = arith.constant 0 : i32
    %dma_start3A_45 = tpu.memref_slice %arg3[%add3A_43, %dma_start3A_44] : memref<16384x64xf32, #tpu.memory_space<hbm>> -> memref<128x64xf32, #tpu.memory_space<hbm>>
    %dma_start3A_46 = arith.constant 0 : i32
    %dma_start3A_47 = tpu.memref_slice %arg3[%add3A_43, %dma_start3A_46] : memref<16384x64xf32, #tpu.memory_space<hbm>> -> memref<128x64xf32, #tpu.memory_space<hbm>>
    tpu.enqueue_dma source(%arg8 : memref<128x64xf32, #tpu.memory_space<vmem>>) target(%dma_start3A_47 : memref<128x64xf32, #tpu.memory_space<hbm>>) target_semaphore(%arg14 : memref<!tpu.dma_semaphore, #tpu.memory_space<semaphore_mem>>)
    %dma_start3A_48 = arith.constant 0 : i32
    %dma_start3A_49 = tpu.memref_slice %arg4[%add3A_43, %dma_start3A_48] : memref<16384x64xi32, #tpu.memory_space<hbm>> -> memref<128x64xi32, #tpu.memory_space<hbm>>
    %dma_start3A_50 = arith.constant 0 : i32
    %dma_start3A_51 = tpu.memref_slice %arg4[%add3A_43, %dma_start3A_50] : memref<16384x64xi32, #tpu.memory_space<hbm>> -> memref<128x64xi32, #tpu.memory_space<hbm>>
    tpu.enqueue_dma source(%arg10 : memref<128x64xi32, #tpu.memory_space<vmem>>) target(%dma_start3A_51 : memref<128x64xi32, #tpu.memory_space<hbm>>) target_semaphore(%arg16 : memref<!tpu.dma_semaphore, #tpu.memory_space<semaphore_mem>>)
    %add3A_52 = arith.constant 384 : i32
    %add3A_53 = arith.addi %mul3A_2, %add3A_52 : i32
    %dma_start3A_54 = arith.constant 0 : i32
    %dma_start3A_55 = tpu.memref_slice %arg2[%add3A_53, %dma_start3A_54] : memref<16384x64xf32, #tpu.memory_space<hbm>> -> memref<128x64xf32, #tpu.memory_space<hbm>>
    %dma_start3A_56 = arith.constant 0 : i32
    %dma_start3A_57 = tpu.memref_slice %arg2[%add3A_53, %dma_start3A_56] : memref<16384x64xf32, #tpu.memory_space<hbm>> -> memref<128x64xf32, #tpu.memory_space<hbm>>
    tpu.enqueue_dma source(%dma_start3A_57 : memref<128x64xf32, #tpu.memory_space<hbm>>) target(%arg6 : memref<128x64xf32, #tpu.memory_space<vmem>>) target_semaphore(%arg12 : memref<!tpu.dma_semaphore, #tpu.memory_space<semaphore_mem>>)
    %dma_wait3A_58 = arith.constant 0 : i32
    %dma_wait3A_59 = tpu.memref_slice %arg2[%add3A_30, %dma_wait3A_58] : memref<16384x64xf32, #tpu.memory_space<hbm>> -> memref<128x64xf32, #tpu.memory_space<hbm>>
    %dma_wait3A_60 = arith.constant 0 : i32
    %dma_wait3A_61 = tpu.memref_slice %arg2[%add3A_30, %dma_wait3A_60] : memref<16384x64xf32, #tpu.memory_space<hbm>> -> memref<128x64xf32, #tpu.memory_space<hbm>>
    tpu.wait_dma2 semaphore(%arg11 : memref<!tpu.dma_semaphore, #tpu.memory_space<semaphore_mem>>) src(%dma_wait3A_61 : memref<128x64xf32, #tpu.memory_space<hbm>>) dst(%arg5 : memref<128x64xf32, #tpu.memory_space<vmem>>)
    %dma_wait3A_62 = arith.constant 0 : i32
    %dma_wait3A_63 = tpu.memref_slice %arg3[%add3A_20, %dma_wait3A_62] : memref<16384x64xf32, #tpu.memory_space<hbm>> -> memref<128x64xf32, #tpu.memory_space<hbm>>
    %dma_wait3A_64 = arith.constant 0 : i32
    %dma_wait3A_65 = tpu.memref_slice %arg3[%add3A_20, %dma_wait3A_64] : memref<16384x64xf32, #tpu.memory_space<hbm>> -> memref<128x64xf32, #tpu.memory_space<hbm>>
    tpu.wait_dma2 semaphore(%arg13 : memref<!tpu.dma_semaphore, #tpu.memory_space<semaphore_mem>>) src(%arg7 : memref<128x64xf32, #tpu.memory_space<vmem>>) dst(%dma_wait3A_65 : memref<128x64xf32, #tpu.memory_space<hbm>>)
    %dma_wait3A_66 = arith.constant 0 : i32
    %dma_wait3A_67 = tpu.memref_slice %arg4[%add3A_20, %dma_wait3A_66] : memref<16384x64xi32, #tpu.memory_space<hbm>> -> memref<128x64xi32, #tpu.memory_space<hbm>>
    %dma_wait3A_68 = arith.constant 0 : i32
    %dma_wait3A_69 = tpu.memref_slice %arg4[%add3A_20, %dma_wait3A_68] : memref<16384x64xi32, #tpu.memory_space<hbm>> -> memref<128x64xi32, #tpu.memory_space<hbm>>
    tpu.wait_dma2 semaphore(%arg15 : memref<!tpu.dma_semaphore, #tpu.memory_space<semaphore_mem>>) src(%arg9 : memref<128x64xi32, #tpu.memory_space<vmem>>) dst(%dma_wait3A_69 : memref<128x64xi32, #tpu.memory_space<hbm>>)
    %parallel_loop3A_70 = arith.constant 0 : i32
    %parallel_loop3A_71 = arith.constant 128 : i32
    %parallel_loop3A_72 = arith.constant 1 : i32
    scf.for %parallel_loop3A_124 = %parallel_loop3A_70 to %parallel_loop3A_71 step %parallel_loop3A_72  : i32 {
      %parallel_loop3A_125 = arith.index_cast %parallel_loop3A_124 : i32 to index
      %parallel_loop3A_126 = arith.constant 0 : index
      %parallel_loop3A_127 = tpu.vector_load %arg5[%parallel_loop3A_125, %parallel_loop3A_126] {strides = array<i32>} : memref<128x64xf32, #tpu.memory_space<vmem>>, vector<16xf32>,
      %parallel_loop3A_128 = arith.index_cast %parallel_loop3A_124 : i32 to index
      %parallel_loop3A_129 = arith.constant 16 : index
      %parallel_loop3A_130 = tpu.vector_load %arg5[%parallel_loop3A_128, %parallel_loop3A_129] {strides = array<i32>} : memref<128x64xf32, #tpu.memory_space<vmem>>, vector<16xf32>,
      %parallel_loop3A_131 = arith.index_cast %parallel_loop3A_124 : i32 to index
      %parallel_loop3A_132 = arith.constant 32 : index
      %parallel_loop3A_133 = tpu.vector_load %arg5[%parallel_loop3A_131, %parallel_loop3A_132] {strides = array<i32>} : memref<128x64xf32, #tpu.memory_space<vmem>>, vector<16xf32>,
      %parallel_loop3A_134 = arith.index_cast %parallel_loop3A_124 : i32 to index
      %parallel_loop3A_135 = arith.constant 48 : index
      %parallel_loop3A_136 = tpu.vector_load %arg5[%parallel_loop3A_134, %parallel_loop3A_135] {strides = array<i32>} : memref<128x64xf32, #tpu.memory_space<vmem>>, vector<16xf32>,
      %parallel_loop3A_137 = arith.constant dense<true> : vector<16xi1>
      %parallel_loop3A_138, %parallel_loop3A_139, %parallel_loop3A_140 = tpu.sort %parallel_loop3A_127, %iota3A masked %parallel_loop3A_137 {descending = true} : (vector<16xf32>, vector<16xi32>, vector<16xi1>) -> (vector<16xi1>, vector<16xf32>, vector<16xi32>)
      %parallel_loop3A_141 = arith.constant dense<true> : vector<16xi1>
      %parallel_loop3A_142, %parallel_loop3A_143, %parallel_loop3A_144 = tpu.sort %parallel_loop3A_130, %iota3A masked %parallel_loop3A_141 {descending = true} : (vector<16xf32>, vector<16xi32>, vector<16xi1>) -> (vector<16xi1>, vector<16xf32>, vector<16xi32>)
      %parallel_loop3A_145 = arith.constant dense<true> : vector<16xi1>
      %parallel_loop3A_146, %parallel_loop3A_147, %parallel_loop3A_148 = tpu.sort %parallel_loop3A_133, %iota3A masked %parallel_loop3A_145 {descending = true} : (vector<16xf32>, vector<16xi32>, vector<16xi1>) -> (vector<16xi1>, vector<16xf32>, vector<16xi32>)
      %parallel_loop3A_149 = arith.constant dense<true> : vector<16xi1>
      %parallel_loop3A_150, %parallel_loop3A_151, %parallel_loop3A_152 = tpu.sort %parallel_loop3A_136, %iota3A masked %parallel_loop3A_149 {descending = true} : (vector<16xf32>, vector<16xi32>, vector<16xi1>) -> (vector<16xi1>, vector<16xf32>, vector<16xi32>)
      %parallel_loop3A_153 = arith.constant 15 : i32
      %parallel_loop3A_154 = vector.broadcast %parallel_loop3A_153 : i32 to vector<16xi32>
      %parallel_loop3A_155 = tpu.iota {dimensions = array<i32: 0>} : vector<16xi32>
      %parallel_loop3A_156 = arith.subi %parallel_loop3A_154, %parallel_loop3A_155 : vector<16xi32>
      %parallel_loop3A_157 = tpu.dynamic_gather %parallel_loop3A_143[%parallel_loop3A_156] in [0] : vector<16xf32>, vector<16xi32> -> vector<16xf32>
      %parallel_loop3A_158 = arith.maximumf %parallel_loop3A_139, %parallel_loop3A_157 : vector<16xf32>
      %parallel_loop3A_159 = arith.constant dense<true> : vector<16xi1>
      %parallel_loop3A_160, %parallel_loop3A_161, %parallel_loop3A_162 = tpu.sort %parallel_loop3A_158, %iota3A masked %parallel_loop3A_159 {descending = true} : (vector<16xf32>, vector<16xi32>, vector<16xi1>) -> (vector<16xi1>, vector<16xf32>, vector<16xi32>)
      %parallel_loop3A_163 = arith.constant 15 : i32
      %parallel_loop3A_164 = vector.broadcast %parallel_loop3A_163 : i32 to vector<16xi32>
      %parallel_loop3A_165 = tpu.iota {dimensions = array<i32: 0>} : vector<16xi32>
      %parallel_loop3A_166 = arith.subi %parallel_loop3A_164, %parallel_loop3A_165 : vector<16xi32>
      %parallel_loop3A_167 = tpu.dynamic_gather %parallel_loop3A_151[%parallel_loop3A_166] in [0] : vector<16xf32>, vector<16xi32> -> vector<16xf32>
      %parallel_loop3A_168 = arith.maximumf %parallel_loop3A_147, %parallel_loop3A_167 : vector<16xf32>
      %parallel_loop3A_169 = arith.constant dense<true> : vector<16xi1>
      %parallel_loop3A_170, %parallel_loop3A_171, %parallel_loop3A_172 = tpu.sort %parallel_loop3A_168, %iota3A masked %parallel_loop3A_169 {descending = true} : (vector<16xf32>, vector<16xi32>, vector<16xi1>) -> (vector<16xi1>, vector<16xf32>, vector<16xi32>)
      %parallel_loop3A_173 = arith.constant 15 : i32
      %parallel_loop3A_174 = vector.broadcast %parallel_loop3A_173 : i32 to vector<16xi32>
      %parallel_loop3A_175 = tpu.iota {dimensions = array<i32: 0>} : vector<16xi32>
      %parallel_loop3A_176 = arith.subi %parallel_loop3A_174, %parallel_loop3A_175 : vector<16xi32>
      %parallel_loop3A_177 = tpu.dynamic_gather %parallel_loop3A_171[%parallel_loop3A_176] in [0] : vector<16xf32>, vector<16xi32> -> vector<16xf32>
      %parallel_loop3A_178 = arith.maximumf %parallel_loop3A_161, %parallel_loop3A_177 : vector<16xf32>
      %parallel_loop3A_179 = arith.constant dense<true> : vector<16xi1>
      %parallel_loop3A_180, %parallel_loop3A_181, %parallel_loop3A_182 = tpu.sort %parallel_loop3A_178, %iota3A masked %parallel_loop3A_179 {descending = true} : (vector<16xf32>, vector<16xi32>, vector<16xi1>) -> (vector<16xi1>, vector<16xf32>, vector<16xi32>)
      %parallel_loop3A_183 = arith.constant 7 : i32
      %parallel_loop3A_184 = vector.broadcast %parallel_loop3A_183 : i32 to vector<16xi32>
      %parallel_loop3A_185 = arith.cmpi eq, %iota3A, %parallel_loop3A_184 : vector<16xi32>
      %parallel_loop3A_186 = arith.constant -1.000000e+00 : f32
      %parallel_loop3A_187 = vector.broadcast %parallel_loop3A_186 : f32 to vector<16xf32>
      %parallel_loop3A_188 = arith.select %parallel_loop3A_185, %parallel_loop3A_181, %parallel_loop3A_187 : vector<16xi1>, vector<16xf32>
      %parallel_loop3A_189 = arith.constant true
      %parallel_loop3A_190 = vector.broadcast %parallel_loop3A_189 : i1 to vector<16xi1>
      %parallel_loop3A_191 = tpu.scan <max>, %parallel_loop3A_188 masked %parallel_loop3A_190 : vector<16xf32>, vector<16xi1> -> vector<16xf32>
      %parallel_loop3A_192 = vector.extract %parallel_loop3A_191[15] : f32 from vector<16xf32>
      %parallel_loop3A_193 = vector.broadcast %parallel_loop3A_192 : f32 to vector<16xf32>
      %parallel_loop3A_194 = arith.cmpf ogt, %parallel_loop3A_181, %parallel_loop3A_193 : vector<16xf32>
      %parallel_loop3A_195 = tpu.all_reduce %parallel_loop3A_194 {dim = 0 : i64, kind = #tpu.reduction_kind<sum>} : vector<16xi1> -> vector<16xi32>
      %parallel_loop3A_196 = arith.constant 0 : i32
      %parallel_loop3A_197 = vector.broadcast %parallel_loop3A_196 : i32 to vector<16xi32>
      %parallel_loop3A_198 = vector.broadcast %parallel_loop3A_192 : f32 to vector<16xf32>
      %parallel_loop3A_199 = arith.cmpf oeq, %parallel_loop3A_127, %parallel_loop3A_198 : vector<16xf32>
      %parallel_loop3A_200 = arith.extui %parallel_loop3A_199 : vector<16xi1> to vector<16xi32>
      %parallel_loop3A_201 = arith.constant true
      %parallel_loop3A_202 = vector.broadcast %parallel_loop3A_201 : i1 to vector<16xi1>
      %parallel_loop3A_203 = tpu.scan <sum>, %parallel_loop3A_200 masked %parallel_loop3A_202 : vector<16xi32>, vector<16xi1> -> vector<16xi32>
      %parallel_loop3A_204 = arith.addi %parallel_loop3A_203, %parallel_loop3A_197 : vector<16xi32>
      %parallel_loop3A_205 = vector.broadcast %parallel_loop3A_192 : f32 to vector<16xf32>
      %parallel_loop3A_206 = arith.cmpf ogt, %parallel_loop3A_127, %parallel_loop3A_205 : vector<16xf32>
      %parallel_loop3A_207 = arith.addi %parallel_loop3A_204, %parallel_loop3A_195 : vector<16xi32>
      %parallel_loop3A_208 = arith.constant 8 : i32
      %parallel_loop3A_209 = vector.broadcast %parallel_loop3A_208 : i32 to vector<16xi32>
      %parallel_loop3A_210 = arith.cmpi sle, %parallel_loop3A_207, %parallel_loop3A_209 : vector<16xi32>
      %parallel_loop3A_211 = arith.andi %parallel_loop3A_199, %parallel_loop3A_210 : vector<16xi1>
      %parallel_loop3A_212 = arith.ori %parallel_loop3A_206, %parallel_loop3A_211 : vector<16xi1>
      %parallel_loop3A_213 = tpu.all_reduce %parallel_loop3A_199 {dim = 0 : i64, kind = #tpu.reduction_kind<sum>} : vector<16xi1> -> vector<16xi32>
      %parallel_loop3A_214 = arith.addi %parallel_loop3A_197, %parallel_loop3A_213 : vector<16xi32>
      %parallel_loop3A_215 = arith.constant 0.000000e+00 : f32
      %parallel_loop3A_216 = vector.broadcast %parallel_loop3A_215 : f32 to vector<16xf32>
      %parallel_loop3A_217 = arith.select %parallel_loop3A_212, %parallel_loop3A_127, %parallel_loop3A_216 : vector<16xi1>, vector<16xf32>
      %parallel_loop3A_218 = arith.index_cast %parallel_loop3A_124 : i32 to index
      %parallel_loop3A_219 = arith.constant 0 : index
      %parallel_loop3A_220 = tpu.vector_load %arg7[%parallel_loop3A_218, %parallel_loop3A_219] {strides = array<i32>} : memref<128x64xf32, #tpu.memory_space<vmem>>, vector<16xf32>,
      tpu.vector_store %arg7[%parallel_loop3A_218, %parallel_loop3A_219], %parallel_loop3A_217 {strides = array<i32>} : memref<128x64xf32, #tpu.memory_space<vmem>>, vector<16xf32>,
      %parallel_loop3A_221 = arith.extui %parallel_loop3A_212 : vector<16xi1> to vector<16xi32>
      %parallel_loop3A_222 = arith.index_cast %parallel_loop3A_124 : i32 to index
      %parallel_loop3A_223 = arith.constant 0 : index
      %parallel_loop3A_224 = tpu.vector_load %arg9[%parallel_loop3A_222, %parallel_loop3A_223] {strides = array<i32>} : memref<128x64xi32, #tpu.memory_space<vmem>>, vector<16xi32>,
      tpu.vector_store %arg9[%parallel_loop3A_222, %parallel_loop3A_223], %parallel_loop3A_221 {strides = array<i32>} : memref<128x64xi32, #tpu.memory_space<vmem>>, vector<16xi32>,
      %parallel_loop3A_225 = vector.broadcast %parallel_loop3A_192 : f32 to vector<16xf32>
      %parallel_loop3A_226 = arith.cmpf oeq, %parallel_loop3A_130, %parallel_loop3A_225 : vector<16xf32>
      %parallel_loop3A_227 = arith.extui %parallel_loop3A_226 : vector<16xi1> to vector<16xi32>
      %parallel_loop3A_228 = arith.constant true
      %parallel_loop3A_229 = vector.broadcast %parallel_loop3A_228 : i1 to vector<16xi1>
      %parallel_loop3A_230 = tpu.scan <sum>, %parallel_loop3A_227 masked %parallel_loop3A_229 : vector<16xi32>, vector<16xi1> -> vector<16xi32>
      %parallel_loop3A_231 = arith.addi %parallel_loop3A_230, %parallel_loop3A_214 : vector<16xi32>
      %parallel_loop3A_232 = vector.broadcast %parallel_loop3A_192 : f32 to vector<16xf32>
      %parallel_loop3A_233 = arith.cmpf ogt, %parallel_loop3A_130, %parallel_loop3A_232 : vector<16xf32>
      %parallel_loop3A_234 = arith.addi %parallel_loop3A_231, %parallel_loop3A_195 : vector<16xi32>
      %parallel_loop3A_235 = arith.constant 8 : i32
      %parallel_loop3A_236 = vector.broadcast %parallel_loop3A_235 : i32 to vector<16xi32>
      %parallel_loop3A_237 = arith.cmpi sle, %parallel_loop3A_234, %parallel_loop3A_236 : vector<16xi32>
      %parallel_loop3A_238 = arith.andi %parallel_loop3A_226, %parallel_loop3A_237 : vector<16xi1>
      %parallel_loop3A_239 = arith.ori %parallel_loop3A_233, %parallel_loop3A_238 : vector<16xi1>
      %parallel_loop3A_240 = tpu.all_reduce %parallel_loop3A_226 {dim = 0 : i64, kind = #tpu.reduction_kind<sum>} : vector<16xi1> -> vector<16xi32>
      %parallel_loop3A_241 = arith.addi %parallel_loop3A_214, %parallel_loop3A_240 : vector<16xi32>
      %parallel_loop3A_242 = arith.constant 0.000000e+00 : f32
      %parallel_loop3A_243 = vector.broadcast %parallel_loop3A_242 : f32 to vector<16xf32>
      %parallel_loop3A_244 = arith.select %parallel_loop3A_239, %parallel_loop3A_130, %parallel_loop3A_243 : vector<16xi1>, vector<16xf32>
      %parallel_loop3A_245 = arith.index_cast %parallel_loop3A_124 : i32 to index
      %parallel_loop3A_246 = arith.constant 16 : index
      %parallel_loop3A_247 = tpu.vector_load %arg7[%parallel_loop3A_245, %parallel_loop3A_246] {strides = array<i32>} : memref<128x64xf32, #tpu.memory_space<vmem>>, vector<16xf32>,
      tpu.vector_store %arg7[%parallel_loop3A_245, %parallel_loop3A_246], %parallel_loop3A_244 {strides = array<i32>} : memref<128x64xf32, #tpu.memory_space<vmem>>, vector<16xf32>,
      %parallel_loop3A_248 = arith.extui %parallel_loop3A_239 : vector<16xi1> to vector<16xi32>
      %parallel_loop3A_249 = arith.index_cast %parallel_loop3A_124 : i32 to index
      %parallel_loop3A_250 = arith.constant 16 : index
      %parallel_loop3A_251 = tpu.vector_load %arg9[%parallel_loop3A_249, %parallel_loop3A_250] {strides = array<i32>} : memref<128x64xi32, #tpu.memory_space<vmem>>, vector<16xi32>,
      tpu.vector_store %arg9[%parallel_loop3A_249, %parallel_loop3A_250], %parallel_loop3A_248 {strides = array<i32>} : memref<128x64xi32, #tpu.memory_space<vmem>>, vector<16xi32>,
      %parallel_loop3A_252 = vector.broadcast %parallel_loop3A_192 : f32 to vector<16xf32>
      %parallel_loop3A_253 = arith.cmpf oeq, %parallel_loop3A_133, %parallel_loop3A_252 : vector<16xf32>
      %parallel_loop3A_254 = arith.extui %parallel_loop3A_253 : vector<16xi1> to vector<16xi32>
      %parallel_loop3A_255 = arith.constant true
      %parallel_loop3A_256 = vector.broadcast %parallel_loop3A_255 : i1 to vector<16xi1>
      %parallel_loop3A_257 = tpu.scan <sum>, %parallel_loop3A_254 masked %parallel_loop3A_256 : vector<16xi32>, vector<16xi1> -> vector<16xi32>
      %parallel_loop3A_258 = arith.addi %parallel_loop3A_257, %parallel_loop3A_241 : vector<16xi32>
      %parallel_loop3A_259 = vector.broadcast %parallel_loop3A_192 : f32 to vector<16xf32>
      %parallel_loop3A_260 = arith.cmpf ogt, %parallel_loop3A_133, %parallel_loop3A_259 : vector<16xf32>
      %parallel_loop3A_261 = arith.addi %parallel_loop3A_258, %parallel_loop3A_195 : vector<16xi32>
      %parallel_loop3A_262 = arith.constant 8 : i32
      %parallel_loop3A_263 = vector.broadcast %parallel_loop3A_262 : i32 to vector<16xi32>
      %parallel_loop3A_264 = arith.cmpi sle, %parallel_loop3A_261, %parallel_loop3A_263 : vector<16xi32>
      %parallel_loop3A_265 = arith.andi %parallel_loop3A_253, %parallel_loop3A_264 : vector<16xi1>
      %parallel_loop3A_266 = arith.ori %parallel_loop3A_260, %parallel_loop3A_265 : vector<16xi1>
      %parallel_loop3A_267 = tpu.all_reduce %parallel_loop3A_253 {dim = 0 : i64, kind = #tpu.reduction_kind<sum>} : vector<16xi1> -> vector<16xi32>
      %parallel_loop3A_268 = arith.addi %parallel_loop3A_241, %parallel_loop3A_267 : vector<16xi32>
      %parallel_loop3A_269 = arith.constant 0.000000e+00 : f32
      %parallel_loop3A_270 = vector.broadcast %parallel_loop3A_269 : f32 to vector<16xf32>
      %parallel_loop3A_271 = arith.select %parallel_loop3A_266, %parallel_loop3A_133, %parallel_loop3A_270 : vector<16xi1>, vector<16xf32>
      %parallel_loop3A_272 = arith.index_cast %parallel_loop3A_124 : i32 to index
      %parallel_loop3A_273 = arith.constant 32 : index
      %parallel_loop3A_274 = tpu.vector_load %arg7[%parallel_loop3A_272, %parallel_loop3A_273] {strides = array<i32>} : memref<128x64xf32, #tpu.memory_space<vmem>>, vector<16xf32>,
      tpu.vector_store %arg7[%parallel_loop3A_272, %parallel_loop3A_273], %parallel_loop3A_271 {strides = array<i32>} : memref<128x64xf32, #tpu.memory_space<vmem>>, vector<16xf32>,
      %parallel_loop3A_275 = arith.extui %parallel_loop3A_266 : vector<16xi1> to vector<16xi32>
      %parallel_loop3A_276 = arith.index_cast %parallel_loop3A_124 : i32 to index
      %parallel_loop3A_277 = arith.constant 32 : index
      %parallel_loop3A_278 = tpu.vector_load %arg9[%parallel_loop3A_276, %parallel_loop3A_277] {strides = array<i32>} : memref<128x64xi32, #tpu.memory_space<vmem>>, vector<16xi32>,
      tpu.vector_store %arg9[%parallel_loop3A_276, %parallel_loop3A_277], %parallel_loop3A_275 {strides = array<i32>} : memref<128x64xi32, #tpu.memory_space<vmem>>, vector<16xi32>,
      %parallel_loop3A_279 = vector.broadcast %parallel_loop3A_192 : f32 to vector<16xf32>
      %parallel_loop3A_280 = arith.cmpf oeq, %parallel_loop3A_136, %parallel_loop3A_279 : vector<16xf32>
      %parallel_loop3A_281 = arith.extui %parallel_loop3A_280 : vector<16xi1> to vector<16xi32>
      %parallel_loop3A_282 = arith.constant true
      %parallel_loop3A_283 = vector.broadcast %parallel_loop3A_282 : i1 to vector<16xi1>
      %parallel_loop3A_284 = tpu.scan <sum>, %parallel_loop3A_281 masked %parallel_loop3A_283 : vector<16xi32>, vector<16xi1> -> vector<16xi32>
      %parallel_loop3A_285 = arith.addi %parallel_loop3A_284, %parallel_loop3A_268 : vector<16xi32>
      %parallel_loop3A_286 = vector.broadcast %parallel_loop3A_192 : f32 to vector<16xf32>
      %parallel_loop3A_287 = arith.cmpf ogt, %parallel_loop3A_136, %parallel_loop3A_286 : vector<16xf32>
      %parallel_loop3A_288 = arith.addi %parallel_loop3A_285, %parallel_loop3A_195 : vector<16xi32>
      %parallel_loop3A_289 = arith.constant 8 : i32
      %parallel_loop3A_290 = vector.broadcast %parallel_loop3A_289 : i32 to vector<16xi32>
      %parallel_loop3A_291 = arith.cmpi sle, %parallel_loop3A_288, %parallel_loop3A_290 : vector<16xi32>
      %parallel_loop3A_292 = arith.andi %parallel_loop3A_280, %parallel_loop3A_291 : vector<16xi1>
      %parallel_loop3A_293 = arith.ori %parallel_loop3A_287, %parallel_loop3A_292 : vector<16xi1>
      %parallel_loop3A_294 = tpu.all_reduce %parallel_loop3A_280 {dim = 0 : i64, kind = #tpu.reduction_kind<sum>} : vector<16xi1> -> vector<16xi32>
      %parallel_loop3A_295 = arith.addi %parallel_loop3A_268, %parallel_loop3A_294 : vector<16xi32>
      %parallel_loop3A_296 = arith.constant 0.000000e+00 : f32
      %parallel_loop3A_297 = vector.broadcast %parallel_loop3A_296 : f32 to vector<16xf32>
      %parallel_loop3A_298 = arith.select %parallel_loop3A_293, %parallel_loop3A_136, %parallel_loop3A_297 : vector<16xi1>, vector<16xf32>
      %parallel_loop3A_299 = arith.index_cast %parallel_loop3A_124 : i32 to index
      %parallel_loop3A_300 = arith.constant 48 : index
      %parallel_loop3A_301 = tpu.vector_load %arg7[%parallel_loop3A_299, %parallel_loop3A_300] {strides = array<i32>} : memref<128x64xf32, #tpu.memory_space<vmem>>, vector<16xf32>,
      tpu.vector_store %arg7[%parallel_loop3A_299, %parallel_loop3A_300], %parallel_loop3A_298 {strides = array<i32>} : memref<128x64xf32, #tpu.memory_space<vmem>>, vector<16xf32>,
      %parallel_loop3A_302 = arith.extui %parallel_loop3A_293 : vector<16xi1> to vector<16xi32>
      %parallel_loop3A_303 = arith.index_cast %parallel_loop3A_124 : i32 to index
      %parallel_loop3A_304 = arith.constant 48 : index
      %parallel_loop3A_305 = tpu.vector_load %arg9[%parallel_loop3A_303, %parallel_loop3A_304] {strides = array<i32>} : memref<128x64xi32, #tpu.memory_space<vmem>>, vector<16xi32>,
      tpu.vector_store %arg9[%parallel_loop3A_303, %parallel_loop3A_304], %parallel_loop3A_302 {strides = array<i32>} : memref<128x64xi32, #tpu.memory_space<vmem>>, vector<16xi32>,
    } {sc.loop_unroll_factor = 2 : i64, sc.parallel_access}
    %add3A_73 = arith.constant 256 : i32
    %add3A_74 = arith.addi %mul3A_2, %add3A_73 : i32
    %dma_start3A_75 = arith.constant 0 : i32
    %dma_start3A_76 = tpu.memref_slice %arg3[%add3A_74, %dma_start3A_75] : memref<16384x64xf32, #tpu.memory_space<hbm>> -> memref<128x64xf32, #tpu.memory_space<hbm>>
    %dma_start3A_77 = arith.constant 0 : i32
    %dma_start3A_78 = tpu.memref_slice %arg3[%add3A_74, %dma_start3A_77] : memref<16384x64xf32, #tpu.memory_space<hbm>> -> memref<128x64xf32, #tpu.memory_space<hbm>>
    tpu.enqueue_dma source(%arg7 : memref<128x64xf32, #tpu.memory_space<vmem>>) target(%dma_start3A_78 : memref<128x64xf32, #tpu.memory_space<hbm>>) target_semaphore(%arg13 : memref<!tpu.dma_semaphore, #tpu.memory_space<semaphore_mem>>)
    %dma_start3A_79 = arith.constant 0 : i32
    %dma_start3A_80 = tpu.memref_slice %arg4[%add3A_74, %dma_start3A_79] : memref<16384x64xi32, #tpu.memory_space<hbm>> -> memref<128x64xi32, #tpu.memory_space<hbm>>
    %dma_start3A_81 = arith.constant 0 : i32
    %dma_start3A_82 = tpu.memref_slice %arg4[%add3A_74, %dma_start3A_81] : memref<16384x64xi32, #tpu.memory_space<hbm>> -> memref<128x64xi32, #tpu.memory_space<hbm>>
    tpu.enqueue_dma source(%arg9 : memref<128x64xi32, #tpu.memory_space<vmem>>) target(%dma_start3A_82 : memref<128x64xi32, #tpu.memory_space<hbm>>) target_semaphore(%arg15 : memref<!tpu.dma_semaphore, #tpu.memory_space<semaphore_mem>>)
    %dma_wait3A_83 = arith.constant 0 : i32
    %dma_wait3A_84 = tpu.memref_slice %arg2[%add3A_53, %dma_wait3A_83] : memref<16384x64xf32, #tpu.memory_space<hbm>> -> memref<128x64xf32, #tpu.memory_space<hbm>>
    %dma_wait3A_85 = arith.constant 0 : i32
    %dma_wait3A_86 = tpu.memref_slice %arg2[%add3A_53, %dma_wait3A_85] : memref<16384x64xf32, #tpu.memory_space<hbm>> -> memref<128x64xf32, #tpu.memory_space<hbm>>
    tpu.wait_dma2 semaphore(%arg12 : memref<!tpu.dma_semaphore, #tpu.memory_space<semaphore_mem>>) src(%dma_wait3A_86 : memref<128x64xf32, #tpu.memory_space<hbm>>) dst(%arg6 : memref<128x64xf32, #tpu.memory_space<vmem>>)
    %dma_wait3A_87 = arith.constant 0 : i32
    %dma_wait3A_88 = tpu.memref_slice %arg3[%add3A_43, %dma_wait3A_87] : memref<16384x64xf32, #tpu.memory_space<hbm>> -> memref<128x64xf32, #tpu.memory_space<hbm>>
    %dma_wait3A_89 = arith.constant 0 : i32
    %dma_wait3A_90 = tpu.memref_slice %arg3[%add3A_43, %dma_wait3A_89] : memref<16384x64xf32, #tpu.memory_space<hbm>> -> memref<128x64xf32, #tpu.memory_space<hbm>>
    tpu.wait_dma2 semaphore(%arg14 : memref<!tpu.dma_semaphore, #tpu.memory_space<semaphore_mem>>) src(%arg8 : memref<128x64xf32, #tpu.memory_space<vmem>>) dst(%dma_wait3A_90 : memref<128x64xf32, #tpu.memory_space<hbm>>)
    %dma_wait3A_91 = arith.constant 0 : i32
    %dma_wait3A_92 = tpu.memref_slice %arg4[%add3A_43, %dma_wait3A_91] : memref<16384x64xi32, #tpu.memory_space<hbm>> -> memref<128x64xi32, #tpu.memory_space<hbm>>
    %dma_wait3A_93 = arith.constant 0 : i32
    %dma_wait3A_94 = tpu.memref_slice %arg4[%add3A_43, %dma_wait3A_93] : memref<16384x64xi32, #tpu.memory_space<hbm>> -> memref<128x64xi32, #tpu.memory_space<hbm>>
    tpu.wait_dma2 semaphore(%arg16 : memref<!tpu.dma_semaphore, #tpu.memory_space<semaphore_mem>>) src(%arg10 : memref<128x64xi32, #tpu.memory_space<vmem>>) dst(%dma_wait3A_94 : memref<128x64xi32, #tpu.memory_space<hbm>>)
    %parallel_loop3A_95 = arith.constant 0 : i32
    %parallel_loop3A_96 = arith.constant 128 : i32
    %parallel_loop3A_97 = arith.constant 1 : i32
    scf.for %parallel_loop3A_124 = %parallel_loop3A_95 to %parallel_loop3A_96 step %parallel_loop3A_97  : i32 {
      %parallel_loop3A_125 = arith.index_cast %parallel_loop3A_124 : i32 to index
      %parallel_loop3A_126 = arith.constant 0 : index
      %parallel_loop3A_127 = tpu.vector_load %arg6[%parallel_loop3A_125, %parallel_loop3A_126] {strides = array<i32>} : memref<128x64xf32, #tpu.memory_space<vmem>>, vector<16xf32>,
      %parallel_loop3A_128 = arith.index_cast %parallel_loop3A_124 : i32 to index
      %parallel_loop3A_129 = arith.constant 16 : index
      %parallel_loop3A_130 = tpu.vector_load %arg6[%parallel_loop3A_128, %parallel_loop3A_129] {strides = array<i32>} : memref<128x64xf32, #tpu.memory_space<vmem>>, vector<16xf32>,
      %parallel_loop3A_131 = arith.index_cast %parallel_loop3A_124 : i32 to index
      %parallel_loop3A_132 = arith.constant 32 : index
      %parallel_loop3A_133 = tpu.vector_load %arg6[%parallel_loop3A_131, %parallel_loop3A_132] {strides = array<i32>} : memref<128x64xf32, #tpu.memory_space<vmem>>, vector<16xf32>,
      %parallel_loop3A_134 = arith.index_cast %parallel_loop3A_124 : i32 to index
      %parallel_loop3A_135 = arith.constant 48 : index
      %parallel_loop3A_136 = tpu.vector_load %arg6[%parallel_loop3A_134, %parallel_loop3A_135] {strides = array<i32>} : memref<128x64xf32, #tpu.memory_space<vmem>>, vector<16xf32>,
      %parallel_loop3A_137 = arith.constant dense<true> : vector<16xi1>
      %parallel_loop3A_138, %parallel_loop3A_139, %parallel_loop3A_140 = tpu.sort %parallel_loop3A_127, %iota3A masked %parallel_loop3A_137 {descending = true} : (vector<16xf32>, vector<16xi32>, vector<16xi1>) -> (vector<16xi1>, vector<16xf32>, vector<16xi32>)
      %parallel_loop3A_141 = arith.constant dense<true> : vector<16xi1>
      %parallel_loop3A_142, %parallel_loop3A_143, %parallel_loop3A_144 = tpu.sort %parallel_loop3A_130, %iota3A masked %parallel_loop3A_141 {descending = true} : (vector<16xf32>, vector<16xi32>, vector<16xi1>) -> (vector<16xi1>, vector<16xf32>, vector<16xi32>)
      %parallel_loop3A_145 = arith.constant dense<true> : vector<16xi1>
      %parallel_loop3A_146, %parallel_loop3A_147, %parallel_loop3A_148 = tpu.sort %parallel_loop3A_133, %iota3A masked %parallel_loop3A_145 {descending = true} : (vector<16xf32>, vector<16xi32>, vector<16xi1>) -> (vector<16xi1>, vector<16xf32>, vector<16xi32>)
      %parallel_loop3A_149 = arith.constant dense<true> : vector<16xi1>
      %parallel_loop3A_150, %parallel_loop3A_151, %parallel_loop3A_152 = tpu.sort %parallel_loop3A_136, %iota3A masked %parallel_loop3A_149 {descending = true} : (vector<16xf32>, vector<16xi32>, vector<16xi1>) -> (vector<16xi1>, vector<16xf32>, vector<16xi32>)
      %parallel_loop3A_153 = arith.constant 15 : i32
      %parallel_loop3A_154 = vector.broadcast %parallel_loop3A_153 : i32 to vector<16xi32>
      %parallel_loop3A_155 = tpu.iota {dimensions = array<i32: 0>} : vector<16xi32>
      %parallel_loop3A_156 = arith.subi %parallel_loop3A_154, %parallel_loop3A_155 : vector<16xi32>
      %parallel_loop3A_157 = tpu.dynamic_gather %parallel_loop3A_143[%parallel_loop3A_156] in [0] : vector<16xf32>, vector<16xi32> -> vector<16xf32>
      %parallel_loop3A_158 = arith.maximumf %parallel_loop3A_139, %parallel_loop3A_157 : vector<16xf32>
      %parallel_loop3A_159 = arith.constant dense<true> : vector<16xi1>
      %parallel_loop3A_160, %parallel_loop3A_161, %parallel_loop3A_162 = tpu.sort %parallel_loop3A_158, %iota3A masked %parallel_loop3A_159 {descending = true} : (vector<16xf32>, vector<16xi32>, vector<16xi1>) -> (vector<16xi1>, vector<16xf32>, vector<16xi32>)
      %parallel_loop3A_163 = arith.constant 15 : i32
      %parallel_loop3A_164 = vector.broadcast %parallel_loop3A_163 : i32 to vector<16xi32>
      %parallel_loop3A_165 = tpu.iota {dimensions = array<i32: 0>} : vector<16xi32>
      %parallel_loop3A_166 = arith.subi %parallel_loop3A_164, %parallel_loop3A_165 : vector<16xi32>
      %parallel_loop3A_167 = tpu.dynamic_gather %parallel_loop3A_151[%parallel_loop3A_166] in [0] : vector<16xf32>, vector<16xi32> -> vector<16xf32>
      %parallel_loop3A_168 = arith.maximumf %parallel_loop3A_147, %parallel_loop3A_167 : vector<16xf32>
      %parallel_loop3A_169 = arith.constant dense<true> : vector<16xi1>
      %parallel_loop3A_170, %parallel_loop3A_171, %parallel_loop3A_172 = tpu.sort %parallel_loop3A_168, %iota3A masked %parallel_loop3A_169 {descending = true} : (vector<16xf32>, vector<16xi32>, vector<16xi1>) -> (vector<16xi1>, vector<16xf32>, vector<16xi32>)
      %parallel_loop3A_173 = arith.constant 15 : i32
      %parallel_loop3A_174 = vector.broadcast %parallel_loop3A_173 : i32 to vector<16xi32>
      %parallel_loop3A_175 = tpu.iota {dimensions = array<i32: 0>} : vector<16xi32>
      %parallel_loop3A_176 = arith.subi %parallel_loop3A_174, %parallel_loop3A_175 : vector<16xi32>
      %parallel_loop3A_177 = tpu.dynamic_gather %parallel_loop3A_171[%parallel_loop3A_176] in [0] : vector<16xf32>, vector<16xi32> -> vector<16xf32>
      %parallel_loop3A_178 = arith.maximumf %parallel_loop3A_161, %parallel_loop3A_177 : vector<16xf32>
      %parallel_loop3A_179 = arith.constant dense<true> : vector<16xi1>
      %parallel_loop3A_180, %parallel_loop3A_181, %parallel_loop3A_182 = tpu.sort %parallel_loop3A_178, %iota3A masked %parallel_loop3A_179 {descending = true} : (vector<16xf32>, vector<16xi32>, vector<16xi1>) -> (vector<16xi1>, vector<16xf32>, vector<16xi32>)
      %parallel_loop3A_183 = arith.constant 7 : i32
      %parallel_loop3A_184 = vector.broadcast %parallel_loop3A_183 : i32 to vector<16xi32>
      %parallel_loop3A_185 = arith.cmpi eq, %iota3A, %parallel_loop3A_184 : vector<16xi32>
      %parallel_loop3A_186 = arith.constant -1.000000e+00 : f32
      %parallel_loop3A_187 = vector.broadcast %parallel_loop3A_186 : f32 to vector<16xf32>
      %parallel_loop3A_188 = arith.select %parallel_loop3A_185, %parallel_loop3A_181, %parallel_loop3A_187 : vector<16xi1>, vector<16xf32>
      %parallel_loop3A_189 = arith.constant true
      %parallel_loop3A_190 = vector.broadcast %parallel_loop3A_189 : i1 to vector<16xi1>
      %parallel_loop3A_191 = tpu.scan <max>, %parallel_loop3A_188 masked %parallel_loop3A_190 : vector<16xf32>, vector<16xi1> -> vector<16xf32>
      %parallel_loop3A_192 = vector.extract %parallel_loop3A_191[15] : f32 from vector<16xf32>
      %parallel_loop3A_193 = vector.broadcast %parallel_loop3A_192 : f32 to vector<16xf32>
      %parallel_loop3A_194 = arith.cmpf ogt, %parallel_loop3A_181, %parallel_loop3A_193 : vector<16xf32>
      %parallel_loop3A_195 = tpu.all_reduce %parallel_loop3A_194 {dim = 0 : i64, kind = #tpu.reduction_kind<sum>} : vector<16xi1> -> vector<16xi32>
      %parallel_loop3A_196 = arith.constant 0 : i32
      %parallel_loop3A_197 = vector.broadcast %parallel_loop3A_196 : i32 to vector<16xi32>
      %parallel_loop3A_198 = vector.broadcast %parallel_loop3A_192 : f32 to vector<16xf32>
      %parallel_loop3A_199 = arith.cmpf oeq, %parallel_loop3A_127, %parallel_loop3A_198 : vector<16xf32>
      %parallel_loop3A_200 = arith.extui %parallel_loop3A_199 : vector<16xi1> to vector<16xi32>
      %parallel_loop3A_201 = arith.constant true
      %parallel_loop3A_202 = vector.broadcast %parallel_loop3A_201 : i1 to vector<16xi1>
      %parallel_loop3A_203 = tpu.scan <sum>, %parallel_loop3A_200 masked %parallel_loop3A_202 : vector<16xi32>, vector<16xi1> -> vector<16xi32>
      %parallel_loop3A_204 = arith.addi %parallel_loop3A_203, %parallel_loop3A_197 : vector<16xi32>
      %parallel_loop3A_205 = vector.broadcast %parallel_loop3A_192 : f32 to vector<16xf32>
      %parallel_loop3A_206 = arith.cmpf ogt, %parallel_loop3A_127, %parallel_loop3A_205 : vector<16xf32>
      %parallel_loop3A_207 = arith.addi %parallel_loop3A_204, %parallel_loop3A_195 : vector<16xi32>
      %parallel_loop3A_208 = arith.constant 8 : i32
      %parallel_loop3A_209 = vector.broadcast %parallel_loop3A_208 : i32 to vector<16xi32>
      %parallel_loop3A_210 = arith.cmpi sle, %parallel_loop3A_207, %parallel_loop3A_209 : vector<16xi32>
      %parallel_loop3A_211 = arith.andi %parallel_loop3A_199, %parallel_loop3A_210 : vector<16xi1>
      %parallel_loop3A_212 = arith.ori %parallel_loop3A_206, %parallel_loop3A_211 : vector<16xi1>
      %parallel_loop3A_213 = tpu.all_reduce %parallel_loop3A_199 {dim = 0 : i64, kind = #tpu.reduction_kind<sum>} : vector<16xi1> -> vector<16xi32>
      %parallel_loop3A_214 = arith.addi %parallel_loop3A_197, %parallel_loop3A_213 : vector<16xi32>
      %parallel_loop3A_215 = arith.constant 0.000000e+00 : f32
      %parallel_loop3A_216 = vector.broadcast %parallel_loop3A_215 : f32 to vector<16xf32>
      %parallel_loop3A_217 = arith.select %parallel_loop3A_212, %parallel_loop3A_127, %parallel_loop3A_216 : vector<16xi1>, vector<16xf32>
      %parallel_loop3A_218 = arith.index_cast %parallel_loop3A_124 : i32 to index
      %parallel_loop3A_219 = arith.constant 0 : index
      %parallel_loop3A_220 = tpu.vector_load %arg8[%parallel_loop3A_218, %parallel_loop3A_219] {strides = array<i32>} : memref<128x64xf32, #tpu.memory_space<vmem>>, vector<16xf32>,
      tpu.vector_store %arg8[%parallel_loop3A_218, %parallel_loop3A_219], %parallel_loop3A_217 {strides = array<i32>} : memref<128x64xf32, #tpu.memory_space<vmem>>, vector<16xf32>,
      %parallel_loop3A_221 = arith.extui %parallel_loop3A_212 : vector<16xi1> to vector<16xi32>
      %parallel_loop3A_222 = arith.index_cast %parallel_loop3A_124 : i32 to index
      %parallel_loop3A_223 = arith.constant 0 : index
      %parallel_loop3A_224 = tpu.vector_load %arg10[%parallel_loop3A_222, %parallel_loop3A_223] {strides = array<i32>} : memref<128x64xi32, #tpu.memory_space<vmem>>, vector<16xi32>,
      tpu.vector_store %arg10[%parallel_loop3A_222, %parallel_loop3A_223], %parallel_loop3A_221 {strides = array<i32>} : memref<128x64xi32, #tpu.memory_space<vmem>>, vector<16xi32>,
      %parallel_loop3A_225 = vector.broadcast %parallel_loop3A_192 : f32 to vector<16xf32>
      %parallel_loop3A_226 = arith.cmpf oeq, %parallel_loop3A_130, %parallel_loop3A_225 : vector<16xf32>
      %parallel_loop3A_227 = arith.extui %parallel_loop3A_226 : vector<16xi1> to vector<16xi32>
      %parallel_loop3A_228 = arith.constant true
      %parallel_loop3A_229 = vector.broadcast %parallel_loop3A_228 : i1 to vector<16xi1>
      %parallel_loop3A_230 = tpu.scan <sum>, %parallel_loop3A_227 masked %parallel_loop3A_229 : vector<16xi32>, vector<16xi1> -> vector<16xi32>
      %parallel_loop3A_231 = arith.addi %parallel_loop3A_230, %parallel_loop3A_214 : vector<16xi32>
      %parallel_loop3A_232 = vector.broadcast %parallel_loop3A_192 : f32 to vector<16xf32>
      %parallel_loop3A_233 = arith.cmpf ogt, %parallel_loop3A_130, %parallel_loop3A_232 : vector<16xf32>
      %parallel_loop3A_234 = arith.addi %parallel_loop3A_231, %parallel_loop3A_195 : vector<16xi32>
      %parallel_loop3A_235 = arith.constant 8 : i32
      %parallel_loop3A_236 = vector.broadcast %parallel_loop3A_235 : i32 to vector<16xi32>
      %parallel_loop3A_237 = arith.cmpi sle, %parallel_loop3A_234, %parallel_loop3A_236 : vector<16xi32>
      %parallel_loop3A_238 = arith.andi %parallel_loop3A_226, %parallel_loop3A_237 : vector<16xi1>
      %parallel_loop3A_239 = arith.ori %parallel_loop3A_233, %parallel_loop3A_238 : vector<16xi1>
      %parallel_loop3A_240 = tpu.all_reduce %parallel_loop3A_226 {dim = 0 : i64, kind = #tpu.reduction_kind<sum>} : vector<16xi1> -> vector<16xi32>
      %parallel_loop3A_241 = arith.addi %parallel_loop3A_214, %parallel_loop3A_240 : vector<16xi32>
      %parallel_loop3A_242 = arith.constant 0.000000e+00 : f32
      %parallel_loop3A_243 = vector.broadcast %parallel_loop3A_242 : f32 to vector<16xf32>
      %parallel_loop3A_244 = arith.select %parallel_loop3A_239, %parallel_loop3A_130, %parallel_loop3A_243 : vector<16xi1>, vector<16xf32>
      %parallel_loop3A_245 = arith.index_cast %parallel_loop3A_124 : i32 to index
      %parallel_loop3A_246 = arith.constant 16 : index
      %parallel_loop3A_247 = tpu.vector_load %arg8[%parallel_loop3A_245, %parallel_loop3A_246] {strides = array<i32>} : memref<128x64xf32, #tpu.memory_space<vmem>>, vector<16xf32>,
      tpu.vector_store %arg8[%parallel_loop3A_245, %parallel_loop3A_246], %parallel_loop3A_244 {strides = array<i32>} : memref<128x64xf32, #tpu.memory_space<vmem>>, vector<16xf32>,
      %parallel_loop3A_248 = arith.extui %parallel_loop3A_239 : vector<16xi1> to vector<16xi32>
      %parallel_loop3A_249 = arith.index_cast %parallel_loop3A_124 : i32 to index
      %parallel_loop3A_250 = arith.constant 16 : index
      %parallel_loop3A_251 = tpu.vector_load %arg10[%parallel_loop3A_249, %parallel_loop3A_250] {strides = array<i32>} : memref<128x64xi32, #tpu.memory_space<vmem>>, vector<16xi32>,
      tpu.vector_store %arg10[%parallel_loop3A_249, %parallel_loop3A_250], %parallel_loop3A_248 {strides = array<i32>} : memref<128x64xi32, #tpu.memory_space<vmem>>, vector<16xi32>,
      %parallel_loop3A_252 = vector.broadcast %parallel_loop3A_192 : f32 to vector<16xf32>
      %parallel_loop3A_253 = arith.cmpf oeq, %parallel_loop3A_133, %parallel_loop3A_252 : vector<16xf32>
      %parallel_loop3A_254 = arith.extui %parallel_loop3A_253 : vector<16xi1> to vector<16xi32>
      %parallel_loop3A_255 = arith.constant true
      %parallel_loop3A_256 = vector.broadcast %parallel_loop3A_255 : i1 to vector<16xi1>
      %parallel_loop3A_257 = tpu.scan <sum>, %parallel_loop3A_254 masked %parallel_loop3A_256 : vector<16xi32>, vector<16xi1> -> vector<16xi32>
      %parallel_loop3A_258 = arith.addi %parallel_loop3A_257, %parallel_loop3A_241 : vector<16xi32>
      %parallel_loop3A_259 = vector.broadcast %parallel_loop3A_192 : f32 to vector<16xf32>
      %parallel_loop3A_260 = arith.cmpf ogt, %parallel_loop3A_133, %parallel_loop3A_259 : vector<16xf32>
      %parallel_loop3A_261 = arith.addi %parallel_loop3A_258, %parallel_loop3A_195 : vector<16xi32>
      %parallel_loop3A_262 = arith.constant 8 : i32
      %parallel_loop3A_263 = vector.broadcast %parallel_loop3A_262 : i32 to vector<16xi32>
      %parallel_loop3A_264 = arith.cmpi sle, %parallel_loop3A_261, %parallel_loop3A_263 : vector<16xi32>
      %parallel_loop3A_265 = arith.andi %parallel_loop3A_253, %parallel_loop3A_264 : vector<16xi1>
      %parallel_loop3A_266 = arith.ori %parallel_loop3A_260, %parallel_loop3A_265 : vector<16xi1>
      %parallel_loop3A_267 = tpu.all_reduce %parallel_loop3A_253 {dim = 0 : i64, kind = #tpu.reduction_kind<sum>} : vector<16xi1> -> vector<16xi32>
      %parallel_loop3A_268 = arith.addi %parallel_loop3A_241, %parallel_loop3A_267 : vector<16xi32>
      %parallel_loop3A_269 = arith.constant 0.000000e+00 : f32
      %parallel_loop3A_270 = vector.broadcast %parallel_loop3A_269 : f32 to vector<16xf32>
      %parallel_loop3A_271 = arith.select %parallel_loop3A_266, %parallel_loop3A_133, %parallel_loop3A_270 : vector<16xi1>, vector<16xf32>
      %parallel_loop3A_272 = arith.index_cast %parallel_loop3A_124 : i32 to index
      %parallel_loop3A_273 = arith.constant 32 : index
      %parallel_loop3A_274 = tpu.vector_load %arg8[%parallel_loop3A_272, %parallel_loop3A_273] {strides = array<i32>} : memref<128x64xf32, #tpu.memory_space<vmem>>, vector<16xf32>,
      tpu.vector_store %arg8[%parallel_loop3A_272, %parallel_loop3A_273], %parallel_loop3A_271 {strides = array<i32>} : memref<128x64xf32, #tpu.memory_space<vmem>>, vector<16xf32>,
      %parallel_loop3A_275 = arith.extui %parallel_loop3A_266 : vector<16xi1> to vector<16xi32>
      %parallel_loop3A_276 = arith.index_cast %parallel_loop3A_124 : i32 to index
      %parallel_loop3A_277 = arith.constant 32 : index
      %parallel_loop3A_278 = tpu.vector_load %arg10[%parallel_loop3A_276, %parallel_loop3A_277] {strides = array<i32>} : memref<128x64xi32, #tpu.memory_space<vmem>>, vector<16xi32>,
      tpu.vector_store %arg10[%parallel_loop3A_276, %parallel_loop3A_277], %parallel_loop3A_275 {strides = array<i32>} : memref<128x64xi32, #tpu.memory_space<vmem>>, vector<16xi32>,
      %parallel_loop3A_279 = vector.broadcast %parallel_loop3A_192 : f32 to vector<16xf32>
      %parallel_loop3A_280 = arith.cmpf oeq, %parallel_loop3A_136, %parallel_loop3A_279 : vector<16xf32>
      %parallel_loop3A_281 = arith.extui %parallel_loop3A_280 : vector<16xi1> to vector<16xi32>
      %parallel_loop3A_282 = arith.constant true
      %parallel_loop3A_283 = vector.broadcast %parallel_loop3A_282 : i1 to vector<16xi1>
      %parallel_loop3A_284 = tpu.scan <sum>, %parallel_loop3A_281 masked %parallel_loop3A_283 : vector<16xi32>, vector<16xi1> -> vector<16xi32>
      %parallel_loop3A_285 = arith.addi %parallel_loop3A_284, %parallel_loop3A_268 : vector<16xi32>
      %parallel_loop3A_286 = vector.broadcast %parallel_loop3A_192 : f32 to vector<16xf32>
      %parallel_loop3A_287 = arith.cmpf ogt, %parallel_loop3A_136, %parallel_loop3A_286 : vector<16xf32>
      %parallel_loop3A_288 = arith.addi %parallel_loop3A_285, %parallel_loop3A_195 : vector<16xi32>
      %parallel_loop3A_289 = arith.constant 8 : i32
      %parallel_loop3A_290 = vector.broadcast %parallel_loop3A_289 : i32 to vector<16xi32>
      %parallel_loop3A_291 = arith.cmpi sle, %parallel_loop3A_288, %parallel_loop3A_290 : vector<16xi32>
      %parallel_loop3A_292 = arith.andi %parallel_loop3A_280, %parallel_loop3A_291 : vector<16xi1>
      %parallel_loop3A_293 = arith.ori %parallel_loop3A_287, %parallel_loop3A_292 : vector<16xi1>
      %parallel_loop3A_294 = tpu.all_reduce %parallel_loop3A_280 {dim = 0 : i64, kind = #tpu.reduction_kind<sum>} : vector<16xi1> -> vector<16xi32>
      %parallel_loop3A_295 = arith.addi %parallel_loop3A_268, %parallel_loop3A_294 : vector<16xi32>
      %parallel_loop3A_296 = arith.constant 0.000000e+00 : f32
      %parallel_loop3A_297 = vector.broadcast %parallel_loop3A_296 : f32 to vector<16xf32>
      %parallel_loop3A_298 = arith.select %parallel_loop3A_293, %parallel_loop3A_136, %parallel_loop3A_297 : vector<16xi1>, vector<16xf32>
      %parallel_loop3A_299 = arith.index_cast %parallel_loop3A_124 : i32 to index
      %parallel_loop3A_300 = arith.constant 48 : index
      %parallel_loop3A_301 = tpu.vector_load %arg8[%parallel_loop3A_299, %parallel_loop3A_300] {strides = array<i32>} : memref<128x64xf32, #tpu.memory_space<vmem>>, vector<16xf32>,
      tpu.vector_store %arg8[%parallel_loop3A_299, %parallel_loop3A_300], %parallel_loop3A_298 {strides = array<i32>} : memref<128x64xf32, #tpu.memory_space<vmem>>, vector<16xf32>,
      %parallel_loop3A_302 = arith.extui %parallel_loop3A_293 : vector<16xi1> to vector<16xi32>
      %parallel_loop3A_303 = arith.index_cast %parallel_loop3A_124 : i32 to index
      %parallel_loop3A_304 = arith.constant 48 : index
      %parallel_loop3A_305 = tpu.vector_load %arg10[%parallel_loop3A_303, %parallel_loop3A_304] {strides = array<i32>} : memref<128x64xi32, #tpu.memory_space<vmem>>, vector<16xi32>,
      tpu.vector_store %arg10[%parallel_loop3A_303, %parallel_loop3A_304], %parallel_loop3A_302 {strides = array<i32>} : memref<128x64xi32, #tpu.memory_space<vmem>>, vector<16xi32>,
    } {sc.loop_unroll_factor = 2 : i64, sc.parallel_access}
    %add3A_98 = arith.constant 384 : i32
    %add3A_99 = arith.addi %mul3A_2, %add3A_98 : i32
    %dma_start3A_100 = arith.constant 0 : i32
    %dma_start3A_101 = tpu.memref_slice %arg3[%add3A_99, %dma_start3A_100] : memref<16384x64xf32, #tpu.memory_space<hbm>> -> memref<128x64xf32, #tpu.memory_space<hbm>>
    %dma_start3A_102 = arith.constant 0 : i32
    %dma_start3A_103 = tpu.memref_slice %arg3[%add3A_99, %dma_start3A_102] : memref<16384x64xf32, #tpu.memory_space<hbm>> -> memref<128x64xf32, #tpu.memory_space<hbm>>
    tpu.enqueue_dma source(%arg8 : memref<128x64xf32, #tpu.memory_space<vmem>>) target(%dma_start3A_103 : memref<128x64xf32, #tpu.memory_space<hbm>>) target_semaphore(%arg14 : memref<!tpu.dma_semaphore, #tpu.memory_space<semaphore_mem>>)
    %dma_start3A_104 = arith.constant 0 : i32
    %dma_start3A_105 = tpu.memref_slice %arg4[%add3A_99, %dma_start3A_104] : memref<16384x64xi32, #tpu.memory_space<hbm>> -> memref<128x64xi32, #tpu.memory_space<hbm>>
    %dma_start3A_106 = arith.constant 0 : i32
    %dma_start3A_107 = tpu.memref_slice %arg4[%add3A_99, %dma_start3A_106] : memref<16384x64xi32, #tpu.memory_space<hbm>> -> memref<128x64xi32, #tpu.memory_space<hbm>>
    tpu.enqueue_dma source(%arg10 : memref<128x64xi32, #tpu.memory_space<vmem>>) target(%dma_start3A_107 : memref<128x64xi32, #tpu.memory_space<hbm>>) target_semaphore(%arg16 : memref<!tpu.dma_semaphore, #tpu.memory_space<semaphore_mem>>)
    %dma_wait3A_108 = arith.constant 0 : i32
    %dma_wait3A_109 = tpu.memref_slice %arg3[%add3A_74, %dma_wait3A_108] : memref<16384x64xf32, #tpu.memory_space<hbm>> -> memref<128x64xf32, #tpu.memory_space<hbm>>
    %dma_wait3A_110 = arith.constant 0 : i32
    %dma_wait3A_111 = tpu.memref_slice %arg3[%add3A_74, %dma_wait3A_110] : memref<16384x64xf32, #tpu.memory_space<hbm>> -> memref<128x64xf32, #tpu.memory_space<hbm>>
    tpu.wait_dma2 semaphore(%arg13 : memref<!tpu.dma_semaphore, #tpu.memory_space<semaphore_mem>>) src(%arg7 : memref<128x64xf32, #tpu.memory_space<vmem>>) dst(%dma_wait3A_111 : memref<128x64xf32, #tpu.memory_space<hbm>>)
    %dma_wait3A_112 = arith.constant 0 : i32
    %dma_wait3A_113 = tpu.memref_slice %arg4[%add3A_74, %dma_wait3A_112] : memref<16384x64xi32, #tpu.memory_space<hbm>> -> memref<128x64xi32, #tpu.memory_space<hbm>>
    %dma_wait3A_114 = arith.constant 0 : i32
    %dma_wait3A_115 = tpu.memref_slice %arg4[%add3A_74, %dma_wait3A_114] : memref<16384x64xi32, #tpu.memory_space<hbm>> -> memref<128x64xi32, #tpu.memory_space<hbm>>
    tpu.wait_dma2 semaphore(%arg15 : memref<!tpu.dma_semaphore, #tpu.memory_space<semaphore_mem>>) src(%arg9 : memref<128x64xi32, #tpu.memory_space<vmem>>) dst(%dma_wait3A_115 : memref<128x64xi32, #tpu.memory_space<hbm>>)
    %dma_wait3A_116 = arith.constant 0 : i32
    %dma_wait3A_117 = tpu.memref_slice %arg3[%add3A_99, %dma_wait3A_116] : memref<16384x64xf32, #tpu.memory_space<hbm>> -> memref<128x64xf32, #tpu.memory_space<hbm>>
    %dma_wait3A_118 = arith.constant 0 : i32
    %dma_wait3A_119 = tpu.memref_slice %arg3[%add3A_99, %dma_wait3A_118] : memref<16384x64xf32, #tpu.memory_space<hbm>> -> memref<128x64xf32, #tpu.memory_space<hbm>>
    tpu.wait_dma2 semaphore(%arg14 : memref<!tpu.dma_semaphore, #tpu.memory_space<semaphore_mem>>) src(%arg8 : memref<128x64xf32, #tpu.memory_space<vmem>>) dst(%dma_wait3A_119 : memref<128x64xf32, #tpu.memory_space<hbm>>)
    %dma_wait3A_120 = arith.constant 0 : i32
    %dma_wait3A_121 = tpu.memref_slice %arg4[%add3A_99, %dma_wait3A_120] : memref<16384x64xi32, #tpu.memory_space<hbm>> -> memref<128x64xi32, #tpu.memory_space<hbm>>
    %dma_wait3A_122 = arith.constant 0 : i32
    %dma_wait3A_123 = tpu.memref_slice %arg4[%add3A_99, %dma_wait3A_122] : memref<16384x64xi32, #tpu.memory_space<hbm>> -> memref<128x64xi32, #tpu.memory_space<hbm>>
    tpu.wait_dma2 semaphore(%arg16 : memref<!tpu.dma_semaphore, #tpu.memory_space<semaphore_mem>>) src(%arg10 : memref<128x64xi32, #tpu.memory_space<vmem>>) dst(%dma_wait3A_123 : memref<128x64xi32, #tpu.memory_space<hbm>>)
    return
  }
}

module attributes {stable_mosaic.version = 14 : i64} {
  func.func @_logits_block(%arg0: i32, %arg1: memref<4096x384xf32, #tpu.memory_space<vmem>>, %arg2: memref<4096x384xf32, #tpu.memory_space<vmem>>, %arg3: memref<64x384xf32, #tpu.memory_space<vmem>>, %arg4: memref<64x384xf32, #tpu.memory_space<vmem>>, %arg5: memref<4096x64xf32, #tpu.memory_space<vmem>>) attributes {dimension_semantics = [#tpu.dimension_semantics<arbitrary>], iteration_bounds = array<i64: 4>, scalar_prefetch = 0 : i64, scratch_operands = 0 : i64, tpu.core_type = #tpu.core_type<tc>, window_params = [{transform_indices = @transform_0, window_bounds = array<i64: 4096, 384>}, {transform_indices = @transform_1, window_bounds = array<i64: 4096, 384>}, {transform_indices = @transform_2, window_bounds = array<i64: 64, 384>}, {transform_indices = @transform_3, window_bounds = array<i64: 64, 384>}, {transform_indices = @transform_4, window_bounds = array<i64: 4096, 64>}]} {
    %get3A = arith.constant 0 : index
    %get3A_0 = arith.constant 0 : index
    %get3A_1 = vector.load %arg1[%get3A, %get3A_0] : memref<4096x384xf32, #tpu.memory_space<vmem>>, vector<4096x384xf32>
    %get3A_2 = arith.constant 0 : index
    %get3A_3 = arith.constant 0 : index
    %get3A_4 = vector.load %arg3[%get3A_2, %get3A_3] : memref<64x384xf32, #tpu.memory_space<vmem>>, vector<64x384xf32>
    %dot_general3A = arith.constant dense<0.000000e+00> : vector<4096x64xf32>
    %dot_general3A_5 = tpu.matmul %get3A_1, %get3A_4, %dot_general3A {dimension_numbers = #tpu.dot_dimension_numbers<[1], [1], [0], [0], [0, 0, 1, 0], [], []>, transpose_lhs_hint = false} : vector<4096x384xf32>, vector<64x384xf32>, vector<4096x64xf32> -> vector<4096x64xf32>
    %get3A_6 = arith.constant 0 : index
    %get3A_7 = arith.constant 0 : index
    %get3A_8 = vector.load %arg2[%get3A_6, %get3A_7] : memref<4096x384xf32, #tpu.memory_space<vmem>>, vector<4096x384xf32>
    %get3A_9 = arith.constant 0 : index
    %get3A_10 = arith.constant 0 : index
    %get3A_11 = vector.load %arg4[%get3A_9, %get3A_10] : memref<64x384xf32, #tpu.memory_space<vmem>>, vector<64x384xf32>
    %dot_general3A_12 = arith.constant dense<0.000000e+00> : vector<4096x64xf32>
    %dot_general3A_13 = tpu.matmul %get3A_8, %get3A_11, %dot_general3A_12 {dimension_numbers = #tpu.dot_dimension_numbers<[1], [1], [0], [0], [0, 0, 1, 0], [], []>, transpose_lhs_hint = false} : vector<4096x384xf32>, vector<64x384xf32>, vector<4096x64xf32> -> vector<4096x64xf32>
    %add3A = arith.addf %dot_general3A_5, %dot_general3A_13 : vector<4096x64xf32>
    %reduce_max3A = arith.constant dense<0xFF800000> : vector<4096xf32>
    %reduce_max3A_14 = vector.multi_reduction <maximumf>, %add3A, %reduce_max3A [1] : vector<4096x64xf32> to vector<4096xf32>
    %broadcast_in_dim3A = vector.shape_cast %reduce_max3A_14 : vector<4096xf32> to vector<4096x1xf32>
    %sub3A = vector.broadcast %broadcast_in_dim3A : vector<4096x1xf32> to vector<4096x64xf32>
    %sub3A_15 = arith.subf %add3A, %sub3A : vector<4096x64xf32>
    %exp3A = math.exp %sub3A_15 : vector<4096x64xf32>
    %reduce_sum3A = arith.constant dense<0.000000e+00> : vector<4096xf32>
    %reduce_sum3A_16 = vector.multi_reduction <add>, %exp3A, %reduce_sum3A [1] : vector<4096x64xf32> to vector<4096xf32>
    %broadcast_in_dim3A_17 = vector.shape_cast %reduce_sum3A_16 : vector<4096xf32> to vector<4096x1xf32>
    %div3A = vector.broadcast %broadcast_in_dim3A_17 : vector<4096x1xf32> to vector<4096x64xf32>
    %div3A_18 = arith.divf %exp3A, %div3A : vector<4096x64xf32>
    %swap3A = arith.constant 0 : index
    %swap3A_19 = arith.constant 0 : index
    %swap3A_20 = vector.load %arg5[%swap3A, %swap3A_19] : memref<4096x64xf32, #tpu.memory_space<vmem>>, vector<4096x64xf32>
    tpu.vector_store %arg5[%swap3A, %swap3A_19], %div3A_18 {strides = array<i32>} : memref<4096x64xf32, #tpu.memory_space<vmem>>, vector<4096x64xf32>,
    return
  }
  func.func @transform_0(%arg0: i32) -> (i32, i32) {
    %add3A = arith.constant 4 : i32
    %add3A_0 = arith.addi %arg0, %add3A : i32
    %c0_i32 = arith.constant 0 : i32
    %c0_i32_1 = arith.constant 0 : i32
    return %add3A_0, %c0_i32 : i32, i32
  }
  func.func @transform_1(%arg0: i32) -> (i32, i32) {
    %add3A = arith.constant 4 : i32
    %add3A_0 = arith.addi %arg0, %add3A : i32
    %c1_i32 = arith.constant 1 : i32
    %c0_i32 = arith.constant 0 : i32
    return %add3A_0, %c1_i32 : i32, i32
  }
  func.func @transform_2(%arg0: i32) -> (i32, i32) {
    %c0_i32 = arith.constant 0 : i32
    %c0_i32_0 = arith.constant 0 : i32
    %c0_i32_1 = arith.constant 0 : i32
    return %c0_i32, %c0_i32_0 : i32, i32
  }
  func.func @transform_3(%arg0: i32) -> (i32, i32) {
    %c0_i32 = arith.constant 0 : i32
    %c1_i32 = arith.constant 1 : i32
    %c0_i32_0 = arith.constant 0 : i32
    return %c0_i32, %c1_i32 : i32, i32
  }
  func.func @transform_4(%arg0: i32) -> (i32, i32) {
    %c0_i32 = arith.constant 0 : i32
    %c0_i32_0 = arith.constant 0 : i32
    return %arg0, %c0_i32 : i32, i32
  }
}

module attributes {stable_mosaic.version = 14 : i64} {
  func.func @_logits_block(%arg0: i32, %arg1: memref<4096x384xf32, #tpu.memory_space<vmem>>, %arg2: memref<4096x384xf32, #tpu.memory_space<vmem>>, %arg3: memref<64x384xf32, #tpu.memory_space<vmem>>, %arg4: memref<64x384xf32, #tpu.memory_space<vmem>>, %arg5: memref<4096x64xf32, #tpu.memory_space<vmem>>) attributes {dimension_semantics = [#tpu.dimension_semantics<arbitrary>], iteration_bounds = array<i64: 4>, scalar_prefetch = 0 : i64, scratch_operands = 0 : i64, tpu.core_type = #tpu.core_type<tc>, window_params = [{transform_indices = @transform_0, window_bounds = array<i64: 4096, 384>}, {transform_indices = @transform_1, window_bounds = array<i64: 4096, 384>}, {transform_indices = @transform_2, window_bounds = array<i64: 64, 384>}, {transform_indices = @transform_3, window_bounds = array<i64: 64, 384>}, {transform_indices = @transform_4, window_bounds = array<i64: 4096, 64>}]} {
    %get3A = arith.constant 0 : index
    %get3A_0 = arith.constant 0 : index
    %get3A_1 = vector.load %arg1[%get3A, %get3A_0] : memref<4096x384xf32, #tpu.memory_space<vmem>>, vector<4096x384xf32>
    %get3A_2 = arith.constant 0 : index
    %get3A_3 = arith.constant 0 : index
    %get3A_4 = vector.load %arg3[%get3A_2, %get3A_3] : memref<64x384xf32, #tpu.memory_space<vmem>>, vector<64x384xf32>
    %dot_general3A = arith.constant dense<0.000000e+00> : vector<4096x64xf32>
    %dot_general3A_5 = tpu.matmul %get3A_1, %get3A_4, %dot_general3A {dimension_numbers = #tpu.dot_dimension_numbers<[1], [1], [0], [0], [0, 0, 1, 0], [], []>, transpose_lhs_hint = false} : vector<4096x384xf32>, vector<64x384xf32>, vector<4096x64xf32> -> vector<4096x64xf32>
    %get3A_6 = arith.constant 0 : index
    %get3A_7 = arith.constant 0 : index
    %get3A_8 = vector.load %arg2[%get3A_6, %get3A_7] : memref<4096x384xf32, #tpu.memory_space<vmem>>, vector<4096x384xf32>
    %get3A_9 = arith.constant 0 : index
    %get3A_10 = arith.constant 0 : index
    %get3A_11 = vector.load %arg4[%get3A_9, %get3A_10] : memref<64x384xf32, #tpu.memory_space<vmem>>, vector<64x384xf32>
    %dot_general3A_12 = arith.constant dense<0.000000e+00> : vector<4096x64xf32>
    %dot_general3A_13 = tpu.matmul %get3A_8, %get3A_11, %dot_general3A_12 {dimension_numbers = #tpu.dot_dimension_numbers<[1], [1], [0], [0], [0, 0, 1, 0], [], []>, transpose_lhs_hint = false} : vector<4096x384xf32>, vector<64x384xf32>, vector<4096x64xf32> -> vector<4096x64xf32>
    %add3A = arith.addf %dot_general3A_5, %dot_general3A_13 : vector<4096x64xf32>
    %reduce_max3A = arith.constant dense<0xFF800000> : vector<4096xf32>
    %reduce_max3A_14 = vector.multi_reduction <maximumf>, %add3A, %reduce_max3A [1] : vector<4096x64xf32> to vector<4096xf32>
    %broadcast_in_dim3A = vector.shape_cast %reduce_max3A_14 : vector<4096xf32> to vector<4096x1xf32>
    %sub3A = vector.broadcast %broadcast_in_dim3A : vector<4096x1xf32> to vector<4096x64xf32>
    %sub3A_15 = arith.subf %add3A, %sub3A : vector<4096x64xf32>
    %exp3A = math.exp %sub3A_15 : vector<4096x64xf32>
    %reduce_sum3A = arith.constant dense<0.000000e+00> : vector<4096xf32>
    %reduce_sum3A_16 = vector.multi_reduction <add>, %exp3A, %reduce_sum3A [1] : vector<4096x64xf32> to vector<4096xf32>
    %broadcast_in_dim3A_17 = vector.shape_cast %reduce_sum3A_16 : vector<4096xf32> to vector<4096x1xf32>
    %div3A = vector.broadcast %broadcast_in_dim3A_17 : vector<4096x1xf32> to vector<4096x64xf32>
    %div3A_18 = arith.divf %exp3A, %div3A : vector<4096x64xf32>
    %swap3A = arith.constant 0 : index
    %swap3A_19 = arith.constant 0 : index
    %swap3A_20 = vector.load %arg5[%swap3A, %swap3A_19] : memref<4096x64xf32, #tpu.memory_space<vmem>>, vector<4096x64xf32>
    tpu.vector_store %arg5[%swap3A, %swap3A_19], %div3A_18 {strides = array<i32>} : memref<4096x64xf32, #tpu.memory_space<vmem>>, vector<4096x64xf32>,
    return
  }
  func.func @transform_0(%arg0: i32) -> (i32, i32) {
    %add3A = arith.constant 0 : i32
    %add3A_0 = arith.addi %arg0, %add3A : i32
    %c0_i32 = arith.constant 0 : i32
    %c0_i32_1 = arith.constant 0 : i32
    return %add3A_0, %c0_i32 : i32, i32
  }
  func.func @transform_1(%arg0: i32) -> (i32, i32) {
    %add3A = arith.constant 0 : i32
    %add3A_0 = arith.addi %arg0, %add3A : i32
    %c1_i32 = arith.constant 1 : i32
    %c0_i32 = arith.constant 0 : i32
    return %add3A_0, %c1_i32 : i32, i32
  }
  func.func @transform_2(%arg0: i32) -> (i32, i32) {
    %c0_i32 = arith.constant 0 : i32
    %c0_i32_0 = arith.constant 0 : i32
    %c0_i32_1 = arith.constant 0 : i32
    return %c0_i32, %c0_i32_0 : i32, i32
  }
  func.func @transform_3(%arg0: i32) -> (i32, i32) {
    %c0_i32 = arith.constant 0 : i32
    %c1_i32 = arith.constant 1 : i32
    %c0_i32_0 = arith.constant 0 : i32
    return %c0_i32, %c1_i32 : i32, i32
  }
  func.func @transform_4(%arg0: i32) -> (i32, i32) {
    %c0_i32 = arith.constant 0 : i32
    %c0_i32_0 = arith.constant 0 : i32
    return %arg0, %c0_i32 : i32, i32
  }
}

</mosaic_0001>

<sc_bundles>
// kernel: kernel.6.cloned.1.call-start
scs
__scs_entry_jumppad:
0x0: {  	(pc) =	sbr.rel $0x88, $3  }
0x1: {  	(tag) =	ssettag $0x0;
	lr =	simm.s32 $0x1  }
0x2: {  	[smem:$0x3F9F] =	sst lr;
	_ =	strace $0xD0000000  }
0x3: {  	_ = 	snop  }
0x4: {  	_ = 	snop  }
0x5: {  	_ = 	snop  }
0x6: {  	_ = 	snop  }
0x7: {  	_ = 	snop  }
__scs_overlays_trampoline_lowered:
0x8: {  	[smem:$0x3FAE] =	sst s0  }
0x9: {  	[smem:$0x3FAF] =	sst s1  }
0xa: {  	[smem:$0x3FB0] =	sst s2  }
0xb: {  	[smem:$0x3FB1] =	sst s3  }
0xc: {  	[smem:$0x3FB2] =	sst s4  }
0xd: {  	[smem:$0x3FB3] =	sst s5  }
0xe: {  	[smem:$0x3FB4] =	sst s6  }
0xf: {  	[smem:$0x3FB5] =	sst s7  }
0x10: {  	[smem:$0x3FB6] =	sst s8  }
0x11: {  	[smem:$0x3FB7] =	sst s9;
	s0 =	simm.s32 @!p0 $0x0  }
0x12: {  	s1 =	sld [smem:$0x3F9D];
	s0 =	simm.s32 @p0 $0x1  }
0x13: {  	[smem:$0x3FB8] =	sst s0;
	s0 =	simm.s32 @!p1 $0x0  }
0x14: {  	s2 =	sld [smem:$0x3F9C];
	s0 =	simm.s32 @p1 $0x1  }
0x15: {  	[smem:$0x3FB9] =	sst s0;
	s0 =	simm.s32 @!p2 $0x0  }
0x16: {  	s3 =	sld [smem:$0x3FDB];
	s0 =	simm.s32 @p2 $0x1  }
0x17: {  	s4 =	simm.s32 $0x1BF5;
	[smem:$0x3FBB] =	sst s0  }
0x18: {  	s0 =	sld [smem:$0x3F9E];
	_ =	swait.ge [sflag:s4], $0x0  }
0x19: {  	s7 =	sld [smem:$0x3F9F]  }
0x1a: {  	s8 =	sadd.s32 $0xFFFFE003, lr  }
0x1b: {  	s9 =	sadd.s32 $0xFFFFFEF7, lr;
	s5 =	simm.s32 $0xFFFFFFFF;
	p2 =	slt.u32 s8, $0xFFFFF086  }
0x1c: {  	p1 =	slt.u32 s9, $0xF7A;
	s5 =	simm.s32 @!p2 $0x0  }
0x1d: {  	s5 =	simm.s32 @p1 $0x1;
	p0 =	seq.s32 s7, s2  }
0x1e: {  	s7 =	smul.u32 @!p0 $0xF7A, s2;
	p2 =	seq.s32 @!p0 s5, $0x0  }
0x1f: {  	s9 =	smul.u32 $0xF7A, s1;
	s8 =	simm.s32 @!p0 $0x1BF5;
	p2 =	por !p2, p0  }
0x20: {  	[sflag:s8] =	ssyncset.s32 @!p0 $0xFFFFF086;
	s6 =	sadd.s32 @!p0 s3, s7;
	s7 =	simm.s32 @!p0 $0x108  }
0x21: {  	s3 =	sadd.s32 s3, s9;
	s6 =	sadd.s32 @!p0 $0x88, s6;
	s7 =	simm.s32 @p2 $0x1082  }
0x22: {  	[simem:s7], [sflag:s8] =	dma.local @!p0 [hbm:s6], $0xF7A  }
0x23: {  	s9 =	sor.u32 $0xD0000000, s2;
	s6 =	simm.s32 $0x108;
	_ =	swait.ge @!p0 [sflag:s8], $0x0  }
0x24: {  	s3 =	sadd.s32 $0x88, s3;
	s6 =	simm.s32 @!p1 $0x1082;
	[sflag:s4] =	ssyncset.s32 $0xFFFFF086  }
0x25: {  	[simem:s6], [sflag:s4] =	dma.local [hbm:s3], $0xF7A  }
0x26: {  	[smem:$0x3F9F] =	sst s1;
	(tag) =	ssettag s2;
	_ =	strace s9  }
0x27: {  	s1 =	sld [smem:$0x3FAF]  }
0x28: {  	s2 =	sld [smem:$0x3FB0]  }
0x29: {  	s4 =	sld [smem:$0x3FB2]  }
0x2a: {  	p0 =	seq.s32 s5, $0x0;
	s5 =	sld [smem:$0x3FB3]  }
0x2b: {  	s6 =	sld [smem:$0x3FB4]  }
0x2c: {  	s7 =	sld [smem:$0x3FB5]  }
0x2d: {  	s3 =	simm.s32 $0x108;
	s8 =	sld [smem:$0x3FB6]  }
0x2e: {  	s3 =	simm.s32 @!p0 $0x1082;
	s9 =	sld [smem:$0x3FB7]  }
0x2f: {  	lr =	sadd.s32 s0, s3;
	s0 =	sld [smem:$0x3FAE]  }
0x30: {  	s3 =	sld [smem:$0x3FB1]  }
0x31: {  	[smem:$0x3FBA] =	sst s10  }
0x32: {  	s10 =	sld [smem:$0x3FB8];
	_ =	sdelay $0x3  }
0x33: {  	p0 =	seq.s32 s10, $0x1;
	s10 =	sld [smem:$0x3FBA];
	_ =	sdelay $0x3  }
0x34: {  	[smem:$0x3FBA] =	sst s10  }
0x35: {  	s10 =	sld [smem:$0x3FB9];
	_ =	sdelay $0x3  }
0x36: {  	p1 =	seq.s32 s10, $0x1;
	s10 =	sld [smem:$0x3FBA];
	_ =	sdelay $0x3  }
0x37: {  	[smem:$0x3FBA] =	sst s10  }
0x38: {  	s10 =	sld [smem:$0x3FBB]  }
0x39: {  	_ = 	snop;
	(pc) =	sbr.ind lr, $3  }
0x3a: {  	_ = 	snop  }
0x3b: {  	_ = 	snop  }
0x3c: {  	p2 =	seq.s32 s10, $0x1;
	s10 =	sld [smem:$0x3FBA]  }
0x3d: {  	_ =	shalt  }
0x3e: {  	_ =	shalt  }
0x3f: {  	_ =	shalt  }
0x40: {  	_ =	shalt  }
0x41: {  	_ =	shalt  }
0x42: {  	_ =	shalt  }
0x43: {  	_ =	shalt  }
0x44: {  	_ =	shalt  }
0x45: {  	_ =	shalt  }
0x46: {  	_ =	shalt  }
0x47: {  	_ =	shalt  }
0x48: {  	_ =	shalt  }
0x49: {  	_ =	shalt  }
0x4a: {  	_ =	shalt  }
0x4b: {  	_ =	shalt  }
0x4c: {  	_ =	shalt  }
0x4d: {  	_ =	shalt  }
0x4e: {  	_ =	shalt  }
0x4f: {  	_ =	shalt  }
0x50: {  	_ =	shalt  }
0x51: {  	_ =	shalt  }
0x52: {  	_ =	shalt  }
0x53: {  	_ =	shalt  }
0x54: {  	_ =	shalt  }
0x55: {  	_ =	shalt  }
0x56: {  	_ =	shalt  }
0x57: {  	_ =	shalt  }
0x58: {  	_ =	shalt  }
0x59: {  	_ =	shalt  }
0x5a: {  	_ =	shalt  }
0x5b: {  	_ =	shalt  }
0x5c: {  	_ =	shalt  }
0x5d: {  	_ =	shalt  }
0x5e: {  	_ =	shalt  }
0x5f: {  	_ =	shalt  }
0x60: {  	_ =	shalt  }
0x61: {  	_ =	shalt  }
0x62: {  	_ =	shalt  }
0x63: {  	_ =	shalt  }
0x64: {  	_ =	shalt  }
0x65: {  	_ =	shalt  }
0x66: {  	_ =	shalt  }
0x67: {  	_ =	shalt  }
0x68: {  	_ =	shalt  }
0x69: {  	_ =	shalt  }
0x6a: {  	_ =	shalt  }
0x6b: {  	_ =	shalt  }
0x6c: {  	_ =	shalt  }
0x6d: {  	_ =	shalt  }
0x6e: {  	_ =	shalt  }
0x6f: {  	_ =	shalt  }
0x70: {  	_ =	shalt  }
0x71: {  	_ =	shalt  }
0x72: {  	_ =	shalt  }
0x73: {  	_ =	shalt  }
0x74: {  	_ =	shalt  }
0x75: {  	_ =	shalt  }
0x76: {  	_ =	shalt  }
0x77: {  	_ =	shalt  }
0x78: {  	_ =	shalt  }
0x79: {  	_ =	shalt  }
0x7a: {  	_ =	shalt  }
0x7b: {  	_ =	shalt  }
0x7c: {  	_ =	shalt  }
0x7d: {  	_ =	shalt  }
0x7e: {  	_ =	shalt  }
0x7f: {  	_ =	shalt  }
0x80: {  	_ =	shalt  }
0x81: {  	_ =	shalt  }
0x82: {  	_ =	shalt  }
0x83: {  	_ =	shalt  }
0x84: {  	_ =	shalt  }
0x85: {  	_ =	shalt  }
0x86: {  	_ =	shalt  }
0x87: {  	_ =	shalt  }
.Lfunc_end0:
.L_simem_size_0:
called_computation_lowered:
.L_overlay_start_0:
0x88: {  	s2 =	sld [smem:$0x3FD9]  }
0x89: {  	s3 =	sld [smem:$0x3FFE];
	_ =	sdelay $0x1  }
0x8a: {  	s1 =	srdreg.scid  }
0x8b: {  	s0 =	sand.u32 $0x1, s1  }
0x8c: {  	s14 =	sshll.u32 s0, $0xA;
	s2 =	sadd.s32 s3, s2  }
0x8d: {  	s2 =	sadd.s32 s2, s14  }
0x8e: {  	[smem:$0x3FC6] =	sst s2  }
0x8f: {  	_ = 	snop  }
0x90: {  	s2 =	sld [smem:$0x3FD0];
	_ =	sdelay $0x2  }
0x91: {  	s15 =	simm.s32 $0xB;
	s4 =	simm.s32 $0x10  }
0x92: {  	[smem:s4], [sflag:s15] =	dma.local [hbm:s2], $0x1  }
0x93: {  	_ =	swait.eq [sflag:s15], $0x1  }
0x94: {  	[sflag:s15] =	ssyncset.done $0x0  }
0x95: {  	[sflag:s15] =	ssyncadd.s32 $0xFFFFFFFF  }
0x96: {  	s16 =	sld [smem:$0x10];
	(tm) =	ssettm $0x1  }
0x97: {  	s17 =	sld [smem:$0x3FFB];
	_ =	sdelay $0x3  }
0x98: {  	_ =	strace s17  }
0x99: {  	s3 =	sld [smem:$0x3FFC];
	_ =	sdelay $0x3  }
0x9a: {  	_ =	strace s3  }
0x9b: {  	s3 =	sld [smem:$0x3FFD];
	_ =	sdelay $0x3  }
0x9c: {  	_ =	strace s3  }
0x9d: {  	_ =	strace $0x8FFFFFFF  }
0x9e: {  	s18 =	sld [smem:$0x3FDB];
	_ =	sdelay $0x1  }
0x9f: {  	s19 =	simm.s32 $_scs_section_size  }
0xa0: {  	s5 =	simm.s32 $_size__tile_overlayer_lowered;
	s6 =	simm.s32 $_tile_overlayer_lowered  }
0xa1: {  	s22 =	simm.s32 $0x1BFF;
	s21 =	sshll.u32 s6, $0x1;
	s3 =	sadd.s32 s19, s18  }
0xa2: {  	s7 =	simm.s32 $0x0;
	s20 =	sshll.u32 s5, $0x1;
	s5 =	sadd.s32 s21, s3  }
0xa3: {  	[timem:s7], [sflag:s22] =	dma.local [hbm:s5], s20  }
0xa4: {  	_ =	swait.ge [sflag:s22], s20  }
0xa5: {  	s4 =	ssub.s32 $0x0, s20;
	[sflag:s22] =	ssyncset.done $0x0  }
0xa6: {  	[sflag:s22] =	ssyncadd.s32 s4;
	_ =	sdelay $0x1  }
0xa7: {  	s23 =	simm.s32 $0x1B8B  }
0xa8: {  	_ =	swait.ge [sflag:s23], $0x1  }
0xa9: {  	[sflag:s23] =	ssyncset.done $0x0  }
0xaa: {  	s25 =	simm.s32 $0x1B8E;
	s24 =	sld [smem:$0x3FFE];
	[sflag:s23] =	ssyncadd.s32 $0xFFFFFFFF  }
0xab: {  	s26 =	simm.s32 $execute0_lowered;
	[smem:$0x3FD2] =	sst s25  }
0xac: {  	s5 =	sshll.u32 s26, $0x1;
	_ =	strace $0x80000046;
	[dreg:$0x1] =	wrdreg $0xFFFFFFFF  }
0xad: {  	s28 =	simm.s32 $_size_execute0_lowered;
	s3 =	sadd.s32 s3, s5;
	[dreg:$0x0] =	wrdreg $0x0  }
0xae: {  	s5 =	sshll.u32 s28, $0x1;
	[dreg:$0x2] =	wrdreg s3  }
0xaf: {  	[dreg:$0x3] =	wrdreg s5  }
0xb0: {  	[dreg:$0x4] =	wrdreg $0xC0  }
0xb1: {  	_ =	task [dreg:s7], $0x5FFFF  }
0xb2: {  	[dreg:$0x1] =	wrdreg $0xFFFFFFFF  }
0xb3: {  	[dreg:$0x0] =	wrdreg $0x60  }
0xb4: {  	[dreg:$0x2] =	wrdreg s16  }
0xb5: {  	[dreg:$0x3] =	wrdreg s24  }
0xb6: {  	[dreg:$0x4] =	wrdreg $0x9  }
0xb7: {  	_ =	task.clear_ibuf [dreg:s7], $0x5FFFF;
	_ =	strace $0x90000046  }
0xb8: {  	s29 =	simm.s32 $0x9;
	_ =	strace $0x80000048  }
0xb9: {  	_ =	swait.ge [sflag:s29], $0x1  }
0xba: {  	[sflag:s29] =	ssyncadd.s32 $0xFFFFFFFF  }
0xbb: {  	_ =	strace $0x90000048  }
0xbc: {  	_ =	sfence  }
0xbd: {  	s30 =	sld [smem:$0x0];
	_ =	sdelay $0x2  }
0xbe: {  	s31 =	sshll.u32 s1, $0xD;
	s1 =	sshrl.u32 s1, $0x2  }
0xbf: {  	s3 =	sand.u32 $0x4000, s31;
	s1 =	sadd.s32 s1, s30  }
0xc0: {  	s0 =	sor.u32 s3, s0;
	s1 =	sshll.u32 s1, $0x11  }
0xc1: {  	s0 =	sor.u32 s1, s0  }
0xc2: {  	s0 =	sadd.s32 $0x8F2B, s0  }
0xc3: {  	[sflag:s0] =	ssyncadd.remote.s32 $0x1  }
0xc4: {  	_ =	sfence.sel $0xFFFF  }
0xc5: {  	[dreg:$0x0] =	wrdreg $0xFFFFFFFF;
	(pc) =	sbr.abs _section_cstart, $3  }
0xc6: {  	[dreg:$0x1] =	wrdreg $0xFFFFFFFF  }
0xc7: {  	_ =	task.clear_ibuf [dreg:s7], $0x2FFFF;
	_ =	strace $0x9FFFFFFF  }
0xc8: {  	(tm) =	ssettm $0x7FFFFFFF  }
0xc9: {  	_ =	shalt  }
tec
execute0_lowered:
.L_overlay_start_1:
0x0: {  	(tag) =	ssettag $0x1  }
0x1: {  	s0 =	rddreg [dreg:$0x0]  }
0x2: {  	s1 =	rddreg [dreg:$0x1];
	s2 =	simm.s32 $0x0;
	s3 =	srdreg.scid  }
0x3: {  	s5 =	stileid.u32;
	s17 =	simm.s32 $0x1;
	s18 =	simm.s32 $0x8000  }
0x4: {  	s19 =	simm.s32 $0x10000;
	s20 =	simm.s32 $0x2;
	s21 =	simm.s32 $0xC000  }
0x5: {  	s22 =	simm.s32 $0x14000;
	s23 =	simm.s32 $0x3;
	s24 =	simm.s32 $0x5  }
0x6: {  	s25 =	simm.s32 $0x4;
	s26 =	simm.s32 $0x6;
	s28 =	simm.s32 $0x0  }
0x7: {  	[smem:$0x7FF] =	sst s2;
	s3 =	sand.u32 $0x1, s3;
	s5 =	sshll.u32 s5, $0xE  }
0x8: {  	s13 =	sadd.s32 $0x1800, s1;
	s4 =	ssub.s32 $0x2, s3;
	s3 =	sshll.u32 s3, $0xD  }
0x9: {  	s1 =	sadd.s32 $0x41800, s1;
	s6 =	sshrl.u32 s4, $0x1;
	s10 =	sor.u32 s3, s5  }
0xa: {  	_ =	strace $0x80000047;
	s15 =	ssub.s32 s4, s6;
	s9 =	sor.u32 $0x800, s10  }
0xb: {  	s3 =	sadd.s32 s0, s10;
	s12 =	sor.u32 $0x1000, s10;
	s5 =	sadd.s32 s13, s10  }
0xc: {  	v0 =	vlaneseq.u32;
	s6 =	sadd.s32 s1, s10;
	s14 =	sor.u32 $0x1800, s10;
	s4 =	sadd.s32 s0, s9  }
0xd: {  	v1 =	vmul.u32 $0xFFFFFFFF, v0;
	s7 =	sadd.s32 s0, s12;
	s8 =	sadd.s32 s13, s9;
	s9 =	sadd.s32 s1, s9  }
0xe: {  	s10 =	sadd.s32 s0, s14;
	s11 =	sadd.s32 s13, s12;
	s12 =	sadd.s32 s1, s12  }
0xf: {  	vm0 =	vcmask $0x1B20;
	v2 =	vimm.s32 $0x0;
	v1 =	vadd.s32 $0xF, v1;
	s13 =	sadd.s32 s13, s14;
	s14 =	sadd.s32 s1, s14;
	s15 =	smax.u32 s15, $0x1  }
.LBB2_1:
0x10: {  	[tilespmem:s2], [sflag:$0x1] =	stream.linear.gather [hbm4b:s3+s2], $0x4000, $0x38;
	[tilespmem:$0x18000] =	vst v63  }
0x11: {  	s0 =	simm.s32 $0x4000  }
0x12: {  	[tilespmem:s0], [sflag:$0x2] =	stream.linear.gather [hbm4b:s4+s2], $0x4000, $0x38;
	[tilespmem:$0x18000] =	vst v63  }
0x13: {  	_ =	swait.ge [sflag:s17], $0x4000  }
0x14: {  	[sflag:s17] =	ssyncset.done $0x0  }
0x15: {  	s16 =	simm.s32 $0x80;
	[sflag:s17] =	ssyncadd.s32 $0xFFFFC000  }
0x16: {  	v23 =	vld [tilespmem:s16+$0x30]  }
0x17: {  	v25 =	vld [tilespmem:s16+$0x10]  }
0x18: {  	v24 =	vld [tilespmem:s16+$0x20];
	_ =	sdelay $0x1  }
0x19: {  	v11 =	vld [tilespmem:s16+$0x0]  }
0x1a: {  	(xrf1) =	vsort.dscd.msk.f32 $0xffff, v23, v0  }
0x1b: {  	(xrf1) =	vsort.dscd.msk.f32 $0xffff, v25, v0  }
0x1c: {  	(xrf1) =	vsort.dscd.msk.f32 $0xffff, v24, v0;
	_ =	sdelay $0x1  }
0x1d: {  	(xrf1) =	vsort.dscd.msk.f32 $0xffff, v11, v0;
	_ =	sdelay $0x1  }
0x1e: {  	v12 =	vld [tilespmem:s16+$0xFFFFFFB0]  }
0x1f: {  	v21 =	vld [tilespmem:s16+$0xFFFFFF90]  }
0x20: {  	v15 =	vld [tilespmem:s16+$0xFFFFFFA0]  }
0x21: {  	v22 =	vld [tilespmem:s16+$0xFFFFFF80];
	_ =	sdelay $0x1  }
0x22: {  	(xrf1) =	vsort.dscd.msk.f32 $0xffff, v12, v0  }
0x23: {  	(xrf1) =	vsort.dscd.msk.f32 $0xffff, v21, v0  }
0x24: {  	(xrf1) =	vsort.dscd.msk.f32 $0xffff, v15, v0  }
0x25: {  	(xrf1) =	vsort.dscd.msk.f32 $0xffff, v22, v0;
	v3, _, _ =	vpop (xrf1)  }
0x26: {  	v3 =	vperm.xlane v3, v1;
	v4, _, _ =	vpop (xrf1)  }
0x27: {  	v5, _, _ =	vpop (xrf1)  }
0x28: {  	v4 =	vperm.xlane v4, v1;
	v3 =	vmax.f32 v5, v3  }
0x29: {  	v5, _, _ =	vpop (xrf1);
	(xrf1) =	vsort.dscd.msk.f32 $0xffff, v3, v0  }
0x2a: {  	v3 =	vmax.f32 v5, v4  }
0x2b: {  	(xrf1) =	vsort.dscd.msk.f32 $0xffff, v3, v0;
	_ =	sdelay $0x4  }
0x2c: {  	s1 =	simm.s32 $0x180;
	v3, _, _ =	vpop (xrf1)  }
0x2d: {  	v16 =	vld [tilespmem:s1+$0x30];
	v3 =	vperm.xlane v3, v1;
	v4, _, _ =	vpop (xrf1)  }
0x2e: {  	v19 =	vld [tilespmem:s1+$0x10];
	v4 =	vperm.xlane v4, v1;
	v5, _, _ =	vpop (xrf1)  }
0x2f: {  	v17 =	vld [tilespmem:s1+$0x20];
	v3 =	vmax.f32 v5, v3;
	v5, _, _ =	vpop (xrf1)  }
0x30: {  	v4 =	vmax.f32 v5, v4;
	(xrf1) =	vsort.dscd.msk.f32 $0xffff, v3, v0  }
0x31: {  	(xrf1) =	vsort.dscd.msk.f32 $0xffff, v4, v0  }
0x32: {  	(xrf1) =	vsort.dscd.msk.f32 $0xffff, v16, v0  }
0x33: {  	(xrf1) =	vsort.dscd.msk.f32 $0xffff, v19, v0;
	v3, _, _ =	vpop (xrf1)  }
0x34: {  	v20 =	vld [tilespmem:s1+$0x0];
	(xrf1) =	vsort.dscd.msk.f32 $0xffff, v17, v0;
	v3 =	vperm.xlane v3, v1  }
0x35: {  	v4, _, _ =	vpop (xrf1)  }
0x36: {  	v3 =	vmax.f32 v4, v3  }
0x37: {  	(xrf1) =	vsort.dscd.msk.f32 $0xffff, v3, v0  }
0x38: {  	v4 =	vld [tilespmem:s1+$0xFFFFFFB0]  }
0x39: {  	v13 =	vld [tilespmem:s1+$0xFFFFFF90];
	(xrf1) =	vsort.dscd.msk.f32 $0xffff, v20, v0;
	_ =	sdelay $0x1  }
0x3a: {  	v3 =	vld [tilespmem:s1+$0xFFFFFFA0]  }
0x3b: {  	v14 =	vld [tilespmem:s1+$0xFFFFFF80]  }
0x3c: {  	(xrf1) =	vsort.dscd.msk.f32 $0xffff, v4, v0  }
0x3d: {  	v5, _, _ =	vpop (xrf1);
	(xrf1) =	vsort.dscd.msk.f32 $0xffff, v13, v0  }
0x3e: {  	v6, _, _ =	vpop (xrf1);
	v5 =	vperm.xlane v5, v1  }
0x3f: {  	v7, _, _ =	vpop (xrf1);
	(xrf1) =	vsort.dscd.msk.f32 $0xffff, v3, v0  }
0x40: {  	v8, _, _ =	vpop (xrf1);
	v5 =	vmax.f32 v6, v5;
	(xrf1) =	vsort.dscd.msk.f32 $0xffff, v14, v0  }
0x41: {  	v6, _, _ =	vpop (xrf1);
	(xrf1) =	vsort.dscd.msk.f32 $0xffff, v5, v0  }
0x42: {  	v5 =	vperm.xlane v7, v1;
	_ =	sdelay $0x1  }
0x43: {  	v5 =	vmax.f32 v6, v5;
	v7, _, _ =	vpop (xrf1)  }
0x44: {  	v8 =	vperm.xlane v8, v1;
	(xrf1) =	vsort.dscd.msk.f32 $0xffff, v5, v0;
	v9 =	vsel vm0, $0xBF800000, v7  }
0x45: {  	v6, _, _ =	vpop (xrf1);
	(xrf0) =	vmax.scan.msk.f32 $0xffff, v9  }
0x46: {  	v5 =	vmax.f32 v6, v8;
	_ =	sdelay $0x1  }
0x47: {  	(xrf1) =	vsort.dscd.msk.f32 $0xffff, v5, v0  }
0x48: {  	v5, _, _ =	vpop (xrf1)  }
0x49: {  	v8, _, _ =	vpop (xrf1)  }
0x4a: {  	v5 =	vperm.xlane v5, v1;
	v6, _, _ =	vpop (xrf0)  }
0x4b: {  	v8 =	vperm.xlane v8, v1;
	v26 =	vbroadcast v6, $0xF;
	v6, _, _ =	vpop (xrf1)  }
0x4c: {  	v5 =	vmax.f32 v6, v5;
	v6, _, _ =	vpop (xrf1)  }
0x4d: {  	vm4 =	veq.f32 v11, v26;
	(xrf1) =	vsort.dscd.msk.f32 $0xffff, v5, v0;
	v6 =	vmax.f32 v6, v8;
	v27, _, _ =	vpop (xrf1)  }
0x4e: {  	vm3 =	veq.f32 v25, v26;
	v5 =	vsel vm4, $0x1, v2;
	(xrf1) =	vsort.dscd.msk.f32 $0xffff, v6, v0;
	v8 =	vsel vm0, $0xBF800000, v27  }
0x4f: {  	s16 =	simm.s32 $0x280;
	(xrf0) =	vadd.scan.msk.s32 $0xffff, v5;
	v5 =	vsel vm3, $0x1, v2  }
0x50: {  	vm2 =	veq.f32 v24, v26;
	v6 =	vld [tilespmem:s16+$0x30];
	(xrf0) =	vadd.scan.msk.s32 $0xffff, v5  }
0x51: {  	v9 =	vld [tilespmem:s16+$0x10];
	vm1 =	veq.f32 v23, v26;
	v5 =	vsel vm2, $0x1, v2;
	(xrf0) =	vmax.scan.msk.f32 $0xffff, v8;
	v8, _, _ =	vpop (xrf1)  }
0x52: {  	v10 =	vld [tilespmem:s16+$0x20];
	(xrf0) =	vadd.scan.msk.s32 $0xffff, v5;
	v5 =	vsel vm1, $0x1, v2;
	v8 =	vperm.xlane v8, v1;
	_ =	sdelay $0x1  }
0x53: {  	vm5 =	vgt.f32 v7, v26;
	(xrf0) =	vadd.scan.msk.s32 $0xffff, v5  }
0x54: {  	v18 =	vld [tilespmem:s16+$0x0];
	v7 =	vmpcnt.ones.xlane vm5;
	(xrf1) =	vsort.dscd.msk.f32 $0xffff, v6, v0;
	v5, _, _ =	vpop (xrf1)  }
0x55: {  	vm6 =	vgt.f32 v11, v26;
	v28 =	vmpcnt.ones.xlane vm4;
	(xrf1) =	vsort.dscd.msk.f32 $0xffff, v9, v0;
	v5 =	vmax.f32 v5, v8;
	v8, _, _ =	vpop (xrf0)  }
0x56: {  	vm7 =	vgt.f32 v25, v26;
	v29 =	vmpcnt.ones.xlane vm3;
	(xrf1) =	vsort.dscd.msk.f32 $0xffff, v10, v0;
	v8 =	vadd.s32 v7, v8;
	v30, _, _ =	vpop (xrf0)  }
0x57: {  	(xrf1) =	vsort.dscd.msk.f32 $0xffff, v5, v0;
	v5 =	vld [tilespmem:s16+$0xFFFFFFB0];
	v7 =	vadd.s32 v7, v28;
	v28 =	vmpcnt.ones.xlane vm2;
	vm8 =	vlt.s32 v8, $0x9;
	v31, _, _ =	vpop (xrf0)  }
0x58: {  	v8 =	vld [tilespmem:s16+$0xFFFFFF90];
	v30 =	vadd.s32 v30, v7;
	v29 =	vadd.s32 v29, v7;
	vm4 =	vmand vm4, vm8;
	v52, _, _ =	vpop (xrf0)  }
0x59: {  	(xrf1) =	vsort.dscd.msk.f32 $0xffff, v18, v0;
	v28 =	vadd.s32 v28, v29;
	vm4 =	vmor vm6, vm4;
	v29 =	vadd.s32 v52, v29  }
0x5a: {  	s30 =	simm.s32 $0x8080;
	vm5 =	vgt.f32 v24, v26;
	v7 =	vld [tilespmem:s16+$0xFFFFFFA0];
	vm6 =	vlt.s32 v30, $0x9;
	v32 =	vnsel vm4, $0x0, v11  }
0x5b: {  	s29 =	simm.s32 $0x10080;
	vm3 =	vmand vm3, vm6;
	v11 =	vld [tilespmem:s16+$0xFFFFFF80];
	v53 =	vsel vm4, $0x1, v2;
	vm4 =	vlt.s32 v29, $0x9;
	[tilespmem:s30+$0x0] =	vst v32  }
0x5c: {  	vm3 =	vmor vm7, vm3;
	vm2 =	vmand vm2, vm4;
	(xrf1) =	vsort.dscd.msk.f32 $0xffff, v5, v0;
	v29, _, _ =	vpop (xrf0);
	[tilespmem:s29+$0x0] =	vst v53  }
0x5d: {  	v54, _, _ =	vpop (xrf1);
	v25 =	vnsel vm3, $0x0, v25;
	(xrf1) =	vsort.dscd.msk.f32 $0xffff, v8, v0;
	v28 =	vadd.s32 v29, v28;
	v29 =	vsel vm3, $0x1, v2  }
0x5e: {  	[tilespmem:s30+$0x10] =	vst v25;
	v25 =	vperm.xlane v54, v1;
	vm3 =	vlt.s32 v28, $0x9;
	v28 =	vbroadcast v31, $0xF  }
0x5f: {  	v55, _, _ =	vpop (xrf1);
	vm4 =	vgt.f32 v23, v26;
	vm2 =	vmor vm5, vm2;
	(xrf1) =	vsort.dscd.msk.f32 $0xffff, v7, v0  }
0x60: {  	v24 =	vnsel vm2, $0x0, v24;
	v25 =	vmax.f32 v55, v25;
	(xrf1) =	vsort.dscd.msk.f32 $0xffff, v11, v0;
	vm6 =	veq.f32 v22, v28  }
0x61: {  	vm1 =	vmand vm1, vm3;
	vm5 =	veq.f32 v21, v28;
	(xrf1) =	vsort.dscd.msk.f32 $0xffff, v25, v0;
	v25 =	vsel vm6, $0x1, v2  }
0x62: {  	v26 =	vsel vm2, $0x1, v2;
	vm1 =	vmor vm4, vm1;
	v56, _, _ =	vpop (xrf1);
	v33 =	vsel vm5, $0x1, v2;
	(xrf0) =	vadd.scan.msk.s32 $0xffff, v25  }
0x63: {  	vm3 =	veq.f32 v15, v28;
	vm2 =	veq.f32 v12, v28;
	vm7 =	vgt.f32 v22, v28;
	v58, _, _ =	vpop (xrf1);
	(xrf0) =	vadd.scan.msk.s32 $0xffff, v33  }
0x64: {  	[tilespmem:s29+$0x10] =	vst v29;
	vm8 =	vgt.f32 v21, v28;
	vm4 =	vgt.f32 v15, v28;
	v23 =	vnsel vm1, $0x0, v23;
	v34, _, _ =	vpop (xrf1)  }
0x65: {  	[tilespmem:s30+$0x20] =	vst v24;
	v57 =	vsel vm1, $0x1, v2;
	v30 =	vperm.xlane v56, v1;
	vm1 =	vgt.f32 v27, v28;
	v25, _, _ =	vpop (xrf1)  }
0x66: {  	[tilespmem:s29+$0x20] =	vst v26;
	v27 =	vmpcnt.ones.xlane vm6;
	v59 =	vmpcnt.ones.xlane vm1;
	v60 =	vsel vm0, $0xBF800000, v25  }
0x67: {  	v62 =	vmpcnt.ones.xlane vm5;
	v26 =	vmpcnt.ones.xlane vm3;
	v30 =	vmax.f32 v34, v30;
	v61, _, _ =	vpop (xrf1);
	(xrf0) =	vmax.scan.msk.f32 $0xffff, v60  }
0x68: {  	v24 =	vperm.xlane v58, v1;
	[tilespmem:s30+$0x30] =	vst v23;
	v27 =	vadd.s32 v59, v27;
	(xrf1) =	vsort.dscd.msk.f32 $0xffff, v30, v0;
	v23, _, _ =	vpop (xrf0)  }
0x69: {  	vm1 =	vgt.f32 v12, v28;
	v33 =	vadd.s32 v62, v27;
	v23 =	vadd.s32 v59, v23;
	v28, _, _ =	vpop (xrf0)  }
0x6a: {  	v24 =	vmax.f32 v61, v24;
	vm9 =	vlt.s32 v23, $0x9;
	v23 =	vadd.s32 v28, v27  }
0x6b: {  	v63 =	vadd.s32 v26, v33;
	(xrf1) =	vsort.dscd.msk.f32 $0xffff, v24, v0;
	v26, _, _ =	vpop (xrf1)  }
0x6c: {  	v29 =	vsel vm3, $0x1, v2;
	v26 =	vperm.xlane v26, v1;
	v27, _, _ =	vpop (xrf1)  }
0x6d: {  	v35 =	vsel vm2, $0x1, v2;
	(xrf0) =	vadd.scan.msk.s32 $0xffff, v29;
	vm6 =	vmand vm6, vm9;
	vm9 =	vlt.s32 v23, $0x9;
	v23, _, _ =	vpop (xrf0)  }
0x6e: {  	(xrf0) =	vadd.scan.msk.s32 $0xffff, v35;
	v24, _, _ =	vpop (xrf1);
	vm6 =	vmor vm7, vm6;
	vm5 =	vmand vm5, vm9;
	v23 =	vbroadcast v23, $0xF  }
0x6f: {  	v24 =	vmax.f32 v24, v26;
	v22 =	vnsel vm6, $0x0, v22;
	vm5 =	vmor vm8, vm5  }
0x70: {  	v26, _, _ =	vpop (xrf1);
	[tilespmem:s30+$0xFFFFFF80] =	vst v22;
	v22 =	vsel vm6, $0x1, v2;
	v28 =	vnsel vm5, $0x0, v21;
	vm6 =	veq.f32 v20, v23  }
0x71: {  	[tilespmem:s29+$0x30] =	vst v57;
	v27 =	vperm.xlane v27, v1;
	v21, _, _ =	vpop (xrf1);
	(xrf1) =	vsort.dscd.msk.f32 $0xffff, v24, v0;
	v24 =	vsel vm6, $0x1, v2  }
0x72: {  	[tilespmem:s29+$0xFFFFFF80] =	vst v22  }
0x73: {  	v27 =	vmax.f32 v26, v27;
	v22 =	vsel vm5, $0x1, v2;
	v26 =	vsel vm0, $0xBF800000, v21;
	[tilespmem:s30+$0xFFFFFF90] =	vst v28;
	v28, _, _ =	vpop (xrf0)  }
0x74: {  	s31 =	simm.s32 $0x10080;
	vm5 =	veq.f32 v19, v23;
	[tilespmem:s29+$0xFFFFFF90] =	vst v22;
	(xrf0) =	vadd.scan.msk.s32 $0xffff, v24;
	v22 =	vadd.s32 v28, v33;
	v24, _, _ =	vpop (xrf0)  }
0x75: {  	s0 =	simm.s32 $0x8080;
	s1 =	simm.s32 $0x4;
	s16 =	simm.s32 $0x380;
	(xrf1) =	vsort.dscd.msk.f32 $0xffff, v27, v0;
	v27 =	vsel vm5, $0x1, v2;
	vm9 =	vlt.s32 v22, $0x9;
	v24 =	vadd.s32 v24, v63  }
.LBB2_2:
0x76: {  	v29, _, _ =	vpop (xrf1);
	vm7 =	veq.f32 v17, v23;
	(xrf0) =	vadd.scan.msk.s32 $0xffff, v27;
	vm9 =	vmand vm3, vm9;
	vm3 =	vlt.s32 v24, $0x9  }
0x77: {  	v28 =	vld [tilespmem:s16+$0x30];
	v22 =	vmovc v5;
	v24 =	vmovc v13;
	v13 =	vmov v8;
	v27 =	vmov v15;
	v15 =	vmov v3  }
0x78: {  	v3 =	vmovc v7;
	v30 =	vld [tilespmem:s16+$0x10];
	v8 =	vperm.xlane v29, v1;
	v5 =	vsel vm7, $0x1, v2;
	(xrf0) =	vmax.scan.msk.f32 $0xffff, v26;
	vm3 =	vmand vm2, vm3  }
0x79: {  	vm10 =	vgt.f32 v25, v23;
	vm8 =	veq.f32 v16, v23;
	vm2 =	vmor vm4, vm9;
	v29 =	vld [tilespmem:s16+$0x20];
	v7, _, _ =	vpop (xrf1);
	(xrf0) =	vadd.scan.msk.s32 $0xffff, v5  }
0x7a: {  	v31 =	vmpcnt.ones.xlane vm10;
	v26 =	vmovc v14;
	v14 =	vmovc v11;
	v5 =	vld [tilespmem:s16+$0xFFFFFFB0];
	v25 =	vmax.f32 v7, v8;
	v7 =	vsel vm8, $0x1, v2  }
0x7b: {  	vm10 =	vgt.f32 v20, v23;
	v11 =	vmpcnt.ones.xlane vm6;
	vm9 =	vgt.f32 v19, v23;
	v32 =	vld [tilespmem:s16+$0x0];
	v33, _, _ =	vpop (xrf0);
	(xrf0) =	vadd.scan.msk.s32 $0xffff, v7  }
0x7c: {  	v36 =	vmpcnt.ones.xlane vm5;
	vm4 =	vgt.f32 v17, v23;
	v8 =	vld [tilespmem:s16+$0xFFFFFF90];
	(xrf1) =	vsort.dscd.msk.f32 $0xffff, v28, v0;
	v33 =	vadd.s32 v31, v33  }
0x7d: {  	v37 =	vmpcnt.ones.xlane vm7;
	v31 =	vadd.s32 v31, v11;
	v7 =	vld [tilespmem:s16+$0xFFFFFFA0];
	(xrf1) =	vsort.dscd.msk.f32 $0xffff, v30, v0;
	vm11 =	vlt.s32 v33, $0x9;
	v35, _, _ =	vpop (xrf0)  }
0x7e: {  	v11 =	vld [tilespmem:s16+$0xFFFFFF80];
	(xrf1) =	vsort.dscd.msk.f32 $0xffff, v29, v0;
	vm6 =	vmand vm6, vm11;
	v35 =	vadd.s32 v35, v31;
	v31 =	vadd.s32 v36, v31;
	v34, _, _ =	vpop (xrf0)  }
0x7f: {  	(xrf1) =	vsort.dscd.msk.f32 $0xffff, v25, v0;
	vm6 =	vmor vm10, vm6;
	vm10 =	vlt.s32 v35, $0x9;
	v25 =	vadd.s32 v37, v31;
	v33, _, _ =	vpop (xrf0)  }
0x80: {  	s30 =	sadd.s32 $0x100, s30;
	(xrf1) =	vsort.dscd.msk.f32 $0xffff, v32, v0;
	v35 =	vnsel vm6, $0x0, v20;
	vm5 =	vmand vm5, vm10;
	v36 =	vadd.s32 v33, v31;
	v20 =	vmovc v18  }
0x81: {  	s29 =	sadd.s32 $0x100, s29;
	v18 =	vsel vm6, $0x1, v2;
	[tilespmem:s30+$0x0] =	vst v35;
	vm5 =	vmor vm9, vm5;
	vm6 =	vlt.s32 v36, $0x9;
	v31, _, _ =	vpop (xrf0)  }
0x82: {  	s1 =	sadd.s32 $0x2, s1;
	v33, _, _ =	vpop (xrf1);
	[tilespmem:s29+$0x0] =	vst v18;
	v18 =	vnsel vm5, $0x0, v19;
	vm6 =	vmand vm7, vm6;
	v31 =	vadd.s32 v31, v25  }
0x83: {  	p0 =	slt.u32 s1, $0x7E;
	v19 =	vmovc v9;
	v9 =	vmovc v30;
	[tilespmem:s30+$0x10] =	vst v18;
	v18 =	vsel vm5, $0x1, v2;
	vm4 =	vmor vm4, vm6;
	vm5 =	vlt.s32 v31, $0x9  }
0x84: {  	vm6 =	vgt.f32 v16, v23;
	v25, _, _ =	vpop (xrf1);
	[tilespmem:s29+$0x10] =	vst v18;
	v30 =	vnsel vm4, $0x0, v17;
	vm5 =	vmand vm8, vm5  }
0x85: {  	v18 =	vsel vm4, $0x1, v2;
	v17 =	vmovc v10;
	(xrf1) =	vsort.dscd.msk.f32 $0xffff, v5, v0;
	[tilespmem:s30+$0x20] =	vst v30;
	vm4 =	vmor vm6, vm5  }
0x86: {  	v23 =	vperm.xlane v33, v1;
	(xrf1) =	vsort.dscd.msk.f32 $0xffff, v8, v0;
	[tilespmem:s29+$0x20] =	vst v18;
	v31 =	vnsel vm4, $0x0, v16;
	v16 =	vmovc v6  }
0x87: {  	vm7 =	vmor vm1, vm3;
	v10 =	vmovc v29;
	v30 =	vbroadcast v34, $0xF;
	v6 =	vmovc v28;
	[tilespmem:s30+$0x30] =	vst v31;
	v31 =	vsel vm4, $0x1, v2  }
0x88: {  	v27 =	vnsel vm2, $0x0, v27;
	v23 =	vmax.f32 v25, v23;
	v18 =	vmovc v32;
	(xrf1) =	vsort.dscd.msk.f32 $0xffff, v7, v0;
	[tilespmem:s29+$0x30] =	vst v31  }
0x89: {  	v28 =	vsel vm2, $0x1, v2;
	vm6 =	veq.f32 v26, v30;
	vm5 =	veq.f32 v24, v30;
	(xrf1) =	vsort.dscd.msk.f32 $0xffff, v11, v0  }
0x8a: {  	vm3 =	veq.f32 v15, v30;
	vm2 =	veq.f32 v4, v30;
	v33 =	vsel vm6, $0x1, v2;
	v25, _, _ =	vpop (xrf1);
	(xrf1) =	vsort.dscd.msk.f32 $0xffff, v23, v0  }
0x8b: {  	v31 =	vsel vm5, $0x1, v2;
	v32 =	vsel vm3, $0x1, v2;
	v34 =	vperm.xlane v25, v1;
	v29, _, _ =	vpop (xrf1);
	(xrf0) =	vadd.scan.msk.s32 $0xffff, v33  }
0x8c: {  	vm1 =	vgt.f32 v21, v30;
	v21 =	vmpcnt.ones.xlane vm6;
	v33 =	vsel vm2, $0x1, v2;
	v23, _, _ =	vpop (xrf1);
	(xrf0) =	vadd.scan.msk.s32 $0xffff, v31  }
0x8d: {  	v29 =	vperm.xlane v29, v1;
	v31 =	vmpcnt.ones.xlane vm1;
	v23 =	vmax.f32 v23, v34;
	v25, _, _ =	vpop (xrf1);
	[tilespmem:s0+$0xFFFFFFA0] =	vst v27  }
0x8e: {  	v35 =	vmpcnt.ones.xlane vm3;
	v34 =	vmpcnt.ones.xlane vm5;
	v27, _, _ =	vpop (xrf1);
	(xrf1) =	vsort.dscd.msk.f32 $0xffff, v23, v0;
	v23 =	vsel vm0, $0xBF800000, v25  }
0x8f: {  	vm9 =	vgt.f32 v26, v30;
	v21 =	vadd.s32 v31, v21;
	v27 =	vmax.f32 v27, v29;
	(xrf0) =	vmax.scan.msk.f32 $0xffff, v23  }
0x90: {  	vm8 =	vgt.f32 v24, v30;
	(xrf1) =	vsort.dscd.msk.f32 $0xffff, v27, v0;
	v27 =	vadd.s32 v34, v21;
	v34 =	vnsel vm7, $0x0, v12  }
0x91: {  	vm4 =	vgt.f32 v15, v30;
	vm1 =	vgt.f32 v4, v30;
	v29 =	vadd.s32 v35, v27;
	v23, _, _ =	vpop (xrf0);
	[tilespmem:s31+$0xFFFFFFA0] =	vst v28  }
0x92: {  	v30 =	vsel vm7, $0x1, v2;
	v12 =	vmov v4;
	v31 =	vadd.s32 v31, v23;
	v28, _, _ =	vpop (xrf0);
	[tilespmem:s0+$0xFFFFFFB0] =	vst v34;
	s0 =	smov.u32 s30  }
0x93: {  	v4, _, _ =	vpop (xrf1);
	vm7 =	vlt.s32 v31, $0x9;
	v21 =	vadd.s32 v28, v21;
	(xrf0) =	vadd.scan.msk.s32 $0xffff, v32;
	[tilespmem:s31+$0xFFFFFFB0] =	vst v30;
	s31 =	smov.u32 s29  }
0x94: {  	v4 =	vperm.xlane v4, v1;
	v23, _, _ =	vpop (xrf1);
	vm6 =	vmand vm6, vm7;
	vm7 =	vlt.s32 v21, $0x9;
	(xrf0) =	vadd.scan.msk.s32 $0xffff, v33  }
0x95: {  	v30 =	vperm.xlane v23, v1;
	v23, _, _ =	vpop (xrf0);
	vm6 =	vmor vm9, vm6;
	vm5 =	vmand vm5, vm7  }
0x96: {  	v28, _, _ =	vpop (xrf1);
	v23 =	vbroadcast v23, $0xF;
	v26 =	vnsel vm6, $0x0, v26;
	vm5 =	vmor vm8, vm5  }
.Ltmp0:
0x97: {  	v4 =	vmax.f32 v28, v4;
	v28, _, _ =	vpop (xrf1);
	[tilespmem:s30+$0xFFFFFF80] =	vst v26;
	v26 =	vsel vm6, $0x1, v2;
	v31 =	vnsel vm5, $0x0, v24;
	(pc) =	sbr.rel @p0 .LBB2_2-.Ltmp0, $4  }
0x98: {  	v28 =	vmax.f32 v28, v30;
	vm6 =	veq.f32 v20, v23;
	v21, _, _ =	vpop (xrf1);
	[tilespmem:s29+$0xFFFFFF80] =	vst v26;
	v30 =	vsel vm5, $0x1, v2  }
0x99: {  	(xrf1) =	vsort.dscd.msk.f32 $0xffff, v4, v0;
	v26 =	vsel vm0, $0xBF800000, v21;
	v32 =	vsel vm6, $0x1, v2;
	[tilespmem:s30+$0xFFFFFF90] =	vst v31;
	v24, _, _ =	vpop (xrf0)  }
0x9a: {  	vm5 =	veq.f32 v19, v23;
	(xrf0) =	vadd.scan.msk.s32 $0xffff, v32;
	[tilespmem:s29+$0xFFFFFF90] =	vst v30;
	v30 =	vadd.s32 v24, v27;
	v24, _, _ =	vpop (xrf0)  }
0x9b: {  	s16 =	sadd.s32 $0x100, s16;
	v27 =	vsel vm5, $0x1, v2;
	v4 =	vmovc v22;
	(xrf1) =	vsort.dscd.msk.f32 $0xffff, v28, v0;
	vm9 =	vlt.s32 v30, $0x9;
	v24 =	vadd.s32 v24, v29  }
0x9c: {  	v22, _, _ =	vpop (xrf1)  }
0x9d: {  	vm8 =	veq.f32 v17, v23;
	(xrf0) =	vadd.scan.msk.s32 $0xffff, v27;
	v22 =	vperm.xlane v22, v1  }
0x9e: {  	vm3 =	vmand vm3, vm9;
	vm7 =	vlt.s32 v24, $0x9;
	vm9 =	vgt.f32 v25, v23;
	(xrf0) =	vmax.scan.msk.f32 $0xffff, v26;
	v26, _, _ =	vpop (xrf1)  }
0x9f: {  	v25 =	vmpcnt.ones.xlane vm6;
	v27 =	vsel vm8, $0x1, v2;
	v22 =	vmax.f32 v26, v22  }
0xa0: {  	vm2 =	vmand vm2, vm7;
	vm7 =	veq.f32 v16, v23;
	(xrf1) =	vsort.dscd.msk.f32 $0xffff, v22, v0;
	v22 =	vmpcnt.ones.xlane vm9  }
0xa1: {  	(xrf0) =	vadd.scan.msk.s32 $0xffff, v27;
	v24 =	vsel vm7, $0x1, v2;
	v26, _, _ =	vpop (xrf0)  }
0xa2: {  	(xrf0) =	vadd.scan.msk.s32 $0xffff, v24;
	v24 =	vadd.s32 v22, v26;
	v26 =	vmpcnt.ones.xlane vm5  }
0xa3: {  	v22 =	vadd.s32 v22, v25;
	v25, _, _ =	vpop (xrf0)  }
0xa4: {  	v25 =	vadd.s32 v25, v22  }
0xa5: {  	vm3 =	vmor vm4, vm3;
	vm4 =	vgt.f32 v20, v23;
	vm11 =	vlt.s32 v24, $0x9  }
0xa6: {  	v24 =	vmpcnt.ones.xlane vm8;
	vm6 =	vmand vm6, vm11;
	v22 =	vadd.s32 v26, v22;
	v26, _, _ =	vpop (xrf0)  }
0xa7: {  	vm4 =	vmor vm4, vm6;
	vm6 =	vlt.s32 v25, $0x9;
	v25, _, _ =	vpop (xrf0)  }
0xa8: {  	v24 =	vadd.s32 v24, v22;
	v22 =	vadd.s32 v25, v22;
	_ =	sdelay $0x1  }
0xa9: {  	vm9 =	vgt.f32 v19, v23;
	v20 =	vnsel vm4, $0x0, v20;
	vm5 =	vmand vm5, vm6  }
0xaa: {  	v25 =	vsel vm4, $0x1, v2;
	vm4 =	vmor vm9, vm5;
	vm5 =	vlt.s32 v22, $0x9;
	v22, _, _ =	vpop (xrf1)  }
0xab: {  	vm10 =	vgt.f32 v17, v23;
	v26 =	vbroadcast v26, $0xF;
	v22 =	vperm.xlane v22, v1  }
0xac: {  	v15 =	vnsel vm3, $0x0, v15;
	v29 =	vsel vm3, $0x1, v2;
	vm5 =	vmand vm8, vm5;
	v28, _, _ =	vpop (xrf1)  }
0xad: {  	v27, _, _ =	vpop (xrf0);
	vm6 =	vmor vm10, vm5;
	vm5 =	veq.f32 v14, v26;
	v22 =	vmax.f32 v28, v22  }
0xae: {  	v19 =	vnsel vm4, $0x0, v19;
	v24 =	vadd.s32 v27, v24;
	(xrf1) =	vsort.dscd.msk.f32 $0xffff, v22, v0;
	v22 =	vsel vm5, $0x1, v2  }
0xaf: {  	s1 =	sadd.s32 $0x100, s30;
	v27 =	vsel vm4, $0x1, v2;
	vm3 =	veq.f32 v3, v26;
	vm4 =	vlt.s32 v24, $0x9  }
0xb0: {  	[tilespmem:s1+$0x0] =	vst v20;
	vm9 =	vgt.f32 v13, v26;
	vm7 =	vmand vm7, vm4;
	vm4 =	veq.f32 v13, v26  }
0xb1: {  	vm8 =	vgt.f32 v16, v23;
	v17 =	vnsel vm6, $0x0, v17;
	v24 =	vsel vm4, $0x1, v2;
	(xrf0) =	vadd.scan.msk.s32 $0xffff, v22;
	v22, _, _ =	vpop (xrf1)  }
0xb2: {  	v23 =	vsel vm6, $0x1, v2;
	vm6 =	vmor vm8, vm7;
	(xrf0) =	vadd.scan.msk.s32 $0xffff, v24;
	v24 =	vsel vm0, $0xBF800000, v22  }
0xb3: {  	s16 =	sadd.s32 $0x100, s29;
	v20 =	vsel vm3, $0x1, v2;
	v30 =	vmpcnt.ones.xlane vm3;
	v16 =	vnsel vm6, $0x0, v16;
	(xrf0) =	vmax.scan.msk.f32 $0xffff, v24  }
0xb4: {  	[tilespmem:s16+$0x0] =	vst v25;
	v28 =	vsel vm6, $0x1, v2;
	vm6 =	vmor vm1, vm2;
	vm1 =	vgt.f32 v21, v26  }
0xb5: {  	[tilespmem:s1+$0x10] =	vst v19;
	vm2 =	veq.f32 v4, v26;
	v21 =	vmpcnt.ones.xlane vm5;
	v24 =	vmpcnt.ones.xlane vm1  }
0xb6: {  	[tilespmem:s16+$0x10] =	vst v27;
	v25 =	vmpcnt.ones.xlane vm4;
	vm8 =	vgt.f32 v14, v26;
	v19 =	vsel vm2, $0x1, v2  }
0xb7: {  	vm7 =	vgt.f32 v3, v26;
	v12 =	vnsel vm6, $0x0, v12;
	(xrf0) =	vadd.scan.msk.s32 $0xffff, v20;
	v21 =	vadd.s32 v24, v21;
	v27, _, _ =	vpop (xrf0)  }
0xb8: {  	[tilespmem:s1+$0x20] =	vst v17;
	vm1 =	vgt.f32 v4, v26;
	v25 =	vadd.s32 v25, v21;
	v31, _, _ =	vpop (xrf0);
	v24 =	vadd.s32 v24, v27  }
0xb9: {  	(xrf0) =	vadd.scan.msk.s32 $0xffff, v19;
	vm10 =	vlt.s32 v24, $0x9;
	v17 =	vadd.s32 v31, v21;
	v21 =	vsel vm6, $0x1, v2;
	v19, _, _ =	vpop (xrf0)  }
0xba: {  	vm5 =	vmand vm5, vm10;
	vm6 =	vlt.s32 v17, $0x9;
	v19 =	vbroadcast v19, $0xF  }
0xbb: {  	[tilespmem:s0+$0xFFFFFFA0] =	vst v15;
	v20 =	vadd.s32 v30, v25;
	vm5 =	vmor vm8, vm5;
	vm4 =	vmand vm4, vm6  }
0xbc: {  	[tilespmem:s16+$0x20] =	vst v23;
	v14 =	vnsel vm5, $0x0, v14;
	vm4 =	vmor vm9, vm4;
	vm8 =	veq.f32 v18, v19  }
0xbd: {  	[tilespmem:s1+$0x30] =	vst v16;
	v23 =	vsel vm5, $0x1, v2;
	v24, _, _ =	vpop (xrf0);
	v13 =	vnsel vm4, $0x0, v13;
	v17 =	vsel vm8, $0x1, v2  }
0xbe: {  	v15 =	vsel vm4, $0x1, v2;
	v16, _, _ =	vpop (xrf1);
	vm6 =	veq.f32 v9, v19;
	vm5 =	veq.f32 v10, v19;
	(xrf0) =	vadd.scan.msk.s32 $0xffff, v17  }
0xbf: {  	vm10 =	vgt.f32 v22, v19;
	v17 =	vadd.s32 v24, v25;
	v24, _, _ =	vpop (xrf0);
	v25 =	vsel vm6, $0x1, v2  }
0xc0: {  	v26 =	vsel vm0, $0xBF800000, v16;
	vm4 =	vlt.s32 v17, $0x9;
	v17 =	vadd.s32 v24, v20;
	(xrf0) =	vadd.scan.msk.s32 $0xffff, v25  }
0xc1: {  	vm9 =	vmand vm3, vm4;
	vm3 =	vlt.s32 v17, $0x9;
	v17 =	vsel vm5, $0x1, v2;
	(xrf0) =	vmax.scan.msk.f32 $0xffff, v26  }
0xc2: {  	[tilespmem:s31+$0xFFFFFFA0] =	vst v29;
	(xrf0) =	vadd.scan.msk.s32 $0xffff, v17;
	v17 =	vmpcnt.ones.xlane vm10  }
0xc3: {  	[tilespmem:s0+$0xFFFFFFB0] =	vst v12;
	v20 =	vmpcnt.ones.xlane vm8;
	vm4 =	veq.f32 v6, v19  }
0xc4: {  	[tilespmem:s1+$0xFFFFFF80] =	vst v14;
	v14 =	vmpcnt.ones.xlane vm5;
	v12 =	vsel vm4, $0x1, v2;
	v22, _, _ =	vpop (xrf0)  }
0xc5: {  	(xrf0) =	vadd.scan.msk.s32 $0xffff, v12;
	v12 =	vadd.s32 v17, v22;
	v22 =	vmpcnt.ones.xlane vm6  }
0xc6: {  	vm3 =	vmand vm2, vm3;
	vm11 =	vlt.s32 v12, $0x9;
	v12 =	vadd.s32 v17, v20;
	v17, _, _ =	vpop (xrf0)  }
0xc7: {  	[tilespmem:s16+$0xFFFFFF80] =	vst v23;
	vm2 =	vmor vm7, vm9;
	v17 =	vadd.s32 v17, v12;
	v12 =	vadd.s32 v22, v12;
	v20, _, _ =	vpop (xrf0)  }
0xc8: {  	[tilespmem:s1+$0xFFFFFF90] =	vst v13;
	vm9 =	vgt.f32 v18, v19;
	vm8 =	vmand vm8, vm11;
	v13 =	vadd.s32 v14, v12;
	v14, _, _ =	vpop (xrf0)  }
0xc9: {  	vm8 =	vmor vm9, vm8;
	vm9 =	vlt.s32 v17, $0x9;
	v12 =	vadd.s32 v14, v12  }
0xca: {  	vm10 =	vgt.f32 v9, v19;
	vm7 =	vgt.f32 v10, v19;
	vm6 =	vmand vm6, vm9  }
0xcb: {  	[tilespmem:s16+$0xFFFFFF90] =	vst v15;
	v15 =	vbroadcast v20, $0xF;
	v17 =	vnsel vm8, $0x0, v18;
	vm6 =	vmor vm10, vm6  }
0xcc: {  	s0 =	sadd.s32 $0x100, s1;
	v14 =	vsel vm8, $0x1, v2;
	vm8 =	vlt.s32 v12, $0x9;
	v9 =	vnsel vm6, $0x0, v9;
	v12, _, _ =	vpop (xrf0)  }
0xcd: {  	s29 =	sadd.s32 $0x100, s16;
	[tilespmem:s0+$0x0] =	vst v17;
	vm5 =	vmand vm5, vm8;
	v12 =	vadd.s32 v12, v13;
	v13 =	vsel vm6, $0x1, v2  }
0xce: {  	[tilespmem:s29+$0x0] =	vst v14;
	vm6 =	vmor vm7, vm5;
	vm5 =	veq.f32 v11, v15;
	vm7 =	vlt.s32 v12, $0x9  }
0xcf: {  	vm8 =	vgt.f32 v6, v19;
	[tilespmem:s0+$0x10] =	vst v9;
	v9 =	vsel vm5, $0x1, v2;
	vm4 =	vmand vm4, vm7  }
0xd0: {  	[tilespmem:s29+$0x10] =	vst v13;
	v10 =	vnsel vm6, $0x0, v10;
	vm7 =	vmor vm8, vm4;
	vm4 =	veq.f32 v8, v15  }
0xd1: {  	(xrf0) =	vadd.scan.msk.s32 $0xffff, v9;
	[tilespmem:s0+$0x20] =	vst v10;
	v10 =	vsel vm4, $0x1, v2  }
0xd2: {  	(xrf0) =	vadd.scan.msk.s32 $0xffff, v10  }
0xd3: {  	v9 =	vsel vm6, $0x1, v2;
	vm6 =	vmor vm1, vm3;
	vm3 =	veq.f32 v7, v15  }
0xd4: {  	v3 =	vnsel vm2, $0x0, v3;
	vm1 =	veq.f32 v5, v15;
	[tilespmem:s29+$0x20] =	vst v9;
	v9 =	vsel vm3, $0x1, v2  }
0xd5: {  	[tilespmem:s1+$0xFFFFFFA0] =	vst v3;
	v6 =	vnsel vm7, $0x0, v6;
	v12 =	vsel vm7, $0x1, v2;
	vm7 =	vgt.f32 v16, v15  }
0xd6: {  	v3 =	vnsel vm6, $0x0, v4;
	v10 =	vmpcnt.ones.xlane vm5;
	v13 =	vmpcnt.ones.xlane vm7;
	(xrf0) =	vadd.scan.msk.s32 $0xffff, v9  }
0xd7: {  	[tilespmem:s16+$0x30] =	vst v28;
	vm8 =	vgt.f32 v7, v15;
	v14 =	vmpcnt.ones.xlane vm4;
	v9 =	vsel vm1, $0x1, v2;
	v17, _, _ =	vpop (xrf0)  }
0xd8: {  	v16 =	vmpcnt.ones.xlane vm3;
	[tilespmem:s0+$0x30] =	vst v6;
	v10 =	vadd.s32 v13, v10;
	(xrf0) =	vadd.scan.msk.s32 $0xffff, v9;
	v4, _, _ =	vpop (xrf0)  }
0xd9: {  	v6 =	vsel vm2, $0x1, v2;
	[tilespmem:s29+$0x30] =	vst v12;
	v12 =	vadd.s32 v13, v17;
	v4 =	vadd.s32 v4, v10  }
0xda: {  	vm2 =	vgt.f32 v11, v15;
	vm7 =	vgt.f32 v8, v15;
	[tilespmem:s16+$0xFFFFFFA0] =	vst v6;
	vm9 =	vlt.s32 v12, $0x9  }
0xdb: {  	[tilespmem:s1+$0xFFFFFFB0] =	vst v3;
	v3 =	vsel vm6, $0x1, v2;
	v9 =	vadd.s32 v14, v10;
	vm5 =	vmand vm5, vm9  }
0xdc: {  	[tilespmem:s31+$0xFFFFFFB0] =	vst v21;
	v12 =	vadd.s32 v16, v9;
	vm2 =	vmor vm2, vm5;
	vm6 =	vlt.s32 v4, $0x9;
	v4, _, _ =	vpop (xrf0)  }
0xdd: {  	[tilespmem:s16+$0xFFFFFFB0] =	vst v3;
	v3 =	vnsel vm2, $0x0, v11;
	vm4 =	vmand vm4, vm6;
	v4 =	vadd.s32 v4, v9  }
0xde: {  	[tilespmem:s0+$0xFFFFFF80] =	vst v3;
	v3 =	vsel vm2, $0x1, v2;
	vm4 =	vmor vm7, vm4;
	v6, _, _ =	vpop (xrf0);
	vm2 =	vlt.s32 v4, $0x9  }
0xdf: {  	[tilespmem:s29+$0xFFFFFF80] =	vst v3;
	v4 =	vnsel vm4, $0x0, v8;
	v3 =	vadd.s32 v6, v12;
	vm2 =	vmand vm3, vm2  }
0xe0: {  	v6 =	vsel vm4, $0x1, v2;
	[tilespmem:s0+$0xFFFFFF90] =	vst v4;
	vm3 =	vlt.s32 v3, $0x9;
	vm2 =	vmor vm8, vm2  }
0xe1: {  	vm4 =	vgt.f32 v5, v15;
	[tilespmem:s29+$0xFFFFFF90] =	vst v6;
	vm1 =	vmand vm1, vm3;
	v3 =	vnsel vm2, $0x0, v7  }
0xe2: {  	vm1 =	vmor vm4, vm1;
	v4 =	vsel vm2, $0x1, v2;
	[tilespmem:s0+$0xFFFFFFA0] =	vst v3  }
0xe3: {  	v3 =	vnsel vm1, $0x0, v5;
	[tilespmem:s29+$0xFFFFFFA0] =	vst v4  }
0xe4: {  	[tilespmem:s0+$0xFFFFFFB0] =	vst v3;
	v3 =	vsel vm1, $0x1, v2  }
0xe5: {  	[tilespmem:s29+$0xFFFFFFB0] =	vst v3  }
0xe6: {  	[hbm4b:s5+s2] =	stream.linear.scatter [tilespmem:s18], [sflag:$0x3], $0x4000, $0x38;
	[tilespmem:$0x18000] =	vst v63  }
0xe7: {  	_ = 	snop  }
0xe8: {  	[hbm4b:s6+s2] =	stream.linear.scatter [tilespmem:s19], [sflag:$0x5], $0x4000, $0x38;
	[tilespmem:$0x18000] =	vst v63  }
0xe9: {  	_ = 	snop  }
0xea: {  	[tilespmem:s2], [sflag:$0x1] =	stream.linear.gather [hbm4b:s7+s2], $0x4000, $0x38;
	[tilespmem:$0x18000] =	vst v63  }
0xeb: {  	_ =	swait.ge [sflag:s20], $0x4000  }
0xec: {  	[sflag:s20] =	ssyncset.done $0x0  }
0xed: {  	s16 =	simm.s32 $0x4080;
	[sflag:s20] =	ssyncadd.s32 $0xFFFFC000  }
0xee: {  	v23 =	vld [tilespmem:s16+$0x30]  }
0xef: {  	v25 =	vld [tilespmem:s16+$0x10]  }
0xf0: {  	v24 =	vld [tilespmem:s16+$0x20];
	_ =	sdelay $0x1  }
0xf1: {  	v11 =	vld [tilespmem:s16+$0x0]  }
0xf2: {  	(xrf1) =	vsort.dscd.msk.f32 $0xffff, v23, v0  }
0xf3: {  	(xrf1) =	vsort.dscd.msk.f32 $0xffff, v25, v0  }
0xf4: {  	(xrf1) =	vsort.dscd.msk.f32 $0xffff, v24, v0;
	_ =	sdelay $0x1  }
0xf5: {  	(xrf1) =	vsort.dscd.msk.f32 $0xffff, v11, v0;
	_ =	sdelay $0x1  }
0xf6: {  	v12 =	vld [tilespmem:s16+$0xFFFFFFB0]  }
0xf7: {  	v21 =	vld [tilespmem:s16+$0xFFFFFF90]  }
0xf8: {  	v15 =	vld [tilespmem:s16+$0xFFFFFFA0]  }
0xf9: {  	v22 =	vld [tilespmem:s16+$0xFFFFFF80];
	_ =	sdelay $0x1  }
0xfa: {  	(xrf1) =	vsort.dscd.msk.f32 $0xffff, v12, v0  }
0xfb: {  	(xrf1) =	vsort.dscd.msk.f32 $0xffff, v21, v0  }
0xfc: {  	(xrf1) =	vsort.dscd.msk.f32 $0xffff, v15, v0  }
0xfd: {  	(xrf1) =	vsort.dscd.msk.f32 $0xffff, v22, v0;
	v3, _, _ =	vpop (xrf1)  }
0xfe: {  	v3 =	vperm.xlane v3, v1;
	v4, _, _ =	vpop (xrf1)  }
0xff: {  	v5, _, _ =	vpop (xrf1)  }
0x100: {  	v4 =	vperm.xlane v4, v1;
	v3 =	vmax.f32 v5, v3  }
0x101: {  	v5, _, _ =	vpop (xrf1);
	(xrf1) =	vsort.dscd.msk.f32 $0xffff, v3, v0  }
0x102: {  	v3 =	vmax.f32 v5, v4  }
0x103: {  	(xrf1) =	vsort.dscd.msk.f32 $0xffff, v3, v0;
	_ =	sdelay $0x4  }
0x104: {  	s1 =	simm.s32 $0x4180;
	v3, _, _ =	vpop (xrf1)  }
0x105: {  	v16 =	vld [tilespmem:s1+$0x30];
	v3 =	vperm.xlane v3, v1;
	v4, _, _ =	vpop (xrf1)  }
0x106: {  	v19 =	vld [tilespmem:s1+$0x10];
	v4 =	vperm.xlane v4, v1;
	v5, _, _ =	vpop (xrf1)  }
0x107: {  	v17 =	vld [tilespmem:s1+$0x20];
	v3 =	vmax.f32 v5, v3;
	v5, _, _ =	vpop (xrf1)  }
0x108: {  	v4 =	vmax.f32 v5, v4;
	(xrf1) =	vsort.dscd.msk.f32 $0xffff, v3, v0  }
0x109: {  	(xrf1) =	vsort.dscd.msk.f32 $0xffff, v4, v0  }
0x10a: {  	(xrf1) =	vsort.dscd.msk.f32 $0xffff, v16, v0  }
0x10b: {  	(xrf1) =	vsort.dscd.msk.f32 $0xffff, v19, v0;
	v3, _, _ =	vpop (xrf1)  }
0x10c: {  	v20 =	vld [tilespmem:s1+$0x0];
	(xrf1) =	vsort.dscd.msk.f32 $0xffff, v17, v0;
	v3 =	vperm.xlane v3, v1  }
0x10d: {  	v4, _, _ =	vpop (xrf1)  }
0x10e: {  	v3 =	vmax.f32 v4, v3  }
0x10f: {  	(xrf1) =	vsort.dscd.msk.f32 $0xffff, v3, v0  }
0x110: {  	v4 =	vld [tilespmem:s1+$0xFFFFFFB0]  }
0x111: {  	v13 =	vld [tilespmem:s1+$0xFFFFFF90];
	(xrf1) =	vsort.dscd.msk.f32 $0xffff, v20, v0;
	_ =	sdelay $0x1  }
0x112: {  	v3 =	vld [tilespmem:s1+$0xFFFFFFA0]  }
0x113: {  	v14 =	vld [tilespmem:s1+$0xFFFFFF80]  }
0x114: {  	(xrf1) =	vsort.dscd.msk.f32 $0xffff, v4, v0  }
0x115: {  	v5, _, _ =	vpop (xrf1);
	(xrf1) =	vsort.dscd.msk.f32 $0xffff, v13, v0  }
0x116: {  	v6, _, _ =	vpop (xrf1);
	v5 =	vperm.xlane v5, v1  }
0x117: {  	v7, _, _ =	vpop (xrf1);
	(xrf1) =	vsort.dscd.msk.f32 $0xffff, v3, v0  }
0x118: {  	v8, _, _ =	vpop (xrf1);
	v5 =	vmax.f32 v6, v5;
	(xrf1) =	vsort.dscd.msk.f32 $0xffff, v14, v0  }
0x119: {  	v6, _, _ =	vpop (xrf1);
	(xrf1) =	vsort.dscd.msk.f32 $0xffff, v5, v0  }
0x11a: {  	v5 =	vperm.xlane v7, v1;
	_ =	sdelay $0x1  }
0x11b: {  	v5 =	vmax.f32 v6, v5;
	v7, _, _ =	vpop (xrf1)  }
0x11c: {  	v8 =	vperm.xlane v8, v1;
	(xrf1) =	vsort.dscd.msk.f32 $0xffff, v5, v0;
	v9 =	vsel vm0, $0xBF800000, v7  }
0x11d: {  	v6, _, _ =	vpop (xrf1);
	(xrf0) =	vmax.scan.msk.f32 $0xffff, v9  }
0x11e: {  	v5 =	vmax.f32 v6, v8;
	_ =	sdelay $0x1  }
0x11f: {  	(xrf1) =	vsort.dscd.msk.f32 $0xffff, v5, v0  }
0x120: {  	v5, _, _ =	vpop (xrf1)  }
0x121: {  	v8, _, _ =	vpop (xrf1)  }
0x122: {  	v5 =	vperm.xlane v5, v1;
	v6, _, _ =	vpop (xrf0)  }
0x123: {  	v8 =	vperm.xlane v8, v1;
	v26 =	vbroadcast v6, $0xF;
	v6, _, _ =	vpop (xrf1)  }
0x124: {  	v5 =	vmax.f32 v6, v5;
	v6, _, _ =	vpop (xrf1)  }
0x125: {  	vm4 =	veq.f32 v11, v26;
	(xrf1) =	vsort.dscd.msk.f32 $0xffff, v5, v0;
	v6 =	vmax.f32 v6, v8;
	v27, _, _ =	vpop (xrf1)  }
0x126: {  	vm3 =	veq.f32 v25, v26;
	v5 =	vsel vm4, $0x1, v2;
	(xrf1) =	vsort.dscd.msk.f32 $0xffff, v6, v0;
	v8 =	vsel vm0, $0xBF800000, v27  }
0x127: {  	s16 =	simm.s32 $0x4280;
	(xrf0) =	vadd.scan.msk.s32 $0xffff, v5;
	v5 =	vsel vm3, $0x1, v2  }
0x128: {  	vm2 =	veq.f32 v24, v26;
	v6 =	vld [tilespmem:s16+$0x30];
	(xrf0) =	vadd.scan.msk.s32 $0xffff, v5  }
0x129: {  	v9 =	vld [tilespmem:s16+$0x10];
	vm1 =	veq.f32 v23, v26;
	v5 =	vsel vm2, $0x1, v2;
	(xrf0) =	vmax.scan.msk.f32 $0xffff, v8;
	v8, _, _ =	vpop (xrf1)  }
0x12a: {  	v10 =	vld [tilespmem:s16+$0x20];
	(xrf0) =	vadd.scan.msk.s32 $0xffff, v5;
	v5 =	vsel vm1, $0x1, v2;
	v8 =	vperm.xlane v8, v1;
	_ =	sdelay $0x1  }
0x12b: {  	vm5 =	vgt.f32 v7, v26;
	(xrf0) =	vadd.scan.msk.s32 $0xffff, v5  }
0x12c: {  	v18 =	vld [tilespmem:s16+$0x0];
	v7 =	vmpcnt.ones.xlane vm5;
	(xrf1) =	vsort.dscd.msk.f32 $0xffff, v6, v0;
	v5, _, _ =	vpop (xrf1)  }
0x12d: {  	vm6 =	vgt.f32 v11, v26;
	v28 =	vmpcnt.ones.xlane vm4;
	(xrf1) =	vsort.dscd.msk.f32 $0xffff, v9, v0;
	v5 =	vmax.f32 v5, v8;
	v8, _, _ =	vpop (xrf0)  }
0x12e: {  	vm7 =	vgt.f32 v25, v26;
	v29 =	vmpcnt.ones.xlane vm3;
	(xrf1) =	vsort.dscd.msk.f32 $0xffff, v10, v0;
	v8 =	vadd.s32 v7, v8;
	v50, _, _ =	vpop (xrf0)  }
0x12f: {  	(xrf1) =	vsort.dscd.msk.f32 $0xffff, v5, v0;
	v5 =	vld [tilespmem:s16+$0xFFFFFFB0];
	v7 =	vadd.s32 v7, v28;
	v28 =	vmpcnt.ones.xlane vm2;
	vm8 =	vlt.s32 v8, $0x9;
	v51, _, _ =	vpop (xrf0)  }
0x130: {  	v8 =	vld [tilespmem:s16+$0xFFFFFF90];
	v30 =	vadd.s32 v50, v7;
	v29 =	vadd.s32 v29, v7;
	vm4 =	vmand vm4, vm8;
	v52, _, _ =	vpop (xrf0)  }
0x131: {  	(xrf1) =	vsort.dscd.msk.f32 $0xffff, v18, v0;
	v28 =	vadd.s32 v28, v29;
	vm4 =	vmor vm6, vm4;
	v29 =	vadd.s32 v52, v29  }
0x132: {  	s30 =	simm.s32 $0xC080;
	vm5 =	vgt.f32 v24, v26;
	v7 =	vld [tilespmem:s16+$0xFFFFFFA0];
	vm6 =	vlt.s32 v30, $0x9;
	v32 =	vnsel vm4, $0x0, v11  }
0x133: {  	s29 =	simm.s32 $0x14080;
	vm3 =	vmand vm3, vm6;
	v11 =	vld [tilespmem:s16+$0xFFFFFF80];
	v53 =	vsel vm4, $0x1, v2;
	vm4 =	vlt.s32 v29, $0x9;
	[tilespmem:s30+$0x0] =	vst v32  }
0x134: {  	vm3 =	vmor vm7, vm3;
	vm2 =	vmand vm2, vm4;
	(xrf1) =	vsort.dscd.msk.f32 $0xffff, v5, v0;
	v29, _, _ =	vpop (xrf0);
	[tilespmem:s29+$0x0] =	vst v53  }
0x135: {  	v54, _, _ =	vpop (xrf1);
	v25 =	vnsel vm3, $0x0, v25;
	(xrf1) =	vsort.dscd.msk.f32 $0xffff, v8, v0;
	v28 =	vadd.s32 v29, v28;
	v29 =	vsel vm3, $0x1, v2  }
0x136: {  	[tilespmem:s30+$0x10] =	vst v25;
	v25 =	vperm.xlane v54, v1;
	vm3 =	vlt.s32 v28, $0x9;
	v28 =	vbroadcast v51, $0xF  }
0x137: {  	v55, _, _ =	vpop (xrf1);
	vm4 =	vgt.f32 v23, v26;
	vm2 =	vmor vm5, vm2;
	(xrf1) =	vsort.dscd.msk.f32 $0xffff, v7, v0  }
0x138: {  	v24 =	vnsel vm2, $0x0, v24;
	v25 =	vmax.f32 v55, v25;
	(xrf1) =	vsort.dscd.msk.f32 $0xffff, v11, v0;
	vm6 =	veq.f32 v22, v28  }
0x139: {  	vm1 =	vmand vm1, vm3;
	vm5 =	veq.f32 v21, v28;
	(xrf1) =	vsort.dscd.msk.f32 $0xffff, v25, v0;
	v25 =	vsel vm6, $0x1, v2  }
0x13a: {  	v26 =	vsel vm2, $0x1, v2;
	vm1 =	vmor vm4, vm1;
	v56, _, _ =	vpop (xrf1);
	v33 =	vsel vm5, $0x1, v2;
	(xrf0) =	vadd.scan.msk.s32 $0xffff, v25  }
0x13b: {  	vm3 =	veq.f32 v15, v28;
	vm2 =	veq.f32 v12, v28;
	vm7 =	vgt.f32 v22, v28;
	v58, _, _ =	vpop (xrf1);
	(xrf0) =	vadd.scan.msk.s32 $0xffff, v33  }
0x13c: {  	[tilespmem:s29+$0x10] =	vst v29;
	vm8 =	vgt.f32 v21, v28;
	vm4 =	vgt.f32 v15, v28;
	v23 =	vnsel vm1, $0x0, v23;
	v34, _, _ =	vpop (xrf1)  }
0x13d: {  	[tilespmem:s30+$0x20] =	vst v24;
	v57 =	vsel vm1, $0x1, v2;
	v30 =	vperm.xlane v56, v1;
	vm1 =	vgt.f32 v27, v28;
	v25, _, _ =	vpop (xrf1)  }
0x13e: {  	[tilespmem:s29+$0x20] =	vst v26;
	v27 =	vmpcnt.ones.xlane vm6;
	v59 =	vmpcnt.ones.xlane vm1;
	v60 =	vsel vm0, $0xBF800000, v25  }
0x13f: {  	v62 =	vmpcnt.ones.xlane vm5;
	v26 =	vmpcnt.ones.xlane vm3;
	v30 =	vmax.f32 v34, v30;
	v61, _, _ =	vpop (xrf1);
	(xrf0) =	vmax.scan.msk.f32 $0xffff, v60  }
0x140: {  	v24 =	vperm.xlane v58, v1;
	[tilespmem:s30+$0x30] =	vst v23;
	v27 =	vadd.s32 v59, v27;
	(xrf1) =	vsort.dscd.msk.f32 $0xffff, v30, v0;
	v23, _, _ =	vpop (xrf0)  }
0x141: {  	vm1 =	vgt.f32 v12, v28;
	v33 =	vadd.s32 v62, v27;
	v23 =	vadd.s32 v59, v23;
	v28, _, _ =	vpop (xrf0)  }
0x142: {  	v24 =	vmax.f32 v61, v24;
	vm9 =	vlt.s32 v23, $0x9;
	v23 =	vadd.s32 v28, v27  }
0x143: {  	v63 =	vadd.s32 v26, v33;
	(xrf1) =	vsort.dscd.msk.f32 $0xffff, v24, v0;
	v26, _, _ =	vpop (xrf1)  }
0x144: {  	v29 =	vsel vm3, $0x1, v2;
	v26 =	vperm.xlane v26, v1;
	v27, _, _ =	vpop (xrf1)  }
0x145: {  	v35 =	vsel vm2, $0x1, v2;
	(xrf0) =	vadd.scan.msk.s32 $0xffff, v29;
	vm6 =	vmand vm6, vm9;
	vm9 =	vlt.s32 v23, $0x9;
	v23, _, _ =	vpop (xrf0)  }
0x146: {  	(xrf0) =	vadd.scan.msk.s32 $0xffff, v35;
	v24, _, _ =	vpop (xrf1);
	vm6 =	vmor vm7, vm6;
	vm5 =	vmand vm5, vm9;
	v23 =	vbroadcast v23, $0xF  }
0x147: {  	v24 =	vmax.f32 v24, v26;
	v22 =	vnsel vm6, $0x0, v22;
	vm5 =	vmor vm8, vm5  }
0x148: {  	v26, _, _ =	vpop (xrf1);
	[tilespmem:s30+$0xFFFFFF80] =	vst v22;
	v22 =	vsel vm6, $0x1, v2;
	v28 =	vnsel vm5, $0x0, v21;
	vm6 =	veq.f32 v20, v23  }
0x149: {  	[tilespmem:s29+$0x30] =	vst v57;
	v27 =	vperm.xlane v27, v1;
	v21, _, _ =	vpop (xrf1);
	(xrf1) =	vsort.dscd.msk.f32 $0xffff, v24, v0;
	v24 =	vsel vm6, $0x1, v2  }
0x14a: {  	[tilespmem:s29+$0xFFFFFF80] =	vst v22  }
0x14b: {  	v27 =	vmax.f32 v26, v27;
	v22 =	vsel vm5, $0x1, v2;
	v26 =	vsel vm0, $0xBF800000, v21;
	[tilespmem:s30+$0xFFFFFF90] =	vst v28;
	v28, _, _ =	vpop (xrf0)  }
0x14c: {  	s31 =	simm.s32 $0x14080;
	vm5 =	veq.f32 v19, v23;
	[tilespmem:s29+$0xFFFFFF90] =	vst v22;
	(xrf0) =	vadd.scan.msk.s32 $0xffff, v24;
	v22 =	vadd.s32 v28, v33;
	v24, _, _ =	vpop (xrf0)  }
0x14d: {  	s0 =	simm.s32 $0xC080;
	s1 =	simm.s32 $0x4;
	s16 =	simm.s32 $0x4380;
	(xrf1) =	vsort.dscd.msk.f32 $0xffff, v27, v0;
	v27 =	vsel vm5, $0x1, v2;
	vm9 =	vlt.s32 v22, $0x9;
	v24 =	vadd.s32 v24, v63  }
.LBB2_4:
0x14e: {  	v29, _, _ =	vpop (xrf1);
	vm7 =	veq.f32 v17, v23;
	(xrf0) =	vadd.scan.msk.s32 $0xffff, v27;
	vm9 =	vmand vm3, vm9;
	vm3 =	vlt.s32 v24, $0x9  }
0x14f: {  	v28 =	vld [tilespmem:s16+$0x30];
	v22 =	vmovc v5;
	v24 =	vmovc v13;
	v13 =	vmov v8;
	v27 =	vmov v15;
	v15 =	vmov v3  }
0x150: {  	v3 =	vmovc v7;
	v30 =	vld [tilespmem:s16+$0x10];
	v8 =	vperm.xlane v29, v1;
	v5 =	vsel vm7, $0x1, v2;
	(xrf0) =	vmax.scan.msk.f32 $0xffff, v26;
	vm3 =	vmand vm2, vm3  }
0x151: {  	vm10 =	vgt.f32 v25, v23;
	vm8 =	veq.f32 v16, v23;
	vm2 =	vmor vm4, vm9;
	v29 =	vld [tilespmem:s16+$0x20];
	v7, _, _ =	vpop (xrf1);
	(xrf0) =	vadd.scan.msk.s32 $0xffff, v5  }
0x152: {  	v31 =	vmpcnt.ones.xlane vm10;
	v26 =	vmovc v14;
	v14 =	vmovc v11;
	v5 =	vld [tilespmem:s16+$0xFFFFFFB0];
	v25 =	vmax.f32 v7, v8;
	v7 =	vsel vm8, $0x1, v2  }
0x153: {  	vm10 =	vgt.f32 v20, v23;
	v11 =	vmpcnt.ones.xlane vm6;
	vm9 =	vgt.f32 v19, v23;
	v32 =	vld [tilespmem:s16+$0x0];
	v33, _, _ =	vpop (xrf0);
	(xrf0) =	vadd.scan.msk.s32 $0xffff, v7  }
0x154: {  	v36 =	vmpcnt.ones.xlane vm5;
	vm4 =	vgt.f32 v17, v23;
	v8 =	vld [tilespmem:s16+$0xFFFFFF90];
	(xrf1) =	vsort.dscd.msk.f32 $0xffff, v28, v0;
	v33 =	vadd.s32 v31, v33  }
0x155: {  	v37 =	vmpcnt.ones.xlane vm7;
	v31 =	vadd.s32 v31, v11;
	v7 =	vld [tilespmem:s16+$0xFFFFFFA0];
	(xrf1) =	vsort.dscd.msk.f32 $0xffff, v30, v0;
	vm11 =	vlt.s32 v33, $0x9;
	v35, _, _ =	vpop (xrf0)  }
0x156: {  	v11 =	vld [tilespmem:s16+$0xFFFFFF80];
	(xrf1) =	vsort.dscd.msk.f32 $0xffff, v29, v0;
	vm6 =	vmand vm6, vm11;
	v35 =	vadd.s32 v35, v31;
	v31 =	vadd.s32 v36, v31;
	v34, _, _ =	vpop (xrf0)  }
0x157: {  	(xrf1) =	vsort.dscd.msk.f32 $0xffff, v25, v0;
	vm6 =	vmor vm10, vm6;
	vm10 =	vlt.s32 v35, $0x9;
	v25 =	vadd.s32 v37, v31;
	v33, _, _ =	vpop (xrf0)  }
0x158: {  	s30 =	sadd.s32 $0x100, s30;
	(xrf1) =	vsort.dscd.msk.f32 $0xffff, v32, v0;
	v35 =	vnsel vm6, $0x0, v20;
	vm5 =	vmand vm5, vm10;
	v36 =	vadd.s32 v33, v31;
	v20 =	vmovc v18  }
0x159: {  	s29 =	sadd.s32 $0x100, s29;
	v18 =	vsel vm6, $0x1, v2;
	[tilespmem:s30+$0x0] =	vst v35;
	vm5 =	vmor vm9, vm5;
	vm6 =	vlt.s32 v36, $0x9;
	v31, _, _ =	vpop (xrf0)  }
0x15a: {  	s1 =	sadd.s32 $0x2, s1;
	v33, _, _ =	vpop (xrf1);
	[tilespmem:s29+$0x0] =	vst v18;
	v18 =	vnsel vm5, $0x0, v19;
	vm6 =	vmand vm7, vm6;
	v31 =	vadd.s32 v31, v25  }
0x15b: {  	p0 =	slt.u32 s1, $0x7E;
	v19 =	vmovc v9;
	v9 =	vmovc v30;
	[tilespmem:s30+$0x10] =	vst v18;
	v18 =	vsel vm5, $0x1, v2;
	vm4 =	vmor vm4, vm6;
	vm5 =	vlt.s32 v31, $0x9  }
0x15c: {  	vm6 =	vgt.f32 v16, v23;
	v25, _, _ =	vpop (xrf1);
	[tilespmem:s29+$0x10] =	vst v18;
	v30 =	vnsel vm4, $0x0, v17;
	vm5 =	vmand vm8, vm5  }
0x15d: {  	v18 =	vsel vm4, $0x1, v2;
	v17 =	vmovc v10;
	(xrf1) =	vsort.dscd.msk.f32 $0xffff, v5, v0;
	[tilespmem:s30+$0x20] =	vst v30;
	vm4 =	vmor vm6, vm5  }
0x15e: {  	v23 =	vperm.xlane v33, v1;
	(xrf1) =	vsort.dscd.msk.f32 $0xffff, v8, v0;
	[tilespmem:s29+$0x20] =	vst v18;
	v31 =	vnsel vm4, $0x0, v16;
	v16 =	vmovc v6  }
0x15f: {  	vm7 =	vmor vm1, vm3;
	v10 =	vmovc v29;
	v30 =	vbroadcast v34, $0xF;
	v6 =	vmovc v28;
	[tilespmem:s30+$0x30] =	vst v31;
	v31 =	vsel vm4, $0x1, v2  }
0x160: {  	v27 =	vnsel vm2, $0x0, v27;
	v23 =	vmax.f32 v25, v23;
	v18 =	vmovc v32;
	(xrf1) =	vsort.dscd.msk.f32 $0xffff, v7, v0;
	[tilespmem:s29+$0x30] =	vst v31  }
0x161: {  	v28 =	vsel vm2, $0x1, v2;
	vm6 =	veq.f32 v26, v30;
	vm5 =	veq.f32 v24, v30;
	(xrf1) =	vsort.dscd.msk.f32 $0xffff, v11, v0  }
0x162: {  	vm3 =	veq.f32 v15, v30;
	vm2 =	veq.f32 v4, v30;
	v33 =	vsel vm6, $0x1, v2;
	v25, _, _ =	vpop (xrf1);
	(xrf1) =	vsort.dscd.msk.f32 $0xffff, v23, v0  }
0x163: {  	v31 =	vsel vm5, $0x1, v2;
	v32 =	vsel vm3, $0x1, v2;
	v34 =	vperm.xlane v25, v1;
	v29, _, _ =	vpop (xrf1);
	(xrf0) =	vadd.scan.msk.s32 $0xffff, v33  }
0x164: {  	vm1 =	vgt.f32 v21, v30;
	v21 =	vmpcnt.ones.xlane vm6;
	v33 =	vsel vm2, $0x1, v2;
	v23, _, _ =	vpop (xrf1);
	(xrf0) =	vadd.scan.msk.s32 $0xffff, v31  }
0x165: {  	v29 =	vperm.xlane v29, v1;
	v31 =	vmpcnt.ones.xlane vm1;
	v23 =	vmax.f32 v23, v34;
	v25, _, _ =	vpop (xrf1);
	[tilespmem:s0+$0xFFFFFFA0] =	vst v27  }
0x166: {  	v35 =	vmpcnt.ones.xlane vm3;
	v34 =	vmpcnt.ones.xlane vm5;
	v27, _, _ =	vpop (xrf1);
	(xrf1) =	vsort.dscd.msk.f32 $0xffff, v23, v0;
	v23 =	vsel vm0, $0xBF800000, v25  }
0x167: {  	vm9 =	vgt.f32 v26, v30;
	v21 =	vadd.s32 v31, v21;
	v27 =	vmax.f32 v27, v29;
	(xrf0) =	vmax.scan.msk.f32 $0xffff, v23  }
0x168: {  	vm8 =	vgt.f32 v24, v30;
	(xrf1) =	vsort.dscd.msk.f32 $0xffff, v27, v0;
	v27 =	vadd.s32 v34, v21;
	v34 =	vnsel vm7, $0x0, v12  }
0x169: {  	vm4 =	vgt.f32 v15, v30;
	vm1 =	vgt.f32 v4, v30;
	v29 =	vadd.s32 v35, v27;
	v23, _, _ =	vpop (xrf0);
	[tilespmem:s31+$0xFFFFFFA0] =	vst v28  }
0x16a: {  	v30 =	vsel vm7, $0x1, v2;
	v12 =	vmov v4;
	v31 =	vadd.s32 v31, v23;
	v28, _, _ =	vpop (xrf0);
	[tilespmem:s0+$0xFFFFFFB0] =	vst v34;
	s0 =	smov.u32 s30  }
0x16b: {  	v4, _, _ =	vpop (xrf1);
	vm7 =	vlt.s32 v31, $0x9;
	v21 =	vadd.s32 v28, v21;
	(xrf0) =	vadd.scan.msk.s32 $0xffff, v32;
	[tilespmem:s31+$0xFFFFFFB0] =	vst v30;
	s31 =	smov.u32 s29  }
0x16c: {  	v4 =	vperm.xlane v4, v1;
	v23, _, _ =	vpop (xrf1);
	vm6 =	vmand vm6, vm7;
	vm7 =	vlt.s32 v21, $0x9;
	(xrf0) =	vadd.scan.msk.s32 $0xffff, v33  }
0x16d: {  	v30 =	vperm.xlane v23, v1;
	v23, _, _ =	vpop (xrf0);
	vm6 =	vmor vm9, vm6;
	vm5 =	vmand vm5, vm7  }
0x16e: {  	v28, _, _ =	vpop (xrf1);
	v23 =	vbroadcast v23, $0xF;
	v26 =	vnsel vm6, $0x0, v26;
	vm5 =	vmor vm8, vm5  }
.Ltmp1:
0x16f: {  	v4 =	vmax.f32 v28, v4;
	v28, _, _ =	vpop (xrf1);
	[tilespmem:s30+$0xFFFFFF80] =	vst v26;
	v26 =	vsel vm6, $0x1, v2;
	v31 =	vnsel vm5, $0x0, v24;
	(pc) =	sbr.rel @p0 .LBB2_4-.Ltmp1, $4  }
0x170: {  	v28 =	vmax.f32 v28, v30;
	vm6 =	veq.f32 v20, v23;
	v21, _, _ =	vpop (xrf1);
	[tilespmem:s29+$0xFFFFFF80] =	vst v26;
	v30 =	vsel vm5, $0x1, v2  }
0x171: {  	(xrf1) =	vsort.dscd.msk.f32 $0xffff, v4, v0;
	v26 =	vsel vm0, $0xBF800000, v21;
	v32 =	vsel vm6, $0x1, v2;
	[tilespmem:s30+$0xFFFFFF90] =	vst v31;
	v24, _, _ =	vpop (xrf0)  }
0x172: {  	vm5 =	veq.f32 v19, v23;
	(xrf0) =	vadd.scan.msk.s32 $0xffff, v32;
	[tilespmem:s29+$0xFFFFFF90] =	vst v30;
	v30 =	vadd.s32 v24, v27;
	v24, _, _ =	vpop (xrf0)  }
0x173: {  	s16 =	sadd.s32 $0x100, s16;
	v27 =	vsel vm5, $0x1, v2;
	v4 =	vmovc v22;
	(xrf1) =	vsort.dscd.msk.f32 $0xffff, v28, v0;
	vm9 =	vlt.s32 v30, $0x9;
	v24 =	vadd.s32 v24, v29  }
0x174: {  	v22, _, _ =	vpop (xrf1)  }
0x175: {  	vm8 =	veq.f32 v17, v23;
	(xrf0) =	vadd.scan.msk.s32 $0xffff, v27;
	v22 =	vperm.xlane v22, v1  }
0x176: {  	vm3 =	vmand vm3, vm9;
	vm7 =	vlt.s32 v24, $0x9;
	vm9 =	vgt.f32 v25, v23;
	(xrf0) =	vmax.scan.msk.f32 $0xffff, v26;
	v26, _, _ =	vpop (xrf1)  }
0x177: {  	v25 =	vmpcnt.ones.xlane vm6;
	v27 =	vsel vm8, $0x1, v2;
	v22 =	vmax.f32 v26, v22  }
0x178: {  	vm2 =	vmand vm2, vm7;
	vm7 =	veq.f32 v16, v23;
	(xrf1) =	vsort.dscd.msk.f32 $0xffff, v22, v0;
	v22 =	vmpcnt.ones.xlane vm9  }
0x179: {  	(xrf0) =	vadd.scan.msk.s32 $0xffff, v27;
	v24 =	vsel vm7, $0x1, v2;
	v26, _, _ =	vpop (xrf0)  }
0x17a: {  	(xrf0) =	vadd.scan.msk.s32 $0xffff, v24;
	v24 =	vadd.s32 v22, v26;
	v26 =	vmpcnt.ones.xlane vm5  }
0x17b: {  	v22 =	vadd.s32 v22, v25;
	v25, _, _ =	vpop (xrf0)  }
0x17c: {  	v25 =	vadd.s32 v25, v22  }
0x17d: {  	vm3 =	vmor vm4, vm3;
	vm4 =	vgt.f32 v20, v23;
	vm11 =	vlt.s32 v24, $0x9  }
0x17e: {  	v24 =	vmpcnt.ones.xlane vm8;
	vm6 =	vmand vm6, vm11;
	v22 =	vadd.s32 v26, v22;
	v26, _, _ =	vpop (xrf0)  }
0x17f: {  	vm4 =	vmor vm4, vm6;
	vm6 =	vlt.s32 v25, $0x9;
	v25, _, _ =	vpop (xrf0)  }
0x180: {  	v24 =	vadd.s32 v24, v22;
	v22 =	vadd.s32 v25, v22;
	_ =	sdelay $0x1  }
0x181: {  	vm9 =	vgt.f32 v19, v23;
	v20 =	vnsel vm4, $0x0, v20;
	vm5 =	vmand vm5, vm6  }
0x182: {  	v25 =	vsel vm4, $0x1, v2;
	vm4 =	vmor vm9, vm5;
	vm5 =	vlt.s32 v22, $0x9;
	v22, _, _ =	vpop (xrf1)  }
0x183: {  	vm10 =	vgt.f32 v17, v23;
	v26 =	vbroadcast v26, $0xF;
	v22 =	vperm.xlane v22, v1  }
0x184: {  	v15 =	vnsel vm3, $0x0, v15;
	v29 =	vsel vm3, $0x1, v2;
	vm5 =	vmand vm8, vm5;
	v28, _, _ =	vpop (xrf1)  }
0x185: {  	v27, _, _ =	vpop (xrf0);
	vm6 =	vmor vm10, vm5;
	vm5 =	veq.f32 v14, v26;
	v22 =	vmax.f32 v28, v22  }
0x186: {  	v19 =	vnsel vm4, $0x0, v19;
	v24 =	vadd.s32 v27, v24;
	(xrf1) =	vsort.dscd.msk.f32 $0xffff, v22, v0;
	v22 =	vsel vm5, $0x1, v2  }
0x187: {  	s1 =	sadd.s32 $0x100, s30;
	v27 =	vsel vm4, $0x1, v2;
	vm3 =	veq.f32 v3, v26;
	vm4 =	vlt.s32 v24, $0x9  }
0x188: {  	[tilespmem:s1+$0x0] =	vst v20;
	vm9 =	vgt.f32 v13, v26;
	vm7 =	vmand vm7, vm4;
	vm4 =	veq.f32 v13, v26  }
0x189: {  	vm8 =	vgt.f32 v16, v23;
	v17 =	vnsel vm6, $0x0, v17;
	v24 =	vsel vm4, $0x1, v2;
	(xrf0) =	vadd.scan.msk.s32 $0xffff, v22;
	v22, _, _ =	vpop (xrf1)  }
0x18a: {  	v23 =	vsel vm6, $0x1, v2;
	vm6 =	vmor vm8, vm7;
	(xrf0) =	vadd.scan.msk.s32 $0xffff, v24;
	v24 =	vsel vm0, $0xBF800000, v22  }
0x18b: {  	s16 =	sadd.s32 $0x100, s29;
	v20 =	vsel vm3, $0x1, v2;
	v30 =	vmpcnt.ones.xlane vm3;
	v16 =	vnsel vm6, $0x0, v16;
	(xrf0) =	vmax.scan.msk.f32 $0xffff, v24  }
0x18c: {  	[tilespmem:s16+$0x0] =	vst v25;
	v28 =	vsel vm6, $0x1, v2;
	vm6 =	vmor vm1, vm2;
	vm1 =	vgt.f32 v21, v26  }
0x18d: {  	[tilespmem:s1+$0x10] =	vst v19;
	vm2 =	veq.f32 v4, v26;
	v21 =	vmpcnt.ones.xlane vm5;
	v24 =	vmpcnt.ones.xlane vm1  }
0x18e: {  	[tilespmem:s16+$0x10] =	vst v27;
	v25 =	vmpcnt.ones.xlane vm4;
	vm8 =	vgt.f32 v14, v26;
	v19 =	vsel vm2, $0x1, v2  }
0x18f: {  	vm7 =	vgt.f32 v3, v26;
	v12 =	vnsel vm6, $0x0, v12;
	(xrf0) =	vadd.scan.msk.s32 $0xffff, v20;
	v21 =	vadd.s32 v24, v21;
	v27, _, _ =	vpop (xrf0)  }
0x190: {  	[tilespmem:s1+$0x20] =	vst v17;
	vm1 =	vgt.f32 v4, v26;
	v25 =	vadd.s32 v25, v21;
	v31, _, _ =	vpop (xrf0);
	v24 =	vadd.s32 v24, v27  }
0x191: {  	(xrf0) =	vadd.scan.msk.s32 $0xffff, v19;
	vm10 =	vlt.s32 v24, $0x9;
	v17 =	vadd.s32 v31, v21;
	v21 =	vsel vm6, $0x1, v2;
	v19, _, _ =	vpop (xrf0)  }
0x192: {  	vm5 =	vmand vm5, vm10;
	vm6 =	vlt.s32 v17, $0x9;
	v19 =	vbroadcast v19, $0xF  }
0x193: {  	[tilespmem:s0+$0xFFFFFFA0] =	vst v15;
	v20 =	vadd.s32 v30, v25;
	vm5 =	vmor vm8, vm5;
	vm4 =	vmand vm4, vm6  }
0x194: {  	[tilespmem:s16+$0x20] =	vst v23;
	v14 =	vnsel vm5, $0x0, v14;
	vm4 =	vmor vm9, vm4;
	vm8 =	veq.f32 v18, v19  }
0x195: {  	[tilespmem:s1+$0x30] =	vst v16;
	v23 =	vsel vm5, $0x1, v2;
	v24, _, _ =	vpop (xrf0);
	v13 =	vnsel vm4, $0x0, v13;
	v17 =	vsel vm8, $0x1, v2  }
0x196: {  	v15 =	vsel vm4, $0x1, v2;
	v16, _, _ =	vpop (xrf1);
	vm6 =	veq.f32 v9, v19;
	vm5 =	veq.f32 v10, v19;
	(xrf0) =	vadd.scan.msk.s32 $0xffff, v17  }
0x197: {  	vm10 =	vgt.f32 v22, v19;
	v17 =	vadd.s32 v24, v25;
	v24, _, _ =	vpop (xrf0);
	v25 =	vsel vm6, $0x1, v2  }
0x198: {  	v26 =	vsel vm0, $0xBF800000, v16;
	vm4 =	vlt.s32 v17, $0x9;
	v17 =	vadd.s32 v24, v20;
	(xrf0) =	vadd.scan.msk.s32 $0xffff, v25  }
0x199: {  	vm9 =	vmand vm3, vm4;
	vm3 =	vlt.s32 v17, $0x9;
	v17 =	vsel vm5, $0x1, v2;
	(xrf0) =	vmax.scan.msk.f32 $0xffff, v26  }
0x19a: {  	[tilespmem:s31+$0xFFFFFFA0] =	vst v29;
	(xrf0) =	vadd.scan.msk.s32 $0xffff, v17;
	v17 =	vmpcnt.ones.xlane vm10  }
0x19b: {  	[tilespmem:s0+$0xFFFFFFB0] =	vst v12;
	v20 =	vmpcnt.ones.xlane vm8;
	vm4 =	veq.f32 v6, v19  }
0x19c: {  	[tilespmem:s1+$0xFFFFFF80] =	vst v14;
	v14 =	vmpcnt.ones.xlane vm5;
	v12 =	vsel vm4, $0x1, v2;
	v22, _, _ =	vpop (xrf0)  }
0x19d: {  	(xrf0) =	vadd.scan.msk.s32 $0xffff, v12;
	v12 =	vadd.s32 v17, v22;
	v22 =	vmpcnt.ones.xlane vm6  }
0x19e: {  	vm3 =	vmand vm2, vm3;
	vm11 =	vlt.s32 v12, $0x9;
	v12 =	vadd.s32 v17, v20;
	v17, _, _ =	vpop (xrf0)  }
0x19f: {  	[tilespmem:s16+$0xFFFFFF80] =	vst v23;
	vm2 =	vmor vm7, vm9;
	v17 =	vadd.s32 v17, v12;
	v12 =	vadd.s32 v22, v12;
	v20, _, _ =	vpop (xrf0)  }
0x1a0: {  	[tilespmem:s1+$0xFFFFFF90] =	vst v13;
	vm9 =	vgt.f32 v18, v19;
	vm8 =	vmand vm8, vm11;
	v13 =	vadd.s32 v14, v12;
	v14, _, _ =	vpop (xrf0)  }
0x1a1: {  	vm8 =	vmor vm9, vm8;
	vm9 =	vlt.s32 v17, $0x9;
	v12 =	vadd.s32 v14, v12  }
0x1a2: {  	vm10 =	vgt.f32 v9, v19;
	vm7 =	vgt.f32 v10, v19;
	vm6 =	vmand vm6, vm9  }
0x1a3: {  	[tilespmem:s16+$0xFFFFFF90] =	vst v15;
	v15 =	vbroadcast v20, $0xF;
	v17 =	vnsel vm8, $0x0, v18;
	vm6 =	vmor vm10, vm6  }
0x1a4: {  	s0 =	sadd.s32 $0x100, s1;
	v14 =	vsel vm8, $0x1, v2;
	vm8 =	vlt.s32 v12, $0x9;
	v9 =	vnsel vm6, $0x0, v9;
	v12, _, _ =	vpop (xrf0)  }
0x1a5: {  	s29 =	sadd.s32 $0x100, s16;
	[tilespmem:s0+$0x0] =	vst v17;
	vm5 =	vmand vm5, vm8;
	v12 =	vadd.s32 v12, v13;
	v13 =	vsel vm6, $0x1, v2  }
0x1a6: {  	[tilespmem:s29+$0x0] =	vst v14;
	vm6 =	vmor vm7, vm5;
	vm5 =	veq.f32 v11, v15;
	vm7 =	vlt.s32 v12, $0x9  }
0x1a7: {  	vm8 =	vgt.f32 v6, v19;
	[tilespmem:s0+$0x10] =	vst v9;
	v9 =	vsel vm5, $0x1, v2;
	vm4 =	vmand vm4, vm7  }
0x1a8: {  	[tilespmem:s29+$0x10] =	vst v13;
	v10 =	vnsel vm6, $0x0, v10;
	vm7 =	vmor vm8, vm4;
	vm4 =	veq.f32 v8, v15  }
0x1a9: {  	(xrf0) =	vadd.scan.msk.s32 $0xffff, v9;
	[tilespmem:s0+$0x20] =	vst v10;
	v10 =	vsel vm4, $0x1, v2  }
0x1aa: {  	(xrf0) =	vadd.scan.msk.s32 $0xffff, v10  }
0x1ab: {  	v9 =	vsel vm6, $0x1, v2;
	vm6 =	vmor vm1, vm3;
	vm3 =	veq.f32 v7, v15  }
0x1ac: {  	v3 =	vnsel vm2, $0x0, v3;
	vm1 =	veq.f32 v5, v15;
	[tilespmem:s29+$0x20] =	vst v9;
	v9 =	vsel vm3, $0x1, v2  }
0x1ad: {  	[tilespmem:s1+$0xFFFFFFA0] =	vst v3;
	v6 =	vnsel vm7, $0x0, v6;
	v12 =	vsel vm7, $0x1, v2;
	vm7 =	vgt.f32 v16, v15  }
0x1ae: {  	v3 =	vnsel vm6, $0x0, v4;
	v10 =	vmpcnt.ones.xlane vm5;
	v13 =	vmpcnt.ones.xlane vm7;
	(xrf0) =	vadd.scan.msk.s32 $0xffff, v9  }
0x1af: {  	[tilespmem:s16+$0x30] =	vst v28;
	vm8 =	vgt.f32 v7, v15;
	v14 =	vmpcnt.ones.xlane vm4;
	v9 =	vsel vm1, $0x1, v2;
	v17, _, _ =	vpop (xrf0)  }
0x1b0: {  	v16 =	vmpcnt.ones.xlane vm3;
	[tilespmem:s0+$0x30] =	vst v6;
	v10 =	vadd.s32 v13, v10;
	(xrf0) =	vadd.scan.msk.s32 $0xffff, v9;
	v4, _, _ =	vpop (xrf0)  }
0x1b1: {  	v6 =	vsel vm2, $0x1, v2;
	[tilespmem:s29+$0x30] =	vst v12;
	v12 =	vadd.s32 v13, v17;
	v4 =	vadd.s32 v4, v10  }
0x1b2: {  	vm2 =	vgt.f32 v11, v15;
	vm7 =	vgt.f32 v8, v15;
	[tilespmem:s16+$0xFFFFFFA0] =	vst v6;
	vm9 =	vlt.s32 v12, $0x9  }
0x1b3: {  	[tilespmem:s1+$0xFFFFFFB0] =	vst v3;
	v3 =	vsel vm6, $0x1, v2;
	v9 =	vadd.s32 v14, v10;
	vm5 =	vmand vm5, vm9  }
0x1b4: {  	[tilespmem:s31+$0xFFFFFFB0] =	vst v21;
	v12 =	vadd.s32 v16, v9;
	vm2 =	vmor vm2, vm5;
	vm6 =	vlt.s32 v4, $0x9;
	v4, _, _ =	vpop (xrf0)  }
0x1b5: {  	[tilespmem:s16+$0xFFFFFFB0] =	vst v3;
	v3 =	vnsel vm2, $0x0, v11;
	vm4 =	vmand vm4, vm6;
	v4 =	vadd.s32 v4, v9  }
0x1b6: {  	[tilespmem:s0+$0xFFFFFF80] =	vst v3;
	v3 =	vsel vm2, $0x1, v2;
	vm4 =	vmor vm7, vm4;
	v6, _, _ =	vpop (xrf0);
	vm2 =	vlt.s32 v4, $0x9  }
0x1b7: {  	[tilespmem:s29+$0xFFFFFF80] =	vst v3;
	v4 =	vnsel vm4, $0x0, v8;
	v3 =	vadd.s32 v6, v12;
	vm2 =	vmand vm3, vm2  }
0x1b8: {  	v6 =	vsel vm4, $0x1, v2;
	[tilespmem:s0+$0xFFFFFF90] =	vst v4;
	vm3 =	vlt.s32 v3, $0x9;
	vm2 =	vmor vm8, vm2  }
0x1b9: {  	vm4 =	vgt.f32 v5, v15;
	[tilespmem:s29+$0xFFFFFF90] =	vst v6;
	vm1 =	vmand vm1, vm3;
	v3 =	vnsel vm2, $0x0, v7  }
0x1ba: {  	vm1 =	vmor vm4, vm1;
	v4 =	vsel vm2, $0x1, v2;
	[tilespmem:s0+$0xFFFFFFA0] =	vst v3  }
0x1bb: {  	v3 =	vnsel vm1, $0x0, v5;
	[tilespmem:s29+$0xFFFFFFA0] =	vst v4  }
0x1bc: {  	[tilespmem:s0+$0xFFFFFFB0] =	vst v3;
	v3 =	vsel vm1, $0x1, v2  }
0x1bd: {  	[tilespmem:s29+$0xFFFFFFB0] =	vst v3  }
0x1be: {  	[hbm4b:s8+s2] =	stream.linear.scatter [tilespmem:s21], [sflag:$0x4], $0x4000, $0x38;
	[tilespmem:$0x18000] =	vst v63  }
0x1bf: {  	_ = 	snop  }
0x1c0: {  	[hbm4b:s9+s2] =	stream.linear.scatter [tilespmem:s22], [sflag:$0x6], $0x4000, $0x38;
	[tilespmem:$0x18000] =	vst v63  }
0x1c1: {  	s1 =	simm.s32 $0x4000  }
0x1c2: {  	[tilespmem:s1], [sflag:$0x2] =	stream.linear.gather [hbm4b:s10+s2], $0x4000, $0x38;
	[tilespmem:$0x18000] =	vst v63  }
0x1c3: {  	_ =	swait.ge [sflag:s17], $0x4000  }
0x1c4: {  	[sflag:s17] =	ssyncset.done $0x0  }
0x1c5: {  	[sflag:s17] =	ssyncadd.s32 $0xFFFFC000  }
0x1c6: {  	_ =	swait.ge [sflag:s23], $0x4000  }
0x1c7: {  	[sflag:s23] =	ssyncset.done $0x0  }
0x1c8: {  	[sflag:s23] =	ssyncadd.s32 $0xFFFFC000  }
0x1c9: {  	_ =	swait.ge [sflag:s24], $0x4000  }
0x1ca: {  	[sflag:s24] =	ssyncset.done $0x0  }
0x1cb: {  	s16 =	simm.s32 $0x80;
	[sflag:s24] =	ssyncadd.s32 $0xFFFFC000  }
0x1cc: {  	v23 =	vld [tilespmem:s16+$0x30]  }
0x1cd: {  	v25 =	vld [tilespmem:s16+$0x10]  }
0x1ce: {  	v24 =	vld [tilespmem:s16+$0x20];
	_ =	sdelay $0x1  }
0x1cf: {  	v11 =	vld [tilespmem:s16+$0x0]  }
0x1d0: {  	(xrf1) =	vsort.dscd.msk.f32 $0xffff, v23, v0  }
0x1d1: {  	(xrf1) =	vsort.dscd.msk.f32 $0xffff, v25, v0  }
0x1d2: {  	(xrf1) =	vsort.dscd.msk.f32 $0xffff, v24, v0;
	_ =	sdelay $0x1  }
0x1d3: {  	(xrf1) =	vsort.dscd.msk.f32 $0xffff, v11, v0;
	_ =	sdelay $0x1  }
0x1d4: {  	v12 =	vld [tilespmem:s16+$0xFFFFFFB0]  }
0x1d5: {  	v21 =	vld [tilespmem:s16+$0xFFFFFF90]  }
0x1d6: {  	v15 =	vld [tilespmem:s16+$0xFFFFFFA0]  }
0x1d7: {  	v22 =	vld [tilespmem:s16+$0xFFFFFF80];
	_ =	sdelay $0x1  }
0x1d8: {  	(xrf1) =	vsort.dscd.msk.f32 $0xffff, v12, v0  }
0x1d9: {  	(xrf1) =	vsort.dscd.msk.f32 $0xffff, v21, v0  }
0x1da: {  	(xrf1) =	vsort.dscd.msk.f32 $0xffff, v15, v0  }
0x1db: {  	(xrf1) =	vsort.dscd.msk.f32 $0xffff, v22, v0;
	v3, _, _ =	vpop (xrf1)  }
0x1dc: {  	v3 =	vperm.xlane v3, v1;
	v4, _, _ =	vpop (xrf1)  }
0x1dd: {  	v5, _, _ =	vpop (xrf1)  }
0x1de: {  	v4 =	vperm.xlane v4, v1;
	v3 =	vmax.f32 v5, v3  }
0x1df: {  	v5, _, _ =	vpop (xrf1);
	(xrf1) =	vsort.dscd.msk.f32 $0xffff, v3, v0  }
0x1e0: {  	v3 =	vmax.f32 v5, v4  }
0x1e1: {  	(xrf1) =	vsort.dscd.msk.f32 $0xffff, v3, v0;
	_ =	sdelay $0x4  }
0x1e2: {  	s1 =	simm.s32 $0x180;
	v3, _, _ =	vpop (xrf1)  }
0x1e3: {  	v16 =	vld [tilespmem:s1+$0x30];
	v3 =	vperm.xlane v3, v1;
	v4, _, _ =	vpop (xrf1)  }
0x1e4: {  	v19 =	vld [tilespmem:s1+$0x10];
	v4 =	vperm.xlane v4, v1;
	v5, _, _ =	vpop (xrf1)  }
0x1e5: {  	v17 =	vld [tilespmem:s1+$0x20];
	v3 =	vmax.f32 v5, v3;
	v5, _, _ =	vpop (xrf1)  }
0x1e6: {  	v4 =	vmax.f32 v5, v4;
	(xrf1) =	vsort.dscd.msk.f32 $0xffff, v3, v0  }
0x1e7: {  	(xrf1) =	vsort.dscd.msk.f32 $0xffff, v4, v0  }
0x1e8: {  	(xrf1) =	vsort.dscd.msk.f32 $0xffff, v16, v0  }
0x1e9: {  	(xrf1) =	vsort.dscd.msk.f32 $0xffff, v19, v0;
	v3, _, _ =	vpop (xrf1)  }
0x1ea: {  	v20 =	vld [tilespmem:s1+$0x0];
	(xrf1) =	vsort.dscd.msk.f32 $0xffff, v17, v0;
	v3 =	vperm.xlane v3, v1  }
0x1eb: {  	v4, _, _ =	vpop (xrf1)  }
0x1ec: {  	v3 =	vmax.f32 v4, v3  }
0x1ed: {  	(xrf1) =	vsort.dscd.msk.f32 $0xffff, v3, v0  }
0x1ee: {  	v4 =	vld [tilespmem:s1+$0xFFFFFFB0]  }
0x1ef: {  	v13 =	vld [tilespmem:s1+$0xFFFFFF90];
	(xrf1) =	vsort.dscd.msk.f32 $0xffff, v20, v0;
	_ =	sdelay $0x1  }
0x1f0: {  	v3 =	vld [tilespmem:s1+$0xFFFFFFA0]  }
0x1f1: {  	v14 =	vld [tilespmem:s1+$0xFFFFFF80]  }
0x1f2: {  	(xrf1) =	vsort.dscd.msk.f32 $0xffff, v4, v0  }
0x1f3: {  	v5, _, _ =	vpop (xrf1);
	(xrf1) =	vsort.dscd.msk.f32 $0xffff, v13, v0  }
0x1f4: {  	v6, _, _ =	vpop (xrf1);
	v5 =	vperm.xlane v5, v1  }
0x1f5: {  	v7, _, _ =	vpop (xrf1);
	(xrf1) =	vsort.dscd.msk.f32 $0xffff, v3, v0  }
0x1f6: {  	v8, _, _ =	vpop (xrf1);
	v5 =	vmax.f32 v6, v5;
	(xrf1) =	vsort.dscd.msk.f32 $0xffff, v14, v0  }
0x1f7: {  	v6, _, _ =	vpop (xrf1);
	(xrf1) =	vsort.dscd.msk.f32 $0xffff, v5, v0  }
0x1f8: {  	v5 =	vperm.xlane v7, v1;
	_ =	sdelay $0x1  }
0x1f9: {  	v5 =	vmax.f32 v6, v5;
	v7, _, _ =	vpop (xrf1)  }
0x1fa: {  	v8 =	vperm.xlane v8, v1;
	(xrf1) =	vsort.dscd.msk.f32 $0xffff, v5, v0;
	v9 =	vsel vm0, $0xBF800000, v7  }
0x1fb: {  	v6, _, _ =	vpop (xrf1);
	(xrf0) =	vmax.scan.msk.f32 $0xffff, v9  }
0x1fc: {  	v5 =	vmax.f32 v6, v8;
	_ =	sdelay $0x1  }
0x1fd: {  	(xrf1) =	vsort.dscd.msk.f32 $0xffff, v5, v0  }
0x1fe: {  	v5, _, _ =	vpop (xrf1)  }
0x1ff: {  	v8, _, _ =	vpop (xrf1)  }
0x200: {  	v5 =	vperm.xlane v5, v1;
	v6, _, _ =	vpop (xrf0)  }
0x201: {  	v8 =	vperm.xlane v8, v1;
	v26 =	vbroadcast v6, $0xF;
	v6, _, _ =	vpop (xrf1)  }
0x202: {  	v5 =	vmax.f32 v6, v5;
	v6, _, _ =	vpop (xrf1)  }
0x203: {  	vm4 =	veq.f32 v11, v26;
	(xrf1) =	vsort.dscd.msk.f32 $0xffff, v5, v0;
	v6 =	vmax.f32 v6, v8;
	v27, _, _ =	vpop (xrf1)  }
0x204: {  	vm3 =	veq.f32 v25, v26;
	v5 =	vsel vm4, $0x1, v2;
	(xrf1) =	vsort.dscd.msk.f32 $0xffff, v6, v0;
	v8 =	vsel vm0, $0xBF800000, v27  }
0x205: {  	s16 =	simm.s32 $0x280;
	(xrf0) =	vadd.scan.msk.s32 $0xffff, v5;
	v5 =	vsel vm3, $0x1, v2  }
0x206: {  	vm2 =	veq.f32 v24, v26;
	v6 =	vld [tilespmem:s16+$0x30];
	(xrf0) =	vadd.scan.msk.s32 $0xffff, v5  }
0x207: {  	v9 =	vld [tilespmem:s16+$0x10];
	vm1 =	veq.f32 v23, v26;
	v5 =	vsel vm2, $0x1, v2;
	(xrf0) =	vmax.scan.msk.f32 $0xffff, v8;
	v8, _, _ =	vpop (xrf1)  }
0x208: {  	v10 =	vld [tilespmem:s16+$0x20];
	(xrf0) =	vadd.scan.msk.s32 $0xffff, v5;
	v5 =	vsel vm1, $0x1, v2;
	v8 =	vperm.xlane v8, v1;
	_ =	sdelay $0x1  }
0x209: {  	vm5 =	vgt.f32 v7, v26;
	(xrf0) =	vadd.scan.msk.s32 $0xffff, v5  }
0x20a: {  	v18 =	vld [tilespmem:s16+$0x0];
	v7 =	vmpcnt.ones.xlane vm5;
	(xrf1) =	vsort.dscd.msk.f32 $0xffff, v6, v0;
	v5, _, _ =	vpop (xrf1)  }
0x20b: {  	vm6 =	vgt.f32 v11, v26;
	v28 =	vmpcnt.ones.xlane vm4;
	(xrf1) =	vsort.dscd.msk.f32 $0xffff, v9, v0;
	v5 =	vmax.f32 v5, v8;
	v8, _, _ =	vpop (xrf0)  }
0x20c: {  	vm7 =	vgt.f32 v25, v26;
	v29 =	vmpcnt.ones.xlane vm3;
	(xrf1) =	vsort.dscd.msk.f32 $0xffff, v10, v0;
	v8 =	vadd.s32 v7, v8;
	v50, _, _ =	vpop (xrf0)  }
0x20d: {  	(xrf1) =	vsort.dscd.msk.f32 $0xffff, v5, v0;
	v5 =	vld [tilespmem:s16+$0xFFFFFFB0];
	v7 =	vadd.s32 v7, v28;
	v28 =	vmpcnt.ones.xlane vm2;
	vm8 =	vlt.s32 v8, $0x9;
	v51, _, _ =	vpop (xrf0)  }
0x20e: {  	v8 =	vld [tilespmem:s16+$0xFFFFFF90];
	v30 =	vadd.s32 v50, v7;
	v29 =	vadd.s32 v29, v7;
	vm4 =	vmand vm4, vm8;
	v52, _, _ =	vpop (xrf0)  }
0x20f: {  	(xrf1) =	vsort.dscd.msk.f32 $0xffff, v18, v0;
	v28 =	vadd.s32 v28, v29;
	vm4 =	vmor vm6, vm4;
	v29 =	vadd.s32 v52, v29  }
0x210: {  	s30 =	simm.s32 $0x8080;
	vm5 =	vgt.f32 v24, v26;
	v7 =	vld [tilespmem:s16+$0xFFFFFFA0];
	vm6 =	vlt.s32 v30, $0x9;
	v32 =	vnsel vm4, $0x0, v11  }
0x211: {  	s29 =	simm.s32 $0x10080;
	vm3 =	vmand vm3, vm6;
	v11 =	vld [tilespmem:s16+$0xFFFFFF80];
	v53 =	vsel vm4, $0x1, v2;
	vm4 =	vlt.s32 v29, $0x9;
	[tilespmem:s30+$0x0] =	vst v32  }
0x212: {  	vm3 =	vmor vm7, vm3;
	vm2 =	vmand vm2, vm4;
	(xrf1) =	vsort.dscd.msk.f32 $0xffff, v5, v0;
	v29, _, _ =	vpop (xrf0);
	[tilespmem:s29+$0x0] =	vst v53  }
0x213: {  	v54, _, _ =	vpop (xrf1);
	v25 =	vnsel vm3, $0x0, v25;
	(xrf1) =	vsort.dscd.msk.f32 $0xffff, v8, v0;
	v28 =	vadd.s32 v29, v28;
	v29 =	vsel vm3, $0x1, v2  }
0x214: {  	[tilespmem:s30+$0x10] =	vst v25;
	v25 =	vperm.xlane v54, v1;
	vm3 =	vlt.s32 v28, $0x9;
	v28 =	vbroadcast v51, $0xF  }
0x215: {  	v55, _, _ =	vpop (xrf1);
	vm4 =	vgt.f32 v23, v26;
	vm2 =	vmor vm5, vm2;
	(xrf1) =	vsort.dscd.msk.f32 $0xffff, v7, v0  }
0x216: {  	v24 =	vnsel vm2, $0x0, v24;
	v25 =	vmax.f32 v55, v25;
	(xrf1) =	vsort.dscd.msk.f32 $0xffff, v11, v0;
	vm6 =	veq.f32 v22, v28  }
0x217: {  	vm1 =	vmand vm1, vm3;
	vm5 =	veq.f32 v21, v28;
	(xrf1) =	vsort.dscd.msk.f32 $0xffff, v25, v0;
	v25 =	vsel vm6, $0x1, v2  }
0x218: {  	v26 =	vsel vm2, $0x1, v2;
	vm1 =	vmor vm4, vm1;
	v56, _, _ =	vpop (xrf1);
	v33 =	vsel vm5, $0x1, v2;
	(xrf0) =	vadd.scan.msk.s32 $0xffff, v25  }
0x219: {  	vm3 =	veq.f32 v15, v28;
	vm2 =	veq.f32 v12, v28;
	vm7 =	vgt.f32 v22, v28;
	v58, _, _ =	vpop (xrf1);
	(xrf0) =	vadd.scan.msk.s32 $0xffff, v33  }
0x21a: {  	[tilespmem:s29+$0x10] =	vst v29;
	vm8 =	vgt.f32 v21, v28;
	vm4 =	vgt.f32 v15, v28;
	v23 =	vnsel vm1, $0x0, v23;
	v34, _, _ =	vpop (xrf1)  }
0x21b: {  	[tilespmem:s30+$0x20] =	vst v24;
	v57 =	vsel vm1, $0x1, v2;
	v30 =	vperm.xlane v56, v1;
	vm1 =	vgt.f32 v27, v28;
	v25, _, _ =	vpop (xrf1)  }
0x21c: {  	[tilespmem:s29+$0x20] =	vst v26;
	v27 =	vmpcnt.ones.xlane vm6;
	v59 =	vmpcnt.ones.xlane vm1;
	v60 =	vsel vm0, $0xBF800000, v25  }
0x21d: {  	v62 =	vmpcnt.ones.xlane vm5;
	v26 =	vmpcnt.ones.xlane vm3;
	v30 =	vmax.f32 v34, v30;
	v61, _, _ =	vpop (xrf1);
	(xrf0) =	vmax.scan.msk.f32 $0xffff, v60  }
0x21e: {  	v24 =	vperm.xlane v58, v1;
	[tilespmem:s30+$0x30] =	vst v23;
	v27 =	vadd.s32 v59, v27;
	(xrf1) =	vsort.dscd.msk.f32 $0xffff, v30, v0;
	v23, _, _ =	vpop (xrf0)  }
0x21f: {  	vm1 =	vgt.f32 v12, v28;
	v33 =	vadd.s32 v62, v27;
	v23 =	vadd.s32 v59, v23;
	v28, _, _ =	vpop (xrf0)  }
0x220: {  	v24 =	vmax.f32 v61, v24;
	vm9 =	vlt.s32 v23, $0x9;
	v23 =	vadd.s32 v28, v27  }
0x221: {  	v63 =	vadd.s32 v26, v33;
	(xrf1) =	vsort.dscd.msk.f32 $0xffff, v24, v0;
	v26, _, _ =	vpop (xrf1)  }
0x222: {  	v29 =	vsel vm3, $0x1, v2;
	v26 =	vperm.xlane v26, v1;
	v27, _, _ =	vpop (xrf1)  }
0x223: {  	v35 =	vsel vm2, $0x1, v2;
	(xrf0) =	vadd.scan.msk.s32 $0xffff, v29;
	vm6 =	vmand vm6, vm9;
	vm9 =	vlt.s32 v23, $0x9;
	v23, _, _ =	vpop (xrf0)  }
0x224: {  	(xrf0) =	vadd.scan.msk.s32 $0xffff, v35;
	v24, _, _ =	vpop (xrf1);
	vm6 =	vmor vm7, vm6;
	vm5 =	vmand vm5, vm9;
	v23 =	vbroadcast v23, $0xF  }
0x225: {  	v24 =	vmax.f32 v24, v26;
	v22 =	vnsel vm6, $0x0, v22;
	vm5 =	vmor vm8, vm5  }
0x226: {  	v26, _, _ =	vpop (xrf1);
	[tilespmem:s30+$0xFFFFFF80] =	vst v22;
	v22 =	vsel vm6, $0x1, v2;
	v28 =	vnsel vm5, $0x0, v21;
	vm6 =	veq.f32 v20, v23  }
0x227: {  	[tilespmem:s29+$0x30] =	vst v57;
	v27 =	vperm.xlane v27, v1;
	v21, _, _ =	vpop (xrf1);
	(xrf1) =	vsort.dscd.msk.f32 $0xffff, v24, v0;
	v24 =	vsel vm6, $0x1, v2  }
0x228: {  	[tilespmem:s29+$0xFFFFFF80] =	vst v22  }
0x229: {  	v27 =	vmax.f32 v26, v27;
	v22 =	vsel vm5, $0x1, v2;
	v26 =	vsel vm0, $0xBF800000, v21;
	[tilespmem:s30+$0xFFFFFF90] =	vst v28;
	v28, _, _ =	vpop (xrf0)  }
0x22a: {  	s31 =	simm.s32 $0x10080;
	vm5 =	veq.f32 v19, v23;
	[tilespmem:s29+$0xFFFFFF90] =	vst v22;
	(xrf0) =	vadd.scan.msk.s32 $0xffff, v24;
	v22 =	vadd.s32 v28, v33;
	v24, _, _ =	vpop (xrf0)  }
0x22b: {  	s0 =	simm.s32 $0x8080;
	s1 =	simm.s32 $0x4;
	s16 =	simm.s32 $0x380;
	(xrf1) =	vsort.dscd.msk.f32 $0xffff, v27, v0;
	v27 =	vsel vm5, $0x1, v2;
	vm9 =	vlt.s32 v22, $0x9;
	v24 =	vadd.s32 v24, v63  }
.LBB2_6:
0x22c: {  	v29, _, _ =	vpop (xrf1);
	vm7 =	veq.f32 v17, v23;
	(xrf0) =	vadd.scan.msk.s32 $0xffff, v27;
	vm9 =	vmand vm3, vm9;
	vm3 =	vlt.s32 v24, $0x9  }
0x22d: {  	v28 =	vld [tilespmem:s16+$0x30];
	v22 =	vmovc v5;
	v24 =	vmovc v13;
	v13 =	vmov v8;
	v27 =	vmov v15;
	v15 =	vmov v3  }
0x22e: {  	v3 =	vmovc v7;
	v30 =	vld [tilespmem:s16+$0x10];
	v8 =	vperm.xlane v29, v1;
	v5 =	vsel vm7, $0x1, v2;
	(xrf0) =	vmax.scan.msk.f32 $0xffff, v26;
	vm3 =	vmand vm2, vm3  }
0x22f: {  	vm10 =	vgt.f32 v25, v23;
	vm8 =	veq.f32 v16, v23;
	vm2 =	vmor vm4, vm9;
	v29 =	vld [tilespmem:s16+$0x20];
	v7, _, _ =	vpop (xrf1);
	(xrf0) =	vadd.scan.msk.s32 $0xffff, v5  }
0x230: {  	v31 =	vmpcnt.ones.xlane vm10;
	v26 =	vmovc v14;
	v14 =	vmovc v11;
	v5 =	vld [tilespmem:s16+$0xFFFFFFB0];
	v25 =	vmax.f32 v7, v8;
	v7 =	vsel vm8, $0x1, v2  }
0x231: {  	vm10 =	vgt.f32 v20, v23;
	v11 =	vmpcnt.ones.xlane vm6;
	vm9 =	vgt.f32 v19, v23;
	v32 =	vld [tilespmem:s16+$0x0];
	v33, _, _ =	vpop (xrf0);
	(xrf0) =	vadd.scan.msk.s32 $0xffff, v7  }
0x232: {  	v36 =	vmpcnt.ones.xlane vm5;
	vm4 =	vgt.f32 v17, v23;
	v8 =	vld [tilespmem:s16+$0xFFFFFF90];
	(xrf1) =	vsort.dscd.msk.f32 $0xffff, v28, v0;
	v33 =	vadd.s32 v31, v33  }
0x233: {  	v37 =	vmpcnt.ones.xlane vm7;
	v31 =	vadd.s32 v31, v11;
	v7 =	vld [tilespmem:s16+$0xFFFFFFA0];
	(xrf1) =	vsort.dscd.msk.f32 $0xffff, v30, v0;
	vm11 =	vlt.s32 v33, $0x9;
	v35, _, _ =	vpop (xrf0)  }
0x234: {  	v11 =	vld [tilespmem:s16+$0xFFFFFF80];
	(xrf1) =	vsort.dscd.msk.f32 $0xffff, v29, v0;
	vm6 =	vmand vm6, vm11;
	v35 =	vadd.s32 v35, v31;
	v31 =	vadd.s32 v36, v31;
	v34, _, _ =	vpop (xrf0)  }
0x235: {  	(xrf1) =	vsort.dscd.msk.f32 $0xffff, v25, v0;
	vm6 =	vmor vm10, vm6;
	vm10 =	vlt.s32 v35, $0x9;
	v25 =	vadd.s32 v37, v31;
	v33, _, _ =	vpop (xrf0)  }
0x236: {  	s30 =	sadd.s32 $0x100, s30;
	(xrf1) =	vsort.dscd.msk.f32 $0xffff, v32, v0;
	v35 =	vnsel vm6, $0x0, v20;
	vm5 =	vmand vm5, vm10;
	v36 =	vadd.s32 v33, v31;
	v20 =	vmovc v18  }
0x237: {  	s29 =	sadd.s32 $0x100, s29;
	v18 =	vsel vm6, $0x1, v2;
	[tilespmem:s30+$0x0] =	vst v35;
	vm5 =	vmor vm9, vm5;
	vm6 =	vlt.s32 v36, $0x9;
	v31, _, _ =	vpop (xrf0)  }
0x238: {  	s1 =	sadd.s32 $0x2, s1;
	v33, _, _ =	vpop (xrf1);
	[tilespmem:s29+$0x0] =	vst v18;
	v18 =	vnsel vm5, $0x0, v19;
	vm6 =	vmand vm7, vm6;
	v31 =	vadd.s32 v31, v25  }
0x239: {  	p0 =	slt.u32 s1, $0x7E;
	v19 =	vmovc v9;
	v9 =	vmovc v30;
	[tilespmem:s30+$0x10] =	vst v18;
	v18 =	vsel vm5, $0x1, v2;
	vm4 =	vmor vm4, vm6;
	vm5 =	vlt.s32 v31, $0x9  }
0x23a: {  	vm6 =	vgt.f32 v16, v23;
	v25, _, _ =	vpop (xrf1);
	[tilespmem:s29+$0x10] =	vst v18;
	v30 =	vnsel vm4, $0x0, v17;
	vm5 =	vmand vm8, vm5  }
0x23b: {  	v18 =	vsel vm4, $0x1, v2;
	v17 =	vmovc v10;
	(xrf1) =	vsort.dscd.msk.f32 $0xffff, v5, v0;
	[tilespmem:s30+$0x20] =	vst v30;
	vm4 =	vmor vm6, vm5  }
0x23c: {  	v23 =	vperm.xlane v33, v1;
	(xrf1) =	vsort.dscd.msk.f32 $0xffff, v8, v0;
	[tilespmem:s29+$0x20] =	vst v18;
	v31 =	vnsel vm4, $0x0, v16;
	v16 =	vmovc v6  }
0x23d: {  	vm7 =	vmor vm1, vm3;
	v10 =	vmovc v29;
	v30 =	vbroadcast v34, $0xF;
	v6 =	vmovc v28;
	[tilespmem:s30+$0x30] =	vst v31;
	v31 =	vsel vm4, $0x1, v2  }
0x23e: {  	v27 =	vnsel vm2, $0x0, v27;
	v23 =	vmax.f32 v25, v23;
	v18 =	vmovc v32;
	(xrf1) =	vsort.dscd.msk.f32 $0xffff, v7, v0;
	[tilespmem:s29+$0x30] =	vst v31  }
0x23f: {  	v28 =	vsel vm2, $0x1, v2;
	vm6 =	veq.f32 v26, v30;
	vm5 =	veq.f32 v24, v30;
	(xrf1) =	vsort.dscd.msk.f32 $0xffff, v11, v0  }
0x240: {  	vm3 =	veq.f32 v15, v30;
	vm2 =	veq.f32 v4, v30;
	v33 =	vsel vm6, $0x1, v2;
	v25, _, _ =	vpop (xrf1);
	(xrf1) =	vsort.dscd.msk.f32 $0xffff, v23, v0  }
0x241: {  	v31 =	vsel vm5, $0x1, v2;
	v32 =	vsel vm3, $0x1, v2;
	v34 =	vperm.xlane v25, v1;
	v29, _, _ =	vpop (xrf1);
	(xrf0) =	vadd.scan.msk.s32 $0xffff, v33  }
0x242: {  	vm1 =	vgt.f32 v21, v30;
	v21 =	vmpcnt.ones.xlane vm6;
	v33 =	vsel vm2, $0x1, v2;
	v23, _, _ =	vpop (xrf1);
	(xrf0) =	vadd.scan.msk.s32 $0xffff, v31  }
0x243: {  	v29 =	vperm.xlane v29, v1;
	v31 =	vmpcnt.ones.xlane vm1;
	v23 =	vmax.f32 v23, v34;
	v25, _, _ =	vpop (xrf1);
	[tilespmem:s0+$0xFFFFFFA0] =	vst v27  }
0x244: {  	v35 =	vmpcnt.ones.xlane vm3;
	v34 =	vmpcnt.ones.xlane vm5;
	v27, _, _ =	vpop (xrf1);
	(xrf1) =	vsort.dscd.msk.f32 $0xffff, v23, v0;
	v23 =	vsel vm0, $0xBF800000, v25  }
0x245: {  	vm9 =	vgt.f32 v26, v30;
	v21 =	vadd.s32 v31, v21;
	v27 =	vmax.f32 v27, v29;
	(xrf0) =	vmax.scan.msk.f32 $0xffff, v23  }
0x246: {  	vm8 =	vgt.f32 v24, v30;
	(xrf1) =	vsort.dscd.msk.f32 $0xffff, v27, v0;
	v27 =	vadd.s32 v34, v21;
	v34 =	vnsel vm7, $0x0, v12  }
0x247: {  	vm4 =	vgt.f32 v15, v30;
	vm1 =	vgt.f32 v4, v30;
	v29 =	vadd.s32 v35, v27;
	v23, _, _ =	vpop (xrf0);
	[tilespmem:s31+$0xFFFFFFA0] =	vst v28  }
0x248: {  	v30 =	vsel vm7, $0x1, v2;
	v12 =	vmov v4;
	v31 =	vadd.s32 v31, v23;
	v28, _, _ =	vpop (xrf0);
	[tilespmem:s0+$0xFFFFFFB0] =	vst v34;
	s0 =	smov.u32 s30  }
0x249: {  	v4, _, _ =	vpop (xrf1);
	vm7 =	vlt.s32 v31, $0x9;
	v21 =	vadd.s32 v28, v21;
	(xrf0) =	vadd.scan.msk.s32 $0xffff, v32;
	[tilespmem:s31+$0xFFFFFFB0] =	vst v30;
	s31 =	smov.u32 s29  }
0x24a: {  	v4 =	vperm.xlane v4, v1;
	v23, _, _ =	vpop (xrf1);
	vm6 =	vmand vm6, vm7;
	vm7 =	vlt.s32 v21, $0x9;
	(xrf0) =	vadd.scan.msk.s32 $0xffff, v33  }
0x24b: {  	v30 =	vperm.xlane v23, v1;
	v23, _, _ =	vpop (xrf0);
	vm6 =	vmor vm9, vm6;
	vm5 =	vmand vm5, vm7  }
0x24c: {  	v28, _, _ =	vpop (xrf1);
	v23 =	vbroadcast v23, $0xF;
	v26 =	vnsel vm6, $0x0, v26;
	vm5 =	vmor vm8, vm5  }
.Ltmp2:
0x24d: {  	v4 =	vmax.f32 v28, v4;
	v28, _, _ =	vpop (xrf1);
	[tilespmem:s30+$0xFFFFFF80] =	vst v26;
	v26 =	vsel vm6, $0x1, v2;
	v31 =	vnsel vm5, $0x0, v24;
	(pc) =	sbr.rel @p0 .LBB2_6-.Ltmp2, $4  }
0x24e: {  	v28 =	vmax.f32 v28, v30;
	vm6 =	veq.f32 v20, v23;
	v21, _, _ =	vpop (xrf1);
	[tilespmem:s29+$0xFFFFFF80] =	vst v26;
	v30 =	vsel vm5, $0x1, v2  }
0x24f: {  	(xrf1) =	vsort.dscd.msk.f32 $0xffff, v4, v0;
	v26 =	vsel vm0, $0xBF800000, v21;
	v32 =	vsel vm6, $0x1, v2;
	[tilespmem:s30+$0xFFFFFF90] =	vst v31;
	v24, _, _ =	vpop (xrf0)  }
0x250: {  	vm5 =	veq.f32 v19, v23;
	(xrf0) =	vadd.scan.msk.s32 $0xffff, v32;
	[tilespmem:s29+$0xFFFFFF90] =	vst v30;
	v30 =	vadd.s32 v24, v27;
	v24, _, _ =	vpop (xrf0)  }
0x251: {  	s16 =	sadd.s32 $0x100, s16;
	v27 =	vsel vm5, $0x1, v2;
	v4 =	vmovc v22;
	(xrf1) =	vsort.dscd.msk.f32 $0xffff, v28, v0;
	vm9 =	vlt.s32 v30, $0x9;
	v24 =	vadd.s32 v24, v29  }
0x252: {  	v22, _, _ =	vpop (xrf1)  }
0x253: {  	vm8 =	veq.f32 v17, v23;
	(xrf0) =	vadd.scan.msk.s32 $0xffff, v27;
	v22 =	vperm.xlane v22, v1  }
0x254: {  	vm3 =	vmand vm3, vm9;
	vm7 =	vlt.s32 v24, $0x9;
	vm9 =	vgt.f32 v25, v23;
	(xrf0) =	vmax.scan.msk.f32 $0xffff, v26;
	v26, _, _ =	vpop (xrf1)  }
0x255: {  	v25 =	vmpcnt.ones.xlane vm6;
	v27 =	vsel vm8, $0x1, v2;
	v22 =	vmax.f32 v26, v22  }
0x256: {  	vm2 =	vmand vm2, vm7;
	vm7 =	veq.f32 v16, v23;
	(xrf1) =	vsort.dscd.msk.f32 $0xffff, v22, v0;
	v22 =	vmpcnt.ones.xlane vm9  }
0x257: {  	(xrf0) =	vadd.scan.msk.s32 $0xffff, v27;
	v24 =	vsel vm7, $0x1, v2;
	v26, _, _ =	vpop (xrf0)  }
0x258: {  	(xrf0) =	vadd.scan.msk.s32 $0xffff, v24;
	v24 =	vadd.s32 v22, v26;
	v26 =	vmpcnt.ones.xlane vm5  }
0x259: {  	v22 =	vadd.s32 v22, v25;
	v25, _, _ =	vpop (xrf0)  }
0x25a: {  	v25 =	vadd.s32 v25, v22  }
0x25b: {  	vm3 =	vmor vm4, vm3;
	vm4 =	vgt.f32 v20, v23;
	vm11 =	vlt.s32 v24, $0x9  }
0x25c: {  	v24 =	vmpcnt.ones.xlane vm8;
	vm6 =	vmand vm6, vm11;
	v22 =	vadd.s32 v26, v22;
	v26, _, _ =	vpop (xrf0)  }
0x25d: {  	vm4 =	vmor vm4, vm6;
	vm6 =	vlt.s32 v25, $0x9;
	v25, _, _ =	vpop (xrf0)  }
0x25e: {  	v24 =	vadd.s32 v24, v22;
	v22 =	vadd.s32 v25, v22;
	_ =	sdelay $0x1  }
0x25f: {  	vm9 =	vgt.f32 v19, v23;
	v20 =	vnsel vm4, $0x0, v20;
	vm5 =	vmand vm5, vm6  }
0x260: {  	v25 =	vsel vm4, $0x1, v2;
	vm4 =	vmor vm9, vm5;
	vm5 =	vlt.s32 v22, $0x9;
	v22, _, _ =	vpop (xrf1)  }
0x261: {  	vm10 =	vgt.f32 v17, v23;
	v26 =	vbroadcast v26, $0xF;
	v22 =	vperm.xlane v22, v1  }
0x262: {  	v15 =	vnsel vm3, $0x0, v15;
	v29 =	vsel vm3, $0x1, v2;
	vm5 =	vmand vm8, vm5;
	v28, _, _ =	vpop (xrf1)  }
0x263: {  	v27, _, _ =	vpop (xrf0);
	vm6 =	vmor vm10, vm5;
	vm5 =	veq.f32 v14, v26;
	v22 =	vmax.f32 v28, v22  }
0x264: {  	v19 =	vnsel vm4, $0x0, v19;
	v24 =	vadd.s32 v27, v24;
	(xrf1) =	vsort.dscd.msk.f32 $0xffff, v22, v0;
	v22 =	vsel vm5, $0x1, v2  }
0x265: {  	s1 =	sadd.s32 $0x100, s30;
	v27 =	vsel vm4, $0x1, v2;
	vm3 =	veq.f32 v3, v26;
	vm4 =	vlt.s32 v24, $0x9  }
0x266: {  	[tilespmem:s1+$0x0] =	vst v20;
	vm9 =	vgt.f32 v13, v26;
	vm7 =	vmand vm7, vm4;
	vm4 =	veq.f32 v13, v26  }
0x267: {  	vm8 =	vgt.f32 v16, v23;
	v17 =	vnsel vm6, $0x0, v17;
	v24 =	vsel vm4, $0x1, v2;
	(xrf0) =	vadd.scan.msk.s32 $0xffff, v22;
	v22, _, _ =	vpop (xrf1)  }
0x268: {  	v23 =	vsel vm6, $0x1, v2;
	vm6 =	vmor vm8, vm7;
	(xrf0) =	vadd.scan.msk.s32 $0xffff, v24;
	v24 =	vsel vm0, $0xBF800000, v22  }
0x269: {  	s16 =	sadd.s32 $0x100, s29;
	v20 =	vsel vm3, $0x1, v2;
	v30 =	vmpcnt.ones.xlane vm3;
	v16 =	vnsel vm6, $0x0, v16;
	(xrf0) =	vmax.scan.msk.f32 $0xffff, v24  }
0x26a: {  	[tilespmem:s16+$0x0] =	vst v25;
	v28 =	vsel vm6, $0x1, v2;
	vm6 =	vmor vm1, vm2;
	vm1 =	vgt.f32 v21, v26  }
0x26b: {  	[tilespmem:s1+$0x10] =	vst v19;
	vm2 =	veq.f32 v4, v26;
	v21 =	vmpcnt.ones.xlane vm5;
	v24 =	vmpcnt.ones.xlane vm1  }
0x26c: {  	[tilespmem:s16+$0x10] =	vst v27;
	v25 =	vmpcnt.ones.xlane vm4;
	vm8 =	vgt.f32 v14, v26;
	v19 =	vsel vm2, $0x1, v2  }
0x26d: {  	vm7 =	vgt.f32 v3, v26;
	v12 =	vnsel vm6, $0x0, v12;
	(xrf0) =	vadd.scan.msk.s32 $0xffff, v20;
	v21 =	vadd.s32 v24, v21;
	v27, _, _ =	vpop (xrf0)  }
0x26e: {  	[tilespmem:s1+$0x20] =	vst v17;
	vm1 =	vgt.f32 v4, v26;
	v25 =	vadd.s32 v25, v21;
	v31, _, _ =	vpop (xrf0);
	v24 =	vadd.s32 v24, v27  }
0x26f: {  	(xrf0) =	vadd.scan.msk.s32 $0xffff, v19;
	vm10 =	vlt.s32 v24, $0x9;
	v17 =	vadd.s32 v31, v21;
	v21 =	vsel vm6, $0x1, v2;
	v19, _, _ =	vpop (xrf0)  }
0x270: {  	vm5 =	vmand vm5, vm10;
	vm6 =	vlt.s32 v17, $0x9;
	v19 =	vbroadcast v19, $0xF  }
0x271: {  	[tilespmem:s0+$0xFFFFFFA0] =	vst v15;
	v20 =	vadd.s32 v30, v25;
	vm5 =	vmor vm8, vm5;
	vm4 =	vmand vm4, vm6  }
0x272: {  	[tilespmem:s16+$0x20] =	vst v23;
	v14 =	vnsel vm5, $0x0, v14;
	vm4 =	vmor vm9, vm4;
	vm8 =	veq.f32 v18, v19  }
0x273: {  	[tilespmem:s1+$0x30] =	vst v16;
	v23 =	vsel vm5, $0x1, v2;
	v24, _, _ =	vpop (xrf0);
	v13 =	vnsel vm4, $0x0, v13;
	v17 =	vsel vm8, $0x1, v2  }
0x274: {  	v15 =	vsel vm4, $0x1, v2;
	v16, _, _ =	vpop (xrf1);
	vm6 =	veq.f32 v9, v19;
	vm5 =	veq.f32 v10, v19;
	(xrf0) =	vadd.scan.msk.s32 $0xffff, v17  }
0x275: {  	vm10 =	vgt.f32 v22, v19;
	v17 =	vadd.s32 v24, v25;
	v24, _, _ =	vpop (xrf0);
	v25 =	vsel vm6, $0x1, v2  }
0x276: {  	v26 =	vsel vm0, $0xBF800000, v16;
	vm4 =	vlt.s32 v17, $0x9;
	v17 =	vadd.s32 v24, v20;
	(xrf0) =	vadd.scan.msk.s32 $0xffff, v25  }
0x277: {  	vm9 =	vmand vm3, vm4;
	vm3 =	vlt.s32 v17, $0x9;
	v17 =	vsel vm5, $0x1, v2;
	(xrf0) =	vmax.scan.msk.f32 $0xffff, v26  }
0x278: {  	[tilespmem:s31+$0xFFFFFFA0] =	vst v29;
	(xrf0) =	vadd.scan.msk.s32 $0xffff, v17;
	v17 =	vmpcnt.ones.xlane vm10  }
0x279: {  	[tilespmem:s0+$0xFFFFFFB0] =	vst v12;
	v20 =	vmpcnt.ones.xlane vm8;
	vm4 =	veq.f32 v6, v19  }
0x27a: {  	[tilespmem:s1+$0xFFFFFF80] =	vst v14;
	v14 =	vmpcnt.ones.xlane vm5;
	v12 =	vsel vm4, $0x1, v2;
	v22, _, _ =	vpop (xrf0)  }
0x27b: {  	(xrf0) =	vadd.scan.msk.s32 $0xffff, v12;
	v12 =	vadd.s32 v17, v22;
	v22 =	vmpcnt.ones.xlane vm6  }
0x27c: {  	vm3 =	vmand vm2, vm3;
	vm11 =	vlt.s32 v12, $0x9;
	v12 =	vadd.s32 v17, v20;
	v17, _, _ =	vpop (xrf0)  }
0x27d: {  	[tilespmem:s16+$0xFFFFFF80] =	vst v23;
	vm2 =	vmor vm7, vm9;
	v17 =	vadd.s32 v17, v12;
	v12 =	vadd.s32 v22, v12;
	v20, _, _ =	vpop (xrf0)  }
0x27e: {  	[tilespmem:s1+$0xFFFFFF90] =	vst v13;
	vm9 =	vgt.f32 v18, v19;
	vm8 =	vmand vm8, vm11;
	v13 =	vadd.s32 v14, v12;
	v14, _, _ =	vpop (xrf0)  }
0x27f: {  	vm8 =	vmor vm9, vm8;
	vm9 =	vlt.s32 v17, $0x9;
	v12 =	vadd.s32 v14, v12  }
0x280: {  	vm10 =	vgt.f32 v9, v19;
	vm7 =	vgt.f32 v10, v19;
	vm6 =	vmand vm6, vm9  }
0x281: {  	[tilespmem:s16+$0xFFFFFF90] =	vst v15;
	v15 =	vbroadcast v20, $0xF;
	v17 =	vnsel vm8, $0x0, v18;
	vm6 =	vmor vm10, vm6  }
0x282: {  	s0 =	sadd.s32 $0x100, s1;
	v14 =	vsel vm8, $0x1, v2;
	vm8 =	vlt.s32 v12, $0x9;
	v9 =	vnsel vm6, $0x0, v9;
	v12, _, _ =	vpop (xrf0)  }
0x283: {  	s29 =	sadd.s32 $0x100, s16;
	[tilespmem:s0+$0x0] =	vst v17;
	vm5 =	vmand vm5, vm8;
	v12 =	vadd.s32 v12, v13;
	v13 =	vsel vm6, $0x1, v2  }
0x284: {  	[tilespmem:s29+$0x0] =	vst v14;
	vm6 =	vmor vm7, vm5;
	vm5 =	veq.f32 v11, v15;
	vm7 =	vlt.s32 v12, $0x9  }
0x285: {  	vm8 =	vgt.f32 v6, v19;
	[tilespmem:s0+$0x10] =	vst v9;
	v9 =	vsel vm5, $0x1, v2;
	vm4 =	vmand vm4, vm7  }
0x286: {  	[tilespmem:s29+$0x10] =	vst v13;
	v10 =	vnsel vm6, $0x0, v10;
	vm7 =	vmor vm8, vm4;
	vm4 =	veq.f32 v8, v15  }
0x287: {  	(xrf0) =	vadd.scan.msk.s32 $0xffff, v9;
	[tilespmem:s0+$0x20] =	vst v10;
	v10 =	vsel vm4, $0x1, v2  }
0x288: {  	(xrf0) =	vadd.scan.msk.s32 $0xffff, v10  }
0x289: {  	v9 =	vsel vm6, $0x1, v2;
	vm6 =	vmor vm1, vm3;
	vm3 =	veq.f32 v7, v15  }
0x28a: {  	v3 =	vnsel vm2, $0x0, v3;
	vm1 =	veq.f32 v5, v15;
	[tilespmem:s29+$0x20] =	vst v9;
	v9 =	vsel vm3, $0x1, v2  }
0x28b: {  	[tilespmem:s1+$0xFFFFFFA0] =	vst v3;
	v6 =	vnsel vm7, $0x0, v6;
	v12 =	vsel vm7, $0x1, v2;
	vm7 =	vgt.f32 v16, v15  }
0x28c: {  	v3 =	vnsel vm6, $0x0, v4;
	v10 =	vmpcnt.ones.xlane vm5;
	v13 =	vmpcnt.ones.xlane vm7;
	(xrf0) =	vadd.scan.msk.s32 $0xffff, v9  }
0x28d: {  	[tilespmem:s16+$0x30] =	vst v28;
	vm8 =	vgt.f32 v7, v15;
	v14 =	vmpcnt.ones.xlane vm4;
	v9 =	vsel vm1, $0x1, v2;
	v17, _, _ =	vpop (xrf0)  }
0x28e: {  	v16 =	vmpcnt.ones.xlane vm3;
	[tilespmem:s0+$0x30] =	vst v6;
	v10 =	vadd.s32 v13, v10;
	(xrf0) =	vadd.scan.msk.s32 $0xffff, v9;
	v4, _, _ =	vpop (xrf0)  }
0x28f: {  	v6 =	vsel vm2, $0x1, v2;
	[tilespmem:s29+$0x30] =	vst v12;
	v12 =	vadd.s32 v13, v17;
	v4 =	vadd.s32 v4, v10  }
0x290: {  	vm2 =	vgt.f32 v11, v15;
	vm7 =	vgt.f32 v8, v15;
	[tilespmem:s16+$0xFFFFFFA0] =	vst v6;
	vm9 =	vlt.s32 v12, $0x9  }
0x291: {  	[tilespmem:s1+$0xFFFFFFB0] =	vst v3;
	v3 =	vsel vm6, $0x1, v2;
	v9 =	vadd.s32 v14, v10;
	vm5 =	vmand vm5, vm9  }
0x292: {  	[tilespmem:s31+$0xFFFFFFB0] =	vst v21;
	v12 =	vadd.s32 v16, v9;
	vm2 =	vmor vm2, vm5;
	vm6 =	vlt.s32 v4, $0x9;
	v4, _, _ =	vpop (xrf0)  }
0x293: {  	[tilespmem:s16+$0xFFFFFFB0] =	vst v3;
	v3 =	vnsel vm2, $0x0, v11;
	vm4 =	vmand vm4, vm6;
	v4 =	vadd.s32 v4, v9  }
0x294: {  	[tilespmem:s0+$0xFFFFFF80] =	vst v3;
	v3 =	vsel vm2, $0x1, v2;
	vm4 =	vmor vm7, vm4;
	v6, _, _ =	vpop (xrf0);
	vm2 =	vlt.s32 v4, $0x9  }
0x295: {  	[tilespmem:s29+$0xFFFFFF80] =	vst v3;
	v4 =	vnsel vm4, $0x0, v8;
	v3 =	vadd.s32 v6, v12;
	vm2 =	vmand vm3, vm2  }
0x296: {  	v6 =	vsel vm4, $0x1, v2;
	[tilespmem:s0+$0xFFFFFF90] =	vst v4;
	vm3 =	vlt.s32 v3, $0x9;
	vm2 =	vmor vm8, vm2  }
0x297: {  	vm4 =	vgt.f32 v5, v15;
	[tilespmem:s29+$0xFFFFFF90] =	vst v6;
	vm1 =	vmand vm1, vm3;
	v3 =	vnsel vm2, $0x0, v7  }
0x298: {  	vm1 =	vmor vm4, vm1;
	v4 =	vsel vm2, $0x1, v2;
	[tilespmem:s0+$0xFFFFFFA0] =	vst v3  }
0x299: {  	v3 =	vnsel vm1, $0x0, v5;
	[tilespmem:s29+$0xFFFFFFA0] =	vst v4  }
0x29a: {  	[tilespmem:s0+$0xFFFFFFB0] =	vst v3;
	v3 =	vsel vm1, $0x1, v2  }
0x29b: {  	[tilespmem:s29+$0xFFFFFFB0] =	vst v3  }
0x29c: {  	[hbm4b:s11+s2] =	stream.linear.scatter [tilespmem:s18], [sflag:$0x3], $0x4000, $0x38;
	[tilespmem:$0x18000] =	vst v63  }
0x29d: {  	_ = 	snop  }
0x29e: {  	[hbm4b:s12+s2] =	stream.linear.scatter [tilespmem:s19], [sflag:$0x5], $0x4000, $0x38;
	[tilespmem:$0x18000] =	vst v63  }
0x29f: {  	_ =	swait.ge [sflag:s20], $0x4000  }
0x2a0: {  	[sflag:s20] =	ssyncset.done $0x0  }
0x2a1: {  	[sflag:s20] =	ssyncadd.s32 $0xFFFFC000  }
0x2a2: {  	_ =	swait.ge [sflag:s25], $0x4000  }
0x2a3: {  	[sflag:s25] =	ssyncset.done $0x0  }
0x2a4: {  	[sflag:s25] =	ssyncadd.s32 $0xFFFFC000  }
0x2a5: {  	_ =	swait.ge [sflag:s26], $0x4000  }
0x2a6: {  	[sflag:s26] =	ssyncset.done $0x0  }
0x2a7: {  	s16 =	simm.s32 $0x4080;
	[sflag:s26] =	ssyncadd.s32 $0xFFFFC000  }
0x2a8: {  	v23 =	vld [tilespmem:s16+$0x30]  }
0x2a9: {  	v25 =	vld [tilespmem:s16+$0x10]  }
0x2aa: {  	v24 =	vld [tilespmem:s16+$0x20];
	_ =	sdelay $0x1  }
0x2ab: {  	v12 =	vld [tilespmem:s16+$0x0]  }
0x2ac: {  	(xrf1) =	vsort.dscd.msk.f32 $0xffff, v23, v0  }
0x2ad: {  	(xrf1) =	vsort.dscd.msk.f32 $0xffff, v25, v0  }
0x2ae: {  	(xrf1) =	vsort.dscd.msk.f32 $0xffff, v24, v0;
	_ =	sdelay $0x1  }
0x2af: {  	(xrf1) =	vsort.dscd.msk.f32 $0xffff, v12, v0;
	_ =	sdelay $0x1  }
0x2b0: {  	v11 =	vld [tilespmem:s16+$0xFFFFFFB0]  }
0x2b1: {  	v21 =	vld [tilespmem:s16+$0xFFFFFF90]  }
0x2b2: {  	v15 =	vld [tilespmem:s16+$0xFFFFFFA0]  }
0x2b3: {  	v22 =	vld [tilespmem:s16+$0xFFFFFF80];
	_ =	sdelay $0x1  }
0x2b4: {  	(xrf1) =	vsort.dscd.msk.f32 $0xffff, v11, v0  }
0x2b5: {  	(xrf1) =	vsort.dscd.msk.f32 $0xffff, v21, v0  }
0x2b6: {  	(xrf1) =	vsort.dscd.msk.f32 $0xffff, v15, v0  }
0x2b7: {  	(xrf1) =	vsort.dscd.msk.f32 $0xffff, v22, v0;
	v3, _, _ =	vpop (xrf1)  }
0x2b8: {  	v3 =	vperm.xlane v3, v1;
	v4, _, _ =	vpop (xrf1)  }
0x2b9: {  	v5, _, _ =	vpop (xrf1)  }
0x2ba: {  	v4 =	vperm.xlane v4, v1;
	v3 =	vmax.f32 v5, v3  }
0x2bb: {  	v5, _, _ =	vpop (xrf1);
	(xrf1) =	vsort.dscd.msk.f32 $0xffff, v3, v0  }
0x2bc: {  	v3 =	vmax.f32 v5, v4  }
0x2bd: {  	(xrf1) =	vsort.dscd.msk.f32 $0xffff, v3, v0;
	_ =	sdelay $0x4  }
0x2be: {  	s1 =	simm.s32 $0x4180;
	v3, _, _ =	vpop (xrf1)  }
0x2bf: {  	v16 =	vld [tilespmem:s1+$0x30];
	v3 =	vperm.xlane v3, v1;
	v4, _, _ =	vpop (xrf1)  }
0x2c0: {  	v19 =	vld [tilespmem:s1+$0x10];
	v4 =	vperm.xlane v4, v1;
	v5, _, _ =	vpop (xrf1)  }
0x2c1: {  	v17 =	vld [tilespmem:s1+$0x20];
	v3 =	vmax.f32 v5, v3;
	v5, _, _ =	vpop (xrf1)  }
0x2c2: {  	v4 =	vmax.f32 v5, v4;
	(xrf1) =	vsort.dscd.msk.f32 $0xffff, v3, v0  }
0x2c3: {  	(xrf1) =	vsort.dscd.msk.f32 $0xffff, v4, v0  }
0x2c4: {  	(xrf1) =	vsort.dscd.msk.f32 $0xffff, v16, v0  }
0x2c5: {  	(xrf1) =	vsort.dscd.msk.f32 $0xffff, v19, v0;
	v3, _, _ =	vpop (xrf1)  }
0x2c6: {  	v20 =	vld [tilespmem:s1+$0x0];
	(xrf1) =	vsort.dscd.msk.f32 $0xffff, v17, v0;
	v3 =	vperm.xlane v3, v1  }
0x2c7: {  	v4, _, _ =	vpop (xrf1)  }
0x2c8: {  	v3 =	vmax.f32 v4, v3  }
0x2c9: {  	(xrf1) =	vsort.dscd.msk.f32 $0xffff, v3, v0  }
0x2ca: {  	v4 =	vld [tilespmem:s1+$0xFFFFFFB0]  }
0x2cb: {  	v13 =	vld [tilespmem:s1+$0xFFFFFF90];
	(xrf1) =	vsort.dscd.msk.f32 $0xffff, v20, v0;
	_ =	sdelay $0x1  }
0x2cc: {  	v3 =	vld [tilespmem:s1+$0xFFFFFFA0]  }
0x2cd: {  	v14 =	vld [tilespmem:s1+$0xFFFFFF80]  }
0x2ce: {  	(xrf1) =	vsort.dscd.msk.f32 $0xffff, v4, v0  }
0x2cf: {  	v5, _, _ =	vpop (xrf1);
	(xrf1) =	vsort.dscd.msk.f32 $0xffff, v13, v0  }
0x2d0: {  	v6, _, _ =	vpop (xrf1);
	v5 =	vperm.xlane v5, v1  }
0x2d1: {  	v7, _, _ =	vpop (xrf1);
	(xrf1) =	vsort.dscd.msk.f32 $0xffff, v3, v0  }
0x2d2: {  	v8, _, _ =	vpop (xrf1);
	v5 =	vmax.f32 v6, v5;
	(xrf1) =	vsort.dscd.msk.f32 $0xffff, v14, v0  }
0x2d3: {  	v6, _, _ =	vpop (xrf1);
	(xrf1) =	vsort.dscd.msk.f32 $0xffff, v5, v0  }
0x2d4: {  	v5 =	vperm.xlane v7, v1;
	_ =	sdelay $0x1  }
0x2d5: {  	v5 =	vmax.f32 v6, v5;
	v7, _, _ =	vpop (xrf1)  }
0x2d6: {  	v8 =	vperm.xlane v8, v1;
	(xrf1) =	vsort.dscd.msk.f32 $0xffff, v5, v0;
	v9 =	vsel vm0, $0xBF800000, v7  }
0x2d7: {  	v6, _, _ =	vpop (xrf1);
	(xrf0) =	vmax.scan.msk.f32 $0xffff, v9  }
0x2d8: {  	v5 =	vmax.f32 v6, v8;
	_ =	sdelay $0x1  }
0x2d9: {  	(xrf1) =	vsort.dscd.msk.f32 $0xffff, v5, v0  }
0x2da: {  	v5, _, _ =	vpop (xrf1)  }
0x2db: {  	v8, _, _ =	vpop (xrf1)  }
0x2dc: {  	v5 =	vperm.xlane v5, v1;
	v6, _, _ =	vpop (xrf0)  }
0x2dd: {  	v8 =	vperm.xlane v8, v1;
	v26 =	vbroadcast v6, $0xF;
	v6, _, _ =	vpop (xrf1)  }
0x2de: {  	v5 =	vmax.f32 v6, v5;
	v6, _, _ =	vpop (xrf1)  }
0x2df: {  	vm4 =	veq.f32 v12, v26;
	(xrf1) =	vsort.dscd.msk.f32 $0xffff, v5, v0;
	v6 =	vmax.f32 v6, v8;
	v27, _, _ =	vpop (xrf1)  }
0x2e0: {  	vm3 =	veq.f32 v25, v26;
	v5 =	vsel vm4, $0x1, v2;
	(xrf1) =	vsort.dscd.msk.f32 $0xffff, v6, v0;
	v8 =	vsel vm0, $0xBF800000, v27  }
0x2e1: {  	s16 =	simm.s32 $0x4280;
	(xrf0) =	vadd.scan.msk.s32 $0xffff, v5;
	v5 =	vsel vm3, $0x1, v2  }
0x2e2: {  	vm2 =	veq.f32 v24, v26;
	v6 =	vld [tilespmem:s16+$0x30];
	(xrf0) =	vadd.scan.msk.s32 $0xffff, v5  }
0x2e3: {  	v9 =	vld [tilespmem:s16+$0x10];
	vm1 =	veq.f32 v23, v26;
	v5 =	vsel vm2, $0x1, v2;
	(xrf0) =	vmax.scan.msk.f32 $0xffff, v8;
	v8, _, _ =	vpop (xrf1)  }
0x2e4: {  	v10 =	vld [tilespmem:s16+$0x20];
	(xrf0) =	vadd.scan.msk.s32 $0xffff, v5;
	v5 =	vsel vm1, $0x1, v2;
	v8 =	vperm.xlane v8, v1;
	_ =	sdelay $0x1  }
0x2e5: {  	vm5 =	vgt.f32 v7, v26;
	(xrf0) =	vadd.scan.msk.s32 $0xffff, v5  }
0x2e6: {  	v18 =	vld [tilespmem:s16+$0x0];
	v7 =	vmpcnt.ones.xlane vm5;
	(xrf1) =	vsort.dscd.msk.f32 $0xffff, v6, v0;
	v5, _, _ =	vpop (xrf1)  }
0x2e7: {  	vm6 =	vgt.f32 v12, v26;
	v28 =	vmpcnt.ones.xlane vm4;
	(xrf1) =	vsort.dscd.msk.f32 $0xffff, v9, v0;
	v5 =	vmax.f32 v5, v8;
	v8, _, _ =	vpop (xrf0)  }
0x2e8: {  	vm7 =	vgt.f32 v25, v26;
	v29 =	vmpcnt.ones.xlane vm3;
	(xrf1) =	vsort.dscd.msk.f32 $0xffff, v10, v0;
	v8 =	vadd.s32 v7, v8;
	v50, _, _ =	vpop (xrf0)  }
0x2e9: {  	(xrf1) =	vsort.dscd.msk.f32 $0xffff, v5, v0;
	v5 =	vld [tilespmem:s16+$0xFFFFFFB0];
	v7 =	vadd.s32 v7, v28;
	v28 =	vmpcnt.ones.xlane vm2;
	vm8 =	vlt.s32 v8, $0x9;
	v51, _, _ =	vpop (xrf0)  }
0x2ea: {  	v8 =	vld [tilespmem:s16+$0xFFFFFF90];
	v30 =	vadd.s32 v50, v7;
	v29 =	vadd.s32 v29, v7;
	vm4 =	vmand vm4, vm8;
	v52, _, _ =	vpop (xrf0)  }
0x2eb: {  	(xrf1) =	vsort.dscd.msk.f32 $0xffff, v18, v0;
	v28 =	vadd.s32 v28, v29;
	vm4 =	vmor vm6, vm4;
	v29 =	vadd.s32 v52, v29  }
0x2ec: {  	s30 =	simm.s32 $0xC080;
	vm5 =	vgt.f32 v24, v26;
	v7 =	vld [tilespmem:s16+$0xFFFFFFA0];
	vm6 =	vlt.s32 v30, $0x9;
	v32 =	vnsel vm4, $0x0, v12  }
0x2ed: {  	s29 =	simm.s32 $0x14080;
	vm3 =	vmand vm3, vm6;
	v12 =	vld [tilespmem:s16+$0xFFFFFF80];
	v53 =	vsel vm4, $0x1, v2;
	vm4 =	vlt.s32 v29, $0x9;
	[tilespmem:s30+$0x0] =	vst v32  }
0x2ee: {  	vm3 =	vmor vm7, vm3;
	vm2 =	vmand vm2, vm4;
	(xrf1) =	vsort.dscd.msk.f32 $0xffff, v5, v0;
	v29, _, _ =	vpop (xrf0);
	[tilespmem:s29+$0x0] =	vst v53  }
0x2ef: {  	v54, _, _ =	vpop (xrf1);
	v25 =	vnsel vm3, $0x0, v25;
	(xrf1) =	vsort.dscd.msk.f32 $0xffff, v8, v0;
	v28 =	vadd.s32 v29, v28;
	v29 =	vsel vm3, $0x1, v2  }
0x2f0: {  	[tilespmem:s30+$0x10] =	vst v25;
	v25 =	vperm.xlane v54, v1;
	vm3 =	vlt.s32 v28, $0x9;
	v28 =	vbroadcast v51, $0xF  }
0x2f1: {  	v55, _, _ =	vpop (xrf1);
	vm4 =	vgt.f32 v23, v26;
	vm2 =	vmor vm5, vm2;
	(xrf1) =	vsort.dscd.msk.f32 $0xffff, v7, v0  }
0x2f2: {  	v24 =	vnsel vm2, $0x0, v24;
	v25 =	vmax.f32 v55, v25;
	(xrf1) =	vsort.dscd.msk.f32 $0xffff, v12, v0;
	vm6 =	veq.f32 v22, v28  }
0x2f3: {  	vm1 =	vmand vm1, vm3;
	vm5 =	veq.f32 v21, v28;
	(xrf1) =	vsort.dscd.msk.f32 $0xffff, v25, v0;
	v25 =	vsel vm6, $0x1, v2  }
0x2f4: {  	v26 =	vsel vm2, $0x1, v2;
	vm1 =	vmor vm4, vm1;
	v56, _, _ =	vpop (xrf1);
	v33 =	vsel vm5, $0x1, v2;
	(xrf0) =	vadd.scan.msk.s32 $0xffff, v25  }
0x2f5: {  	vm3 =	veq.f32 v15, v28;
	vm2 =	veq.f32 v11, v28;
	vm7 =	vgt.f32 v22, v28;
	v58, _, _ =	vpop (xrf1);
	(xrf0) =	vadd.scan.msk.s32 $0xffff, v33  }
0x2f6: {  	[tilespmem:s29+$0x10] =	vst v29;
	vm8 =	vgt.f32 v21, v28;
	vm4 =	vgt.f32 v15, v28;
	v23 =	vnsel vm1, $0x0, v23;
	v34, _, _ =	vpop (xrf1)  }
0x2f7: {  	[tilespmem:s30+$0x20] =	vst v24;
	v57 =	vsel vm1, $0x1, v2;
	v30 =	vperm.xlane v56, v1;
	vm1 =	vgt.f32 v27, v28;
	v25, _, _ =	vpop (xrf1)  }
0x2f8: {  	[tilespmem:s29+$0x20] =	vst v26;
	v27 =	vmpcnt.ones.xlane vm6;
	v59 =	vmpcnt.ones.xlane vm1;
	v60 =	vsel vm0, $0xBF800000, v25  }
0x2f9: {  	v62 =	vmpcnt.ones.xlane vm5;
	v26 =	vmpcnt.ones.xlane vm3;
	v30 =	vmax.f32 v34, v30;
	v61, _, _ =	vpop (xrf1);
	(xrf0) =	vmax.scan.msk.f32 $0xffff, v60  }
0x2fa: {  	v24 =	vperm.xlane v58, v1;
	[tilespmem:s30+$0x30] =	vst v23;
	v27 =	vadd.s32 v59, v27;
	(xrf1) =	vsort.dscd.msk.f32 $0xffff, v30, v0;
	v23, _, _ =	vpop (xrf0)  }
0x2fb: {  	vm1 =	vgt.f32 v11, v28;
	v33 =	vadd.s32 v62, v27;
	v23 =	vadd.s32 v59, v23;
	v28, _, _ =	vpop (xrf0)  }
0x2fc: {  	v24 =	vmax.f32 v61, v24;
	vm9 =	vlt.s32 v23, $0x9;
	v23 =	vadd.s32 v28, v27  }
0x2fd: {  	v63 =	vadd.s32 v26, v33;
	(xrf1) =	vsort.dscd.msk.f32 $0xffff, v24, v0;
	v26, _, _ =	vpop (xrf1)  }
0x2fe: {  	v29 =	vsel vm3, $0x1, v2;
	v26 =	vperm.xlane v26, v1;
	v27, _, _ =	vpop (xrf1)  }
0x2ff: {  	v35 =	vsel vm2, $0x1, v2;
	(xrf0) =	vadd.scan.msk.s32 $0xffff, v29;
	vm6 =	vmand vm6, vm9;
	vm9 =	vlt.s32 v23, $0x9;
	v23, _, _ =	vpop (xrf0)  }
0x300: {  	(xrf0) =	vadd.scan.msk.s32 $0xffff, v35;
	v24, _, _ =	vpop (xrf1);
	vm6 =	vmor vm7, vm6;
	vm5 =	vmand vm5, vm9;
	v23 =	vbroadcast v23, $0xF  }
0x301: {  	v24 =	vmax.f32 v24, v26;
	v22 =	vnsel vm6, $0x0, v22;
	vm5 =	vmor vm8, vm5  }
0x302: {  	v26, _, _ =	vpop (xrf1);
	[tilespmem:s30+$0xFFFFFF80] =	vst v22;
	v22 =	vsel vm6, $0x1, v2;
	v28 =	vnsel vm5, $0x0, v21;
	vm6 =	veq.f32 v20, v23  }
0x303: {  	[tilespmem:s29+$0x30] =	vst v57;
	v27 =	vperm.xlane v27, v1;
	v21, _, _ =	vpop (xrf1);
	(xrf1) =	vsort.dscd.msk.f32 $0xffff, v24, v0;
	v24 =	vsel vm6, $0x1, v2  }
0x304: {  	[tilespmem:s29+$0xFFFFFF80] =	vst v22  }
0x305: {  	v27 =	vmax.f32 v26, v27;
	v22 =	vsel vm5, $0x1, v2;
	v26 =	vsel vm0, $0xBF800000, v21;
	[tilespmem:s30+$0xFFFFFF90] =	vst v28;
	v28, _, _ =	vpop (xrf0)  }
0x306: {  	s31 =	simm.s32 $0x14080;
	vm5 =	veq.f32 v19, v23;
	[tilespmem:s29+$0xFFFFFF90] =	vst v22;
	(xrf0) =	vadd.scan.msk.s32 $0xffff, v24;
	v22 =	vadd.s32 v28, v33;
	v24, _, _ =	vpop (xrf0)  }
0x307: {  	s0 =	simm.s32 $0xC080;
	s1 =	simm.s32 $0x4;
	s16 =	simm.s32 $0x4380;
	(xrf1) =	vsort.dscd.msk.f32 $0xffff, v27, v0;
	v27 =	vsel vm5, $0x1, v2;
	vm8 =	vlt.s32 v22, $0x9;
	v24 =	vadd.s32 v24, v63  }
.LBB2_8:
0x308: {  	v29, _, _ =	vpop (xrf1);
	vm7 =	veq.f32 v17, v23;
	(xrf0) =	vadd.scan.msk.s32 $0xffff, v27;
	vm9 =	vmand vm3, vm8;
	vm3 =	vlt.s32 v24, $0x9  }
0x309: {  	v28 =	vld [tilespmem:s16+$0x30];
	v22 =	vmovc v5;
	v24 =	vmovc v13;
	v13 =	vmov v8;
	v27 =	vmov v15;
	v15 =	vmov v3  }
0x30a: {  	v3 =	vmovc v7;
	v30 =	vld [tilespmem:s16+$0x10];
	v8 =	vperm.xlane v29, v1;
	v5 =	vsel vm7, $0x1, v2;
	(xrf0) =	vmax.scan.msk.f32 $0xffff, v26;
	vm3 =	vmand vm2, vm3  }
0x30b: {  	vm10 =	vgt.f32 v25, v23;
	vm8 =	veq.f32 v16, v23;
	vm2 =	vmor vm4, vm9;
	v29 =	vld [tilespmem:s16+$0x20];
	v7, _, _ =	vpop (xrf1);
	(xrf0) =	vadd.scan.msk.s32 $0xffff, v5  }
0x30c: {  	v31 =	vmpcnt.ones.xlane vm10;
	v26 =	vmovc v14;
	v14 =	vmovc v12;
	v5 =	vld [tilespmem:s16+$0xFFFFFFB0];
	v25 =	vmax.f32 v7, v8;
	v7 =	vsel vm8, $0x1, v2  }
0x30d: {  	vm10 =	vgt.f32 v20, v23;
	v12 =	vmpcnt.ones.xlane vm6;
	vm9 =	vgt.f32 v19, v23;
	v32 =	vld [tilespmem:s16+$0x0];
	v33, _, _ =	vpop (xrf0);
	(xrf0) =	vadd.scan.msk.s32 $0xffff, v7  }
0x30e: {  	v36 =	vmpcnt.ones.xlane vm5;
	vm4 =	vgt.f32 v17, v23;
	v8 =	vld [tilespmem:s16+$0xFFFFFF90];
	(xrf1) =	vsort.dscd.msk.f32 $0xffff, v28, v0;
	v33 =	vadd.s32 v31, v33  }
0x30f: {  	v37 =	vmpcnt.ones.xlane vm7;
	v31 =	vadd.s32 v31, v12;
	v7 =	vld [tilespmem:s16+$0xFFFFFFA0];
	(xrf1) =	vsort.dscd.msk.f32 $0xffff, v30, v0;
	vm11 =	vlt.s32 v33, $0x9;
	v35, _, _ =	vpop (xrf0)  }
0x310: {  	v12 =	vld [tilespmem:s16+$0xFFFFFF80];
	(xrf1) =	vsort.dscd.msk.f32 $0xffff, v29, v0;
	vm6 =	vmand vm6, vm11;
	v35 =	vadd.s32 v35, v31;
	v31 =	vadd.s32 v36, v31;
	v34, _, _ =	vpop (xrf0)  }
0x311: {  	(xrf1) =	vsort.dscd.msk.f32 $0xffff, v25, v0;
	vm6 =	vmor vm10, vm6;
	vm10 =	vlt.s32 v35, $0x9;
	v25 =	vadd.s32 v37, v31;
	v33, _, _ =	vpop (xrf0)  }
0x312: {  	s30 =	sadd.s32 $0x100, s30;
	(xrf1) =	vsort.dscd.msk.f32 $0xffff, v32, v0;
	v35 =	vnsel vm6, $0x0, v20;
	vm5 =	vmand vm5, vm10;
	v36 =	vadd.s32 v33, v31;
	v20 =	vmovc v18  }
0x313: {  	s29 =	sadd.s32 $0x100, s29;
	v18 =	vsel vm6, $0x1, v2;
	[tilespmem:s30+$0x0] =	vst v35;
	vm5 =	vmor vm9, vm5;
	vm6 =	vlt.s32 v36, $0x9;
	v31, _, _ =	vpop (xrf0)  }
0x314: {  	s1 =	sadd.s32 $0x2, s1;
	v33, _, _ =	vpop (xrf1);
	[tilespmem:s29+$0x0] =	vst v18;
	v18 =	vnsel vm5, $0x0, v19;
	vm6 =	vmand vm7, vm6;
	v31 =	vadd.s32 v31, v25  }
0x315: {  	p0 =	slt.u32 s1, $0x7E;
	v19 =	vmovc v9;
	v9 =	vmovc v30;
	[tilespmem:s30+$0x10] =	vst v18;
	v18 =	vsel vm5, $0x1, v2;
	vm4 =	vmor vm4, vm6;
	vm5 =	vlt.s32 v31, $0x9  }
0x316: {  	vm6 =	vgt.f32 v16, v23;
	v25, _, _ =	vpop (xrf1);
	[tilespmem:s29+$0x10] =	vst v18;
	v30 =	vnsel vm4, $0x0, v17;
	vm5 =	vmand vm8, vm5  }
0x317: {  	v18 =	vsel vm4, $0x1, v2;
	v17 =	vmovc v10;
	(xrf1) =	vsort.dscd.msk.f32 $0xffff, v5, v0;
	[tilespmem:s30+$0x20] =	vst v30;
	vm4 =	vmor vm6, vm5  }
0x318: {  	v23 =	vperm.xlane v33, v1;
	(xrf1) =	vsort.dscd.msk.f32 $0xffff, v8, v0;
	[tilespmem:s29+$0x20] =	vst v18;
	v31 =	vnsel vm4, $0x0, v16;
	v16 =	vmovc v6  }
0x319: {  	vm7 =	vmor vm1, vm3;
	v10 =	vmovc v29;
	v30 =	vbroadcast v34, $0xF;
	v6 =	vmovc v28;
	[tilespmem:s30+$0x30] =	vst v31;
	v31 =	vsel vm4, $0x1, v2  }
0x31a: {  	v27 =	vnsel vm2, $0x0, v27;
	v23 =	vmax.f32 v25, v23;
	v18 =	vmovc v32;
	(xrf1) =	vsort.dscd.msk.f32 $0xffff, v7, v0;
	[tilespmem:s29+$0x30] =	vst v31  }
0x31b: {  	v28 =	vsel vm2, $0x1, v2;
	vm6 =	veq.f32 v26, v30;
	vm5 =	veq.f32 v24, v30;
	(xrf1) =	vsort.dscd.msk.f32 $0xffff, v12, v0  }
0x31c: {  	vm3 =	veq.f32 v15, v30;
	vm2 =	veq.f32 v4, v30;
	v33 =	vsel vm6, $0x1, v2;
	v25, _, _ =	vpop (xrf1);
	(xrf1) =	vsort.dscd.msk.f32 $0xffff, v23, v0  }
0x31d: {  	v31 =	vsel vm5, $0x1, v2;
	v32 =	vsel vm3, $0x1, v2;
	v34 =	vperm.xlane v25, v1;
	v29, _, _ =	vpop (xrf1);
	(xrf0) =	vadd.scan.msk.s32 $0xffff, v33  }
0x31e: {  	vm1 =	vgt.f32 v21, v30;
	v21 =	vmpcnt.ones.xlane vm6;
	v33 =	vsel vm2, $0x1, v2;
	v23, _, _ =	vpop (xrf1);
	(xrf0) =	vadd.scan.msk.s32 $0xffff, v31  }
0x31f: {  	v29 =	vperm.xlane v29, v1;
	v31 =	vmpcnt.ones.xlane vm1;
	v23 =	vmax.f32 v23, v34;
	v25, _, _ =	vpop (xrf1);
	[tilespmem:s0+$0xFFFFFFA0] =	vst v27  }
0x320: {  	v35 =	vmpcnt.ones.xlane vm3;
	v34 =	vmpcnt.ones.xlane vm5;
	v27, _, _ =	vpop (xrf1);
	(xrf1) =	vsort.dscd.msk.f32 $0xffff, v23, v0;
	v23 =	vsel vm0, $0xBF800000, v25  }
0x321: {  	vm9 =	vgt.f32 v26, v30;
	v21 =	vadd.s32 v31, v21;
	v27 =	vmax.f32 v27, v29;
	(xrf0) =	vmax.scan.msk.f32 $0xffff, v23  }
0x322: {  	vm8 =	vgt.f32 v24, v30;
	(xrf1) =	vsort.dscd.msk.f32 $0xffff, v27, v0;
	v27 =	vadd.s32 v34, v21;
	v34 =	vnsel vm7, $0x0, v11  }
0x323: {  	vm4 =	vgt.f32 v15, v30;
	vm1 =	vgt.f32 v4, v30;
	v29 =	vadd.s32 v35, v27;
	v23, _, _ =	vpop (xrf0);
	[tilespmem:s31+$0xFFFFFFA0] =	vst v28  }
0x324: {  	v30 =	vsel vm7, $0x1, v2;
	v11 =	vmov v4;
	v31 =	vadd.s32 v31, v23;
	v28, _, _ =	vpop (xrf0);
	[tilespmem:s0+$0xFFFFFFB0] =	vst v34;
	s0 =	smov.u32 s30  }
0x325: {  	v4, _, _ =	vpop (xrf1);
	vm7 =	vlt.s32 v31, $0x9;
	v21 =	vadd.s32 v28, v21;
	(xrf0) =	vadd.scan.msk.s32 $0xffff, v32;
	[tilespmem:s31+$0xFFFFFFB0] =	vst v30;
	s31 =	smov.u32 s29  }
0x326: {  	v4 =	vperm.xlane v4, v1;
	v23, _, _ =	vpop (xrf1);
	vm6 =	vmand vm6, vm7;
	vm7 =	vlt.s32 v21, $0x9;
	(xrf0) =	vadd.scan.msk.s32 $0xffff, v33  }
0x327: {  	v30 =	vperm.xlane v23, v1;
	v23, _, _ =	vpop (xrf0);
	vm6 =	vmor vm9, vm6;
	vm5 =	vmand vm5, vm7  }
0x328: {  	v28, _, _ =	vpop (xrf1);
	v23 =	vbroadcast v23, $0xF;
	v26 =	vnsel vm6, $0x0, v26;
	vm5 =	vmor vm8, vm5  }
.Ltmp3:
0x329: {  	v4 =	vmax.f32 v28, v4;
	v28, _, _ =	vpop (xrf1);
	[tilespmem:s30+$0xFFFFFF80] =	vst v26;
	v26 =	vsel vm6, $0x1, v2;
	v31 =	vnsel vm5, $0x0, v24;
	(pc) =	sbr.rel @p0 .LBB2_8-.Ltmp3, $4  }
0x32a: {  	v28 =	vmax.f32 v28, v30;
	vm6 =	veq.f32 v20, v23;
	v21, _, _ =	vpop (xrf1);
	[tilespmem:s29+$0xFFFFFF80] =	vst v26;
	v30 =	vsel vm5, $0x1, v2  }
0x32b: {  	(xrf1) =	vsort.dscd.msk.f32 $0xffff, v4, v0;
	v26 =	vsel vm0, $0xBF800000, v21;
	v32 =	vsel vm6, $0x1, v2;
	[tilespmem:s30+$0xFFFFFF90] =	vst v31;
	v24, _, _ =	vpop (xrf0)  }
0x32c: {  	vm5 =	veq.f32 v19, v23;
	(xrf0) =	vadd.scan.msk.s32 $0xffff, v32;
	[tilespmem:s29+$0xFFFFFF90] =	vst v30;
	v30 =	vadd.s32 v24, v27;
	v24, _, _ =	vpop (xrf0)  }
0x32d: {  	s16 =	sadd.s32 $0x100, s16;
	v27 =	vsel vm5, $0x1, v2;
	v4 =	vmovc v22;
	(xrf1) =	vsort.dscd.msk.f32 $0xffff, v28, v0;
	vm8 =	vlt.s32 v30, $0x9;
	v24 =	vadd.s32 v24, v29  }
0x32e: {  	v22, _, _ =	vpop (xrf1);
	vm7 =	veq.f32 v17, v23  }
0x32f: {  	(xrf0) =	vadd.scan.msk.s32 $0xffff, v27;
	vm9 =	vmand vm3, vm8;
	vm3 =	vlt.s32 v24, $0x9;
	v22 =	vperm.xlane v22, v1  }
0x330: {  	vm10 =	vgt.f32 v25, v23;
	vm8 =	veq.f32 v16, v23;
	v45 =	vsel vm7, $0x1, v2;
	(xrf0) =	vmax.scan.msk.f32 $0xffff, v26;
	v46, _, _ =	vpop (xrf1)  }
0x331: {  	vm15 =	vgt.f32 v20, v23;
	v49 =	vmpcnt.ones.xlane vm6;
	(xrf0) =	vadd.scan.msk.s32 $0xffff, v45;
	v22 =	vmax.f32 v46, v22  }
0x332: {  	vm12 =	vgt.f32 v19, v23;
	v52 =	vmpcnt.ones.xlane vm5;
	v47 =	vmpcnt.ones.xlane vm10;
	(xrf1) =	vsort.dscd.msk.f32 $0xffff, v22, v0  }
0x333: {  	vm3 =	vmand vm2, vm3;
	vm2 =	vmor vm4, vm9;
	v48 =	vsel vm8, $0x1, v2;
	v50, _, _ =	vpop (xrf0)  }
0x334: {  	vm10 =	vgt.f32 v17, v23;
	v53 =	vmpcnt.ones.xlane vm7;
	(xrf0) =	vadd.scan.msk.s32 $0xffff, v48;
	v51 =	vadd.s32 v47, v50  }
0x335: {  	v15 =	vnsel vm2, $0x0, v15;
	v22 =	vadd.s32 v47, v49;
	vm11 =	vlt.s32 v51, $0x9;
	v54, _, _ =	vpop (xrf0)  }
0x336: {  	v45 =	vsel vm2, $0x1, v2;
	vm13 =	vmand vm6, vm11;
	v25 =	vadd.s32 v54, v22  }
0x337: {  	v22 =	vadd.s32 v52, v22;
	v55, _, _ =	vpop (xrf0);
	vm4 =	vmor vm15, vm13;
	vm14 =	vlt.s32 v25, $0x9  }
0x338: {  	v24 =	vadd.s32 v53, v22;
	v56, _, _ =	vpop (xrf0);
	v26 =	vbroadcast v55, $0xF;
	v57 =	vnsel vm4, $0x0, v20  }
0x339: {  	vm15 =	vmand vm5, vm14;
	v22 =	vadd.s32 v56, v22;
	v58 =	vsel vm4, $0x1, v2  }
0x33a: {  	vm11 =	vmor vm12, vm15;
	vm12 =	vlt.s32 v22, $0x9;
	v60, _, _ =	vpop (xrf0);
	vm15 =	vgt.f32 v16, v23  }
0x33b: {  	vm4 =	veq.f32 v4, v26;
	v59, _, _ =	vpop (xrf1);
	v61 =	vnsel vm11, $0x0, v19;
	vm5 =	vmand vm7, vm12  }
0x33c: {  	v24 =	vadd.s32 v60, v24;
	vm7 =	veq.f32 v14, v26;
	v22 =	vperm.xlane v59, v1  }
0x33d: {  	vm13 =	vmor vm10, vm5;
	vm5 =	veq.f32 v13, v26;
	v31 =	vsel vm7, $0x1, v2  }
0x33e: {  	v62 =	vsel vm11, $0x1, v2;
	vm12 =	vmor vm1, vm3;
	v28, _, _ =	vpop (xrf1);
	v33 =	vsel vm5, $0x1, v2;
	(xrf0) =	vadd.scan.msk.s32 $0xffff, v31  }
0x33f: {  	vm1 =	vgt.f32 v21, v26;
	vm3 =	veq.f32 v3, v26;
	v22 =	vmax.f32 v28, v22;
	(xrf0) =	vadd.scan.msk.s32 $0xffff, v33  }
0x340: {  	v43 =	vsel vm4, $0x1, v2;
	vm14 =	vlt.s32 v24, $0x9;
	v38 =	vmpcnt.ones.xlane vm7;
	(xrf1) =	vsort.dscd.msk.f32 $0xffff, v22, v0;
	v34, _, _ =	vpop (xrf1)  }
0x341: {  	v21 =	vmpcnt.ones.xlane vm1;
	v39 =	vsel vm3, $0x1, v2;
	v37 =	vsel vm0, $0xBF800000, v34  }
0x342: {  	v41 =	vmpcnt.ones.xlane vm3;
	vm1 =	vgt.f32 v4, v26;
	v11 =	vnsel vm12, $0x0, v11;
	(xrf0) =	vmax.scan.msk.f32 $0xffff, v37  }
0x343: {  	[tilespmem:s0+$0xFFFFFFA0] =	vst v15;
	v49 =	vsel vm12, $0x1, v2;
	v63 =	vnsel vm13, $0x0, v17;
	vm8 =	vmand vm8, vm14  }
0x344: {  	[tilespmem:s31+$0xFFFFFFA0] =	vst v45;
	v32 =	vsel vm13, $0x1, v2;
	v40 =	vmpcnt.ones.xlane vm5;
	vm13 =	vgt.f32 v14, v26  }
0x345: {  	vm14 =	vgt.f32 v13, v26;
	vm11 =	vmor vm15, vm8;
	v20 =	vadd.s32 v21, v38;
	v42, _, _ =	vpop (xrf0);
	(xrf0) =	vadd.scan.msk.s32 $0xffff, v39  }
0x346: {  	s1 =	sadd.s32 $0x100, s30;
	vm15 =	vgt.f32 v3, v26;
	v35 =	vnsel vm11, $0x0, v16;
	v21 =	vadd.s32 v21, v42;
	v44, _, _ =	vpop (xrf0);
	(xrf0) =	vadd.scan.msk.s32 $0xffff, v43  }
0x347: {  	s16 =	sadd.s32 $0x100, s29;
	[tilespmem:s1+$0x0] =	vst v57;
	v36 =	vsel vm11, $0x1, v2;
	vm2 =	vlt.s32 v21, $0x9;
	v47 =	vadd.s32 v44, v20  }
0x348: {  	[tilespmem:s16+$0x0] =	vst v58;
	v25 =	vadd.s32 v40, v20;
	vm2 =	vmand vm7, vm2;
	vm12 =	vlt.s32 v47, $0x9;
	v46, _, _ =	vpop (xrf0)  }
0x349: {  	[tilespmem:s1+$0x10] =	vst v61;
	vm2 =	vmor vm13, vm2;
	vm5 =	vmand vm5, vm12;
	v48 =	vbroadcast v46, $0xF  }
0x34a: {  	[tilespmem:s16+$0x10] =	vst v62;
	v19 =	vadd.s32 v41, v25;
	v50 =	vnsel vm2, $0x0, v14;
	vm5 =	vmor vm14, vm5  }
0x34b: {  	[tilespmem:s0+$0xFFFFFFB0] =	vst v11;
	v53 =	vsel vm2, $0x1, v2;
	v54 =	vnsel vm5, $0x0, v13;
	v55, _, _ =	vpop (xrf0);
	vm8 =	veq.f32 v18, v48  }
0x34c: {  	[tilespmem:s1+$0x20] =	vst v63;
	v56 =	vsel vm5, $0x1, v2;
	v57 =	vadd.s32 v55, v25;
	v58, _, _ =	vpop (xrf0);
	v52 =	vsel vm8, $0x1, v2  }
0x34d: {  	vm7 =	veq.f32 v9, v48;
	vm2 =	vlt.s32 v57, $0x9;
	v61 =	vadd.s32 v58, v19;
	(xrf0) =	vadd.scan.msk.s32 $0xffff, v52  }
0x34e: {  	[tilespmem:s31+$0xFFFFFFB0] =	vst v49;
	v51, _, _ =	vpop (xrf1);
	vm5 =	veq.f32 v10, v48;
	vm13 =	vgt.f32 v34, v48;
	v59 =	vsel vm7, $0x1, v2  }
0x34f: {  	vm14 =	vgt.f32 v18, v48;
	vm12 =	vgt.f32 v10, v48;
	v60 =	vsel vm0, $0xBF800000, v51;
	(xrf0) =	vadd.scan.msk.s32 $0xffff, v59  }
0x350: {  	vm2 =	vmand vm3, vm2;
	vm3 =	vlt.s32 v61, $0x9;
	v62 =	vsel vm5, $0x1, v2;
	(xrf0) =	vmax.scan.msk.f32 $0xffff, v60  }
0x351: {  	v63 =	vmpcnt.ones.xlane vm13;
	vm3 =	vmand vm4, vm3;
	vm4 =	veq.f32 v6, v48;
	(xrf0) =	vadd.scan.msk.s32 $0xffff, v62  }
0x352: {  	[tilespmem:s16+$0x20] =	vst v32;
	v25 =	vmpcnt.ones.xlane vm8;
	v28 =	vmpcnt.ones.xlane vm7;
	v24 =	vsel vm4, $0x1, v2  }
0x353: {  	v31 =	vmpcnt.ones.xlane vm5;
	vm2 =	vmor vm15, vm2;
	vm15 =	vgt.f32 v9, v48;
	v26, _, _ =	vpop (xrf0);
	(xrf0) =	vadd.scan.msk.s32 $0xffff, v24  }
0x354: {  	[tilespmem:s1+$0x30] =	vst v35;
	v29 =	vadd.s32 v63, v25;
	v3 =	vnsel vm2, $0x0, v3;
	v27 =	vadd.s32 v63, v26  }
0x355: {  	[tilespmem:s1+$0xFFFFFF80] =	vst v50;
	v50 =	vsel vm2, $0x1, v2;
	v11 =	vadd.s32 v28, v29;
	v30, _, _ =	vpop (xrf0);
	vm13 =	vlt.s32 v27, $0x9  }
0x356: {  	[tilespmem:s16+$0x30] =	vst v36;
	v33 =	vadd.s32 v31, v11;
	v17 =	vadd.s32 v30, v29;
	v32, _, _ =	vpop (xrf0);
	vm8 =	vmand vm8, vm13  }
0x357: {  	[tilespmem:s16+$0xFFFFFF80] =	vst v53;
	v34, _, _ =	vpop (xrf0);
	v39 =	vbroadcast v32, $0xF;
	vm8 =	vmor vm14, vm8;
	vm14 =	vlt.s32 v17, $0x9  }
0x358: {  	[tilespmem:s1+$0xFFFFFF90] =	vst v54;
	vm13 =	vgt.f32 v6, v48;
	v11 =	vadd.s32 v34, v11;
	vm7 =	vmand vm7, vm14  }
0x359: {  	[tilespmem:s16+$0xFFFFFF90] =	vst v56;
	v35 =	vnsel vm8, $0x0, v18;
	vm7 =	vmor vm15, vm7;
	vm15 =	vlt.s32 v11, $0x9;
	v37, _, _ =	vpop (xrf0)  }
0x35a: {  	[tilespmem:s1+$0xFFFFFFA0] =	vst v3;
	v36 =	vsel vm8, $0x1, v2;
	vm5 =	vmand vm5, vm15;
	v11 =	vadd.s32 v37, v33  }
0x35b: {  	s31 =	sadd.s32 $0x100, s1;
	[tilespmem:s16+$0xFFFFFFA0] =	vst v50;
	vm6 =	vmor vm12, vm5;
	vm12 =	vlt.s32 v11, $0x9;
	vm5 =	veq.f32 v12, v39  }
0x35c: {  	[tilespmem:s31+$0x0] =	vst v35;
	v38 =	vnsel vm7, $0x0, v9;
	vm4 =	vmand vm4, vm12;
	v41 =	vsel vm5, $0x1, v2  }
0x35d: {  	s29 =	sadd.s32 $0x100, s16;
	v40 =	vsel vm7, $0x1, v2;
	vm7 =	vmor vm13, vm4;
	vm4 =	veq.f32 v8, v39;
	(xrf0) =	vadd.scan.msk.s32 $0xffff, v41  }
0x35e: {  	vm14 =	vgt.f32 v51, v39;
	[tilespmem:s29+$0x0] =	vst v36;
	v42 =	vnsel vm6, $0x0, v10;
	v45 =	vsel vm4, $0x1, v2  }
0x35f: {  	v43 =	vsel vm6, $0x1, v2;
	vm6 =	vmor vm1, vm3;
	vm3 =	veq.f32 v7, v39;
	(xrf0) =	vadd.scan.msk.s32 $0xffff, v45  }
0x360: {  	vm2 =	vgt.f32 v12, v39;
	v49 =	vmpcnt.ones.xlane vm14;
	[tilespmem:s31+$0x10] =	vst v38;
	v47 =	vsel vm3, $0x1, v2  }
0x361: {  	vm15 =	vgt.f32 v8, v39;
	[tilespmem:s29+$0x10] =	vst v40;
	vm1 =	veq.f32 v5, v39;
	(xrf0) =	vadd.scan.msk.s32 $0xffff, v47  }
0x362: {  	v48 =	vmpcnt.ones.xlane vm5;
	vm12 =	vgt.f32 v7, v39;
	[tilespmem:s31+$0x20] =	vst v42;
	v51 =	vsel vm1, $0x1, v2  }
0x363: {  	v53 =	vmpcnt.ones.xlane vm3;
	v3 =	vnsel vm6, $0x0, v4;
	v44 =	vnsel vm7, $0x0, v6;
	v54, _, _ =	vpop (xrf0);
	(xrf0) =	vadd.scan.msk.s32 $0xffff, v51  }
0x364: {  	v46 =	vsel vm7, $0x1, v2;
	[tilespmem:s29+$0x20] =	vst v43;
	v52 =	vmpcnt.ones.xlane vm4;
	v56 =	vadd.s32 v49, v54  }
0x365: {  	v10 =	vadd.s32 v49, v48;
	[tilespmem:s1+$0xFFFFFFB0] =	vst v3;
	v3 =	vsel vm6, $0x1, v2;
	v57, _, _ =	vpop (xrf0);
	vm13 =	vlt.s32 v56, $0x9  }
0x366: {  	[tilespmem:s31+$0x30] =	vst v44;
	v55 =	vadd.s32 v52, v10;
	v4 =	vadd.s32 v57, v10;
	vm5 =	vmand vm5, vm13  }
0x367: {  	[tilespmem:s16+$0xFFFFFFB0] =	vst v3;
	v58 =	vadd.s32 v53, v55;
	v59, _, _ =	vpop (xrf0);
	vm14 =	vlt.s32 v4, $0x9;
	vm2 =	vmor vm2, vm5  }
0x368: {  	[tilespmem:s29+$0x30] =	vst v46;
	v4 =	vadd.s32 v59, v55;
	vm4 =	vmand vm4, vm14;
	v3 =	vnsel vm2, $0x0, v12  }
0x369: {  	vm4 =	vmor vm15, vm4;
	[tilespmem:s31+$0xFFFFFF80] =	vst v3;
	v3 =	vsel vm2, $0x1, v2;
	v60, _, _ =	vpop (xrf0);
	vm2 =	vlt.s32 v4, $0x9  }
0x36a: {  	v61 =	vnsel vm4, $0x0, v8;
	[tilespmem:s29+$0xFFFFFF80] =	vst v3;
	v3 =	vadd.s32 v60, v58;
	vm2 =	vmand vm3, vm2  }
0x36b: {  	v62 =	vsel vm4, $0x1, v2;
	[tilespmem:s31+$0xFFFFFF90] =	vst v61;
	vm3 =	vlt.s32 v3, $0x9;
	vm2 =	vmor vm12, vm2  }
0x36c: {  	vm15 =	vgt.f32 v5, v39;
	[tilespmem:s29+$0xFFFFFF90] =	vst v62;
	vm1 =	vmand vm1, vm3;
	v3 =	vnsel vm2, $0x0, v7  }
0x36d: {  	v63 =	vsel vm2, $0x1, v2;
	vm1 =	vmor vm15, vm1;
	[tilespmem:s31+$0xFFFFFFA0] =	vst v3  }
0x36e: {  	v3 =	vnsel vm1, $0x0, v5;
	[tilespmem:s29+$0xFFFFFFA0] =	vst v63  }
0x36f: {  	[tilespmem:s31+$0xFFFFFFB0] =	vst v3;
	v3 =	vsel vm1, $0x1, v2  }
0x370: {  	[tilespmem:s29+$0xFFFFFFB0] =	vst v3  }
0x371: {  	[hbm4b:s13+s2] =	stream.linear.scatter [tilespmem:s21], [sflag:$0x4], $0x4000, $0x38;
	[tilespmem:$0x18000] =	vst v63  }
0x372: {  	_ = 	snop  }
0x373: {  	[hbm4b:s14+s2] =	stream.linear.scatter [tilespmem:s22], [sflag:$0x6], $0x4000, $0x38;
	[tilespmem:$0x18000] =	vst v63  }
0x374: {  	_ =	swait.ge [sflag:s23], $0x4000  }
0x375: {  	[sflag:s23] =	ssyncset.done $0x0  }
0x376: {  	[sflag:s23] =	ssyncadd.s32 $0xFFFFC000  }
0x377: {  	_ =	swait.ge [sflag:s24], $0x4000  }
0x378: {  	[sflag:s24] =	ssyncset.done $0x0  }
0x379: {  	s28 =	sadd.s32 $0x1, s28;
	[sflag:s24] =	ssyncadd.s32 $0xFFFFC000  }
0x37a: {  	p0 =	sne.s32 s28, s15;
	_ =	swait.ge [sflag:s25], $0x4000  }
.Ltmp4:
0x37b: {  	[sflag:s25] =	ssyncset.done $0x0;
	(pc) =	sbr.rel @p0 .LBB2_1-.Ltmp4, $4  }
0x37c: {  	[sflag:s25] =	ssyncadd.s32 $0xFFFFC000  }
0x37d: {  	_ =	swait.ge [sflag:s26], $0x4000  }
0x37e: {  	[sflag:s26] =	ssyncset.done $0x0  }
0x37f: {  	[sflag:s26] =	ssyncadd.s32 $0xFFFFC000  }
0x380: {  	_ =	sfence.sel $0x180000  }
0x381: {  	[bflag:$0x0] =	sbarrier.arrive $0xFFFF  }
0x382: {  	_ =	strace $0x90000047  }
0x383: {  	s0 =	stileid.u32;
	[bflag:$0x2] =	sbarrier.arrive $0xFFFF  }
0x384: {  	p0 =	sne.s32 s0, $0x0;
	s0 =	rddreg [dreg:$0x2]  }
0x385: {  	s0 =	sadd.s32 @!p0 $0x100000, s0  }
0x386: {  	[sflag:s0] =	ssyncadd.tile.s32 @!p0 $0x1;
	_ =	shalt  }
.Lfunc_end2:
_tile_overlayer_lowered:
.L_overlay_start_2:
0x387: {  	(tag) =	ssettag $0x2  }
0x388: {  	s0 =	rddreg [dreg:$0x0];
	s2 =	stileid.u32  }
0x389: {  	s1 =	rddreg [dreg:$0x1];
	p0 =	sne.s32 s2, $0x0  }
0x38a: {  	s3 =	rddreg [dreg:$0x2];
	[bflag:$0x3] =	sbarrier.arrive $0xFFFF;
	s2 =	simm.s32 @!p0 $0x1C07  }
0x38b: {  	[timem:s3], [sflag:s2] =	dma.local @!p0 [hbm:s0], s1  }
0x38c: {  	s0 =	simm.s32 @!p0 $0x7  }
0x38d: {  	_ =	swait.ge @!p0 [sflag:s0], s1  }
0x38e: {  	s1 =	ssub.s32 @!p0 $0x0, s1;
	[sflag:s0] =	ssyncset.done @!p0 $0x0  }
0x38f: {  	[sflag:s0] =	ssyncadd.s32 @!p0 s1  }
0x390: {  	[bflag:$0x3] =	sbarrier.arrive $0xFFFF  }
0x391: {  	_ =	shalt  }

// kernel: kernel.9.cloned.1.call-start
scs
__scs_entry_jumppad:
0x0: {  	(pc) =	sbr.rel $0x88, $3  }
0x1: {  	(tag) =	ssettag $0x0;
	lr =	simm.s32 $0x1  }
0x2: {  	[smem:$0x3F9F] =	sst lr;
	_ =	strace $0xD0000000  }
0x3: {  	_ = 	snop  }
0x4: {  	_ = 	snop  }
0x5: {  	_ = 	snop  }
0x6: {  	_ = 	snop  }
0x7: {  	_ = 	snop  }
__scs_overlays_trampoline_lowered:
0x8: {  	[smem:$0x3FAE] =	sst s0  }
0x9: {  	[smem:$0x3FAF] =	sst s1  }
0xa: {  	[smem:$0x3FB0] =	sst s2  }
0xb: {  	[smem:$0x3FB1] =	sst s3  }
0xc: {  	[smem:$0x3FB2] =	sst s4  }
0xd: {  	[smem:$0x3FB3] =	sst s5  }
0xe: {  	[smem:$0x3FB4] =	sst s6  }
0xf: {  	[smem:$0x3FB5] =	sst s7  }
0x10: {  	[smem:$0x3FB6] =	sst s8  }
0x11: {  	[smem:$0x3FB7] =	sst s9;
	s0 =	simm.s32 @!p0 $0x0  }
0x12: {  	s1 =	sld [smem:$0x3F9D];
	s0 =	simm.s32 @p0 $0x1  }
0x13: {  	[smem:$0x3FB8] =	sst s0;
	s0 =	simm.s32 @!p1 $0x0  }
0x14: {  	s2 =	sld [smem:$0x3F9C];
	s0 =	simm.s32 @p1 $0x1  }
0x15: {  	[smem:$0x3FB9] =	sst s0;
	s0 =	simm.s32 @!p2 $0x0  }
0x16: {  	s3 =	sld [smem:$0x3FDB];
	s0 =	simm.s32 @p2 $0x1  }
0x17: {  	s4 =	simm.s32 $0x1BF5;
	[smem:$0x3FBB] =	sst s0  }
0x18: {  	s0 =	sld [smem:$0x3F9E];
	_ =	swait.ge [sflag:s4], $0x0  }
0x19: {  	s7 =	sld [smem:$0x3F9F]  }
0x1a: {  	s8 =	sadd.s32 $0xFFFFE003, lr  }
0x1b: {  	s9 =	sadd.s32 $0xFFFFFEF7, lr;
	s5 =	simm.s32 $0xFFFFFFFF;
	p2 =	slt.u32 s8, $0xFFFFF086  }
0x1c: {  	p1 =	slt.u32 s9, $0xF7A;
	s5 =	simm.s32 @!p2 $0x0  }
0x1d: {  	s5 =	simm.s32 @p1 $0x1;
	p0 =	seq.s32 s7, s2  }
0x1e: {  	s7 =	smul.u32 @!p0 $0xF7A, s2;
	p2 =	seq.s32 @!p0 s5, $0x0  }
0x1f: {  	s9 =	smul.u32 $0xF7A, s1;
	s8 =	simm.s32 @!p0 $0x1BF5;
	p2 =	por !p2, p0  }
0x20: {  	[sflag:s8] =	ssyncset.s32 @!p0 $0xFFFFF086;
	s6 =	sadd.s32 @!p0 s3, s7;
	s7 =	simm.s32 @!p0 $0x108  }
0x21: {  	s3 =	sadd.s32 s3, s9;
	s6 =	sadd.s32 @!p0 $0x88, s6;
	s7 =	simm.s32 @p2 $0x1082  }
0x22: {  	[simem:s7], [sflag:s8] =	dma.local @!p0 [hbm:s6], $0xF7A  }
0x23: {  	s9 =	sor.u32 $0xD0000000, s2;
	s6 =	simm.s32 $0x108;
	_ =	swait.ge @!p0 [sflag:s8], $0x0  }
0x24: {  	s3 =	sadd.s32 $0x88, s3;
	s6 =	simm.s32 @!p1 $0x1082;
	[sflag:s4] =	ssyncset.s32 $0xFFFFF086  }
0x25: {  	[simem:s6], [sflag:s4] =	dma.local [hbm:s3], $0xF7A  }
0x26: {  	[smem:$0x3F9F] =	sst s1;
	(tag) =	ssettag s2;
	_ =	strace s9  }
0x27: {  	s1 =	sld [smem:$0x3FAF]  }
0x28: {  	s2 =	sld [smem:$0x3FB0]  }
0x29: {  	s4 =	sld [smem:$0x3FB2]  }
0x2a: {  	p0 =	seq.s32 s5, $0x0;
	s5 =	sld [smem:$0x3FB3]  }
0x2b: {  	s6 =	sld [smem:$0x3FB4]  }
0x2c: {  	s7 =	sld [smem:$0x3FB5]  }
0x2d: {  	s3 =	simm.s32 $0x108;
	s8 =	sld [smem:$0x3FB6]  }
0x2e: {  	s3 =	simm.s32 @!p0 $0x1082;
	s9 =	sld [smem:$0x3FB7]  }
0x2f: {  	lr =	sadd.s32 s0, s3;
	s0 =	sld [smem:$0x3FAE]  }
0x30: {  	s3 =	sld [smem:$0x3FB1]  }
0x31: {  	[smem:$0x3FBA] =	sst s10  }
0x32: {  	s10 =	sld [smem:$0x3FB8];
	_ =	sdelay $0x3  }
0x33: {  	p0 =	seq.s32 s10, $0x1;
	s10 =	sld [smem:$0x3FBA];
	_ =	sdelay $0x3  }
0x34: {  	[smem:$0x3FBA] =	sst s10  }
0x35: {  	s10 =	sld [smem:$0x3FB9];
	_ =	sdelay $0x3  }
0x36: {  	p1 =	seq.s32 s10, $0x1;
	s10 =	sld [smem:$0x3FBA];
	_ =	sdelay $0x3  }
0x37: {  	[smem:$0x3FBA] =	sst s10  }
0x38: {  	s10 =	sld [smem:$0x3FBB]  }
0x39: {  	_ = 	snop;
	(pc) =	sbr.ind lr, $3  }
0x3a: {  	_ = 	snop  }
0x3b: {  	_ = 	snop  }
0x3c: {  	p2 =	seq.s32 s10, $0x1;
	s10 =	sld [smem:$0x3FBA]  }
0x3d: {  	_ =	shalt  }
0x3e: {  	_ =	shalt  }
0x3f: {  	_ =	shalt  }
0x40: {  	_ =	shalt  }
0x41: {  	_ =	shalt  }
0x42: {  	_ =	shalt  }
0x43: {  	_ =	shalt  }
0x44: {  	_ =	shalt  }
0x45: {  	_ =	shalt  }
0x46: {  	_ =	shalt  }
0x47: {  	_ =	shalt  }
0x48: {  	_ =	shalt  }
0x49: {  	_ =	shalt  }
0x4a: {  	_ =	shalt  }
0x4b: {  	_ =	shalt  }
0x4c: {  	_ =	shalt  }
0x4d: {  	_ =	shalt  }
0x4e: {  	_ =	shalt  }
0x4f: {  	_ =	shalt  }
0x50: {  	_ =	shalt  }
0x51: {  	_ =	shalt  }
0x52: {  	_ =	shalt  }
0x53: {  	_ =	shalt  }
0x54: {  	_ =	shalt  }
0x55: {  	_ =	shalt  }
0x56: {  	_ =	shalt  }
0x57: {  	_ =	shalt  }
0x58: {  	_ =	shalt  }
0x59: {  	_ =	shalt  }
0x5a: {  	_ =	shalt  }
0x5b: {  	_ =	shalt  }
0x5c: {  	_ =	shalt  }
0x5d: {  	_ =	shalt  }
0x5e: {  	_ =	shalt  }
0x5f: {  	_ =	shalt  }
0x60: {  	_ =	shalt  }
0x61: {  	_ =	shalt  }
0x62: {  	_ =	shalt  }
0x63: {  	_ =	shalt  }
0x64: {  	_ =	shalt  }
0x65: {  	_ =	shalt  }
0x66: {  	_ =	shalt  }
0x67: {  	_ =	shalt  }
0x68: {  	_ =	shalt  }
0x69: {  	_ =	shalt  }
0x6a: {  	_ =	shalt  }
0x6b: {  	_ =	shalt  }
0x6c: {  	_ =	shalt  }
0x6d: {  	_ =	shalt  }
0x6e: {  	_ =	shalt  }
0x6f: {  	_ =	shalt  }
0x70: {  	_ =	shalt  }
0x71: {  	_ =	shalt  }
0x72: {  	_ =	shalt  }
0x73: {  	_ =	shalt  }
0x74: {  	_ =	shalt  }
0x75: {  	_ =	shalt  }
0x76: {  	_ =	shalt  }
0x77: {  	_ =	shalt  }
0x78: {  	_ =	shalt  }
0x79: {  	_ =	shalt  }
0x7a: {  	_ =	shalt  }
0x7b: {  	_ =	shalt  }
0x7c: {  	_ =	shalt  }
0x7d: {  	_ =	shalt  }
0x7e: {  	_ =	shalt  }
0x7f: {  	_ =	shalt  }
0x80: {  	_ =	shalt  }
0x81: {  	_ =	shalt  }
0x82: {  	_ =	shalt  }
0x83: {  	_ =	shalt  }
0x84: {  	_ =	shalt  }
0x85: {  	_ =	shalt  }
0x86: {  	_ =	shalt  }
0x87: {  	_ =	shalt  }
.Lfunc_end0:
.L_simem_size_0:
called_computation.1_lowered:
.L_overlay_start_0:
0x88: {  	s2 =	sld [smem:$0x3FD9]  }
0x89: {  	s3 =	sld [smem:$0x3FFE];
	_ =	sdelay $0x1  }
0x8a: {  	s1 =	srdreg.scid  }
0x8b: {  	s0 =	sand.u32 $0x1, s1  }
0x8c: {  	s15 =	sshll.u32 s0, $0xA;
	s2 =	sadd.s32 s3, s2  }
0x8d: {  	s2 =	sadd.s32 s2, s15  }
0x8e: {  	[smem:$0x3FC6] =	sst s2  }
0x8f: {  	_ = 	snop  }
0x90: {  	s2 =	sld [smem:$0x3FD0];
	_ =	sdelay $0x2  }
0x91: {  	s16 =	simm.s32 $0xB;
	s4 =	simm.s32 $0x10  }
0x92: {  	[smem:s4], [sflag:s16] =	dma.local [hbm:s2], $0x1  }
0x93: {  	_ =	swait.eq [sflag:s16], $0x1  }
0x94: {  	[sflag:s16] =	ssyncset.done $0x0  }
0x95: {  	[sflag:s16] =	ssyncadd.s32 $0xFFFFFFFF  }
0x96: {  	s17 =	sld [smem:$0x11];
	(tm) =	ssettm $0x1  }
0x97: {  	s18 =	sld [smem:$0x3FFB];
	_ =	sdelay $0x3  }
0x98: {  	_ =	strace s18  }
0x99: {  	s2 =	sld [smem:$0x3FFC];
	_ =	sdelay $0x3  }
0x9a: {  	_ =	strace s2  }
0x9b: {  	s2 =	sld [smem:$0x3FFD];
	_ =	sdelay $0x3  }
0x9c: {  	_ =	strace s2  }
0x9d: {  	_ =	strace $0x8FFFFFFF  }
0x9e: {  	s19 =	sld [smem:$0x3FDB];
	_ =	sdelay $0x1  }
0x9f: {  	s20 =	simm.s32 $_scs_section_size  }
0xa0: {  	s5 =	simm.s32 $_size__tile_overlayer_lowered;
	s6 =	simm.s32 $_tile_overlayer_lowered  }
0xa1: {  	s7 =	simm.s32 $0x1BFF;
	s21 =	sshll.u32 s6, $0x1;
	s4 =	sadd.s32 s20, s19  }
0xa2: {  	s22 =	simm.s32 $0x0;
	s5 =	sshll.u32 s5, $0x1;
	s6 =	sadd.s32 s21, s4  }
0xa3: {  	[timem:s22], [sflag:s7] =	dma.local [hbm:s6], s5  }
0xa4: {  	_ =	swait.ge [sflag:s7], s5  }
0xa5: {  	s5 =	ssub.s32 $0x0, s5;
	[sflag:s7] =	ssyncset.done $0x0  }
0xa6: {  	[sflag:s7] =	ssyncadd.s32 s5;
	_ =	sdelay $0x1  }
0xa7: {  	s23 =	simm.s32 $0x1B8B  }
0xa8: {  	_ =	swait.ge [sflag:s23], $0x1  }
0xa9: {  	[sflag:s23] =	ssyncset.done $0x0  }
0xaa: {  	[sflag:s23] =	ssyncadd.s32 $0xFFFFFFFF  }
0xab: {  	s5 =	sld [smem:$0x0]  }
0xac: {  	s6 =	sand.u32 $0xFFFFFFFE, s1  }
0xad: {  	p0 =	sne.s32 s1, s6  }
0xae: {  	s6 =	sshll.u32 @p0 s6, $0xE  }
0xaf: {  	s6 =	sadd.s32 @p0 $0x11B8D, s6;
	s7 =	sshll.u32 @p0 s5, $0x11  }
0xb0: {  	s6 =	sor.u32 @p0 s7, s6  }
0xb1: {  	[sflag:s6] =	ssyncadd.remote.s32 @p0 $0x1;
	_ =	sdelay $0x1  }
0xb2: {  	s6 =	simm.s32 @p0 $0x1B8D  }
0xb3: {  	_ =	swait.eq @p0 [sflag:s6], $0x1  }
0xb4: {  	[sflag:s6] =	ssyncadd.s32 @p0 $0xFFFFFFFF  }
0xb5: {  	s7 =	sshll.u32 @!p0 s1, $0xE  }
0xb6: {  	s7 =	sor.u32 @!p0 $0x4000, s7;
	s6 =	simm.s32 @!p0 $0x1B8D  }
0xb7: {  	s5 =	sshll.u32 @!p0 s5, $0x11;
	s7 =	sadd.s32 @!p0 $0x11B8D, s7;
	_ =	swait.eq @!p0 [sflag:s6], $0x1  }
0xb8: {  	s5 =	sor.u32 @!p0 s5, s7;
	[sflag:s6] =	ssyncadd.s32 @!p0 $0xFFFFFFFF  }
0xb9: {  	s25 =	simm.s32 $0x1B8E;
	s24 =	sld [smem:$0x3FFE];
	[sflag:s5] =	ssyncadd.remote.s32 @!p0 $0x1  }
0xba: {  	s26 =	simm.s32 $execute0_lowered;
	[smem:$0x3FD2] =	sst s25  }
0xbb: {  	s6 =	sshll.u32 s26, $0x1;
	_ =	strace $0x80000049;
	[dreg:$0x1] =	wrdreg $0xFFFFFFFF  }
0xbc: {  	s28 =	simm.s32 $_size_execute0_lowered;
	s4 =	sadd.s32 s4, s6;
	[dreg:$0x0] =	wrdreg $0x0  }
0xbd: {  	s6 =	sshll.u32 s28, $0x1;
	[dreg:$0x2] =	wrdreg s4  }
0xbe: {  	[dreg:$0x3] =	wrdreg s6  }
0xbf: {  	[dreg:$0x4] =	wrdreg $0xC0  }
0xc0: {  	_ =	task [dreg:s22], $0x5FFFF  }
0xc1: {  	[dreg:$0x1] =	wrdreg $0xFFFFFFFF  }
0xc2: {  	[dreg:$0x0] =	wrdreg $0x60  }
0xc3: {  	[dreg:$0x2] =	wrdreg s17  }
0xc4: {  	[dreg:$0x3] =	wrdreg s24  }
0xc5: {  	[dreg:$0x4] =	wrdreg $0xA  }
0xc6: {  	_ =	task.clear_ibuf [dreg:s22], $0x5FFFF;
	_ =	strace $0x90000049  }
0xc7: {  	s29 =	simm.s32 $0xA;
	_ =	strace $0x8000004B  }
0xc8: {  	_ =	swait.ge [sflag:s29], $0x1  }
0xc9: {  	[sflag:s29] =	ssyncadd.s32 $0xFFFFFFFF  }
0xca: {  	_ =	strace $0x9000004B  }
0xcb: {  	_ =	sfence  }
0xcc: {  	s30 =	sld [smem:$0x0];
	_ =	sdelay $0x2  }
0xcd: {  	s31 =	sshll.u32 s1, $0xD;
	s1 =	sshrl.u32 s1, $0x2  }
0xce: {  	s4 =	sand.u32 $0x4000, s31;
	s1 =	sadd.s32 s1, s30  }
0xcf: {  	s0 =	sor.u32 s4, s0;
	s1 =	sshll.u32 s1, $0x11  }
0xd0: {  	s0 =	sor.u32 s1, s0  }
0xd1: {  	s0 =	sadd.s32 $0x8F2B, s0  }
0xd2: {  	[sflag:s0] =	ssyncadd.remote.s32 $0x1  }
0xd3: {  	_ =	sfence.sel $0xFFFF  }
0xd4: {  	[dreg:$0x0] =	wrdreg $0xFFFFFFFF;
	(pc) =	sbr.abs _section_cstart, $3  }
0xd5: {  	[dreg:$0x1] =	wrdreg $0xFFFFFFFF  }
0xd6: {  	_ =	task.clear_ibuf [dreg:s22], $0x2FFFF;
	_ =	strace $0x9FFFFFFF  }
0xd7: {  	(tm) =	ssettm $0x7FFFFFFF  }
tec
execute0_lowered:
.L_overlay_start_1:
0x0: {  	(tag) =	ssettag $0x1  }
0x1: {  	s0 =	rddreg [dreg:$0x0]  }
0x2: {  	s1 =	rddreg [dreg:$0x1];
	s2 =	simm.s32 $0x0;
	s3 =	srdreg.scid  }
0x3: {  	s5 =	stileid.u32;
	s17 =	simm.s32 $0x1;
	s18 =	simm.s32 $0x8000  }
0x4: {  	s19 =	simm.s32 $0x10000;
	s20 =	simm.s32 $0x2;
	s21 =	simm.s32 $0xC000  }
0x5: {  	s22 =	simm.s32 $0x14000;
	s23 =	simm.s32 $0x3;
	s24 =	simm.s32 $0x5  }
0x6: {  	s25 =	simm.s32 $0x4;
	s26 =	simm.s32 $0x6;
	s28 =	simm.s32 $0x0  }
0x7: {  	[smem:$0x7FF] =	sst s2;
	s3 =	sand.u32 $0x1, s3;
	s5 =	sshll.u32 s5, $0xE  }
0x8: {  	s13 =	sadd.s32 $0x81800, s1;
	s4 =	ssub.s32 $0x2, s3;
	s3 =	sshll.u32 s3, $0xD  }
0x9: {  	s1 =	sadd.s32 $0xC1800, s1;
	s6 =	sshrl.u32 s4, $0x1;
	s10 =	sor.u32 s3, s5  }
0xa: {  	_ =	strace $0x8000004A;
	s15 =	ssub.s32 s4, s6;
	s9 =	sor.u32 $0x800, s10  }
0xb: {  	s3 =	sadd.s32 s0, s10;
	s12 =	sor.u32 $0x1000, s10;
	s5 =	sadd.s32 s13, s10  }
0xc: {  	v0 =	vlaneseq.u32;
	s6 =	sadd.s32 s1, s10;
	s14 =	sor.u32 $0x1800, s10;
	s4 =	sadd.s32 s0, s9  }
0xd: {  	v1 =	vmul.u32 $0xFFFFFFFF, v0;
	s7 =	sadd.s32 s0, s12;
	s8 =	sadd.s32 s13, s9;
	s9 =	sadd.s32 s1, s9  }
0xe: {  	s10 =	sadd.s32 s0, s14;
	s11 =	sadd.s32 s13, s12;
	s12 =	sadd.s32 s1, s12  }
0xf: {  	vm0 =	vcmask $0x1B20;
	v2 =	vimm.s32 $0x0;
	v1 =	vadd.s32 $0xF, v1;
	s13 =	sadd.s32 s13, s14;
	s14 =	sadd.s32 s1, s14;
	s15 =	smax.u32 s15, $0x1  }
.LBB2_1:
0x10: {  	[tilespmem:s2], [sflag:$0x1] =	stream.linear.gather [hbm4b:s3+s2], $0x4000, $0x38;
	[tilespmem:$0x18000] =	vst v63  }
0x11: {  	s0 =	simm.s32 $0x4000  }
0x12: {  	[tilespmem:s0], [sflag:$0x2] =	stream.linear.gather [hbm4b:s4+s2], $0x4000, $0x38;
	[tilespmem:$0x18000] =	vst v63  }
0x13: {  	_ =	swait.ge [sflag:s17], $0x4000  }
0x14: {  	[sflag:s17] =	ssyncset.done $0x0  }
0x15: {  	s16 =	simm.s32 $0x80;
	[sflag:s17] =	ssyncadd.s32 $0xFFFFC000  }
0x16: {  	v23 =	vld [tilespmem:s16+$0x30]  }
0x17: {  	v25 =	vld [tilespmem:s16+$0x10]  }
0x18: {  	v24 =	vld [tilespmem:s16+$0x20];
	_ =	sdelay $0x1  }
0x19: {  	v11 =	vld [tilespmem:s16+$0x0]  }
0x1a: {  	(xrf1) =	vsort.dscd.msk.f32 $0xffff, v23, v0  }
0x1b: {  	(xrf1) =	vsort.dscd.msk.f32 $0xffff, v25, v0  }
0x1c: {  	(xrf1) =	vsort.dscd.msk.f32 $0xffff, v24, v0;
	_ =	sdelay $0x1  }
0x1d: {  	(xrf1) =	vsort.dscd.msk.f32 $0xffff, v11, v0;
	_ =	sdelay $0x1  }
0x1e: {  	v12 =	vld [tilespmem:s16+$0xFFFFFFB0]  }
0x1f: {  	v21 =	vld [tilespmem:s16+$0xFFFFFF90]  }
0x20: {  	v15 =	vld [tilespmem:s16+$0xFFFFFFA0]  }
0x21: {  	v22 =	vld [tilespmem:s16+$0xFFFFFF80];
	_ =	sdelay $0x1  }
0x22: {  	(xrf1) =	vsort.dscd.msk.f32 $0xffff, v12, v0  }
0x23: {  	(xrf1) =	vsort.dscd.msk.f32 $0xffff, v21, v0  }
0x24: {  	(xrf1) =	vsort.dscd.msk.f32 $0xffff, v15, v0  }
0x25: {  	(xrf1) =	vsort.dscd.msk.f32 $0xffff, v22, v0;
	v3, _, _ =	vpop (xrf1)  }
0x26: {  	v3 =	vperm.xlane v3, v1;
	v4, _, _ =	vpop (xrf1)  }
0x27: {  	v5, _, _ =	vpop (xrf1)  }
0x28: {  	v4 =	vperm.xlane v4, v1;
	v3 =	vmax.f32 v5, v3  }
0x29: {  	v5, _, _ =	vpop (xrf1);
	(xrf1) =	vsort.dscd.msk.f32 $0xffff, v3, v0  }
0x2a: {  	v3 =	vmax.f32 v5, v4  }
0x2b: {  	(xrf1) =	vsort.dscd.msk.f32 $0xffff, v3, v0;
	_ =	sdelay $0x4  }
0x2c: {  	s1 =	simm.s32 $0x180;
	v3, _, _ =	vpop (xrf1)  }
0x2d: {  	v16 =	vld [tilespmem:s1+$0x30];
	v3 =	vperm.xlane v3, v1;
	v4, _, _ =	vpop (xrf1)  }
0x2e: {  	v19 =	vld [tilespmem:s1+$0x10];
	v4 =	vperm.xlane v4, v1;
	v5, _, _ =	vpop (xrf1)  }
0x2f: {  	v17 =	vld [tilespmem:s1+$0x20];
	v3 =	vmax.f32 v5, v3;
	v5, _, _ =	vpop (xrf1)  }
0x30: {  	v4 =	vmax.f32 v5, v4;
	(xrf1) =	vsort.dscd.msk.f32 $0xffff, v3, v0  }
0x31: {  	(xrf1) =	vsort.dscd.msk.f32 $0xffff, v4, v0  }
0x32: {  	(xrf1) =	vsort.dscd.msk.f32 $0xffff, v16, v0  }
0x33: {  	(xrf1) =	vsort.dscd.msk.f32 $0xffff, v19, v0;
	v3, _, _ =	vpop (xrf1)  }
0x34: {  	v20 =	vld [tilespmem:s1+$0x0];
	(xrf1) =	vsort.dscd.msk.f32 $0xffff, v17, v0;
	v3 =	vperm.xlane v3, v1  }
0x35: {  	v4, _, _ =	vpop (xrf1)  }
0x36: {  	v3 =	vmax.f32 v4, v3  }
0x37: {  	(xrf1) =	vsort.dscd.msk.f32 $0xffff, v3, v0  }
0x38: {  	v4 =	vld [tilespmem:s1+$0xFFFFFFB0]  }
0x39: {  	v13 =	vld [tilespmem:s1+$0xFFFFFF90];
	(xrf1) =	vsort.dscd.msk.f32 $0xffff, v20, v0;
	_ =	sdelay $0x1  }
0x3a: {  	v3 =	vld [tilespmem:s1+$0xFFFFFFA0]  }
0x3b: {  	v14 =	vld [tilespmem:s1+$0xFFFFFF80]  }
0x3c: {  	(xrf1) =	vsort.dscd.msk.f32 $0xffff, v4, v0  }
0x3d: {  	v5, _, _ =	vpop (xrf1);
	(xrf1) =	vsort.dscd.msk.f32 $0xffff, v13, v0  }
0x3e: {  	v6, _, _ =	vpop (xrf1);
	v5 =	vperm.xlane v5, v1  }
0x3f: {  	v7, _, _ =	vpop (xrf1);
	(xrf1) =	vsort.dscd.msk.f32 $0xffff, v3, v0  }
0x40: {  	v8, _, _ =	vpop (xrf1);
	v5 =	vmax.f32 v6, v5;
	(xrf1) =	vsort.dscd.msk.f32 $0xffff, v14, v0  }
0x41: {  	v6, _, _ =	vpop (xrf1);
	(xrf1) =	vsort.dscd.msk.f32 $0xffff, v5, v0  }
0x42: {  	v5 =	vperm.xlane v7, v1;
	_ =	sdelay $0x1  }
0x43: {  	v5 =	vmax.f32 v6, v5;
	v7, _, _ =	vpop (xrf1)  }
0x44: {  	v8 =	vperm.xlane v8, v1;
	(xrf1) =	vsort.dscd.msk.f32 $0xffff, v5, v0;
	v9 =	vsel vm0, $0xBF800000, v7  }
0x45: {  	v6, _, _ =	vpop (xrf1);
	(xrf0) =	vmax.scan.msk.f32 $0xffff, v9  }
0x46: {  	v5 =	vmax.f32 v6, v8;
	_ =	sdelay $0x1  }
0x47: {  	(xrf1) =	vsort.dscd.msk.f32 $0xffff, v5, v0  }
0x48: {  	v5, _, _ =	vpop (xrf1)  }
0x49: {  	v8, _, _ =	vpop (xrf1)  }
0x4a: {  	v5 =	vperm.xlane v5, v1;
	v6, _, _ =	vpop (xrf0)  }
0x4b: {  	v8 =	vperm.xlane v8, v1;
	v26 =	vbroadcast v6, $0xF;
	v6, _, _ =	vpop (xrf1)  }
0x4c: {  	v5 =	vmax.f32 v6, v5;
	v6, _, _ =	vpop (xrf1)  }
0x4d: {  	vm4 =	veq.f32 v11, v26;
	(xrf1) =	vsort.dscd.msk.f32 $0xffff, v5, v0;
	v6 =	vmax.f32 v6, v8;
	v27, _, _ =	vpop (xrf1)  }
0x4e: {  	vm3 =	veq.f32 v25, v26;
	v5 =	vsel vm4, $0x1, v2;
	(xrf1) =	vsort.dscd.msk.f32 $0xffff, v6, v0;
	v8 =	vsel vm0, $0xBF800000, v27  }
0x4f: {  	s16 =	simm.s32 $0x280;
	(xrf0) =	vadd.scan.msk.s32 $0xffff, v5;
	v5 =	vsel vm3, $0x1, v2  }
0x50: {  	vm2 =	veq.f32 v24, v26;
	v6 =	vld [tilespmem:s16+$0x30];
	(xrf0) =	vadd.scan.msk.s32 $0xffff, v5  }
0x51: {  	v9 =	vld [tilespmem:s16+$0x10];
	vm1 =	veq.f32 v23, v26;
	v5 =	vsel vm2, $0x1, v2;
	(xrf0) =	vmax.scan.msk.f32 $0xffff, v8;
	v8, _, _ =	vpop (xrf1)  }
0x52: {  	v10 =	vld [tilespmem:s16+$0x20];
	(xrf0) =	vadd.scan.msk.s32 $0xffff, v5;
	v5 =	vsel vm1, $0x1, v2;
	v8 =	vperm.xlane v8, v1;
	_ =	sdelay $0x1  }
0x53: {  	vm5 =	vgt.f32 v7, v26;
	(xrf0) =	vadd.scan.msk.s32 $0xffff, v5  }
0x54: {  	v18 =	vld [tilespmem:s16+$0x0];
	v7 =	vmpcnt.ones.xlane vm5;
	(xrf1) =	vsort.dscd.msk.f32 $0xffff, v6, v0;
	v5, _, _ =	vpop (xrf1)  }
0x55: {  	vm6 =	vgt.f32 v11, v26;
	v28 =	vmpcnt.ones.xlane vm4;
	(xrf1) =	vsort.dscd.msk.f32 $0xffff, v9, v0;
	v5 =	vmax.f32 v5, v8;
	v8, _, _ =	vpop (xrf0)  }
0x56: {  	vm7 =	vgt.f32 v25, v26;
	v29 =	vmpcnt.ones.xlane vm3;
	(xrf1) =	vsort.dscd.msk.f32 $0xffff, v10, v0;
	v8 =	vadd.s32 v7, v8;
	v30, _, _ =	vpop (xrf0)  }
0x57: {  	(xrf1) =	vsort.dscd.msk.f32 $0xffff, v5, v0;
	v5 =	vld [tilespmem:s16+$0xFFFFFFB0];
	v7 =	vadd.s32 v7, v28;
	v28 =	vmpcnt.ones.xlane vm2;
	vm8 =	vlt.s32 v8, $0x9;
	v31, _, _ =	vpop (xrf0)  }
0x58: {  	v8 =	vld [tilespmem:s16+$0xFFFFFF90];
	v30 =	vadd.s32 v30, v7;
	v29 =	vadd.s32 v29, v7;
	vm4 =	vmand vm4, vm8;
	v52, _, _ =	vpop (xrf0)  }
0x59: {  	(xrf1) =	vsort.dscd.msk.f32 $0xffff, v18, v0;
	v28 =	vadd.s32 v28, v29;
	vm4 =	vmor vm6, vm4;
	v29 =	vadd.s32 v52, v29  }
0x5a: {  	s30 =	simm.s32 $0x8080;
	vm5 =	vgt.f32 v24, v26;
	v7 =	vld [tilespmem:s16+$0xFFFFFFA0];
	vm6 =	vlt.s32 v30, $0x9;
	v32 =	vnsel vm4, $0x0, v11  }
0x5b: {  	s29 =	simm.s32 $0x10080;
	vm3 =	vmand vm3, vm6;
	v11 =	vld [tilespmem:s16+$0xFFFFFF80];
	v53 =	vsel vm4, $0x1, v2;
	vm4 =	vlt.s32 v29, $0x9;
	[tilespmem:s30+$0x0] =	vst v32  }
0x5c: {  	vm3 =	vmor vm7, vm3;
	vm2 =	vmand vm2, vm4;
	(xrf1) =	vsort.dscd.msk.f32 $0xffff, v5, v0;
	v29, _, _ =	vpop (xrf0);
	[tilespmem:s29+$0x0] =	vst v53  }
0x5d: {  	v54, _, _ =	vpop (xrf1);
	v25 =	vnsel vm3, $0x0, v25;
	(xrf1) =	vsort.dscd.msk.f32 $0xffff, v8, v0;
	v28 =	vadd.s32 v29, v28;
	v29 =	vsel vm3, $0x1, v2  }
0x5e: {  	[tilespmem:s30+$0x10] =	vst v25;
	v25 =	vperm.xlane v54, v1;
	vm3 =	vlt.s32 v28, $0x9;
	v28 =	vbroadcast v31, $0xF  }
0x5f: {  	v55, _, _ =	vpop (xrf1);
	vm4 =	vgt.f32 v23, v26;
	vm2 =	vmor vm5, vm2;
	(xrf1) =	vsort.dscd.msk.f32 $0xffff, v7, v0  }
0x60: {  	v24 =	vnsel vm2, $0x0, v24;
	v25 =	vmax.f32 v55, v25;
	(xrf1) =	vsort.dscd.msk.f32 $0xffff, v11, v0;
	vm6 =	veq.f32 v22, v28  }
0x61: {  	vm1 =	vmand vm1, vm3;
	vm5 =	veq.f32 v21, v28;
	(xrf1) =	vsort.dscd.msk.f32 $0xffff, v25, v0;
	v25 =	vsel vm6, $0x1, v2  }
0x62: {  	v26 =	vsel vm2, $0x1, v2;
	vm1 =	vmor vm4, vm1;
	v56, _, _ =	vpop (xrf1);
	v33 =	vsel vm5, $0x1, v2;
	(xrf0) =	vadd.scan.msk.s32 $0xffff, v25  }
0x63: {  	vm3 =	veq.f32 v15, v28;
	vm2 =	veq.f32 v12, v28;
	vm7 =	vgt.f32 v22, v28;
	v58, _, _ =	vpop (xrf1);
	(xrf0) =	vadd.scan.msk.s32 $0xffff, v33  }
0x64: {  	[tilespmem:s29+$0x10] =	vst v29;
	vm8 =	vgt.f32 v21, v28;
	vm4 =	vgt.f32 v15, v28;
	v23 =	vnsel vm1, $0x0, v23;
	v34, _, _ =	vpop (xrf1)  }
0x65: {  	[tilespmem:s30+$0x20] =	vst v24;
	v57 =	vsel vm1, $0x1, v2;
	v30 =	vperm.xlane v56, v1;
	vm1 =	vgt.f32 v27, v28;
	v25, _, _ =	vpop (xrf1)  }
0x66: {  	[tilespmem:s29+$0x20] =	vst v26;
	v27 =	vmpcnt.ones.xlane vm6;
	v59 =	vmpcnt.ones.xlane vm1;
	v60 =	vsel vm0, $0xBF800000, v25  }
0x67: {  	v62 =	vmpcnt.ones.xlane vm5;
	v26 =	vmpcnt.ones.xlane vm3;
	v30 =	vmax.f32 v34, v30;
	v61, _, _ =	vpop (xrf1);
	(xrf0) =	vmax.scan.msk.f32 $0xffff, v60  }
0x68: {  	v24 =	vperm.xlane v58, v1;
	[tilespmem:s30+$0x30] =	vst v23;
	v27 =	vadd.s32 v59, v27;
	(xrf1) =	vsort.dscd.msk.f32 $0xffff, v30, v0;
	v23, _, _ =	vpop (xrf0)  }
0x69: {  	vm1 =	vgt.f32 v12, v28;
	v33 =	vadd.s32 v62, v27;
	v23 =	vadd.s32 v59, v23;
	v28, _, _ =	vpop (xrf0)  }
0x6a: {  	v24 =	vmax.f32 v61, v24;
	vm9 =	vlt.s32 v23, $0x9;
	v23 =	vadd.s32 v28, v27  }
0x6b: {  	v63 =	vadd.s32 v26, v33;
	(xrf1) =	vsort.dscd.msk.f32 $0xffff, v24, v0;
	v26, _, _ =	vpop (xrf1)  }
0x6c: {  	v29 =	vsel vm3, $0x1, v2;
	v26 =	vperm.xlane v26, v1;
	v27, _, _ =	vpop (xrf1)  }
0x6d: {  	v35 =	vsel vm2, $0x1, v2;
	(xrf0) =	vadd.scan.msk.s32 $0xffff, v29;
	vm6 =	vmand vm6, vm9;
	vm9 =	vlt.s32 v23, $0x9;
	v23, _, _ =	vpop (xrf0)  }
0x6e: {  	(xrf0) =	vadd.scan.msk.s32 $0xffff, v35;
	v24, _, _ =	vpop (xrf1);
	vm6 =	vmor vm7, vm6;
	vm5 =	vmand vm5, vm9;
	v23 =	vbroadcast v23, $0xF  }
0x6f: {  	v24 =	vmax.f32 v24, v26;
	v22 =	vnsel vm6, $0x0, v22;
	vm5 =	vmor vm8, vm5  }
0x70: {  	v26, _, _ =	vpop (xrf1);
	[tilespmem:s30+$0xFFFFFF80] =	vst v22;
	v22 =	vsel vm6, $0x1, v2;
	v28 =	vnsel vm5, $0x0, v21;
	vm6 =	veq.f32 v20, v23  }
0x71: {  	[tilespmem:s29+$0x30] =	vst v57;
	v27 =	vperm.xlane v27, v1;
	v21, _, _ =	vpop (xrf1);
	(xrf1) =	vsort.dscd.msk.f32 $0xffff, v24, v0;
	v24 =	vsel vm6, $0x1, v2  }
0x72: {  	[tilespmem:s29+$0xFFFFFF80] =	vst v22  }
0x73: {  	v27 =	vmax.f32 v26, v27;
	v22 =	vsel vm5, $0x1, v2;
	v26 =	vsel vm0, $0xBF800000, v21;
	[tilespmem:s30+$0xFFFFFF90] =	vst v28;
	v28, _, _ =	vpop (xrf0)  }
0x74: {  	s31 =	simm.s32 $0x10080;
	vm5 =	veq.f32 v19, v23;
	[tilespmem:s29+$0xFFFFFF90] =	vst v22;
	(xrf0) =	vadd.scan.msk.s32 $0xffff, v24;
	v22 =	vadd.s32 v28, v33;
	v24, _, _ =	vpop (xrf0)  }
0x75: {  	s0 =	simm.s32 $0x8080;
	s1 =	simm.s32 $0x4;
	s16 =	simm.s32 $0x380;
	(xrf1) =	vsort.dscd.msk.f32 $0xffff, v27, v0;
	v27 =	vsel vm5, $0x1, v2;
	vm9 =	vlt.s32 v22, $0x9;
	v24 =	vadd.s32 v24, v63  }
.LBB2_2:
0x76: {  	v29, _, _ =	vpop (xrf1);
	vm7 =	veq.f32 v17, v23;
	(xrf0) =	vadd.scan.msk.s32 $0xffff, v27;
	vm9 =	vmand vm3, vm9;
	vm3 =	vlt.s32 v24, $0x9  }
0x77: {  	v28 =	vld [tilespmem:s16+$0x30];
	v22 =	vmovc v5;
	v24 =	vmovc v13;
	v13 =	vmov v8;
	v27 =	vmov v15;
	v15 =	vmov v3  }
0x78: {  	v3 =	vmovc v7;
	v30 =	vld [tilespmem:s16+$0x10];
	v8 =	vperm.xlane v29, v1;
	v5 =	vsel vm7, $0x1, v2;
	(xrf0) =	vmax.scan.msk.f32 $0xffff, v26;
	vm3 =	vmand vm2, vm3  }
0x79: {  	vm10 =	vgt.f32 v25, v23;
	vm8 =	veq.f32 v16, v23;
	vm2 =	vmor vm4, vm9;
	v29 =	vld [tilespmem:s16+$0x20];
	v7, _, _ =	vpop (xrf1);
	(xrf0) =	vadd.scan.msk.s32 $0xffff, v5  }
0x7a: {  	v31 =	vmpcnt.ones.xlane vm10;
	v26 =	vmovc v14;
	v14 =	vmovc v11;
	v5 =	vld [tilespmem:s16+$0xFFFFFFB0];
	v25 =	vmax.f32 v7, v8;
	v7 =	vsel vm8, $0x1, v2  }
0x7b: {  	vm10 =	vgt.f32 v20, v23;
	v11 =	vmpcnt.ones.xlane vm6;
	vm9 =	vgt.f32 v19, v23;
	v32 =	vld [tilespmem:s16+$0x0];
	v33, _, _ =	vpop (xrf0);
	(xrf0) =	vadd.scan.msk.s32 $0xffff, v7  }
0x7c: {  	v36 =	vmpcnt.ones.xlane vm5;
	vm4 =	vgt.f32 v17, v23;
	v8 =	vld [tilespmem:s16+$0xFFFFFF90];
	(xrf1) =	vsort.dscd.msk.f32 $0xffff, v28, v0;
	v33 =	vadd.s32 v31, v33  }
0x7d: {  	v37 =	vmpcnt.ones.xlane vm7;
	v31 =	vadd.s32 v31, v11;
	v7 =	vld [tilespmem:s16+$0xFFFFFFA0];
	(xrf1) =	vsort.dscd.msk.f32 $0xffff, v30, v0;
	vm11 =	vlt.s32 v33, $0x9;
	v35, _, _ =	vpop (xrf0)  }
0x7e: {  	v11 =	vld [tilespmem:s16+$0xFFFFFF80];
	(xrf1) =	vsort.dscd.msk.f32 $0xffff, v29, v0;
	vm6 =	vmand vm6, vm11;
	v35 =	vadd.s32 v35, v31;
	v31 =	vadd.s32 v36, v31;
	v34, _, _ =	vpop (xrf0)  }
0x7f: {  	(xrf1) =	vsort.dscd.msk.f32 $0xffff, v25, v0;
	vm6 =	vmor vm10, vm6;
	vm10 =	vlt.s32 v35, $0x9;
	v25 =	vadd.s32 v37, v31;
	v33, _, _ =	vpop (xrf0)  }
0x80: {  	s30 =	sadd.s32 $0x100, s30;
	(xrf1) =	vsort.dscd.msk.f32 $0xffff, v32, v0;
	v35 =	vnsel vm6, $0x0, v20;
	vm5 =	vmand vm5, vm10;
	v36 =	vadd.s32 v33, v31;
	v20 =	vmovc v18  }
0x81: {  	s29 =	sadd.s32 $0x100, s29;
	v18 =	vsel vm6, $0x1, v2;
	[tilespmem:s30+$0x0] =	vst v35;
	vm5 =	vmor vm9, vm5;
	vm6 =	vlt.s32 v36, $0x9;
	v31, _, _ =	vpop (xrf0)  }
0x82: {  	s1 =	sadd.s32 $0x2, s1;
	v33, _, _ =	vpop (xrf1);
	[tilespmem:s29+$0x0] =	vst v18;
	v18 =	vnsel vm5, $0x0, v19;
	vm6 =	vmand vm7, vm6;
	v31 =	vadd.s32 v31, v25  }
0x83: {  	p0 =	slt.u32 s1, $0x7E;
	v19 =	vmovc v9;
	v9 =	vmovc v30;
	[tilespmem:s30+$0x10] =	vst v18;
	v18 =	vsel vm5, $0x1, v2;
	vm4 =	vmor vm4, vm6;
	vm5 =	vlt.s32 v31, $0x9  }
0x84: {  	vm6 =	vgt.f32 v16, v23;
	v25, _, _ =	vpop (xrf1);
	[tilespmem:s29+$0x10] =	vst v18;
	v30 =	vnsel vm4, $0x0, v17;
	vm5 =	vmand vm8, vm5  }
0x85: {  	v18 =	vsel vm4, $0x1, v2;
	v17 =	vmovc v10;
	(xrf1) =	vsort.dscd.msk.f32 $0xffff, v5, v0;
	[tilespmem:s30+$0x20] =	vst v30;
	vm4 =	vmor vm6, vm5  }
0x86: {  	v23 =	vperm.xlane v33, v1;
	(xrf1) =	vsort.dscd.msk.f32 $0xffff, v8, v0;
	[tilespmem:s29+$0x20] =	vst v18;
	v31 =	vnsel vm4, $0x0, v16;
	v16 =	vmovc v6  }
0x87: {  	vm7 =	vmor vm1, vm3;
	v10 =	vmovc v29;
	v30 =	vbroadcast v34, $0xF;
	v6 =	vmovc v28;
	[tilespmem:s30+$0x30] =	vst v31;
	v31 =	vsel vm4, $0x1, v2  }
0x88: {  	v27 =	vnsel vm2, $0x0, v27;
	v23 =	vmax.f32 v25, v23;
	v18 =	vmovc v32;
	(xrf1) =	vsort.dscd.msk.f32 $0xffff, v7, v0;
	[tilespmem:s29+$0x30] =	vst v31  }
0x89: {  	v28 =	vsel vm2, $0x1, v2;
	vm6 =	veq.f32 v26, v30;
	vm5 =	veq.f32 v24, v30;
	(xrf1) =	vsort.dscd.msk.f32 $0xffff, v11, v0  }
0x8a: {  	vm3 =	veq.f32 v15, v30;
	vm2 =	veq.f32 v4, v30;
	v33 =	vsel vm6, $0x1, v2;
	v25, _, _ =	vpop (xrf1);
	(xrf1) =	vsort.dscd.msk.f32 $0xffff, v23, v0  }
0x8b: {  	v31 =	vsel vm5, $0x1, v2;
	v32 =	vsel vm3, $0x1, v2;
	v34 =	vperm.xlane v25, v1;
	v29, _, _ =	vpop (xrf1);
	(xrf0) =	vadd.scan.msk.s32 $0xffff, v33  }
0x8c: {  	vm1 =	vgt.f32 v21, v30;
	v21 =	vmpcnt.ones.xlane vm6;
	v33 =	vsel vm2, $0x1, v2;
	v23, _, _ =	vpop (xrf1);
	(xrf0) =	vadd.scan.msk.s32 $0xffff, v31  }
0x8d: {  	v29 =	vperm.xlane v29, v1;
	v31 =	vmpcnt.ones.xlane vm1;
	v23 =	vmax.f32 v23, v34;
	v25, _, _ =	vpop (xrf1);
	[tilespmem:s0+$0xFFFFFFA0] =	vst v27  }
0x8e: {  	v35 =	vmpcnt.ones.xlane vm3;
	v34 =	vmpcnt.ones.xlane vm5;
	v27, _, _ =	vpop (xrf1);
	(xrf1) =	vsort.dscd.msk.f32 $0xffff, v23, v0;
	v23 =	vsel vm0, $0xBF800000, v25  }
0x8f: {  	vm9 =	vgt.f32 v26, v30;
	v21 =	vadd.s32 v31, v21;
	v27 =	vmax.f32 v27, v29;
	(xrf0) =	vmax.scan.msk.f32 $0xffff, v23  }
0x90: {  	vm8 =	vgt.f32 v24, v30;
	(xrf1) =	vsort.dscd.msk.f32 $0xffff, v27, v0;
	v27 =	vadd.s32 v34, v21;
	v34 =	vnsel vm7, $0x0, v12  }
0x91: {  	vm4 =	vgt.f32 v15, v30;
	vm1 =	vgt.f32 v4, v30;
	v29 =	vadd.s32 v35, v27;
	v23, _, _ =	vpop (xrf0);
	[tilespmem:s31+$0xFFFFFFA0] =	vst v28  }
0x92: {  	v30 =	vsel vm7, $0x1, v2;
	v12 =	vmov v4;
	v31 =	vadd.s32 v31, v23;
	v28, _, _ =	vpop (xrf0);
	[tilespmem:s0+$0xFFFFFFB0] =	vst v34;
	s0 =	smov.u32 s30  }
0x93: {  	v4, _, _ =	vpop (xrf1);
	vm7 =	vlt.s32 v31, $0x9;
	v21 =	vadd.s32 v28, v21;
	(xrf0) =	vadd.scan.msk.s32 $0xffff, v32;
	[tilespmem:s31+$0xFFFFFFB0] =	vst v30;
	s31 =	smov.u32 s29  }
0x94: {  	v4 =	vperm.xlane v4, v1;
	v23, _, _ =	vpop (xrf1);
	vm6 =	vmand vm6, vm7;
	vm7 =	vlt.s32 v21, $0x9;
	(xrf0) =	vadd.scan.msk.s32 $0xffff, v33  }
0x95: {  	v30 =	vperm.xlane v23, v1;
	v23, _, _ =	vpop (xrf0);
	vm6 =	vmor vm9, vm6;
	vm5 =	vmand vm5, vm7  }
0x96: {  	v28, _, _ =	vpop (xrf1);
	v23 =	vbroadcast v23, $0xF;
	v26 =	vnsel vm6, $0x0, v26;
	vm5 =	vmor vm8, vm5  }
.Ltmp0:
0x97: {  	v4 =	vmax.f32 v28, v4;
	v28, _, _ =	vpop (xrf1);
	[tilespmem:s30+$0xFFFFFF80] =	vst v26;
	v26 =	vsel vm6, $0x1, v2;
	v31 =	vnsel vm5, $0x0, v24;
	(pc) =	sbr.rel @p0 .LBB2_2-.Ltmp0, $4  }
0x98: {  	v28 =	vmax.f32 v28, v30;
	vm6 =	veq.f32 v20, v23;
	v21, _, _ =	vpop (xrf1);
	[tilespmem:s29+$0xFFFFFF80] =	vst v26;
	v30 =	vsel vm5, $0x1, v2  }
0x99: {  	(xrf1) =	vsort.dscd.msk.f32 $0xffff, v4, v0;
	v26 =	vsel vm0, $0xBF800000, v21;
	v32 =	vsel vm6, $0x1, v2;
	[tilespmem:s30+$0xFFFFFF90] =	vst v31;
	v24, _, _ =	vpop (xrf0)  }
0x9a: {  	vm5 =	veq.f32 v19, v23;
	(xrf0) =	vadd.scan.msk.s32 $0xffff, v32;
	[tilespmem:s29+$0xFFFFFF90] =	vst v30;
	v30 =	vadd.s32 v24, v27;
	v24, _, _ =	vpop (xrf0)  }
0x9b: {  	s16 =	sadd.s32 $0x100, s16;
	v27 =	vsel vm5, $0x1, v2;
	v4 =	vmovc v22;
	(xrf1) =	vsort.dscd.msk.f32 $0xffff, v28, v0;
	vm9 =	vlt.s32 v30, $0x9;
	v24 =	vadd.s32 v24, v29  }
0x9c: {  	v22, _, _ =	vpop (xrf1)  }
0x9d: {  	vm8 =	veq.f32 v17, v23;
	(xrf0) =	vadd.scan.msk.s32 $0xffff, v27;
	v22 =	vperm.xlane v22, v1  }
0x9e: {  	vm3 =	vmand vm3, vm9;
	vm7 =	vlt.s32 v24, $0x9;
	vm9 =	vgt.f32 v25, v23;
	(xrf0) =	vmax.scan.msk.f32 $0xffff, v26;
	v26, _, _ =	vpop (xrf1)  }
0x9f: {  	v25 =	vmpcnt.ones.xlane vm6;
	v27 =	vsel vm8, $0x1, v2;
	v22 =	vmax.f32 v26, v22  }
0xa0: {  	vm2 =	vmand vm2, vm7;
	vm7 =	veq.f32 v16, v23;
	(xrf1) =	vsort.dscd.msk.f32 $0xffff, v22, v0;
	v22 =	vmpcnt.ones.xlane vm9  }
0xa1: {  	(xrf0) =	vadd.scan.msk.s32 $0xffff, v27;
	v24 =	vsel vm7, $0x1, v2;
	v26, _, _ =	vpop (xrf0)  }
0xa2: {  	(xrf0) =	vadd.scan.msk.s32 $0xffff, v24;
	v24 =	vadd.s32 v22, v26;
	v26 =	vmpcnt.ones.xlane vm5  }
0xa3: {  	v22 =	vadd.s32 v22, v25;
	v25, _, _ =	vpop (xrf0)  }
0xa4: {  	v25 =	vadd.s32 v25, v22  }
0xa5: {  	vm3 =	vmor vm4, vm3;
	vm4 =	vgt.f32 v20, v23;
	vm11 =	vlt.s32 v24, $0x9  }
0xa6: {  	v24 =	vmpcnt.ones.xlane vm8;
	vm6 =	vmand vm6, vm11;
	v22 =	vadd.s32 v26, v22;
	v26, _, _ =	vpop (xrf0)  }
0xa7: {  	vm4 =	vmor vm4, vm6;
	vm6 =	vlt.s32 v25, $0x9;
	v25, _, _ =	vpop (xrf0)  }
0xa8: {  	v24 =	vadd.s32 v24, v22;
	v22 =	vadd.s32 v25, v22;
	_ =	sdelay $0x1  }
0xa9: {  	vm9 =	vgt.f32 v19, v23;
	v20 =	vnsel vm4, $0x0, v20;
	vm5 =	vmand vm5, vm6  }
0xaa: {  	v25 =	vsel vm4, $0x1, v2;
	vm4 =	vmor vm9, vm5;
	vm5 =	vlt.s32 v22, $0x9;
	v22, _, _ =	vpop (xrf1)  }
0xab: {  	vm10 =	vgt.f32 v17, v23;
	v26 =	vbroadcast v26, $0xF;
	v22 =	vperm.xlane v22, v1  }
0xac: {  	v15 =	vnsel vm3, $0x0, v15;
	v29 =	vsel vm3, $0x1, v2;
	vm5 =	vmand vm8, vm5;
	v28, _, _ =	vpop (xrf1)  }
0xad: {  	v27, _, _ =	vpop (xrf0);
	vm6 =	vmor vm10, vm5;
	vm5 =	veq.f32 v14, v26;
	v22 =	vmax.f32 v28, v22  }
0xae: {  	v19 =	vnsel vm4, $0x0, v19;
	v24 =	vadd.s32 v27, v24;
	(xrf1) =	vsort.dscd.msk.f32 $0xffff, v22, v0;
	v22 =	vsel vm5, $0x1, v2  }
0xaf: {  	s1 =	sadd.s32 $0x100, s30;
	v27 =	vsel vm4, $0x1, v2;
	vm3 =	veq.f32 v3, v26;
	vm4 =	vlt.s32 v24, $0x9  }
0xb0: {  	[tilespmem:s1+$0x0] =	vst v20;
	vm9 =	vgt.f32 v13, v26;
	vm7 =	vmand vm7, vm4;
	vm4 =	veq.f32 v13, v26  }
0xb1: {  	vm8 =	vgt.f32 v16, v23;
	v17 =	vnsel vm6, $0x0, v17;
	v24 =	vsel vm4, $0x1, v2;
	(xrf0) =	vadd.scan.msk.s32 $0xffff, v22;
	v22, _, _ =	vpop (xrf1)  }
0xb2: {  	v23 =	vsel vm6, $0x1, v2;
	vm6 =	vmor vm8, vm7;
	(xrf0) =	vadd.scan.msk.s32 $0xffff, v24;
	v24 =	vsel vm0, $0xBF800000, v22  }
0xb3: {  	s16 =	sadd.s32 $0x100, s29;
	v20 =	vsel vm3, $0x1, v2;
	v30 =	vmpcnt.ones.xlane vm3;
	v16 =	vnsel vm6, $0x0, v16;
	(xrf0) =	vmax.scan.msk.f32 $0xffff, v24  }
0xb4: {  	[tilespmem:s16+$0x0] =	vst v25;
	v28 =	vsel vm6, $0x1, v2;
	vm6 =	vmor vm1, vm2;
	vm1 =	vgt.f32 v21, v26  }
0xb5: {  	[tilespmem:s1+$0x10] =	vst v19;
	vm2 =	veq.f32 v4, v26;
	v21 =	vmpcnt.ones.xlane vm5;
	v24 =	vmpcnt.ones.xlane vm1  }
0xb6: {  	[tilespmem:s16+$0x10] =	vst v27;
	v25 =	vmpcnt.ones.xlane vm4;
	vm8 =	vgt.f32 v14, v26;
	v19 =	vsel vm2, $0x1, v2  }
0xb7: {  	vm7 =	vgt.f32 v3, v26;
	v12 =	vnsel vm6, $0x0, v12;
	(xrf0) =	vadd.scan.msk.s32 $0xffff, v20;
	v21 =	vadd.s32 v24, v21;
	v27, _, _ =	vpop (xrf0)  }
0xb8: {  	[tilespmem:s1+$0x20] =	vst v17;
	vm1 =	vgt.f32 v4, v26;
	v25 =	vadd.s32 v25, v21;
	v31, _, _ =	vpop (xrf0);
	v24 =	vadd.s32 v24, v27  }
0xb9: {  	(xrf0) =	vadd.scan.msk.s32 $0xffff, v19;
	vm10 =	vlt.s32 v24, $0x9;
	v17 =	vadd.s32 v31, v21;
	v21 =	vsel vm6, $0x1, v2;
	v19, _, _ =	vpop (xrf0)  }
0xba: {  	vm5 =	vmand vm5, vm10;
	vm6 =	vlt.s32 v17, $0x9;
	v19 =	vbroadcast v19, $0xF  }
0xbb: {  	[tilespmem:s0+$0xFFFFFFA0] =	vst v15;
	v20 =	vadd.s32 v30, v25;
	vm5 =	vmor vm8, vm5;
	vm4 =	vmand vm4, vm6  }
0xbc: {  	[tilespmem:s16+$0x20] =	vst v23;
	v14 =	vnsel vm5, $0x0, v14;
	vm4 =	vmor vm9, vm4;
	vm8 =	veq.f32 v18, v19  }
0xbd: {  	[tilespmem:s1+$0x30] =	vst v16;
	v23 =	vsel vm5, $0x1, v2;
	v24, _, _ =	vpop (xrf0);
	v13 =	vnsel vm4, $0x0, v13;
	v17 =	vsel vm8, $0x1, v2  }
0xbe: {  	v15 =	vsel vm4, $0x1, v2;
	v16, _, _ =	vpop (xrf1);
	vm6 =	veq.f32 v9, v19;
	vm5 =	veq.f32 v10, v19;
	(xrf0) =	vadd.scan.msk.s32 $0xffff, v17  }
0xbf: {  	vm10 =	vgt.f32 v22, v19;
	v17 =	vadd.s32 v24, v25;
	v24, _, _ =	vpop (xrf0);
	v25 =	vsel vm6, $0x1, v2  }
0xc0: {  	v26 =	vsel vm0, $0xBF800000, v16;
	vm4 =	vlt.s32 v17, $0x9;
	v17 =	vadd.s32 v24, v20;
	(xrf0) =	vadd.scan.msk.s32 $0xffff, v25  }
0xc1: {  	vm9 =	vmand vm3, vm4;
	vm3 =	vlt.s32 v17, $0x9;
	v17 =	vsel vm5, $0x1, v2;
	(xrf0) =	vmax.scan.msk.f32 $0xffff, v26  }
0xc2: {  	[tilespmem:s31+$0xFFFFFFA0] =	vst v29;
	(xrf0) =	vadd.scan.msk.s32 $0xffff, v17;
	v17 =	vmpcnt.ones.xlane vm10  }
0xc3: {  	[tilespmem:s0+$0xFFFFFFB0] =	vst v12;
	v20 =	vmpcnt.ones.xlane vm8;
	vm4 =	veq.f32 v6, v19  }
0xc4: {  	[tilespmem:s1+$0xFFFFFF80] =	vst v14;
	v14 =	vmpcnt.ones.xlane vm5;
	v12 =	vsel vm4, $0x1, v2;
	v22, _, _ =	vpop (xrf0)  }
0xc5: {  	(xrf0) =	vadd.scan.msk.s32 $0xffff, v12;
	v12 =	vadd.s32 v17, v22;
	v22 =	vmpcnt.ones.xlane vm6  }
0xc6: {  	vm3 =	vmand vm2, vm3;
	vm11 =	vlt.s32 v12, $0x9;
	v12 =	vadd.s32 v17, v20;
	v17, _, _ =	vpop (xrf0)  }
0xc7: {  	[tilespmem:s16+$0xFFFFFF80] =	vst v23;
	vm2 =	vmor vm7, vm9;
	v17 =	vadd.s32 v17, v12;
	v12 =	vadd.s32 v22, v12;
	v20, _, _ =	vpop (xrf0)  }
0xc8: {  	[tilespmem:s1+$0xFFFFFF90] =	vst v13;
	vm9 =	vgt.f32 v18, v19;
	vm8 =	vmand vm8, vm11;
	v13 =	vadd.s32 v14, v12;
	v14, _, _ =	vpop (xrf0)  }
0xc9: {  	vm8 =	vmor vm9, vm8;
	vm9 =	vlt.s32 v17, $0x9;
	v12 =	vadd.s32 v14, v12  }
0xca: {  	vm10 =	vgt.f32 v9, v19;
	vm7 =	vgt.f32 v10, v19;
	vm6 =	vmand vm6, vm9  }
0xcb: {  	[tilespmem:s16+$0xFFFFFF90] =	vst v15;
	v15 =	vbroadcast v20, $0xF;
	v17 =	vnsel vm8, $0x0, v18;
	vm6 =	vmor vm10, vm6  }
0xcc: {  	s0 =	sadd.s32 $0x100, s1;
	v14 =	vsel vm8, $0x1, v2;
	vm8 =	vlt.s32 v12, $0x9;
	v9 =	vnsel vm6, $0x0, v9;
	v12, _, _ =	vpop (xrf0)  }
0xcd: {  	s29 =	sadd.s32 $0x100, s16;
	[tilespmem:s0+$0x0] =	vst v17;
	vm5 =	vmand vm5, vm8;
	v12 =	vadd.s32 v12, v13;
	v13 =	vsel vm6, $0x1, v2  }
0xce: {  	[tilespmem:s29+$0x0] =	vst v14;
	vm6 =	vmor vm7, vm5;
	vm5 =	veq.f32 v11, v15;
	vm7 =	vlt.s32 v12, $0x9  }
0xcf: {  	vm8 =	vgt.f32 v6, v19;
	[tilespmem:s0+$0x10] =	vst v9;
	v9 =	vsel vm5, $0x1, v2;
	vm4 =	vmand vm4, vm7  }
0xd0: {  	[tilespmem:s29+$0x10] =	vst v13;
	v10 =	vnsel vm6, $0x0, v10;
	vm7 =	vmor vm8, vm4;
	vm4 =	veq.f32 v8, v15  }
0xd1: {  	(xrf0) =	vadd.scan.msk.s32 $0xffff, v9;
	[tilespmem:s0+$0x20] =	vst v10;
	v10 =	vsel vm4, $0x1, v2  }
0xd2: {  	(xrf0) =	vadd.scan.msk.s32 $0xffff, v10  }
0xd3: {  	v9 =	vsel vm6, $0x1, v2;
	vm6 =	vmor vm1, vm3;
	vm3 =	veq.f32 v7, v15  }
0xd4: {  	v3 =	vnsel vm2, $0x0, v3;
	vm1 =	veq.f32 v5, v15;
	[tilespmem:s29+$0x20] =	vst v9;
	v9 =	vsel vm3, $0x1, v2  }
0xd5: {  	[tilespmem:s1+$0xFFFFFFA0] =	vst v3;
	v6 =	vnsel vm7, $0x0, v6;
	v12 =	vsel vm7, $0x1, v2;
	vm7 =	vgt.f32 v16, v15  }
0xd6: {  	v3 =	vnsel vm6, $0x0, v4;
	v10 =	vmpcnt.ones.xlane vm5;
	v13 =	vmpcnt.ones.xlane vm7;
	(xrf0) =	vadd.scan.msk.s32 $0xffff, v9  }
0xd7: {  	[tilespmem:s16+$0x30] =	vst v28;
	vm8 =	vgt.f32 v7, v15;
	v14 =	vmpcnt.ones.xlane vm4;
	v9 =	vsel vm1, $0x1, v2;
	v17, _, _ =	vpop (xrf0)  }
0xd8: {  	v16 =	vmpcnt.ones.xlane vm3;
	[tilespmem:s0+$0x30] =	vst v6;
	v10 =	vadd.s32 v13, v10;
	(xrf0) =	vadd.scan.msk.s32 $0xffff, v9;
	v4, _, _ =	vpop (xrf0)  }
0xd9: {  	v6 =	vsel vm2, $0x1, v2;
	[tilespmem:s29+$0x30] =	vst v12;
	v12 =	vadd.s32 v13, v17;
	v4 =	vadd.s32 v4, v10  }
0xda: {  	vm2 =	vgt.f32 v11, v15;
	vm7 =	vgt.f32 v8, v15;
	[tilespmem:s16+$0xFFFFFFA0] =	vst v6;
	vm9 =	vlt.s32 v12, $0x9  }
0xdb: {  	[tilespmem:s1+$0xFFFFFFB0] =	vst v3;
	v3 =	vsel vm6, $0x1, v2;
	v9 =	vadd.s32 v14, v10;
	vm5 =	vmand vm5, vm9  }
0xdc: {  	[tilespmem:s31+$0xFFFFFFB0] =	vst v21;
	v12 =	vadd.s32 v16, v9;
	vm2 =	vmor vm2, vm5;
	vm6 =	vlt.s32 v4, $0x9;
	v4, _, _ =	vpop (xrf0)  }
0xdd: {  	[tilespmem:s16+$0xFFFFFFB0] =	vst v3;
	v3 =	vnsel vm2, $0x0, v11;
	vm4 =	vmand vm4, vm6;
	v4 =	vadd.s32 v4, v9  }
0xde: {  	[tilespmem:s0+$0xFFFFFF80] =	vst v3;
	v3 =	vsel vm2, $0x1, v2;
	vm4 =	vmor vm7, vm4;
	v6, _, _ =	vpop (xrf0);
	vm2 =	vlt.s32 v4, $0x9  }
0xdf: {  	[tilespmem:s29+$0xFFFFFF80] =	vst v3;
	v4 =	vnsel vm4, $0x0, v8;
	v3 =	vadd.s32 v6, v12;
	vm2 =	vmand vm3, vm2  }
0xe0: {  	v6 =	vsel vm4, $0x1, v2;
	[tilespmem:s0+$0xFFFFFF90] =	vst v4;
	vm3 =	vlt.s32 v3, $0x9;
	vm2 =	vmor vm8, vm2  }
0xe1: {  	vm4 =	vgt.f32 v5, v15;
	[tilespmem:s29+$0xFFFFFF90] =	vst v6;
	vm1 =	vmand vm1, vm3;
	v3 =	vnsel vm2, $0x0, v7  }
0xe2: {  	vm1 =	vmor vm4, vm1;
	v4 =	vsel vm2, $0x1, v2;
	[tilespmem:s0+$0xFFFFFFA0] =	vst v3  }
0xe3: {  	v3 =	vnsel vm1, $0x0, v5;
	[tilespmem:s29+$0xFFFFFFA0] =	vst v4  }
0xe4: {  	[tilespmem:s0+$0xFFFFFFB0] =	vst v3;
	v3 =	vsel vm1, $0x1, v2  }
0xe5: {  	[tilespmem:s29+$0xFFFFFFB0] =	vst v3  }
0xe6: {  	[hbm4b:s5+s2] =	stream.linear.scatter [tilespmem:s18], [sflag:$0x3], $0x4000, $0x38;
	[tilespmem:$0x18000] =	vst v63  }
0xe7: {  	_ = 	snop  }
0xe8: {  	[hbm4b:s6+s2] =	stream.linear.scatter [tilespmem:s19], [sflag:$0x5], $0x4000, $0x38;
	[tilespmem:$0x18000] =	vst v63  }
0xe9: {  	_ = 	snop  }
0xea: {  	[tilespmem:s2], [sflag:$0x1] =	stream.linear.gather [hbm4b:s7+s2], $0x4000, $0x38;
	[tilespmem:$0x18000] =	vst v63  }
0xeb: {  	_ =	swait.ge [sflag:s20], $0x4000  }
0xec: {  	[sflag:s20] =	ssyncset.done $0x0  }
0xed: {  	s16 =	simm.s32 $0x4080;
	[sflag:s20] =	ssyncadd.s32 $0xFFFFC000  }
0xee: {  	v23 =	vld [tilespmem:s16+$0x30]  }
0xef: {  	v25 =	vld [tilespmem:s16+$0x10]  }
0xf0: {  	v24 =	vld [tilespmem:s16+$0x20];
	_ =	sdelay $0x1  }
0xf1: {  	v11 =	vld [tilespmem:s16+$0x0]  }
0xf2: {  	(xrf1) =	vsort.dscd.msk.f32 $0xffff, v23, v0  }
0xf3: {  	(xrf1) =	vsort.dscd.msk.f32 $0xffff, v25, v0  }
0xf4: {  	(xrf1) =	vsort.dscd.msk.f32 $0xffff, v24, v0;
	_ =	sdelay $0x1  }
0xf5: {  	(xrf1) =	vsort.dscd.msk.f32 $0xffff, v11, v0;
	_ =	sdelay $0x1  }
0xf6: {  	v12 =	vld [tilespmem:s16+$0xFFFFFFB0]  }
0xf7: {  	v21 =	vld [tilespmem:s16+$0xFFFFFF90]  }
0xf8: {  	v15 =	vld [tilespmem:s16+$0xFFFFFFA0]  }
0xf9: {  	v22 =	vld [tilespmem:s16+$0xFFFFFF80];
	_ =	sdelay $0x1  }
0xfa: {  	(xrf1) =	vsort.dscd.msk.f32 $0xffff, v12, v0  }
0xfb: {  	(xrf1) =	vsort.dscd.msk.f32 $0xffff, v21, v0  }
0xfc: {  	(xrf1) =	vsort.dscd.msk.f32 $0xffff, v15, v0  }
0xfd: {  	(xrf1) =	vsort.dscd.msk.f32 $0xffff, v22, v0;
	v3, _, _ =	vpop (xrf1)  }
0xfe: {  	v3 =	vperm.xlane v3, v1;
	v4, _, _ =	vpop (xrf1)  }
0xff: {  	v5, _, _ =	vpop (xrf1)  }
0x100: {  	v4 =	vperm.xlane v4, v1;
	v3 =	vmax.f32 v5, v3  }
0x101: {  	v5, _, _ =	vpop (xrf1);
	(xrf1) =	vsort.dscd.msk.f32 $0xffff, v3, v0  }
0x102: {  	v3 =	vmax.f32 v5, v4  }
0x103: {  	(xrf1) =	vsort.dscd.msk.f32 $0xffff, v3, v0;
	_ =	sdelay $0x4  }
0x104: {  	s1 =	simm.s32 $0x4180;
	v3, _, _ =	vpop (xrf1)  }
0x105: {  	v16 =	vld [tilespmem:s1+$0x30];
	v3 =	vperm.xlane v3, v1;
	v4, _, _ =	vpop (xrf1)  }
0x106: {  	v19 =	vld [tilespmem:s1+$0x10];
	v4 =	vperm.xlane v4, v1;
	v5, _, _ =	vpop (xrf1)  }
0x107: {  	v17 =	vld [tilespmem:s1+$0x20];
	v3 =	vmax.f32 v5, v3;
	v5, _, _ =	vpop (xrf1)  }
0x108: {  	v4 =	vmax.f32 v5, v4;
	(xrf1) =	vsort.dscd.msk.f32 $0xffff, v3, v0  }
0x109: {  	(xrf1) =	vsort.dscd.msk.f32 $0xffff, v4, v0  }
0x10a: {  	(xrf1) =	vsort.dscd.msk.f32 $0xffff, v16, v0  }
0x10b: {  	(xrf1) =	vsort.dscd.msk.f32 $0xffff, v19, v0;
	v3, _, _ =	vpop (xrf1)  }
0x10c: {  	v20 =	vld [tilespmem:s1+$0x0];
	(xrf1) =	vsort.dscd.msk.f32 $0xffff, v17, v0;
	v3 =	vperm.xlane v3, v1  }
0x10d: {  	v4, _, _ =	vpop (xrf1)  }
0x10e: {  	v3 =	vmax.f32 v4, v3  }
0x10f: {  	(xrf1) =	vsort.dscd.msk.f32 $0xffff, v3, v0  }
0x110: {  	v4 =	vld [tilespmem:s1+$0xFFFFFFB0]  }
0x111: {  	v13 =	vld [tilespmem:s1+$0xFFFFFF90];
	(xrf1) =	vsort.dscd.msk.f32 $0xffff, v20, v0;
	_ =	sdelay $0x1  }
0x112: {  	v3 =	vld [tilespmem:s1+$0xFFFFFFA0]  }
0x113: {  	v14 =	vld [tilespmem:s1+$0xFFFFFF80]  }
0x114: {  	(xrf1) =	vsort.dscd.msk.f32 $0xffff, v4, v0  }
0x115: {  	v5, _, _ =	vpop (xrf1);
	(xrf1) =	vsort.dscd.msk.f32 $0xffff, v13, v0  }
0x116: {  	v6, _, _ =	vpop (xrf1);
	v5 =	vperm.xlane v5, v1  }
0x117: {  	v7, _, _ =	vpop (xrf1);
	(xrf1) =	vsort.dscd.msk.f32 $0xffff, v3, v0  }
0x118: {  	v8, _, _ =	vpop (xrf1);
	v5 =	vmax.f32 v6, v5;
	(xrf1) =	vsort.dscd.msk.f32 $0xffff, v14, v0  }
0x119: {  	v6, _, _ =	vpop (xrf1);
	(xrf1) =	vsort.dscd.msk.f32 $0xffff, v5, v0  }
0x11a: {  	v5 =	vperm.xlane v7, v1;
	_ =	sdelay $0x1  }
0x11b: {  	v5 =	vmax.f32 v6, v5;
	v7, _, _ =	vpop (xrf1)  }
0x11c: {  	v8 =	vperm.xlane v8, v1;
	(xrf1) =	vsort.dscd.msk.f32 $0xffff, v5, v0;
	v9 =	vsel vm0, $0xBF800000, v7  }
0x11d: {  	v6, _, _ =	vpop (xrf1);
	(xrf0) =	vmax.scan.msk.f32 $0xffff, v9  }
0x11e: {  	v5 =	vmax.f32 v6, v8;
	_ =	sdelay $0x1  }
0x11f: {  	(xrf1) =	vsort.dscd.msk.f32 $0xffff, v5, v0  }
0x120: {  	v5, _, _ =	vpop (xrf1)  }
0x121: {  	v8, _, _ =	vpop (xrf1)  }
0x122: {  	v5 =	vperm.xlane v5, v1;
	v6, _, _ =	vpop (xrf0)  }
0x123: {  	v8 =	vperm.xlane v8, v1;
	v26 =	vbroadcast v6, $0xF;
	v6, _, _ =	vpop (xrf1)  }
0x124: {  	v5 =	vmax.f32 v6, v5;
	v6, _, _ =	vpop (xrf1)  }
0x125: {  	vm4 =	veq.f32 v11, v26;
	(xrf1) =	vsort.dscd.msk.f32 $0xffff, v5, v0;
	v6 =	vmax.f32 v6, v8;
	v27, _, _ =	vpop (xrf1)  }
0x126: {  	vm3 =	veq.f32 v25, v26;
	v5 =	vsel vm4, $0x1, v2;
	(xrf1) =	vsort.dscd.msk.f32 $0xffff, v6, v0;
	v8 =	vsel vm0, $0xBF800000, v27  }
0x127: {  	s16 =	simm.s32 $0x4280;
	(xrf0) =	vadd.scan.msk.s32 $0xffff, v5;
	v5 =	vsel vm3, $0x1, v2  }
0x128: {  	vm2 =	veq.f32 v24, v26;
	v6 =	vld [tilespmem:s16+$0x30];
	(xrf0) =	vadd.scan.msk.s32 $0xffff, v5  }
0x129: {  	v9 =	vld [tilespmem:s16+$0x10];
	vm1 =	veq.f32 v23, v26;
	v5 =	vsel vm2, $0x1, v2;
	(xrf0) =	vmax.scan.msk.f32 $0xffff, v8;
	v8, _, _ =	vpop (xrf1)  }
0x12a: {  	v10 =	vld [tilespmem:s16+$0x20];
	(xrf0) =	vadd.scan.msk.s32 $0xffff, v5;
	v5 =	vsel vm1, $0x1, v2;
	v8 =	vperm.xlane v8, v1;
	_ =	sdelay $0x1  }
0x12b: {  	vm5 =	vgt.f32 v7, v26;
	(xrf0) =	vadd.scan.msk.s32 $0xffff, v5  }
0x12c: {  	v18 =	vld [tilespmem:s16+$0x0];
	v7 =	vmpcnt.ones.xlane vm5;
	(xrf1) =	vsort.dscd.msk.f32 $0xffff, v6, v0;
	v5, _, _ =	vpop (xrf1)  }
0x12d: {  	vm6 =	vgt.f32 v11, v26;
	v28 =	vmpcnt.ones.xlane vm4;
	(xrf1) =	vsort.dscd.msk.f32 $0xffff, v9, v0;
	v5 =	vmax.f32 v5, v8;
	v8, _, _ =	vpop (xrf0)  }
0x12e: {  	vm7 =	vgt.f32 v25, v26;
	v29 =	vmpcnt.ones.xlane vm3;
	(xrf1) =	vsort.dscd.msk.f32 $0xffff, v10, v0;
	v8 =	vadd.s32 v7, v8;
	v50, _, _ =	vpop (xrf0)  }
0x12f: {  	(xrf1) =	vsort.dscd.msk.f32 $0xffff, v5, v0;
	v5 =	vld [tilespmem:s16+$0xFFFFFFB0];
	v7 =	vadd.s32 v7, v28;
	v28 =	vmpcnt.ones.xlane vm2;
	vm8 =	vlt.s32 v8, $0x9;
	v51, _, _ =	vpop (xrf0)  }
0x130: {  	v8 =	vld [tilespmem:s16+$0xFFFFFF90];
	v30 =	vadd.s32 v50, v7;
	v29 =	vadd.s32 v29, v7;
	vm4 =	vmand vm4, vm8;
	v52, _, _ =	vpop (xrf0)  }
0x131: {  	(xrf1) =	vsort.dscd.msk.f32 $0xffff, v18, v0;
	v28 =	vadd.s32 v28, v29;
	vm4 =	vmor vm6, vm4;
	v29 =	vadd.s32 v52, v29  }
0x132: {  	s30 =	simm.s32 $0xC080;
	vm5 =	vgt.f32 v24, v26;
	v7 =	vld [tilespmem:s16+$0xFFFFFFA0];
	vm6 =	vlt.s32 v30, $0x9;
	v32 =	vnsel vm4, $0x0, v11  }
0x133: {  	s29 =	simm.s32 $0x14080;
	vm3 =	vmand vm3, vm6;
	v11 =	vld [tilespmem:s16+$0xFFFFFF80];
	v53 =	vsel vm4, $0x1, v2;
	vm4 =	vlt.s32 v29, $0x9;
	[tilespmem:s30+$0x0] =	vst v32  }
0x134: {  	vm3 =	vmor vm7, vm3;
	vm2 =	vmand vm2, vm4;
	(xrf1) =	vsort.dscd.msk.f32 $0xffff, v5, v0;
	v29, _, _ =	vpop (xrf0);
	[tilespmem:s29+$0x0] =	vst v53  }
0x135: {  	v54, _, _ =	vpop (xrf1);
	v25 =	vnsel vm3, $0x0, v25;
	(xrf1) =	vsort.dscd.msk.f32 $0xffff, v8, v0;
	v28 =	vadd.s32 v29, v28;
	v29 =	vsel vm3, $0x1, v2  }
0x136: {  	[tilespmem:s30+$0x10] =	vst v25;
	v25 =	vperm.xlane v54, v1;
	vm3 =	vlt.s32 v28, $0x9;
	v28 =	vbroadcast v51, $0xF  }
0x137: {  	v55, _, _ =	vpop (xrf1);
	vm4 =	vgt.f32 v23, v26;
	vm2 =	vmor vm5, vm2;
	(xrf1) =	vsort.dscd.msk.f32 $0xffff, v7, v0  }
0x138: {  	v24 =	vnsel vm2, $0x0, v24;
	v25 =	vmax.f32 v55, v25;
	(xrf1) =	vsort.dscd.msk.f32 $0xffff, v11, v0;
	vm6 =	veq.f32 v22, v28  }
0x139: {  	vm1 =	vmand vm1, vm3;
	vm5 =	veq.f32 v21, v28;
	(xrf1) =	vsort.dscd.msk.f32 $0xffff, v25, v0;
	v25 =	vsel vm6, $0x1, v2  }
0x13a: {  	v26 =	vsel vm2, $0x1, v2;
	vm1 =	vmor vm4, vm1;
	v56, _, _ =	vpop (xrf1);
	v33 =	vsel vm5, $0x1, v2;
	(xrf0) =	vadd.scan.msk.s32 $0xffff, v25  }
0x13b: {  	vm3 =	veq.f32 v15, v28;
	vm2 =	veq.f32 v12, v28;
	vm7 =	vgt.f32 v22, v28;
	v58, _, _ =	vpop (xrf1);
	(xrf0) =	vadd.scan.msk.s32 $0xffff, v33  }
0x13c: {  	[tilespmem:s29+$0x10] =	vst v29;
	vm8 =	vgt.f32 v21, v28;
	vm4 =	vgt.f32 v15, v28;
	v23 =	vnsel vm1, $0x0, v23;
	v34, _, _ =	vpop (xrf1)  }
0x13d: {  	[tilespmem:s30+$0x20] =	vst v24;
	v57 =	vsel vm1, $0x1, v2;
	v30 =	vperm.xlane v56, v1;
	vm1 =	vgt.f32 v27, v28;
	v25, _, _ =	vpop (xrf1)  }
0x13e: {  	[tilespmem:s29+$0x20] =	vst v26;
	v27 =	vmpcnt.ones.xlane vm6;
	v59 =	vmpcnt.ones.xlane vm1;
	v60 =	vsel vm0, $0xBF800000, v25  }
0x13f: {  	v62 =	vmpcnt.ones.xlane vm5;
	v26 =	vmpcnt.ones.xlane vm3;
	v30 =	vmax.f32 v34, v30;
	v61, _, _ =	vpop (xrf1);
	(xrf0) =	vmax.scan.msk.f32 $0xffff, v60  }
0x140: {  	v24 =	vperm.xlane v58, v1;
	[tilespmem:s30+$0x30] =	vst v23;
	v27 =	vadd.s32 v59, v27;
	(xrf1) =	vsort.dscd.msk.f32 $0xffff, v30, v0;
	v23, _, _ =	vpop (xrf0)  }
0x141: {  	vm1 =	vgt.f32 v12, v28;
	v33 =	vadd.s32 v62, v27;
	v23 =	vadd.s32 v59, v23;
	v28, _, _ =	vpop (xrf0)  }
0x142: {  	v24 =	vmax.f32 v61, v24;
	vm9 =	vlt.s32 v23, $0x9;
	v23 =	vadd.s32 v28, v27  }
0x143: {  	v63 =	vadd.s32 v26, v33;
	(xrf1) =	vsort.dscd.msk.f32 $0xffff, v24, v0;
	v26, _, _ =	vpop (xrf1)  }
0x144: {  	v29 =	vsel vm3, $0x1, v2;
	v26 =	vperm.xlane v26, v1;
	v27, _, _ =	vpop (xrf1)  }
0x145: {  	v35 =	vsel vm2, $0x1, v2;
	(xrf0) =	vadd.scan.msk.s32 $0xffff, v29;
	vm6 =	vmand vm6, vm9;
	vm9 =	vlt.s32 v23, $0x9;
	v23, _, _ =	vpop (xrf0)  }
0x146: {  	(xrf0) =	vadd.scan.msk.s32 $0xffff, v35;
	v24, _, _ =	vpop (xrf1);
	vm6 =	vmor vm7, vm6;
	vm5 =	vmand vm5, vm9;
	v23 =	vbroadcast v23, $0xF  }
0x147: {  	v24 =	vmax.f32 v24, v26;
	v22 =	vnsel vm6, $0x0, v22;
	vm5 =	vmor vm8, vm5  }
0x148: {  	v26, _, _ =	vpop (xrf1);
	[tilespmem:s30+$0xFFFFFF80] =	vst v22;
	v22 =	vsel vm6, $0x1, v2;
	v28 =	vnsel vm5, $0x0, v21;
	vm6 =	veq.f32 v20, v23  }
0x149: {  	[tilespmem:s29+$0x30] =	vst v57;
	v27 =	vperm.xlane v27, v1;
	v21, _, _ =	vpop (xrf1);
	(xrf1) =	vsort.dscd.msk.f32 $0xffff, v24, v0;
	v24 =	vsel vm6, $0x1, v2  }
0x14a: {  	[tilespmem:s29+$0xFFFFFF80] =	vst v22  }
0x14b: {  	v27 =	vmax.f32 v26, v27;
	v22 =	vsel vm5, $0x1, v2;
	v26 =	vsel vm0, $0xBF800000, v21;
	[tilespmem:s30+$0xFFFFFF90] =	vst v28;
	v28, _, _ =	vpop (xrf0)  }
0x14c: {  	s31 =	simm.s32 $0x14080;
	vm5 =	veq.f32 v19, v23;
	[tilespmem:s29+$0xFFFFFF90] =	vst v22;
	(xrf0) =	vadd.scan.msk.s32 $0xffff, v24;
	v22 =	vadd.s32 v28, v33;
	v24, _, _ =	vpop (xrf0)  }
0x14d: {  	s0 =	simm.s32 $0xC080;
	s1 =	simm.s32 $0x4;
	s16 =	simm.s32 $0x4380;
	(xrf1) =	vsort.dscd.msk.f32 $0xffff, v27, v0;
	v27 =	vsel vm5, $0x1, v2;
	vm9 =	vlt.s32 v22, $0x9;
	v24 =	vadd.s32 v24, v63  }
.LBB2_4:
0x14e: {  	v29, _, _ =	vpop (xrf1);
	vm7 =	veq.f32 v17, v23;
	(xrf0) =	vadd.scan.msk.s32 $0xffff, v27;
	vm9 =	vmand vm3, vm9;
	vm3 =	vlt.s32 v24, $0x9  }
0x14f: {  	v28 =	vld [tilespmem:s16+$0x30];
	v22 =	vmovc v5;
	v24 =	vmovc v13;
	v13 =	vmov v8;
	v27 =	vmov v15;
	v15 =	vmov v3  }
0x150: {  	v3 =	vmovc v7;
	v30 =	vld [tilespmem:s16+$0x10];
	v8 =	vperm.xlane v29, v1;
	v5 =	vsel vm7, $0x1, v2;
	(xrf0) =	vmax.scan.msk.f32 $0xffff, v26;
	vm3 =	vmand vm2, vm3  }
0x151: {  	vm10 =	vgt.f32 v25, v23;
	vm8 =	veq.f32 v16, v23;
	vm2 =	vmor vm4, vm9;
	v29 =	vld [tilespmem:s16+$0x20];
	v7, _, _ =	vpop (xrf1);
	(xrf0) =	vadd.scan.msk.s32 $0xffff, v5  }
0x152: {  	v31 =	vmpcnt.ones.xlane vm10;
	v26 =	vmovc v14;
	v14 =	vmovc v11;
	v5 =	vld [tilespmem:s16+$0xFFFFFFB0];
	v25 =	vmax.f32 v7, v8;
	v7 =	vsel vm8, $0x1, v2  }
0x153: {  	vm10 =	vgt.f32 v20, v23;
	v11 =	vmpcnt.ones.xlane vm6;
	vm9 =	vgt.f32 v19, v23;
	v32 =	vld [tilespmem:s16+$0x0];
	v33, _, _ =	vpop (xrf0);
	(xrf0) =	vadd.scan.msk.s32 $0xffff, v7  }
0x154: {  	v36 =	vmpcnt.ones.xlane vm5;
	vm4 =	vgt.f32 v17, v23;
	v8 =	vld [tilespmem:s16+$0xFFFFFF90];
	(xrf1) =	vsort.dscd.msk.f32 $0xffff, v28, v0;
	v33 =	vadd.s32 v31, v33  }
0x155: {  	v37 =	vmpcnt.ones.xlane vm7;
	v31 =	vadd.s32 v31, v11;
	v7 =	vld [tilespmem:s16+$0xFFFFFFA0];
	(xrf1) =	vsort.dscd.msk.f32 $0xffff, v30, v0;
	vm11 =	vlt.s32 v33, $0x9;
	v35, _, _ =	vpop (xrf0)  }
0x156: {  	v11 =	vld [tilespmem:s16+$0xFFFFFF80];
	(xrf1) =	vsort.dscd.msk.f32 $0xffff, v29, v0;
	vm6 =	vmand vm6, vm11;
	v35 =	vadd.s32 v35, v31;
	v31 =	vadd.s32 v36, v31;
	v34, _, _ =	vpop (xrf0)  }
0x157: {  	(xrf1) =	vsort.dscd.msk.f32 $0xffff, v25, v0;
	vm6 =	vmor vm10, vm6;
	vm10 =	vlt.s32 v35, $0x9;
	v25 =	vadd.s32 v37, v31;
	v33, _, _ =	vpop (xrf0)  }
0x158: {  	s30 =	sadd.s32 $0x100, s30;
	(xrf1) =	vsort.dscd.msk.f32 $0xffff, v32, v0;
	v35 =	vnsel vm6, $0x0, v20;
	vm5 =	vmand vm5, vm10;
	v36 =	vadd.s32 v33, v31;
	v20 =	vmovc v18  }
0x159: {  	s29 =	sadd.s32 $0x100, s29;
	v18 =	vsel vm6, $0x1, v2;
	[tilespmem:s30+$0x0] =	vst v35;
	vm5 =	vmor vm9, vm5;
	vm6 =	vlt.s32 v36, $0x9;
	v31, _, _ =	vpop (xrf0)  }
0x15a: {  	s1 =	sadd.s32 $0x2, s1;
	v33, _, _ =	vpop (xrf1);
	[tilespmem:s29+$0x0] =	vst v18;
	v18 =	vnsel vm5, $0x0, v19;
	vm6 =	vmand vm7, vm6;
	v31 =	vadd.s32 v31, v25  }
0x15b: {  	p0 =	slt.u32 s1, $0x7E;
	v19 =	vmovc v9;
	v9 =	vmovc v30;
	[tilespmem:s30+$0x10] =	vst v18;
	v18 =	vsel vm5, $0x1, v2;
	vm4 =	vmor vm4, vm6;
	vm5 =	vlt.s32 v31, $0x9  }
0x15c: {  	vm6 =	vgt.f32 v16, v23;
	v25, _, _ =	vpop (xrf1);
	[tilespmem:s29+$0x10] =	vst v18;
	v30 =	vnsel vm4, $0x0, v17;
	vm5 =	vmand vm8, vm5  }
0x15d: {  	v18 =	vsel vm4, $0x1, v2;
	v17 =	vmovc v10;
	(xrf1) =	vsort.dscd.msk.f32 $0xffff, v5, v0;
	[tilespmem:s30+$0x20] =	vst v30;
	vm4 =	vmor vm6, vm5  }
0x15e: {  	v23 =	vperm.xlane v33, v1;
	(xrf1) =	vsort.dscd.msk.f32 $0xffff, v8, v0;
	[tilespmem:s29+$0x20] =	vst v18;
	v31 =	vnsel vm4, $0x0, v16;
	v16 =	vmovc v6  }
0x15f: {  	vm7 =	vmor vm1, vm3;
	v10 =	vmovc v29;
	v30 =	vbroadcast v34, $0xF;
	v6 =	vmovc v28;
	[tilespmem:s30+$0x30] =	vst v31;
	v31 =	vsel vm4, $0x1, v2  }
0x160: {  	v27 =	vnsel vm2, $0x0, v27;
	v23 =	vmax.f32 v25, v23;
	v18 =	vmovc v32;
	(xrf1) =	vsort.dscd.msk.f32 $0xffff, v7, v0;
	[tilespmem:s29+$0x30] =	vst v31  }
0x161: {  	v28 =	vsel vm2, $0x1, v2;
	vm6 =	veq.f32 v26, v30;
	vm5 =	veq.f32 v24, v30;
	(xrf1) =	vsort.dscd.msk.f32 $0xffff, v11, v0  }
0x162: {  	vm3 =	veq.f32 v15, v30;
	vm2 =	veq.f32 v4, v30;
	v33 =	vsel vm6, $0x1, v2;
	v25, _, _ =	vpop (xrf1);
	(xrf1) =	vsort.dscd.msk.f32 $0xffff, v23, v0  }
0x163: {  	v31 =	vsel vm5, $0x1, v2;
	v32 =	vsel vm3, $0x1, v2;
	v34 =	vperm.xlane v25, v1;
	v29, _, _ =	vpop (xrf1);
	(xrf0) =	vadd.scan.msk.s32 $0xffff, v33  }
0x164: {  	vm1 =	vgt.f32 v21, v30;
	v21 =	vmpcnt.ones.xlane vm6;
	v33 =	vsel vm2, $0x1, v2;
	v23, _, _ =	vpop (xrf1);
	(xrf0) =	vadd.scan.msk.s32 $0xffff, v31  }
0x165: {  	v29 =	vperm.xlane v29, v1;
	v31 =	vmpcnt.ones.xlane vm1;
	v23 =	vmax.f32 v23, v34;
	v25, _, _ =	vpop (xrf1);
	[tilespmem:s0+$0xFFFFFFA0] =	vst v27  }
0x166: {  	v35 =	vmpcnt.ones.xlane vm3;
	v34 =	vmpcnt.ones.xlane vm5;
	v27, _, _ =	vpop (xrf1);
	(xrf1) =	vsort.dscd.msk.f32 $0xffff, v23, v0;
	v23 =	vsel vm0, $0xBF800000, v25  }
0x167: {  	vm9 =	vgt.f32 v26, v30;
	v21 =	vadd.s32 v31, v21;
	v27 =	vmax.f32 v27, v29;
	(xrf0) =	vmax.scan.msk.f32 $0xffff, v23  }
0x168: {  	vm8 =	vgt.f32 v24, v30;
	(xrf1) =	vsort.dscd.msk.f32 $0xffff, v27, v0;
	v27 =	vadd.s32 v34, v21;
	v34 =	vnsel vm7, $0x0, v12  }
0x169: {  	vm4 =	vgt.f32 v15, v30;
	vm1 =	vgt.f32 v4, v30;
	v29 =	vadd.s32 v35, v27;
	v23, _, _ =	vpop (xrf0);
	[tilespmem:s31+$0xFFFFFFA0] =	vst v28  }
0x16a: {  	v30 =	vsel vm7, $0x1, v2;
	v12 =	vmov v4;
	v31 =	vadd.s32 v31, v23;
	v28, _, _ =	vpop (xrf0);
	[tilespmem:s0+$0xFFFFFFB0] =	vst v34;
	s0 =	smov.u32 s30  }
0x16b: {  	v4, _, _ =	vpop (xrf1);
	vm7 =	vlt.s32 v31, $0x9;
	v21 =	vadd.s32 v28, v21;
	(xrf0) =	vadd.scan.msk.s32 $0xffff, v32;
	[tilespmem:s31+$0xFFFFFFB0] =	vst v30;
	s31 =	smov.u32 s29  }
0x16c: {  	v4 =	vperm.xlane v4, v1;
	v23, _, _ =	vpop (xrf1);
	vm6 =	vmand vm6, vm7;
	vm7 =	vlt.s32 v21, $0x9;
	(xrf0) =	vadd.scan.msk.s32 $0xffff, v33  }
0x16d: {  	v30 =	vperm.xlane v23, v1;
	v23, _, _ =	vpop (xrf0);
	vm6 =	vmor vm9, vm6;
	vm5 =	vmand vm5, vm7  }
0x16e: {  	v28, _, _ =	vpop (xrf1);
	v23 =	vbroadcast v23, $0xF;
	v26 =	vnsel vm6, $0x0, v26;
	vm5 =	vmor vm8, vm5  }
.Ltmp1:
0x16f: {  	v4 =	vmax.f32 v28, v4;
	v28, _, _ =	vpop (xrf1);
	[tilespmem:s30+$0xFFFFFF80] =	vst v26;
	v26 =	vsel vm6, $0x1, v2;
	v31 =	vnsel vm5, $0x0, v24;
	(pc) =	sbr.rel @p0 .LBB2_4-.Ltmp1, $4  }
0x170: {  	v28 =	vmax.f32 v28, v30;
	vm6 =	veq.f32 v20, v23;
	v21, _, _ =	vpop (xrf1);
	[tilespmem:s29+$0xFFFFFF80] =	vst v26;
	v30 =	vsel vm5, $0x1, v2  }
0x171: {  	(xrf1) =	vsort.dscd.msk.f32 $0xffff, v4, v0;
	v26 =	vsel vm0, $0xBF800000, v21;
	v32 =	vsel vm6, $0x1, v2;
	[tilespmem:s30+$0xFFFFFF90] =	vst v31;
	v24, _, _ =	vpop (xrf0)  }
0x172: {  	vm5 =	veq.f32 v19, v23;
	(xrf0) =	vadd.scan.msk.s32 $0xffff, v32;
	[tilespmem:s29+$0xFFFFFF90] =	vst v30;
	v30 =	vadd.s32 v24, v27;
	v24, _, _ =	vpop (xrf0)  }
0x173: {  	s16 =	sadd.s32 $0x100, s16;
	v27 =	vsel vm5, $0x1, v2;
	v4 =	vmovc v22;
	(xrf1) =	vsort.dscd.msk.f32 $0xffff, v28, v0;
	vm9 =	vlt.s32 v30, $0x9;
	v24 =	vadd.s32 v24, v29  }
0x174: {  	v22, _, _ =	vpop (xrf1)  }
0x175: {  	vm8 =	veq.f32 v17, v23;
	(xrf0) =	vadd.scan.msk.s32 $0xffff, v27;
	v22 =	vperm.xlane v22, v1  }
0x176: {  	vm3 =	vmand vm3, vm9;
	vm7 =	vlt.s32 v24, $0x9;
	vm9 =	vgt.f32 v25, v23;
	(xrf0) =	vmax.scan.msk.f32 $0xffff, v26;
	v26, _, _ =	vpop (xrf1)  }
0x177: {  	v25 =	vmpcnt.ones.xlane vm6;
	v27 =	vsel vm8, $0x1, v2;
	v22 =	vmax.f32 v26, v22  }
0x178: {  	vm2 =	vmand vm2, vm7;
	vm7 =	veq.f32 v16, v23;
	(xrf1) =	vsort.dscd.msk.f32 $0xffff, v22, v0;
	v22 =	vmpcnt.ones.xlane vm9  }
0x179: {  	(xrf0) =	vadd.scan.msk.s32 $0xffff, v27;
	v24 =	vsel vm7, $0x1, v2;
	v26, _, _ =	vpop (xrf0)  }
0x17a: {  	(xrf0) =	vadd.scan.msk.s32 $0xffff, v24;
	v24 =	vadd.s32 v22, v26;
	v26 =	vmpcnt.ones.xlane vm5  }
0x17b: {  	v22 =	vadd.s32 v22, v25;
	v25, _, _ =	vpop (xrf0)  }
0x17c: {  	v25 =	vadd.s32 v25, v22  }
0x17d: {  	vm3 =	vmor vm4, vm3;
	vm4 =	vgt.f32 v20, v23;
	vm11 =	vlt.s32 v24, $0x9  }
0x17e: {  	v24 =	vmpcnt.ones.xlane vm8;
	vm6 =	vmand vm6, vm11;
	v22 =	vadd.s32 v26, v22;
	v26, _, _ =	vpop (xrf0)  }
0x17f: {  	vm4 =	vmor vm4, vm6;
	vm6 =	vlt.s32 v25, $0x9;
	v25, _, _ =	vpop (xrf0)  }
0x180: {  	v24 =	vadd.s32 v24, v22;
	v22 =	vadd.s32 v25, v22;
	_ =	sdelay $0x1  }
0x181: {  	vm9 =	vgt.f32 v19, v23;
	v20 =	vnsel vm4, $0x0, v20;
	vm5 =	vmand vm5, vm6  }
0x182: {  	v25 =	vsel vm4, $0x1, v2;
	vm4 =	vmor vm9, vm5;
	vm5 =	vlt.s32 v22, $0x9;
	v22, _, _ =	vpop (xrf1)  }
0x183: {  	vm10 =	vgt.f32 v17, v23;
	v26 =	vbroadcast v26, $0xF;
	v22 =	vperm.xlane v22, v1  }
0x184: {  	v15 =	vnsel vm3, $0x0, v15;
	v29 =	vsel vm3, $0x1, v2;
	vm5 =	vmand vm8, vm5;
	v28, _, _ =	vpop (xrf1)  }
0x185: {  	v27, _, _ =	vpop (xrf0);
	vm6 =	vmor vm10, vm5;
	vm5 =	veq.f32 v14, v26;
	v22 =	vmax.f32 v28, v22  }
0x186: {  	v19 =	vnsel vm4, $0x0, v19;
	v24 =	vadd.s32 v27, v24;
	(xrf1) =	vsort.dscd.msk.f32 $0xffff, v22, v0;
	v22 =	vsel vm5, $0x1, v2  }
0x187: {  	s1 =	sadd.s32 $0x100, s30;
	v27 =	vsel vm4, $0x1, v2;
	vm3 =	veq.f32 v3, v26;
	vm4 =	vlt.s32 v24, $0x9  }
0x188: {  	[tilespmem:s1+$0x0] =	vst v20;
	vm9 =	vgt.f32 v13, v26;
	vm7 =	vmand vm7, vm4;
	vm4 =	veq.f32 v13, v26  }
0x189: {  	vm8 =	vgt.f32 v16, v23;
	v17 =	vnsel vm6, $0x0, v17;
	v24 =	vsel vm4, $0x1, v2;
	(xrf0) =	vadd.scan.msk.s32 $0xffff, v22;
	v22, _, _ =	vpop (xrf1)  }
0x18a: {  	v23 =	vsel vm6, $0x1, v2;
	vm6 =	vmor vm8, vm7;
	(xrf0) =	vadd.scan.msk.s32 $0xffff, v24;
	v24 =	vsel vm0, $0xBF800000, v22  }
0x18b: {  	s16 =	sadd.s32 $0x100, s29;
	v20 =	vsel vm3, $0x1, v2;
	v30 =	vmpcnt.ones.xlane vm3;
	v16 =	vnsel vm6, $0x0, v16;
	(xrf0) =	vmax.scan.msk.f32 $0xffff, v24  }
0x18c: {  	[tilespmem:s16+$0x0] =	vst v25;
	v28 =	vsel vm6, $0x1, v2;
	vm6 =	vmor vm1, vm2;
	vm1 =	vgt.f32 v21, v26  }
0x18d: {  	[tilespmem:s1+$0x10] =	vst v19;
	vm2 =	veq.f32 v4, v26;
	v21 =	vmpcnt.ones.xlane vm5;
	v24 =	vmpcnt.ones.xlane vm1  }
0x18e: {  	[tilespmem:s16+$0x10] =	vst v27;
	v25 =	vmpcnt.ones.xlane vm4;
	vm8 =	vgt.f32 v14, v26;
	v19 =	vsel vm2, $0x1, v2  }
0x18f: {  	vm7 =	vgt.f32 v3, v26;
	v12 =	vnsel vm6, $0x0, v12;
	(xrf0) =	vadd.scan.msk.s32 $0xffff, v20;
	v21 =	vadd.s32 v24, v21;
	v27, _, _ =	vpop (xrf0)  }
0x190: {  	[tilespmem:s1+$0x20] =	vst v17;
	vm1 =	vgt.f32 v4, v26;
	v25 =	vadd.s32 v25, v21;
	v31, _, _ =	vpop (xrf0);
	v24 =	vadd.s32 v24, v27  }
0x191: {  	(xrf0) =	vadd.scan.msk.s32 $0xffff, v19;
	vm10 =	vlt.s32 v24, $0x9;
	v17 =	vadd.s32 v31, v21;
	v21 =	vsel vm6, $0x1, v2;
	v19, _, _ =	vpop (xrf0)  }
0x192: {  	vm5 =	vmand vm5, vm10;
	vm6 =	vlt.s32 v17, $0x9;
	v19 =	vbroadcast v19, $0xF  }
0x193: {  	[tilespmem:s0+$0xFFFFFFA0] =	vst v15;
	v20 =	vadd.s32 v30, v25;
	vm5 =	vmor vm8, vm5;
	vm4 =	vmand vm4, vm6  }
0x194: {  	[tilespmem:s16+$0x20] =	vst v23;
	v14 =	vnsel vm5, $0x0, v14;
	vm4 =	vmor vm9, vm4;
	vm8 =	veq.f32 v18, v19  }
0x195: {  	[tilespmem:s1+$0x30] =	vst v16;
	v23 =	vsel vm5, $0x1, v2;
	v24, _, _ =	vpop (xrf0);
	v13 =	vnsel vm4, $0x0, v13;
	v17 =	vsel vm8, $0x1, v2  }
0x196: {  	v15 =	vsel vm4, $0x1, v2;
	v16, _, _ =	vpop (xrf1);
	vm6 =	veq.f32 v9, v19;
	vm5 =	veq.f32 v10, v19;
	(xrf0) =	vadd.scan.msk.s32 $0xffff, v17  }
0x197: {  	vm10 =	vgt.f32 v22, v19;
	v17 =	vadd.s32 v24, v25;
	v24, _, _ =	vpop (xrf0);
	v25 =	vsel vm6, $0x1, v2  }
0x198: {  	v26 =	vsel vm0, $0xBF800000, v16;
	vm4 =	vlt.s32 v17, $0x9;
	v17 =	vadd.s32 v24, v20;
	(xrf0) =	vadd.scan.msk.s32 $0xffff, v25  }
0x199: {  	vm9 =	vmand vm3, vm4;
	vm3 =	vlt.s32 v17, $0x9;
	v17 =	vsel vm5, $0x1, v2;
	(xrf0) =	vmax.scan.msk.f32 $0xffff, v26  }
0x19a: {  	[tilespmem:s31+$0xFFFFFFA0] =	vst v29;
	(xrf0) =	vadd.scan.msk.s32 $0xffff, v17;
	v17 =	vmpcnt.ones.xlane vm10  }
0x19b: {  	[tilespmem:s0+$0xFFFFFFB0] =	vst v12;
	v20 =	vmpcnt.ones.xlane vm8;
	vm4 =	veq.f32 v6, v19  }
0x19c: {  	[tilespmem:s1+$0xFFFFFF80] =	vst v14;
	v14 =	vmpcnt.ones.xlane vm5;
	v12 =	vsel vm4, $0x1, v2;
	v22, _, _ =	vpop (xrf0)  }
0x19d: {  	(xrf0) =	vadd.scan.msk.s32 $0xffff, v12;
	v12 =	vadd.s32 v17, v22;
	v22 =	vmpcnt.ones.xlane vm6  }
0x19e: {  	vm3 =	vmand vm2, vm3;
	vm11 =	vlt.s32 v12, $0x9;
	v12 =	vadd.s32 v17, v20;
	v17, _, _ =	vpop (xrf0)  }
0x19f: {  	[tilespmem:s16+$0xFFFFFF80] =	vst v23;
	vm2 =	vmor vm7, vm9;
	v17 =	vadd.s32 v17, v12;
	v12 =	vadd.s32 v22, v12;
	v20, _, _ =	vpop (xrf0)  }
0x1a0: {  	[tilespmem:s1+$0xFFFFFF90] =	vst v13;
	vm9 =	vgt.f32 v18, v19;
	vm8 =	vmand vm8, vm11;
	v13 =	vadd.s32 v14, v12;
	v14, _, _ =	vpop (xrf0)  }
0x1a1: {  	vm8 =	vmor vm9, vm8;
	vm9 =	vlt.s32 v17, $0x9;
	v12 =	vadd.s32 v14, v12  }
0x1a2: {  	vm10 =	vgt.f32 v9, v19;
	vm7 =	vgt.f32 v10, v19;
	vm6 =	vmand vm6, vm9  }
0x1a3: {  	[tilespmem:s16+$0xFFFFFF90] =	vst v15;
	v15 =	vbroadcast v20, $0xF;
	v17 =	vnsel vm8, $0x0, v18;
	vm6 =	vmor vm10, vm6  }
0x1a4: {  	s0 =	sadd.s32 $0x100, s1;
	v14 =	vsel vm8, $0x1, v2;
	vm8 =	vlt.s32 v12, $0x9;
	v9 =	vnsel vm6, $0x0, v9;
	v12, _, _ =	vpop (xrf0)  }
0x1a5: {  	s29 =	sadd.s32 $0x100, s16;
	[tilespmem:s0+$0x0] =	vst v17;
	vm5 =	vmand vm5, vm8;
	v12 =	vadd.s32 v12, v13;
	v13 =	vsel vm6, $0x1, v2  }
0x1a6: {  	[tilespmem:s29+$0x0] =	vst v14;
	vm6 =	vmor vm7, vm5;
	vm5 =	veq.f32 v11, v15;
	vm7 =	vlt.s32 v12, $0x9  }
0x1a7: {  	vm8 =	vgt.f32 v6, v19;
	[tilespmem:s0+$0x10] =	vst v9;
	v9 =	vsel vm5, $0x1, v2;
	vm4 =	vmand vm4, vm7  }
0x1a8: {  	[tilespmem:s29+$0x10] =	vst v13;
	v10 =	vnsel vm6, $0x0, v10;
	vm7 =	vmor vm8, vm4;
	vm4 =	veq.f32 v8, v15  }
0x1a9: {  	(xrf0) =	vadd.scan.msk.s32 $0xffff, v9;
	[tilespmem:s0+$0x20] =	vst v10;
	v10 =	vsel vm4, $0x1, v2  }
0x1aa: {  	(xrf0) =	vadd.scan.msk.s32 $0xffff, v10  }
0x1ab: {  	v9 =	vsel vm6, $0x1, v2;
	vm6 =	vmor vm1, vm3;
	vm3 =	veq.f32 v7, v15  }
0x1ac: {  	v3 =	vnsel vm2, $0x0, v3;
	vm1 =	veq.f32 v5, v15;
	[tilespmem:s29+$0x20] =	vst v9;
	v9 =	vsel vm3, $0x1, v2  }
0x1ad: {  	[tilespmem:s1+$0xFFFFFFA0] =	vst v3;
	v6 =	vnsel vm7, $0x0, v6;
	v12 =	vsel vm7, $0x1, v2;
	vm7 =	vgt.f32 v16, v15  }
0x1ae: {  	v3 =	vnsel vm6, $0x0, v4;
	v10 =	vmpcnt.ones.xlane vm5;
	v13 =	vmpcnt.ones.xlane vm7;
	(xrf0) =	vadd.scan.msk.s32 $0xffff, v9  }
0x1af: {  	[tilespmem:s16+$0x30] =	vst v28;
	vm8 =	vgt.f32 v7, v15;
	v14 =	vmpcnt.ones.xlane vm4;
	v9 =	vsel vm1, $0x1, v2;
	v17, _, _ =	vpop (xrf0)  }
0x1b0: {  	v16 =	vmpcnt.ones.xlane vm3;
	[tilespmem:s0+$0x30] =	vst v6;
	v10 =	vadd.s32 v13, v10;
	(xrf0) =	vadd.scan.msk.s32 $0xffff, v9;
	v4, _, _ =	vpop (xrf0)  }
0x1b1: {  	v6 =	vsel vm2, $0x1, v2;
	[tilespmem:s29+$0x30] =	vst v12;
	v12 =	vadd.s32 v13, v17;
	v4 =	vadd.s32 v4, v10  }
0x1b2: {  	vm2 =	vgt.f32 v11, v15;
	vm7 =	vgt.f32 v8, v15;
	[tilespmem:s16+$0xFFFFFFA0] =	vst v6;
	vm9 =	vlt.s32 v12, $0x9  }
0x1b3: {  	[tilespmem:s1+$0xFFFFFFB0] =	vst v3;
	v3 =	vsel vm6, $0x1, v2;
	v9 =	vadd.s32 v14, v10;
	vm5 =	vmand vm5, vm9  }
0x1b4: {  	[tilespmem:s31+$0xFFFFFFB0] =	vst v21;
	v12 =	vadd.s32 v16, v9;
	vm2 =	vmor vm2, vm5;
	vm6 =	vlt.s32 v4, $0x9;
	v4, _, _ =	vpop (xrf0)  }
0x1b5: {  	[tilespmem:s16+$0xFFFFFFB0] =	vst v3;
	v3 =	vnsel vm2, $0x0, v11;
	vm4 =	vmand vm4, vm6;
	v4 =	vadd.s32 v4, v9  }
0x1b6: {  	[tilespmem:s0+$0xFFFFFF80] =	vst v3;
	v3 =	vsel vm2, $0x1, v2;
	vm4 =	vmor vm7, vm4;
	v6, _, _ =	vpop (xrf0);
	vm2 =	vlt.s32 v4, $0x9  }
0x1b7: {  	[tilespmem:s29+$0xFFFFFF80] =	vst v3;
	v4 =	vnsel vm4, $0x0, v8;
	v3 =	vadd.s32 v6, v12;
	vm2 =	vmand vm3, vm2  }
0x1b8: {  	v6 =	vsel vm4, $0x1, v2;
	[tilespmem:s0+$0xFFFFFF90] =	vst v4;
	vm3 =	vlt.s32 v3, $0x9;
	vm2 =	vmor vm8, vm2  }
0x1b9: {  	vm4 =	vgt.f32 v5, v15;
	[tilespmem:s29+$0xFFFFFF90] =	vst v6;
	vm1 =	vmand vm1, vm3;
	v3 =	vnsel vm2, $0x0, v7  }
0x1ba: {  	vm1 =	vmor vm4, vm1;
	v4 =	vsel vm2, $0x1, v2;
	[tilespmem:s0+$0xFFFFFFA0] =	vst v3  }
0x1bb: {  	v3 =	vnsel vm1, $0x0, v5;
	[tilespmem:s29+$0xFFFFFFA0] =	vst v4  }
0x1bc: {  	[tilespmem:s0+$0xFFFFFFB0] =	vst v3;
	v3 =	vsel vm1, $0x1, v2  }
0x1bd: {  	[tilespmem:s29+$0xFFFFFFB0] =	vst v3  }
0x1be: {  	[hbm4b:s8+s2] =	stream.linear.scatter [tilespmem:s21], [sflag:$0x4], $0x4000, $0x38;
	[tilespmem:$0x18000] =	vst v63  }
0x1bf: {  	_ = 	snop  }
0x1c0: {  	[hbm4b:s9+s2] =	stream.linear.scatter [tilespmem:s22], [sflag:$0x6], $0x4000, $0x38;
	[tilespmem:$0x18000] =	vst v63  }
0x1c1: {  	s1 =	simm.s32 $0x4000  }
0x1c2: {  	[tilespmem:s1], [sflag:$0x2] =	stream.linear.gather [hbm4b:s10+s2], $0x4000, $0x38;
	[tilespmem:$0x18000] =	vst v63  }
0x1c3: {  	_ =	swait.ge [sflag:s17], $0x4000  }
0x1c4: {  	[sflag:s17] =	ssyncset.done $0x0  }
0x1c5: {  	[sflag:s17] =	ssyncadd.s32 $0xFFFFC000  }
0x1c6: {  	_ =	swait.ge [sflag:s23], $0x4000  }
0x1c7: {  	[sflag:s23] =	ssyncset.done $0x0  }
0x1c8: {  	[sflag:s23] =	ssyncadd.s32 $0xFFFFC000  }
0x1c9: {  	_ =	swait.ge [sflag:s24], $0x4000  }
0x1ca: {  	[sflag:s24] =	ssyncset.done $0x0  }
0x1cb: {  	s16 =	simm.s32 $0x80;
	[sflag:s24] =	ssyncadd.s32 $0xFFFFC000  }
0x1cc: {  	v23 =	vld [tilespmem:s16+$0x30]  }
0x1cd: {  	v25 =	vld [tilespmem:s16+$0x10]  }
0x1ce: {  	v24 =	vld [tilespmem:s16+$0x20];
	_ =	sdelay $0x1  }
0x1cf: {  	v11 =	vld [tilespmem:s16+$0x0]  }
0x1d0: {  	(xrf1) =	vsort.dscd.msk.f32 $0xffff, v23, v0  }
0x1d1: {  	(xrf1) =	vsort.dscd.msk.f32 $0xffff, v25, v0  }
0x1d2: {  	(xrf1) =	vsort.dscd.msk.f32 $0xffff, v24, v0;
	_ =	sdelay $0x1  }
0x1d3: {  	(xrf1) =	vsort.dscd.msk.f32 $0xffff, v11, v0;
	_ =	sdelay $0x1  }
0x1d4: {  	v12 =	vld [tilespmem:s16+$0xFFFFFFB0]  }
0x1d5: {  	v21 =	vld [tilespmem:s16+$0xFFFFFF90]  }
0x1d6: {  	v15 =	vld [tilespmem:s16+$0xFFFFFFA0]  }
0x1d7: {  	v22 =	vld [tilespmem:s16+$0xFFFFFF80];
	_ =	sdelay $0x1  }
0x1d8: {  	(xrf1) =	vsort.dscd.msk.f32 $0xffff, v12, v0  }
0x1d9: {  	(xrf1) =	vsort.dscd.msk.f32 $0xffff, v21, v0  }
0x1da: {  	(xrf1) =	vsort.dscd.msk.f32 $0xffff, v15, v0  }
0x1db: {  	(xrf1) =	vsort.dscd.msk.f32 $0xffff, v22, v0;
	v3, _, _ =	vpop (xrf1)  }
0x1dc: {  	v3 =	vperm.xlane v3, v1;
	v4, _, _ =	vpop (xrf1)  }
0x1dd: {  	v5, _, _ =	vpop (xrf1)  }
0x1de: {  	v4 =	vperm.xlane v4, v1;
	v3 =	vmax.f32 v5, v3  }
0x1df: {  	v5, _, _ =	vpop (xrf1);
	(xrf1) =	vsort.dscd.msk.f32 $0xffff, v3, v0  }
0x1e0: {  	v3 =	vmax.f32 v5, v4  }
0x1e1: {  	(xrf1) =	vsort.dscd.msk.f32 $0xffff, v3, v0;
	_ =	sdelay $0x4  }
0x1e2: {  	s1 =	simm.s32 $0x180;
	v3, _, _ =	vpop (xrf1)  }
0x1e3: {  	v16 =	vld [tilespmem:s1+$0x30];
	v3 =	vperm.xlane v3, v1;
	v4, _, _ =	vpop (xrf1)  }
0x1e4: {  	v19 =	vld [tilespmem:s1+$0x10];
	v4 =	vperm.xlane v4, v1;
	v5, _, _ =	vpop (xrf1)  }
0x1e5: {  	v17 =	vld [tilespmem:s1+$0x20];
	v3 =	vmax.f32 v5, v3;
	v5, _, _ =	vpop (xrf1)  }
0x1e6: {  	v4 =	vmax.f32 v5, v4;
	(xrf1) =	vsort.dscd.msk.f32 $0xffff, v3, v0  }
0x1e7: {  	(xrf1) =	vsort.dscd.msk.f32 $0xffff, v4, v0  }
0x1e8: {  	(xrf1) =	vsort.dscd.msk.f32 $0xffff, v16, v0  }
0x1e9: {  	(xrf1) =	vsort.dscd.msk.f32 $0xffff, v19, v0;
	v3, _, _ =	vpop (xrf1)  }
0x1ea: {  	v20 =	vld [tilespmem:s1+$0x0];
	(xrf1) =	vsort.dscd.msk.f32 $0xffff, v17, v0;
	v3 =	vperm.xlane v3, v1  }
0x1eb: {  	v4, _, _ =	vpop (xrf1)  }
0x1ec: {  	v3 =	vmax.f32 v4, v3  }
0x1ed: {  	(xrf1) =	vsort.dscd.msk.f32 $0xffff, v3, v0  }
0x1ee: {  	v4 =	vld [tilespmem:s1+$0xFFFFFFB0]  }
0x1ef: {  	v13 =	vld [tilespmem:s1+$0xFFFFFF90];
	(xrf1) =	vsort.dscd.msk.f32 $0xffff, v20, v0;
	_ =	sdelay $0x1  }
0x1f0: {  	v3 =	vld [tilespmem:s1+$0xFFFFFFA0]  }
0x1f1: {  	v14 =	vld [tilespmem:s1+$0xFFFFFF80]  }
0x1f2: {  	(xrf1) =	vsort.dscd.msk.f32 $0xffff, v4, v0  }
0x1f3: {  	v5, _, _ =	vpop (xrf1);
	(xrf1) =	vsort.dscd.msk.f32 $0xffff, v13, v0  }
0x1f4: {  	v6, _, _ =	vpop (xrf1);
	v5 =	vperm.xlane v5, v1  }
0x1f5: {  	v7, _, _ =	vpop (xrf1);
	(xrf1) =	vsort.dscd.msk.f32 $0xffff, v3, v0  }
0x1f6: {  	v8, _, _ =	vpop (xrf1);
	v5 =	vmax.f32 v6, v5;
	(xrf1) =	vsort.dscd.msk.f32 $0xffff, v14, v0  }
0x1f7: {  	v6, _, _ =	vpop (xrf1);
	(xrf1) =	vsort.dscd.msk.f32 $0xffff, v5, v0  }
0x1f8: {  	v5 =	vperm.xlane v7, v1;
	_ =	sdelay $0x1  }
0x1f9: {  	v5 =	vmax.f32 v6, v5;
	v7, _, _ =	vpop (xrf1)  }
0x1fa: {  	v8 =	vperm.xlane v8, v1;
	(xrf1) =	vsort.dscd.msk.f32 $0xffff, v5, v0;
	v9 =	vsel vm0, $0xBF800000, v7  }
0x1fb: {  	v6, _, _ =	vpop (xrf1);
	(xrf0) =	vmax.scan.msk.f32 $0xffff, v9  }
0x1fc: {  	v5 =	vmax.f32 v6, v8;
	_ =	sdelay $0x1  }
0x1fd: {  	(xrf1) =	vsort.dscd.msk.f32 $0xffff, v5, v0  }
0x1fe: {  	v5, _, _ =	vpop (xrf1)  }
0x1ff: {  	v8, _, _ =	vpop (xrf1)  }
0x200: {  	v5 =	vperm.xlane v5, v1;
	v6, _, _ =	vpop (xrf0)  }
0x201: {  	v8 =	vperm.xlane v8, v1;
	v26 =	vbroadcast v6, $0xF;
	v6, _, _ =	vpop (xrf1)  }
0x202: {  	v5 =	vmax.f32 v6, v5;
	v6, _, _ =	vpop (xrf1)  }
0x203: {  	vm4 =	veq.f32 v11, v26;
	(xrf1) =	vsort.dscd.msk.f32 $0xffff, v5, v0;
	v6 =	vmax.f32 v6, v8;
	v27, _, _ =	vpop (xrf1)  }
0x204: {  	vm3 =	veq.f32 v25, v26;
	v5 =	vsel vm4, $0x1, v2;
	(xrf1) =	vsort.dscd.msk.f32 $0xffff, v6, v0;
	v8 =	vsel vm0, $0xBF800000, v27  }
0x205: {  	s16 =	simm.s32 $0x280;
	(xrf0) =	vadd.scan.msk.s32 $0xffff, v5;
	v5 =	vsel vm3, $0x1, v2  }
0x206: {  	vm2 =	veq.f32 v24, v26;
	v6 =	vld [tilespmem:s16+$0x30];
	(xrf0) =	vadd.scan.msk.s32 $0xffff, v5  }
0x207: {  	v9 =	vld [tilespmem:s16+$0x10];
	vm1 =	veq.f32 v23, v26;
	v5 =	vsel vm2, $0x1, v2;
	(xrf0) =	vmax.scan.msk.f32 $0xffff, v8;
	v8, _, _ =	vpop (xrf1)  }
0x208: {  	v10 =	vld [tilespmem:s16+$0x20];
	(xrf0) =	vadd.scan.msk.s32 $0xffff, v5;
	v5 =	vsel vm1, $0x1, v2;
	v8 =	vperm.xlane v8, v1;
	_ =	sdelay $0x1  }
0x209: {  	vm5 =	vgt.f32 v7, v26;
	(xrf0) =	vadd.scan.msk.s32 $0xffff, v5  }
0x20a: {  	v18 =	vld [tilespmem:s16+$0x0];
	v7 =	vmpcnt.ones.xlane vm5;
	(xrf1) =	vsort.dscd.msk.f32 $0xffff, v6, v0;
	v5, _, _ =	vpop (xrf1)  }
0x20b: {  	vm6 =	vgt.f32 v11, v26;
	v28 =	vmpcnt.ones.xlane vm4;
	(xrf1) =	vsort.dscd.msk.f32 $0xffff, v9, v0;
	v5 =	vmax.f32 v5, v8;
	v8, _, _ =	vpop (xrf0)  }
0x20c: {  	vm7 =	vgt.f32 v25, v26;
	v29 =	vmpcnt.ones.xlane vm3;
	(xrf1) =	vsort.dscd.msk.f32 $0xffff, v10, v0;
	v8 =	vadd.s32 v7, v8;
	v50, _, _ =	vpop (xrf0)  }
0x20d: {  	(xrf1) =	vsort.dscd.msk.f32 $0xffff, v5, v0;
	v5 =	vld [tilespmem:s16+$0xFFFFFFB0];
	v7 =	vadd.s32 v7, v28;
	v28 =	vmpcnt.ones.xlane vm2;
	vm8 =	vlt.s32 v8, $0x9;
	v51, _, _ =	vpop (xrf0)  }
0x20e: {  	v8 =	vld [tilespmem:s16+$0xFFFFFF90];
	v30 =	vadd.s32 v50, v7;
	v29 =	vadd.s32 v29, v7;
	vm4 =	vmand vm4, vm8;
	v52, _, _ =	vpop (xrf0)  }
0x20f: {  	(xrf1) =	vsort.dscd.msk.f32 $0xffff, v18, v0;
	v28 =	vadd.s32 v28, v29;
	vm4 =	vmor vm6, vm4;
	v29 =	vadd.s32 v52, v29  }
0x210: {  	s30 =	simm.s32 $0x8080;
	vm5 =	vgt.f32 v24, v26;
	v7 =	vld [tilespmem:s16+$0xFFFFFFA0];
	vm6 =	vlt.s32 v30, $0x9;
	v32 =	vnsel vm4, $0x0, v11  }
0x211: {  	s29 =	simm.s32 $0x10080;
	vm3 =	vmand vm3, vm6;
	v11 =	vld [tilespmem:s16+$0xFFFFFF80];
	v53 =	vsel vm4, $0x1, v2;
	vm4 =	vlt.s32 v29, $0x9;
	[tilespmem:s30+$0x0] =	vst v32  }
0x212: {  	vm3 =	vmor vm7, vm3;
	vm2 =	vmand vm2, vm4;
	(xrf1) =	vsort.dscd.msk.f32 $0xffff, v5, v0;
	v29, _, _ =	vpop (xrf0);
	[tilespmem:s29+$0x0] =	vst v53  }
0x213: {  	v54, _, _ =	vpop (xrf1);
	v25 =	vnsel vm3, $0x0, v25;
	(xrf1) =	vsort.dscd.msk.f32 $0xffff, v8, v0;
	v28 =	vadd.s32 v29, v28;
	v29 =	vsel vm3, $0x1, v2  }
0x214: {  	[tilespmem:s30+$0x10] =	vst v25;
	v25 =	vperm.xlane v54, v1;
	vm3 =	vlt.s32 v28, $0x9;
	v28 =	vbroadcast v51, $0xF  }
0x215: {  	v55, _, _ =	vpop (xrf1);
	vm4 =	vgt.f32 v23, v26;
	vm2 =	vmor vm5, vm2;
	(xrf1) =	vsort.dscd.msk.f32 $0xffff, v7, v0  }
0x216: {  	v24 =	vnsel vm2, $0x0, v24;
	v25 =	vmax.f32 v55, v25;
	(xrf1) =	vsort.dscd.msk.f32 $0xffff, v11, v0;
	vm6 =	veq.f32 v22, v28  }
0x217: {  	vm1 =	vmand vm1, vm3;
	vm5 =	veq.f32 v21, v28;
	(xrf1) =	vsort.dscd.msk.f32 $0xffff, v25, v0;
	v25 =	vsel vm6, $0x1, v2  }
0x218: {  	v26 =	vsel vm2, $0x1, v2;
	vm1 =	vmor vm4, vm1;
	v56, _, _ =	vpop (xrf1);
	v33 =	vsel vm5, $0x1, v2;
	(xrf0) =	vadd.scan.msk.s32 $0xffff, v25  }
0x219: {  	vm3 =	veq.f32 v15, v28;
	vm2 =	veq.f32 v12, v28;
	vm7 =	vgt.f32 v22, v28;
	v58, _, _ =	vpop (xrf1);
	(xrf0) =	vadd.scan.msk.s32 $0xffff, v33  }
0x21a: {  	[tilespmem:s29+$0x10] =	vst v29;
	vm8 =	vgt.f32 v21, v28;
	vm4 =	vgt.f32 v15, v28;
	v23 =	vnsel vm1, $0x0, v23;
	v34, _, _ =	vpop (xrf1)  }
0x21b: {  	[tilespmem:s30+$0x20] =	vst v24;
	v57 =	vsel vm1, $0x1, v2;
	v30 =	vperm.xlane v56, v1;
	vm1 =	vgt.f32 v27, v28;
	v25, _, _ =	vpop (xrf1)  }
0x21c: {  	[tilespmem:s29+$0x20] =	vst v26;
	v27 =	vmpcnt.ones.xlane vm6;
	v59 =	vmpcnt.ones.xlane vm1;
	v60 =	vsel vm0, $0xBF800000, v25  }
0x21d: {  	v62 =	vmpcnt.ones.xlane vm5;
	v26 =	vmpcnt.ones.xlane vm3;
	v30 =	vmax.f32 v34, v30;
	v61, _, _ =	vpop (xrf1);
	(xrf0) =	vmax.scan.msk.f32 $0xffff, v60  }
0x21e: {  	v24 =	vperm.xlane v58, v1;
	[tilespmem:s30+$0x30] =	vst v23;
	v27 =	vadd.s32 v59, v27;
	(xrf1) =	vsort.dscd.msk.f32 $0xffff, v30, v0;
	v23, _, _ =	vpop (xrf0)  }
0x21f: {  	vm1 =	vgt.f32 v12, v28;
	v33 =	vadd.s32 v62, v27;
	v23 =	vadd.s32 v59, v23;
	v28, _, _ =	vpop (xrf0)  }
0x220: {  	v24 =	vmax.f32 v61, v24;
	vm9 =	vlt.s32 v23, $0x9;
	v23 =	vadd.s32 v28, v27  }
0x221: {  	v63 =	vadd.s32 v26, v33;
	(xrf1) =	vsort.dscd.msk.f32 $0xffff, v24, v0;
	v26, _, _ =	vpop (xrf1)  }
0x222: {  	v29 =	vsel vm3, $0x1, v2;
	v26 =	vperm.xlane v26, v1;
	v27, _, _ =	vpop (xrf1)  }
0x223: {  	v35 =	vsel vm2, $0x1, v2;
	(xrf0) =	vadd.scan.msk.s32 $0xffff, v29;
	vm6 =	vmand vm6, vm9;
	vm9 =	vlt.s32 v23, $0x9;
	v23, _, _ =	vpop (xrf0)  }
0x224: {  	(xrf0) =	vadd.scan.msk.s32 $0xffff, v35;
	v24, _, _ =	vpop (xrf1);
	vm6 =	vmor vm7, vm6;
	vm5 =	vmand vm5, vm9;
	v23 =	vbroadcast v23, $0xF  }
0x225: {  	v24 =	vmax.f32 v24, v26;
	v22 =	vnsel vm6, $0x0, v22;
	vm5 =	vmor vm8, vm5  }
0x226: {  	v26, _, _ =	vpop (xrf1);
	[tilespmem:s30+$0xFFFFFF80] =	vst v22;
	v22 =	vsel vm6, $0x1, v2;
	v28 =	vnsel vm5, $0x0, v21;
	vm6 =	veq.f32 v20, v23  }
0x227: {  	[tilespmem:s29+$0x30] =	vst v57;
	v27 =	vperm.xlane v27, v1;
	v21, _, _ =	vpop (xrf1);
	(xrf1) =	vsort.dscd.msk.f32 $0xffff, v24, v0;
	v24 =	vsel vm6, $0x1, v2  }
0x228: {  	[tilespmem:s29+$0xFFFFFF80] =	vst v22  }
0x229: {  	v27 =	vmax.f32 v26, v27;
	v22 =	vsel vm5, $0x1, v2;
	v26 =	vsel vm0, $0xBF800000, v21;
	[tilespmem:s30+$0xFFFFFF90] =	vst v28;
	v28, _, _ =	vpop (xrf0)  }
0x22a: {  	s31 =	simm.s32 $0x10080;
	vm5 =	veq.f32 v19, v23;
	[tilespmem:s29+$0xFFFFFF90] =	vst v22;
	(xrf0) =	vadd.scan.msk.s32 $0xffff, v24;
	v22 =	vadd.s32 v28, v33;
	v24, _, _ =	vpop (xrf0)  }
0x22b: {  	s0 =	simm.s32 $0x8080;
	s1 =	simm.s32 $0x4;
	s16 =	simm.s32 $0x380;
	(xrf1) =	vsort.dscd.msk.f32 $0xffff, v27, v0;
	v27 =	vsel vm5, $0x1, v2;
	vm9 =	vlt.s32 v22, $0x9;
	v24 =	vadd.s32 v24, v63  }
.LBB2_6:
0x22c: {  	v29, _, _ =	vpop (xrf1);
	vm7 =	veq.f32 v17, v23;
	(xrf0) =	vadd.scan.msk.s32 $0xffff, v27;
	vm9 =	vmand vm3, vm9;
	vm3 =	vlt.s32 v24, $0x9  }
0x22d: {  	v28 =	vld [tilespmem:s16+$0x30];
	v22 =	vmovc v5;
	v24 =	vmovc v13;
	v13 =	vmov v8;
	v27 =	vmov v15;
	v15 =	vmov v3  }
0x22e: {  	v3 =	vmovc v7;
	v30 =	vld [tilespmem:s16+$0x10];
	v8 =	vperm.xlane v29, v1;
	v5 =	vsel vm7, $0x1, v2;
	(xrf0) =	vmax.scan.msk.f32 $0xffff, v26;
	vm3 =	vmand vm2, vm3  }
0x22f: {  	vm10 =	vgt.f32 v25, v23;
	vm8 =	veq.f32 v16, v23;
	vm2 =	vmor vm4, vm9;
	v29 =	vld [tilespmem:s16+$0x20];
	v7, _, _ =	vpop (xrf1);
	(xrf0) =	vadd.scan.msk.s32 $0xffff, v5  }
0x230: {  	v31 =	vmpcnt.ones.xlane vm10;
	v26 =	vmovc v14;
	v14 =	vmovc v11;
	v5 =	vld [tilespmem:s16+$0xFFFFFFB0];
	v25 =	vmax.f32 v7, v8;
	v7 =	vsel vm8, $0x1, v2  }
0x231: {  	vm10 =	vgt.f32 v20, v23;
	v11 =	vmpcnt.ones.xlane vm6;
	vm9 =	vgt.f32 v19, v23;
	v32 =	vld [tilespmem:s16+$0x0];
	v33, _, _ =	vpop (xrf0);
	(xrf0) =	vadd.scan.msk.s32 $0xffff, v7  }
0x232: {  	v36 =	vmpcnt.ones.xlane vm5;
	vm4 =	vgt.f32 v17, v23;
	v8 =	vld [tilespmem:s16+$0xFFFFFF90];
	(xrf1) =	vsort.dscd.msk.f32 $0xffff, v28, v0;
	v33 =	vadd.s32 v31, v33  }
0x233: {  	v37 =	vmpcnt.ones.xlane vm7;
	v31 =	vadd.s32 v31, v11;
	v7 =	vld [tilespmem:s16+$0xFFFFFFA0];
	(xrf1) =	vsort.dscd.msk.f32 $0xffff, v30, v0;
	vm11 =	vlt.s32 v33, $0x9;
	v35, _, _ =	vpop (xrf0)  }
0x234: {  	v11 =	vld [tilespmem:s16+$0xFFFFFF80];
	(xrf1) =	vsort.dscd.msk.f32 $0xffff, v29, v0;
	vm6 =	vmand vm6, vm11;
	v35 =	vadd.s32 v35, v31;
	v31 =	vadd.s32 v36, v31;
	v34, _, _ =	vpop (xrf0)  }
0x235: {  	(xrf1) =	vsort.dscd.msk.f32 $0xffff, v25, v0;
	vm6 =	vmor vm10, vm6;
	vm10 =	vlt.s32 v35, $0x9;
	v25 =	vadd.s32 v37, v31;
	v33, _, _ =	vpop (xrf0)  }
0x236: {  	s30 =	sadd.s32 $0x100, s30;
	(xrf1) =	vsort.dscd.msk.f32 $0xffff, v32, v0;
	v35 =	vnsel vm6, $0x0, v20;
	vm5 =	vmand vm5, vm10;
	v36 =	vadd.s32 v33, v31;
	v20 =	vmovc v18  }
0x237: {  	s29 =	sadd.s32 $0x100, s29;
	v18 =	vsel vm6, $0x1, v2;
	[tilespmem:s30+$0x0] =	vst v35;
	vm5 =	vmor vm9, vm5;
	vm6 =	vlt.s32 v36, $0x9;
	v31, _, _ =	vpop (xrf0)  }
0x238: {  	s1 =	sadd.s32 $0x2, s1;
	v33, _, _ =	vpop (xrf1);
	[tilespmem:s29+$0x0] =	vst v18;
	v18 =	vnsel vm5, $0x0, v19;
	vm6 =	vmand vm7, vm6;
	v31 =	vadd.s32 v31, v25  }
0x239: {  	p0 =	slt.u32 s1, $0x7E;
	v19 =	vmovc v9;
	v9 =	vmovc v30;
	[tilespmem:s30+$0x10] =	vst v18;
	v18 =	vsel vm5, $0x1, v2;
	vm4 =	vmor vm4, vm6;
	vm5 =	vlt.s32 v31, $0x9  }
0x23a: {  	vm6 =	vgt.f32 v16, v23;
	v25, _, _ =	vpop (xrf1);
	[tilespmem:s29+$0x10] =	vst v18;
	v30 =	vnsel vm4, $0x0, v17;
	vm5 =	vmand vm8, vm5  }
0x23b: {  	v18 =	vsel vm4, $0x1, v2;
	v17 =	vmovc v10;
	(xrf1) =	vsort.dscd.msk.f32 $0xffff, v5, v0;
	[tilespmem:s30+$0x20] =	vst v30;
	vm4 =	vmor vm6, vm5  }
0x23c: {  	v23 =	vperm.xlane v33, v1;
	(xrf1) =	vsort.dscd.msk.f32 $0xffff, v8, v0;
	[tilespmem:s29+$0x20] =	vst v18;
	v31 =	vnsel vm4, $0x0, v16;
	v16 =	vmovc v6  }
0x23d: {  	vm7 =	vmor vm1, vm3;
	v10 =	vmovc v29;
	v30 =	vbroadcast v34, $0xF;
	v6 =	vmovc v28;
	[tilespmem:s30+$0x30] =	vst v31;
	v31 =	vsel vm4, $0x1, v2  }
0x23e: {  	v27 =	vnsel vm2, $0x0, v27;
	v23 =	vmax.f32 v25, v23;
	v18 =	vmovc v32;
	(xrf1) =	vsort.dscd.msk.f32 $0xffff, v7, v0;
	[tilespmem:s29+$0x30] =	vst v31  }
0x23f: {  	v28 =	vsel vm2, $0x1, v2;
	vm6 =	veq.f32 v26, v30;
	vm5 =	veq.f32 v24, v30;
	(xrf1) =	vsort.dscd.msk.f32 $0xffff, v11, v0  }
0x240: {  	vm3 =	veq.f32 v15, v30;
	vm2 =	veq.f32 v4, v30;
	v33 =	vsel vm6, $0x1, v2;
	v25, _, _ =	vpop (xrf1);
	(xrf1) =	vsort.dscd.msk.f32 $0xffff, v23, v0  }
0x241: {  	v31 =	vsel vm5, $0x1, v2;
	v32 =	vsel vm3, $0x1, v2;
	v34 =	vperm.xlane v25, v1;
	v29, _, _ =	vpop (xrf1);
	(xrf0) =	vadd.scan.msk.s32 $0xffff, v33  }
0x242: {  	vm1 =	vgt.f32 v21, v30;
	v21 =	vmpcnt.ones.xlane vm6;
	v33 =	vsel vm2, $0x1, v2;
	v23, _, _ =	vpop (xrf1);
	(xrf0) =	vadd.scan.msk.s32 $0xffff, v31  }
0x243: {  	v29 =	vperm.xlane v29, v1;
	v31 =	vmpcnt.ones.xlane vm1;
	v23 =	vmax.f32 v23, v34;
	v25, _, _ =	vpop (xrf1);
	[tilespmem:s0+$0xFFFFFFA0] =	vst v27  }
0x244: {  	v35 =	vmpcnt.ones.xlane vm3;
	v34 =	vmpcnt.ones.xlane vm5;
	v27, _, _ =	vpop (xrf1);
	(xrf1) =	vsort.dscd.msk.f32 $0xffff, v23, v0;
	v23 =	vsel vm0, $0xBF800000, v25  }
0x245: {  	vm9 =	vgt.f32 v26, v30;
	v21 =	vadd.s32 v31, v21;
	v27 =	vmax.f32 v27, v29;
	(xrf0) =	vmax.scan.msk.f32 $0xffff, v23  }
0x246: {  	vm8 =	vgt.f32 v24, v30;
	(xrf1) =	vsort.dscd.msk.f32 $0xffff, v27, v0;
	v27 =	vadd.s32 v34, v21;
	v34 =	vnsel vm7, $0x0, v12  }
0x247: {  	vm4 =	vgt.f32 v15, v30;
	vm1 =	vgt.f32 v4, v30;
	v29 =	vadd.s32 v35, v27;
	v23, _, _ =	vpop (xrf0);
	[tilespmem:s31+$0xFFFFFFA0] =	vst v28  }
0x248: {  	v30 =	vsel vm7, $0x1, v2;
	v12 =	vmov v4;
	v31 =	vadd.s32 v31, v23;
	v28, _, _ =	vpop (xrf0);
	[tilespmem:s0+$0xFFFFFFB0] =	vst v34;
	s0 =	smov.u32 s30  }
0x249: {  	v4, _, _ =	vpop (xrf1);
	vm7 =	vlt.s32 v31, $0x9;
	v21 =	vadd.s32 v28, v21;
	(xrf0) =	vadd.scan.msk.s32 $0xffff, v32;
	[tilespmem:s31+$0xFFFFFFB0] =	vst v30;
	s31 =	smov.u32 s29  }
0x24a: {  	v4 =	vperm.xlane v4, v1;
	v23, _, _ =	vpop (xrf1);
	vm6 =	vmand vm6, vm7;
	vm7 =	vlt.s32 v21, $0x9;
	(xrf0) =	vadd.scan.msk.s32 $0xffff, v33  }
0x24b: {  	v30 =	vperm.xlane v23, v1;
	v23, _, _ =	vpop (xrf0);
	vm6 =	vmor vm9, vm6;
	vm5 =	vmand vm5, vm7  }
0x24c: {  	v28, _, _ =	vpop (xrf1);
	v23 =	vbroadcast v23, $0xF;
	v26 =	vnsel vm6, $0x0, v26;
	vm5 =	vmor vm8, vm5  }
.Ltmp2:
0x24d: {  	v4 =	vmax.f32 v28, v4;
	v28, _, _ =	vpop (xrf1);
	[tilespmem:s30+$0xFFFFFF80] =	vst v26;
	v26 =	vsel vm6, $0x1, v2;
	v31 =	vnsel vm5, $0x0, v24;
	(pc) =	sbr.rel @p0 .LBB2_6-.Ltmp2, $4  }
0x24e: {  	v28 =	vmax.f32 v28, v30;
	vm6 =	veq.f32 v20, v23;
	v21, _, _ =	vpop (xrf1);
	[tilespmem:s29+$0xFFFFFF80] =	vst v26;
	v30 =	vsel vm5, $0x1, v2  }
0x24f: {  	(xrf1) =	vsort.dscd.msk.f32 $0xffff, v4, v0;
	v26 =	vsel vm0, $0xBF800000, v21;
	v32 =	vsel vm6, $0x1, v2;
	[tilespmem:s30+$0xFFFFFF90] =	vst v31;
	v24, _, _ =	vpop (xrf0)  }
0x250: {  	vm5 =	veq.f32 v19, v23;
	(xrf0) =	vadd.scan.msk.s32 $0xffff, v32;
	[tilespmem:s29+$0xFFFFFF90] =	vst v30;
	v30 =	vadd.s32 v24, v27;
	v24, _, _ =	vpop (xrf0)  }
0x251: {  	s16 =	sadd.s32 $0x100, s16;
	v27 =	vsel vm5, $0x1, v2;
	v4 =	vmovc v22;
	(xrf1) =	vsort.dscd.msk.f32 $0xffff, v28, v0;
	vm9 =	vlt.s32 v30, $0x9;
	v24 =	vadd.s32 v24, v29  }
0x252: {  	v22, _, _ =	vpop (xrf1)  }
0x253: {  	vm8 =	veq.f32 v17, v23;
	(xrf0) =	vadd.scan.msk.s32 $0xffff, v27;
	v22 =	vperm.xlane v22, v1  }
0x254: {  	vm3 =	vmand vm3, vm9;
	vm7 =	vlt.s32 v24, $0x9;
	vm9 =	vgt.f32 v25, v23;
	(xrf0) =	vmax.scan.msk.f32 $0xffff, v26;
	v26, _, _ =	vpop (xrf1)  }
0x255: {  	v25 =	vmpcnt.ones.xlane vm6;
	v27 =	vsel vm8, $0x1, v2;
	v22 =	vmax.f32 v26, v22  }
0x256: {  	vm2 =	vmand vm2, vm7;
	vm7 =	veq.f32 v16, v23;
	(xrf1) =	vsort.dscd.msk.f32 $0xffff, v22, v0;
	v22 =	vmpcnt.ones.xlane vm9  }
0x257: {  	(xrf0) =	vadd.scan.msk.s32 $0xffff, v27;
	v24 =	vsel vm7, $0x1, v2;
	v26, _, _ =	vpop (xrf0)  }
0x258: {  	(xrf0) =	vadd.scan.msk.s32 $0xffff, v24;
	v24 =	vadd.s32 v22, v26;
	v26 =	vmpcnt.ones.xlane vm5  }
0x259: {  	v22 =	vadd.s32 v22, v25;
	v25, _, _ =	vpop (xrf0)  }
0x25a: {  	v25 =	vadd.s32 v25, v22  }
0x25b: {  	vm3 =	vmor vm4, vm3;
	vm4 =	vgt.f32 v20, v23;
	vm11 =	vlt.s32 v24, $0x9  }
0x25c: {  	v24 =	vmpcnt.ones.xlane vm8;
	vm6 =	vmand vm6, vm11;
	v22 =	vadd.s32 v26, v22;
	v26, _, _ =	vpop (xrf0)  }
0x25d: {  	vm4 =	vmor vm4, vm6;
	vm6 =	vlt.s32 v25, $0x9;
	v25, _, _ =	vpop (xrf0)  }
0x25e: {  	v24 =	vadd.s32 v24, v22;
	v22 =	vadd.s32 v25, v22;
	_ =	sdelay $0x1  }
0x25f: {  	vm9 =	vgt.f32 v19, v23;
	v20 =	vnsel vm4, $0x0, v20;
	vm5 =	vmand vm5, vm6  }
0x260: {  	v25 =	vsel vm4, $0x1, v2;
	vm4 =	vmor vm9, vm5;
	vm5 =	vlt.s32 v22, $0x9;
	v22, _, _ =	vpop (xrf1)  }
0x261: {  	vm10 =	vgt.f32 v17, v23;
	v26 =	vbroadcast v26, $0xF;
	v22 =	vperm.xlane v22, v1  }
0x262: {  	v15 =	vnsel vm3, $0x0, v15;
	v29 =	vsel vm3, $0x1, v2;
	vm5 =	vmand vm8, vm5;
	v28, _, _ =	vpop (xrf1)  }
0x263: {  	v27, _, _ =	vpop (xrf0);
	vm6 =	vmor vm10, vm5;
	vm5 =	veq.f32 v14, v26;
	v22 =	vmax.f32 v28, v22  }
0x264: {  	v19 =	vnsel vm4, $0x0, v19;
	v24 =	vadd.s32 v27, v24;
	(xrf1) =	vsort.dscd.msk.f32 $0xffff, v22, v0;
	v22 =	vsel vm5, $0x1, v2  }
0x265: {  	s1 =	sadd.s32 $0x100, s30;
	v27 =	vsel vm4, $0x1, v2;
	vm3 =	veq.f32 v3, v26;
	vm4 =	vlt.s32 v24, $0x9  }
0x266: {  	[tilespmem:s1+$0x0] =	vst v20;
	vm9 =	vgt.f32 v13, v26;
	vm7 =	vmand vm7, vm4;
	vm4 =	veq.f32 v13, v26  }
0x267: {  	vm8 =	vgt.f32 v16, v23;
	v17 =	vnsel vm6, $0x0, v17;
	v24 =	vsel vm4, $0x1, v2;
	(xrf0) =	vadd.scan.msk.s32 $0xffff, v22;
	v22, _, _ =	vpop (xrf1)  }
0x268: {  	v23 =	vsel vm6, $0x1, v2;
	vm6 =	vmor vm8, vm7;
	(xrf0) =	vadd.scan.msk.s32 $0xffff, v24;
	v24 =	vsel vm0, $0xBF800000, v22  }
0x269: {  	s16 =	sadd.s32 $0x100, s29;
	v20 =	vsel vm3, $0x1, v2;
	v30 =	vmpcnt.ones.xlane vm3;
	v16 =	vnsel vm6, $0x0, v16;
	(xrf0) =	vmax.scan.msk.f32 $0xffff, v24  }
0x26a: {  	[tilespmem:s16+$0x0] =	vst v25;
	v28 =	vsel vm6, $0x1, v2;
	vm6 =	vmor vm1, vm2;
	vm1 =	vgt.f32 v21, v26  }
0x26b: {  	[tilespmem:s1+$0x10] =	vst v19;
	vm2 =	veq.f32 v4, v26;
	v21 =	vmpcnt.ones.xlane vm5;
	v24 =	vmpcnt.ones.xlane vm1  }
0x26c: {  	[tilespmem:s16+$0x10] =	vst v27;
	v25 =	vmpcnt.ones.xlane vm4;
	vm8 =	vgt.f32 v14, v26;
	v19 =	vsel vm2, $0x1, v2  }
0x26d: {  	vm7 =	vgt.f32 v3, v26;
	v12 =	vnsel vm6, $0x0, v12;
	(xrf0) =	vadd.scan.msk.s32 $0xffff, v20;
	v21 =	vadd.s32 v24, v21;
	v27, _, _ =	vpop (xrf0)  }
0x26e: {  	[tilespmem:s1+$0x20] =	vst v17;
	vm1 =	vgt.f32 v4, v26;
	v25 =	vadd.s32 v25, v21;
	v31, _, _ =	vpop (xrf0);
	v24 =	vadd.s32 v24, v27  }
0x26f: {  	(xrf0) =	vadd.scan.msk.s32 $0xffff, v19;
	vm10 =	vlt.s32 v24, $0x9;
	v17 =	vadd.s32 v31, v21;
	v21 =	vsel vm6, $0x1, v2;
	v19, _, _ =	vpop (xrf0)  }
0x270: {  	vm5 =	vmand vm5, vm10;
	vm6 =	vlt.s32 v17, $0x9;
	v19 =	vbroadcast v19, $0xF  }
0x271: {  	[tilespmem:s0+$0xFFFFFFA0] =	vst v15;
	v20 =	vadd.s32 v30, v25;
	vm5 =	vmor vm8, vm5;
	vm4 =	vmand vm4, vm6  }
0x272: {  	[tilespmem:s16+$0x20] =	vst v23;
	v14 =	vnsel vm5, $0x0, v14;
	vm4 =	vmor vm9, vm4;
	vm8 =	veq.f32 v18, v19  }
0x273: {  	[tilespmem:s1+$0x30] =	vst v16;
	v23 =	vsel vm5, $0x1, v2;
	v24, _, _ =	vpop (xrf0);
	v13 =	vnsel vm4, $0x0, v13;
	v17 =	vsel vm8, $0x1, v2  }
0x274: {  	v15 =	vsel vm4, $0x1, v2;
	v16, _, _ =	vpop (xrf1);
	vm6 =	veq.f32 v9, v19;
	vm5 =	veq.f32 v10, v19;
	(xrf0) =	vadd.scan.msk.s32 $0xffff, v17  }
0x275: {  	vm10 =	vgt.f32 v22, v19;
	v17 =	vadd.s32 v24, v25;
	v24, _, _ =	vpop (xrf0);
	v25 =	vsel vm6, $0x1, v2  }
0x276: {  	v26 =	vsel vm0, $0xBF800000, v16;
	vm4 =	vlt.s32 v17, $0x9;
	v17 =	vadd.s32 v24, v20;
	(xrf0) =	vadd.scan.msk.s32 $0xffff, v25  }
0x277: {  	vm9 =	vmand vm3, vm4;
	vm3 =	vlt.s32 v17, $0x9;
	v17 =	vsel vm5, $0x1, v2;
	(xrf0) =	vmax.scan.msk.f32 $0xffff, v26  }
0x278: {  	[tilespmem:s31+$0xFFFFFFA0] =	vst v29;
	(xrf0) =	vadd.scan.msk.s32 $0xffff, v17;
	v17 =	vmpcnt.ones.xlane vm10  }
0x279: {  	[tilespmem:s0+$0xFFFFFFB0] =	vst v12;
	v20 =	vmpcnt.ones.xlane vm8;
	vm4 =	veq.f32 v6, v19  }
0x27a: {  	[tilespmem:s1+$0xFFFFFF80] =	vst v14;
	v14 =	vmpcnt.ones.xlane vm5;
	v12 =	vsel vm4, $0x1, v2;
	v22, _, _ =	vpop (xrf0)  }
0x27b: {  	(xrf0) =	vadd.scan.msk.s32 $0xffff, v12;
	v12 =	vadd.s32 v17, v22;
	v22 =	vmpcnt.ones.xlane vm6  }
0x27c: {  	vm3 =	vmand vm2, vm3;
	vm11 =	vlt.s32 v12, $0x9;
	v12 =	vadd.s32 v17, v20;
	v17, _, _ =	vpop (xrf0)  }
0x27d: {  	[tilespmem:s16+$0xFFFFFF80] =	vst v23;
	vm2 =	vmor vm7, vm9;
	v17 =	vadd.s32 v17, v12;
	v12 =	vadd.s32 v22, v12;
	v20, _, _ =	vpop (xrf0)  }
0x27e: {  	[tilespmem:s1+$0xFFFFFF90] =	vst v13;
	vm9 =	vgt.f32 v18, v19;
	vm8 =	vmand vm8, vm11;
	v13 =	vadd.s32 v14, v12;
	v14, _, _ =	vpop (xrf0)  }
0x27f: {  	vm8 =	vmor vm9, vm8;
	vm9 =	vlt.s32 v17, $0x9;
	v12 =	vadd.s32 v14, v12  }
0x280: {  	vm10 =	vgt.f32 v9, v19;
	vm7 =	vgt.f32 v10, v19;
	vm6 =	vmand vm6, vm9  }
0x281: {  	[tilespmem:s16+$0xFFFFFF90] =	vst v15;
	v15 =	vbroadcast v20, $0xF;
	v17 =	vnsel vm8, $0x0, v18;
	vm6 =	vmor vm10, vm6  }
0x282: {  	s0 =	sadd.s32 $0x100, s1;
	v14 =	vsel vm8, $0x1, v2;
	vm8 =	vlt.s32 v12, $0x9;
	v9 =	vnsel vm6, $0x0, v9;
	v12, _, _ =	vpop (xrf0)  }
0x283: {  	s29 =	sadd.s32 $0x100, s16;
	[tilespmem:s0+$0x0] =	vst v17;
	vm5 =	vmand vm5, vm8;
	v12 =	vadd.s32 v12, v13;
	v13 =	vsel vm6, $0x1, v2  }
0x284: {  	[tilespmem:s29+$0x0] =	vst v14;
	vm6 =	vmor vm7, vm5;
	vm5 =	veq.f32 v11, v15;
	vm7 =	vlt.s32 v12, $0x9  }
0x285: {  	vm8 =	vgt.f32 v6, v19;
	[tilespmem:s0+$0x10] =	vst v9;
	v9 =	vsel vm5, $0x1, v2;
	vm4 =	vmand vm4, vm7  }
0x286: {  	[tilespmem:s29+$0x10] =	vst v13;
	v10 =	vnsel vm6, $0x0, v10;
	vm7 =	vmor vm8, vm4;
	vm4 =	veq.f32 v8, v15  }
0x287: {  	(xrf0) =	vadd.scan.msk.s32 $0xffff, v9;
	[tilespmem:s0+$0x20] =	vst v10;
	v10 =	vsel vm4, $0x1, v2  }
0x288: {  	(xrf0) =	vadd.scan.msk.s32 $0xffff, v10  }
0x289: {  	v9 =	vsel vm6, $0x1, v2;
	vm6 =	vmor vm1, vm3;
	vm3 =	veq.f32 v7, v15  }
0x28a: {  	v3 =	vnsel vm2, $0x0, v3;
	vm1 =	veq.f32 v5, v15;
	[tilespmem:s29+$0x20] =	vst v9;
	v9 =	vsel vm3, $0x1, v2  }
0x28b: {  	[tilespmem:s1+$0xFFFFFFA0] =	vst v3;
	v6 =	vnsel vm7, $0x0, v6;
	v12 =	vsel vm7, $0x1, v2;
	vm7 =	vgt.f32 v16, v15  }
0x28c: {  	v3 =	vnsel vm6, $0x0, v4;
	v10 =	vmpcnt.ones.xlane vm5;
	v13 =	vmpcnt.ones.xlane vm7;
	(xrf0) =	vadd.scan.msk.s32 $0xffff, v9  }
0x28d: {  	[tilespmem:s16+$0x30] =	vst v28;
	vm8 =	vgt.f32 v7, v15;
	v14 =	vmpcnt.ones.xlane vm4;
	v9 =	vsel vm1, $0x1, v2;
	v17, _, _ =	vpop (xrf0)  }
0x28e: {  	v16 =	vmpcnt.ones.xlane vm3;
	[tilespmem:s0+$0x30] =	vst v6;
	v10 =	vadd.s32 v13, v10;
	(xrf0) =	vadd.scan.msk.s32 $0xffff, v9;
	v4, _, _ =	vpop (xrf0)  }
0x28f: {  	v6 =	vsel vm2, $0x1, v2;
	[tilespmem:s29+$0x30] =	vst v12;
	v12 =	vadd.s32 v13, v17;
	v4 =	vadd.s32 v4, v10  }
0x290: {  	vm2 =	vgt.f32 v11, v15;
	vm7 =	vgt.f32 v8, v15;
	[tilespmem:s16+$0xFFFFFFA0] =	vst v6;
	vm9 =	vlt.s32 v12, $0x9  }
0x291: {  	[tilespmem:s1+$0xFFFFFFB0] =	vst v3;
	v3 =	vsel vm6, $0x1, v2;
	v9 =	vadd.s32 v14, v10;
	vm5 =	vmand vm5, vm9  }
0x292: {  	[tilespmem:s31+$0xFFFFFFB0] =	vst v21;
	v12 =	vadd.s32 v16, v9;
	vm2 =	vmor vm2, vm5;
	vm6 =	vlt.s32 v4, $0x9;
	v4, _, _ =	vpop (xrf0)  }
0x293: {  	[tilespmem:s16+$0xFFFFFFB0] =	vst v3;
	v3 =	vnsel vm2, $0x0, v11;
	vm4 =	vmand vm4, vm6;
	v4 =	vadd.s32 v4, v9  }
0x294: {  	[tilespmem:s0+$0xFFFFFF80] =	vst v3;
	v3 =	vsel vm2, $0x1, v2;
	vm4 =	vmor vm7, vm4;
	v6, _, _ =	vpop (xrf0);
	vm2 =	vlt.s32 v4, $0x9  }
0x295: {  	[tilespmem:s29+$0xFFFFFF80] =	vst v3;
	v4 =	vnsel vm4, $0x0, v8;
	v3 =	vadd.s32 v6, v12;
	vm2 =	vmand vm3, vm2  }
0x296: {  	v6 =	vsel vm4, $0x1, v2;
	[tilespmem:s0+$0xFFFFFF90] =	vst v4;
	vm3 =	vlt.s32 v3, $0x9;
	vm2 =	vmor vm8, vm2  }
0x297: {  	vm4 =	vgt.f32 v5, v15;
	[tilespmem:s29+$0xFFFFFF90] =	vst v6;
	vm1 =	vmand vm1, vm3;
	v3 =	vnsel vm2, $0x0, v7  }
0x298: {  	vm1 =	vmor vm4, vm1;
	v4 =	vsel vm2, $0x1, v2;
	[tilespmem:s0+$0xFFFFFFA0] =	vst v3  }
0x299: {  	v3 =	vnsel vm1, $0x0, v5;
	[tilespmem:s29+$0xFFFFFFA0] =	vst v4  }
0x29a: {  	[tilespmem:s0+$0xFFFFFFB0] =	vst v3;
	v3 =	vsel vm1, $0x1, v2  }
0x29b: {  	[tilespmem:s29+$0xFFFFFFB0] =	vst v3  }
0x29c: {  	[hbm4b:s11+s2] =	stream.linear.scatter [tilespmem:s18], [sflag:$0x3], $0x4000, $0x38;
	[tilespmem:$0x18000] =	vst v63  }
0x29d: {  	_ = 	snop  }
0x29e: {  	[hbm4b:s12+s2] =	stream.linear.scatter [tilespmem:s19], [sflag:$0x5], $0x4000, $0x38;
	[tilespmem:$0x18000] =	vst v63  }
0x29f: {  	_ =	swait.ge [sflag:s20], $0x4000  }
0x2a0: {  	[sflag:s20] =	ssyncset.done $0x0  }
0x2a1: {  	[sflag:s20] =	ssyncadd.s32 $0xFFFFC000  }
0x2a2: {  	_ =	swait.ge [sflag:s25], $0x4000  }
0x2a3: {  	[sflag:s25] =	ssyncset.done $0x0  }
0x2a4: {  	[sflag:s25] =	ssyncadd.s32 $0xFFFFC000  }
0x2a5: {  	_ =	swait.ge [sflag:s26], $0x4000  }
0x2a6: {  	[sflag:s26] =	ssyncset.done $0x0  }
0x2a7: {  	s16 =	simm.s32 $0x4080;
	[sflag:s26] =	ssyncadd.s32 $0xFFFFC000  }
0x2a8: {  	v23 =	vld [tilespmem:s16+$0x30]  }
0x2a9: {  	v25 =	vld [tilespmem:s16+$0x10]  }
0x2aa: {  	v24 =	vld [tilespmem:s16+$0x20];
	_ =	sdelay $0x1  }
0x2ab: {  	v12 =	vld [tilespmem:s16+$0x0]  }
0x2ac: {  	(xrf1) =	vsort.dscd.msk.f32 $0xffff, v23, v0  }
0x2ad: {  	(xrf1) =	vsort.dscd.msk.f32 $0xffff, v25, v0  }
0x2ae: {  	(xrf1) =	vsort.dscd.msk.f32 $0xffff, v24, v0;
	_ =	sdelay $0x1  }
0x2af: {  	(xrf1) =	vsort.dscd.msk.f32 $0xffff, v12, v0;
	_ =	sdelay $0x1  }
0x2b0: {  	v11 =	vld [tilespmem:s16+$0xFFFFFFB0]  }
0x2b1: {  	v21 =	vld [tilespmem:s16+$0xFFFFFF90]  }
0x2b2: {  	v15 =	vld [tilespmem:s16+$0xFFFFFFA0]  }
0x2b3: {  	v22 =	vld [tilespmem:s16+$0xFFFFFF80];
	_ =	sdelay $0x1  }
0x2b4: {  	(xrf1) =	vsort.dscd.msk.f32 $0xffff, v11, v0  }
0x2b5: {  	(xrf1) =	vsort.dscd.msk.f32 $0xffff, v21, v0  }
0x2b6: {  	(xrf1) =	vsort.dscd.msk.f32 $0xffff, v15, v0  }
0x2b7: {  	(xrf1) =	vsort.dscd.msk.f32 $0xffff, v22, v0;
	v3, _, _ =	vpop (xrf1)  }
0x2b8: {  	v3 =	vperm.xlane v3, v1;
	v4, _, _ =	vpop (xrf1)  }
0x2b9: {  	v5, _, _ =	vpop (xrf1)  }
0x2ba: {  	v4 =	vperm.xlane v4, v1;
	v3 =	vmax.f32 v5, v3  }
0x2bb: {  	v5, _, _ =	vpop (xrf1);
	(xrf1) =	vsort.dscd.msk.f32 $0xffff, v3, v0  }
0x2bc: {  	v3 =	vmax.f32 v5, v4  }
0x2bd: {  	(xrf1) =	vsort.dscd.msk.f32 $0xffff, v3, v0;
	_ =	sdelay $0x4  }
0x2be: {  	s1 =	simm.s32 $0x4180;
	v3, _, _ =	vpop (xrf1)  }
0x2bf: {  	v16 =	vld [tilespmem:s1+$0x30];
	v3 =	vperm.xlane v3, v1;
	v4, _, _ =	vpop (xrf1)  }
0x2c0: {  	v19 =	vld [tilespmem:s1+$0x10];
	v4 =	vperm.xlane v4, v1;
	v5, _, _ =	vpop (xrf1)  }
0x2c1: {  	v17 =	vld [tilespmem:s1+$0x20];
	v3 =	vmax.f32 v5, v3;
	v5, _, _ =	vpop (xrf1)  }
0x2c2: {  	v4 =	vmax.f32 v5, v4;
	(xrf1) =	vsort.dscd.msk.f32 $0xffff, v3, v0  }
0x2c3: {  	(xrf1) =	vsort.dscd.msk.f32 $0xffff, v4, v0  }
0x2c4: {  	(xrf1) =	vsort.dscd.msk.f32 $0xffff, v16, v0  }
0x2c5: {  	(xrf1) =	vsort.dscd.msk.f32 $0xffff, v19, v0;
	v3, _, _ =	vpop (xrf1)  }
0x2c6: {  	v20 =	vld [tilespmem:s1+$0x0];
	(xrf1) =	vsort.dscd.msk.f32 $0xffff, v17, v0;
	v3 =	vperm.xlane v3, v1  }
0x2c7: {  	v4, _, _ =	vpop (xrf1)  }
0x2c8: {  	v3 =	vmax.f32 v4, v3  }
0x2c9: {  	(xrf1) =	vsort.dscd.msk.f32 $0xffff, v3, v0  }
0x2ca: {  	v4 =	vld [tilespmem:s1+$0xFFFFFFB0]  }
0x2cb: {  	v13 =	vld [tilespmem:s1+$0xFFFFFF90];
	(xrf1) =	vsort.dscd.msk.f32 $0xffff, v20, v0;
	_ =	sdelay $0x1  }
0x2cc: {  	v3 =	vld [tilespmem:s1+$0xFFFFFFA0]  }
0x2cd: {  	v14 =	vld [tilespmem:s1+$0xFFFFFF80]  }
0x2ce: {  	(xrf1) =	vsort.dscd.msk.f32 $0xffff, v4, v0  }
0x2cf: {  	v5, _, _ =	vpop (xrf1);
	(xrf1) =	vsort.dscd.msk.f32 $0xffff, v13, v0  }
0x2d0: {  	v6, _, _ =	vpop (xrf1);
	v5 =	vperm.xlane v5, v1  }
0x2d1: {  	v7, _, _ =	vpop (xrf1);
	(xrf1) =	vsort.dscd.msk.f32 $0xffff, v3, v0  }
0x2d2: {  	v8, _, _ =	vpop (xrf1);
	v5 =	vmax.f32 v6, v5;
	(xrf1) =	vsort.dscd.msk.f32 $0xffff, v14, v0  }
0x2d3: {  	v6, _, _ =	vpop (xrf1);
	(xrf1) =	vsort.dscd.msk.f32 $0xffff, v5, v0  }
0x2d4: {  	v5 =	vperm.xlane v7, v1;
	_ =	sdelay $0x1  }
0x2d5: {  	v5 =	vmax.f32 v6, v5;
	v7, _, _ =	vpop (xrf1)  }
0x2d6: {  	v8 =	vperm.xlane v8, v1;
	(xrf1) =	vsort.dscd.msk.f32 $0xffff, v5, v0;
	v9 =	vsel vm0, $0xBF800000, v7  }
0x2d7: {  	v6, _, _ =	vpop (xrf1);
	(xrf0) =	vmax.scan.msk.f32 $0xffff, v9  }
0x2d8: {  	v5 =	vmax.f32 v6, v8;
	_ =	sdelay $0x1  }
0x2d9: {  	(xrf1) =	vsort.dscd.msk.f32 $0xffff, v5, v0  }
0x2da: {  	v5, _, _ =	vpop (xrf1)  }
0x2db: {  	v8, _, _ =	vpop (xrf1)  }
0x2dc: {  	v5 =	vperm.xlane v5, v1;
	v6, _, _ =	vpop (xrf0)  }
0x2dd: {  	v8 =	vperm.xlane v8, v1;
	v26 =	vbroadcast v6, $0xF;
	v6, _, _ =	vpop (xrf1)  }
0x2de: {  	v5 =	vmax.f32 v6, v5;
	v6, _, _ =	vpop (xrf1)  }
0x2df: {  	vm4 =	veq.f32 v12, v26;
	(xrf1) =	vsort.dscd.msk.f32 $0xffff, v5, v0;
	v6 =	vmax.f32 v6, v8;
	v27, _, _ =	vpop (xrf1)  }
0x2e0: {  	vm3 =	veq.f32 v25, v26;
	v5 =	vsel vm4, $0x1, v2;
	(xrf1) =	vsort.dscd.msk.f32 $0xffff, v6, v0;
	v8 =	vsel vm0, $0xBF800000, v27  }
0x2e1: {  	s16 =	simm.s32 $0x4280;
	(xrf0) =	vadd.scan.msk.s32 $0xffff, v5;
	v5 =	vsel vm3, $0x1, v2  }
0x2e2: {  	vm2 =	veq.f32 v24, v26;
	v6 =	vld [tilespmem:s16+$0x30];
	(xrf0) =	vadd.scan.msk.s32 $0xffff, v5  }
0x2e3: {  	v9 =	vld [tilespmem:s16+$0x10];
	vm1 =	veq.f32 v23, v26;
	v5 =	vsel vm2, $0x1, v2;
	(xrf0) =	vmax.scan.msk.f32 $0xffff, v8;
	v8, _, _ =	vpop (xrf1)  }
0x2e4: {  	v10 =	vld [tilespmem:s16+$0x20];
	(xrf0) =	vadd.scan.msk.s32 $0xffff, v5;
	v5 =	vsel vm1, $0x1, v2;
	v8 =	vperm.xlane v8, v1;
	_ =	sdelay $0x1  }
0x2e5: {  	vm5 =	vgt.f32 v7, v26;
	(xrf0) =	vadd.scan.msk.s32 $0xffff, v5  }
0x2e6: {  	v18 =	vld [tilespmem:s16+$0x0];
	v7 =	vmpcnt.ones.xlane vm5;
	(xrf1) =	vsort.dscd.msk.f32 $0xffff, v6, v0;
	v5, _, _ =	vpop (xrf1)  }
0x2e7: {  	vm6 =	vgt.f32 v12, v26;
	v28 =	vmpcnt.ones.xlane vm4;
	(xrf1) =	vsort.dscd.msk.f32 $0xffff, v9, v0;
	v5 =	vmax.f32 v5, v8;
	v8, _, _ =	vpop (xrf0)  }
0x2e8: {  	vm7 =	vgt.f32 v25, v26;
	v29 =	vmpcnt.ones.xlane vm3;
	(xrf1) =	vsort.dscd.msk.f32 $0xffff, v10, v0;
	v8 =	vadd.s32 v7, v8;
	v50, _, _ =	vpop (xrf0)  }
0x2e9: {  	(xrf1) =	vsort.dscd.msk.f32 $0xffff, v5, v0;
	v5 =	vld [tilespmem:s16+$0xFFFFFFB0];
	v7 =	vadd.s32 v7, v28;
	v28 =	vmpcnt.ones.xlane vm2;
	vm8 =	vlt.s32 v8, $0x9;
	v51, _, _ =	vpop (xrf0)  }
0x2ea: {  	v8 =	vld [tilespmem:s16+$0xFFFFFF90];
	v30 =	vadd.s32 v50, v7;
	v29 =	vadd.s32 v29, v7;
	vm4 =	vmand vm4, vm8;
	v52, _, _ =	vpop (xrf0)  }
0x2eb: {  	(xrf1) =	vsort.dscd.msk.f32 $0xffff, v18, v0;
	v28 =	vadd.s32 v28, v29;
	vm4 =	vmor vm6, vm4;
	v29 =	vadd.s32 v52, v29  }
0x2ec: {  	s30 =	simm.s32 $0xC080;
	vm5 =	vgt.f32 v24, v26;
	v7 =	vld [tilespmem:s16+$0xFFFFFFA0];
	vm6 =	vlt.s32 v30, $0x9;
	v32 =	vnsel vm4, $0x0, v12  }
0x2ed: {  	s29 =	simm.s32 $0x14080;
	vm3 =	vmand vm3, vm6;
	v12 =	vld [tilespmem:s16+$0xFFFFFF80];
	v53 =	vsel vm4, $0x1, v2;
	vm4 =	vlt.s32 v29, $0x9;
	[tilespmem:s30+$0x0] =	vst v32  }
0x2ee: {  	vm3 =	vmor vm7, vm3;
	vm2 =	vmand vm2, vm4;
	(xrf1) =	vsort.dscd.msk.f32 $0xffff, v5, v0;
	v29, _, _ =	vpop (xrf0);
	[tilespmem:s29+$0x0] =	vst v53  }
0x2ef: {  	v54, _, _ =	vpop (xrf1);
	v25 =	vnsel vm3, $0x0, v25;
	(xrf1) =	vsort.dscd.msk.f32 $0xffff, v8, v0;
	v28 =	vadd.s32 v29, v28;
	v29 =	vsel vm3, $0x1, v2  }
0x2f0: {  	[tilespmem:s30+$0x10] =	vst v25;
	v25 =	vperm.xlane v54, v1;
	vm3 =	vlt.s32 v28, $0x9;
	v28 =	vbroadcast v51, $0xF  }
0x2f1: {  	v55, _, _ =	vpop (xrf1);
	vm4 =	vgt.f32 v23, v26;
	vm2 =	vmor vm5, vm2;
	(xrf1) =	vsort.dscd.msk.f32 $0xffff, v7, v0  }
0x2f2: {  	v24 =	vnsel vm2, $0x0, v24;
	v25 =	vmax.f32 v55, v25;
	(xrf1) =	vsort.dscd.msk.f32 $0xffff, v12, v0;
	vm6 =	veq.f32 v22, v28  }
0x2f3: {  	vm1 =	vmand vm1, vm3;
	vm5 =	veq.f32 v21, v28;
	(xrf1) =	vsort.dscd.msk.f32 $0xffff, v25, v0;
	v25 =	vsel vm6, $0x1, v2  }
0x2f4: {  	v26 =	vsel vm2, $0x1, v2;
	vm1 =	vmor vm4, vm1;
	v56, _, _ =	vpop (xrf1);
	v33 =	vsel vm5, $0x1, v2;
	(xrf0) =	vadd.scan.msk.s32 $0xffff, v25  }
0x2f5: {  	vm3 =	veq.f32 v15, v28;
	vm2 =	veq.f32 v11, v28;
	vm7 =	vgt.f32 v22, v28;
	v58, _, _ =	vpop (xrf1);
	(xrf0) =	vadd.scan.msk.s32 $0xffff, v33  }
0x2f6: {  	[tilespmem:s29+$0x10] =	vst v29;
	vm8 =	vgt.f32 v21, v28;
	vm4 =	vgt.f32 v15, v28;
	v23 =	vnsel vm1, $0x0, v23;
	v34, _, _ =	vpop (xrf1)  }
0x2f7: {  	[tilespmem:s30+$0x20] =	vst v24;
	v57 =	vsel vm1, $0x1, v2;
	v30 =	vperm.xlane v56, v1;
	vm1 =	vgt.f32 v27, v28;
	v25, _, _ =	vpop (xrf1)  }
0x2f8: {  	[tilespmem:s29+$0x20] =	vst v26;
	v27 =	vmpcnt.ones.xlane vm6;
	v59 =	vmpcnt.ones.xlane vm1;
	v60 =	vsel vm0, $0xBF800000, v25  }
0x2f9: {  	v62 =	vmpcnt.ones.xlane vm5;
	v26 =	vmpcnt.ones.xlane vm3;
	v30 =	vmax.f32 v34, v30;
	v61, _, _ =	vpop (xrf1);
	(xrf0) =	vmax.scan.msk.f32 $0xffff, v60  }
0x2fa: {  	v24 =	vperm.xlane v58, v1;
	[tilespmem:s30+$0x30] =	vst v23;
	v27 =	vadd.s32 v59, v27;
	(xrf1) =	vsort.dscd.msk.f32 $0xffff, v30, v0;
	v23, _, _ =	vpop (xrf0)  }
0x2fb: {  	vm1 =	vgt.f32 v11, v28;
	v33 =	vadd.s32 v62, v27;
	v23 =	vadd.s32 v59, v23;
	v28, _, _ =	vpop (xrf0)  }
0x2fc: {  	v24 =	vmax.f32 v61, v24;
	vm9 =	vlt.s32 v23, $0x9;
	v23 =	vadd.s32 v28, v27  }
0x2fd: {  	v63 =	vadd.s32 v26, v33;
	(xrf1) =	vsort.dscd.msk.f32 $0xffff, v24, v0;
	v26, _, _ =	vpop (xrf1)  }
0x2fe: {  	v29 =	vsel vm3, $0x1, v2;
	v26 =	vperm.xlane v26, v1;
	v27, _, _ =	vpop (xrf1)  }
0x2ff: {  	v35 =	vsel vm2, $0x1, v2;
	(xrf0) =	vadd.scan.msk.s32 $0xffff, v29;
	vm6 =	vmand vm6, vm9;
	vm9 =	vlt.s32 v23, $0x9;
	v23, _, _ =	vpop (xrf0)  }
0x300: {  	(xrf0) =	vadd.scan.msk.s32 $0xffff, v35;
	v24, _, _ =	vpop (xrf1);
	vm6 =	vmor vm7, vm6;
	vm5 =	vmand vm5, vm9;
	v23 =	vbroadcast v23, $0xF  }
0x301: {  	v24 =	vmax.f32 v24, v26;
	v22 =	vnsel vm6, $0x0, v22;
	vm5 =	vmor vm8, vm5  }
0x302: {  	v26, _, _ =	vpop (xrf1);
	[tilespmem:s30+$0xFFFFFF80] =	vst v22;
	v22 =	vsel vm6, $0x1, v2;
	v28 =	vnsel vm5, $0x0, v21;
	vm6 =	veq.f32 v20, v23  }
0x303: {  	[tilespmem:s29+$0x30] =	vst v57;
	v27 =	vperm.xlane v27, v1;
	v21, _, _ =	vpop (xrf1);
	(xrf1) =	vsort.dscd.msk.f32 $0xffff, v24, v0;
	v24 =	vsel vm6, $0x1, v2  }
0x304: {  	[tilespmem:s29+$0xFFFFFF80] =	vst v22  }
0x305: {  	v27 =	vmax.f32 v26, v27;
	v22 =	vsel vm5, $0x1, v2;
	v26 =	vsel vm0, $0xBF800000, v21;
	[tilespmem:s30+$0xFFFFFF90] =	vst v28;
	v28, _, _ =	vpop (xrf0)  }
0x306: {  	s31 =	simm.s32 $0x14080;
	vm5 =	veq.f32 v19, v23;
	[tilespmem:s29+$0xFFFFFF90] =	vst v22;
	(xrf0) =	vadd.scan.msk.s32 $0xffff, v24;
	v22 =	vadd.s32 v28, v33;
	v24, _, _ =	vpop (xrf0)  }
0x307: {  	s0 =	simm.s32 $0xC080;
	s1 =	simm.s32 $0x4;
	s16 =	simm.s32 $0x4380;
	(xrf1) =	vsort.dscd.msk.f32 $0xffff, v27, v0;
	v27 =	vsel vm5, $0x1, v2;
	vm8 =	vlt.s32 v22, $0x9;
	v24 =	vadd.s32 v24, v63  }
.LBB2_8:
0x308: {  	v29, _, _ =	vpop (xrf1);
	vm7 =	veq.f32 v17, v23;
	(xrf0) =	vadd.scan.msk.s32 $0xffff, v27;
	vm9 =	vmand vm3, vm8;
	vm3 =	vlt.s32 v24, $0x9  }
0x309: {  	v28 =	vld [tilespmem:s16+$0x30];
	v22 =	vmovc v5;
	v24 =	vmovc v13;
	v13 =	vmov v8;
	v27 =	vmov v15;
	v15 =	vmov v3  }
0x30a: {  	v3 =	vmovc v7;
	v30 =	vld [tilespmem:s16+$0x10];
	v8 =	vperm.xlane v29, v1;
	v5 =	vsel vm7, $0x1, v2;
	(xrf0) =	vmax.scan.msk.f32 $0xffff, v26;
	vm3 =	vmand vm2, vm3  }
0x30b: {  	vm10 =	vgt.f32 v25, v23;
	vm8 =	veq.f32 v16, v23;
	vm2 =	vmor vm4, vm9;
	v29 =	vld [tilespmem:s16+$0x20];
	v7, _, _ =	vpop (xrf1);
	(xrf0) =	vadd.scan.msk.s32 $0xffff, v5  }
0x30c: {  	v31 =	vmpcnt.ones.xlane vm10;
	v26 =	vmovc v14;
	v14 =	vmovc v12;
	v5 =	vld [tilespmem:s16+$0xFFFFFFB0];
	v25 =	vmax.f32 v7, v8;
	v7 =	vsel vm8, $0x1, v2  }
0x30d: {  	vm10 =	vgt.f32 v20, v23;
	v12 =	vmpcnt.ones.xlane vm6;
	vm9 =	vgt.f32 v19, v23;
	v32 =	vld [tilespmem:s16+$0x0];
	v33, _, _ =	vpop (xrf0);
	(xrf0) =	vadd.scan.msk.s32 $0xffff, v7  }
0x30e: {  	v36 =	vmpcnt.ones.xlane vm5;
	vm4 =	vgt.f32 v17, v23;
	v8 =	vld [tilespmem:s16+$0xFFFFFF90];
	(xrf1) =	vsort.dscd.msk.f32 $0xffff, v28, v0;
	v33 =	vadd.s32 v31, v33  }
0x30f: {  	v37 =	vmpcnt.ones.xlane vm7;
	v31 =	vadd.s32 v31, v12;
	v7 =	vld [tilespmem:s16+$0xFFFFFFA0];
	(xrf1) =	vsort.dscd.msk.f32 $0xffff, v30, v0;
	vm11 =	vlt.s32 v33, $0x9;
	v35, _, _ =	vpop (xrf0)  }
0x310: {  	v12 =	vld [tilespmem:s16+$0xFFFFFF80];
	(xrf1) =	vsort.dscd.msk.f32 $0xffff, v29, v0;
	vm6 =	vmand vm6, vm11;
	v35 =	vadd.s32 v35, v31;
	v31 =	vadd.s32 v36, v31;
	v34, _, _ =	vpop (xrf0)  }
0x311: {  	(xrf1) =	vsort.dscd.msk.f32 $0xffff, v25, v0;
	vm6 =	vmor vm10, vm6;
	vm10 =	vlt.s32 v35, $0x9;
	v25 =	vadd.s32 v37, v31;
	v33, _, _ =	vpop (xrf0)  }
0x312: {  	s30 =	sadd.s32 $0x100, s30;
	(xrf1) =	vsort.dscd.msk.f32 $0xffff, v32, v0;
	v35 =	vnsel vm6, $0x0, v20;
	vm5 =	vmand vm5, vm10;
	v36 =	vadd.s32 v33, v31;
	v20 =	vmovc v18  }
0x313: {  	s29 =	sadd.s32 $0x100, s29;
	v18 =	vsel vm6, $0x1, v2;
	[tilespmem:s30+$0x0] =	vst v35;
	vm5 =	vmor vm9, vm5;
	vm6 =	vlt.s32 v36, $0x9;
	v31, _, _ =	vpop (xrf0)  }
0x314: {  	s1 =	sadd.s32 $0x2, s1;
	v33, _, _ =	vpop (xrf1);
	[tilespmem:s29+$0x0] =	vst v18;
	v18 =	vnsel vm5, $0x0, v19;
	vm6 =	vmand vm7, vm6;
	v31 =	vadd.s32 v31, v25  }
0x315: {  	p0 =	slt.u32 s1, $0x7E;
	v19 =	vmovc v9;
	v9 =	vmovc v30;
	[tilespmem:s30+$0x10] =	vst v18;
	v18 =	vsel vm5, $0x1, v2;
	vm4 =	vmor vm4, vm6;
	vm5 =	vlt.s32 v31, $0x9  }
0x316: {  	vm6 =	vgt.f32 v16, v23;
	v25, _, _ =	vpop (xrf1);
	[tilespmem:s29+$0x10] =	vst v18;
	v30 =	vnsel vm4, $0x0, v17;
	vm5 =	vmand vm8, vm5  }
0x317: {  	v18 =	vsel vm4, $0x1, v2;
	v17 =	vmovc v10;
	(xrf1) =	vsort.dscd.msk.f32 $0xffff, v5, v0;
	[tilespmem:s30+$0x20] =	vst v30;
	vm4 =	vmor vm6, vm5  }
0x318: {  	v23 =	vperm.xlane v33, v1;
	(xrf1) =	vsort.dscd.msk.f32 $0xffff, v8, v0;
	[tilespmem:s29+$0x20] =	vst v18;
	v31 =	vnsel vm4, $0x0, v16;
	v16 =	vmovc v6  }
0x319: {  	vm7 =	vmor vm1, vm3;
	v10 =	vmovc v29;
	v30 =	vbroadcast v34, $0xF;
	v6 =	vmovc v28;
	[tilespmem:s30+$0x30] =	vst v31;
	v31 =	vsel vm4, $0x1, v2  }
0x31a: {  	v27 =	vnsel vm2, $0x0, v27;
	v23 =	vmax.f32 v25, v23;
	v18 =	vmovc v32;
	(xrf1) =	vsort.dscd.msk.f32 $0xffff, v7, v0;
	[tilespmem:s29+$0x30] =	vst v31  }
0x31b: {  	v28 =	vsel vm2, $0x1, v2;
	vm6 =	veq.f32 v26, v30;
	vm5 =	veq.f32 v24, v30;
	(xrf1) =	vsort.dscd.msk.f32 $0xffff, v12, v0  }
0x31c: {  	vm3 =	veq.f32 v15, v30;
	vm2 =	veq.f32 v4, v30;
	v33 =	vsel vm6, $0x1, v2;
	v25, _, _ =	vpop (xrf1);
	(xrf1) =	vsort.dscd.msk.f32 $0xffff, v23, v0  }
0x31d: {  	v31 =	vsel vm5, $0x1, v2;
	v32 =	vsel vm3, $0x1, v2;
	v34 =	vperm.xlane v25, v1;
	v29, _, _ =	vpop (xrf1);
	(xrf0) =	vadd.scan.msk.s32 $0xffff, v33  }
0x31e: {  	vm1 =	vgt.f32 v21, v30;
	v21 =	vmpcnt.ones.xlane vm6;
	v33 =	vsel vm2, $0x1, v2;
	v23, _, _ =	vpop (xrf1);
	(xrf0) =	vadd.scan.msk.s32 $0xffff, v31  }
0x31f: {  	v29 =	vperm.xlane v29, v1;
	v31 =	vmpcnt.ones.xlane vm1;
	v23 =	vmax.f32 v23, v34;
	v25, _, _ =	vpop (xrf1);
	[tilespmem:s0+$0xFFFFFFA0] =	vst v27  }
0x320: {  	v35 =	vmpcnt.ones.xlane vm3;
	v34 =	vmpcnt.ones.xlane vm5;
	v27, _, _ =	vpop (xrf1);
	(xrf1) =	vsort.dscd.msk.f32 $0xffff, v23, v0;
	v23 =	vsel vm0, $0xBF800000, v25  }
0x321: {  	vm9 =	vgt.f32 v26, v30;
	v21 =	vadd.s32 v31, v21;
	v27 =	vmax.f32 v27, v29;
	(xrf0) =	vmax.scan.msk.f32 $0xffff, v23  }
0x322: {  	vm8 =	vgt.f32 v24, v30;
	(xrf1) =	vsort.dscd.msk.f32 $0xffff, v27, v0;
	v27 =	vadd.s32 v34, v21;
	v34 =	vnsel vm7, $0x0, v11  }
0x323: {  	vm4 =	vgt.f32 v15, v30;
	vm1 =	vgt.f32 v4, v30;
	v29 =	vadd.s32 v35, v27;
	v23, _, _ =	vpop (xrf0);
	[tilespmem:s31+$0xFFFFFFA0] =	vst v28  }
0x324: {  	v30 =	vsel vm7, $0x1, v2;
	v11 =	vmov v4;
	v31 =	vadd.s32 v31, v23;
	v28, _, _ =	vpop (xrf0);
	[tilespmem:s0+$0xFFFFFFB0] =	vst v34;
	s0 =	smov.u32 s30  }
0x325: {  	v4, _, _ =	vpop (xrf1);
	vm7 =	vlt.s32 v31, $0x9;
	v21 =	vadd.s32 v28, v21;
	(xrf0) =	vadd.scan.msk.s32 $0xffff, v32;
	[tilespmem:s31+$0xFFFFFFB0] =	vst v30;
	s31 =	smov.u32 s29  }
0x326: {  	v4 =	vperm.xlane v4, v1;
	v23, _, _ =	vpop (xrf1);
	vm6 =	vmand vm6, vm7;
	vm7 =	vlt.s32 v21, $0x9;
	(xrf0) =	vadd.scan.msk.s32 $0xffff, v33  }
0x327: {  	v30 =	vperm.xlane v23, v1;
	v23, _, _ =	vpop (xrf0);
	vm6 =	vmor vm9, vm6;
	vm5 =	vmand vm5, vm7  }
0x328: {  	v28, _, _ =	vpop (xrf1);
	v23 =	vbroadcast v23, $0xF;
	v26 =	vnsel vm6, $0x0, v26;
	vm5 =	vmor vm8, vm5  }
.Ltmp3:
0x329: {  	v4 =	vmax.f32 v28, v4;
	v28, _, _ =	vpop (xrf1);
	[tilespmem:s30+$0xFFFFFF80] =	vst v26;
	v26 =	vsel vm6, $0x1, v2;
	v31 =	vnsel vm5, $0x0, v24;
	(pc) =	sbr.rel @p0 .LBB2_8-.Ltmp3, $4  }
0x32a: {  	v28 =	vmax.f32 v28, v30;
	vm6 =	veq.f32 v20, v23;
	v21, _, _ =	vpop (xrf1);
	[tilespmem:s29+$0xFFFFFF80] =	vst v26;
	v30 =	vsel vm5, $0x1, v2  }
0x32b: {  	(xrf1) =	vsort.dscd.msk.f32 $0xffff, v4, v0;
	v26 =	vsel vm0, $0xBF800000, v21;
	v32 =	vsel vm6, $0x1, v2;
	[tilespmem:s30+$0xFFFFFF90] =	vst v31;
	v24, _, _ =	vpop (xrf0)  }
0x32c: {  	vm5 =	veq.f32 v19, v23;
	(xrf0) =	vadd.scan.msk.s32 $0xffff, v32;
	[tilespmem:s29+$0xFFFFFF90] =	vst v30;
	v30 =	vadd.s32 v24, v27;
	v24, _, _ =	vpop (xrf0)  }
0x32d: {  	s16 =	sadd.s32 $0x100, s16;
	v27 =	vsel vm5, $0x1, v2;
	v4 =	vmovc v22;
	(xrf1) =	vsort.dscd.msk.f32 $0xffff, v28, v0;
	vm8 =	vlt.s32 v30, $0x9;
	v24 =	vadd.s32 v24, v29  }
0x32e: {  	v22, _, _ =	vpop (xrf1);
	vm7 =	veq.f32 v17, v23  }
0x32f: {  	(xrf0) =	vadd.scan.msk.s32 $0xffff, v27;
	vm9 =	vmand vm3, vm8;
	vm3 =	vlt.s32 v24, $0x9;
	v22 =	vperm.xlane v22, v1  }
0x330: {  	vm10 =	vgt.f32 v25, v23;
	vm8 =	veq.f32 v16, v23;
	v45 =	vsel vm7, $0x1, v2;
	(xrf0) =	vmax.scan.msk.f32 $0xffff, v26;
	v46, _, _ =	vpop (xrf1)  }
0x331: {  	vm15 =	vgt.f32 v20, v23;
	v49 =	vmpcnt.ones.xlane vm6;
	(xrf0) =	vadd.scan.msk.s32 $0xffff, v45;
	v22 =	vmax.f32 v46, v22  }
0x332: {  	vm12 =	vgt.f32 v19, v23;
	v52 =	vmpcnt.ones.xlane vm5;
	v47 =	vmpcnt.ones.xlane vm10;
	(xrf1) =	vsort.dscd.msk.f32 $0xffff, v22, v0  }
0x333: {  	vm3 =	vmand vm2, vm3;
	vm2 =	vmor vm4, vm9;
	v48 =	vsel vm8, $0x1, v2;
	v50, _, _ =	vpop (xrf0)  }
0x334: {  	vm10 =	vgt.f32 v17, v23;
	v53 =	vmpcnt.ones.xlane vm7;
	(xrf0) =	vadd.scan.msk.s32 $0xffff, v48;
	v51 =	vadd.s32 v47, v50  }
0x335: {  	v15 =	vnsel vm2, $0x0, v15;
	v22 =	vadd.s32 v47, v49;
	vm11 =	vlt.s32 v51, $0x9;
	v54, _, _ =	vpop (xrf0)  }
0x336: {  	v45 =	vsel vm2, $0x1, v2;
	vm13 =	vmand vm6, vm11;
	v25 =	vadd.s32 v54, v22  }
0x337: {  	v22 =	vadd.s32 v52, v22;
	v55, _, _ =	vpop (xrf0);
	vm4 =	vmor vm15, vm13;
	vm14 =	vlt.s32 v25, $0x9  }
0x338: {  	v24 =	vadd.s32 v53, v22;
	v56, _, _ =	vpop (xrf0);
	v26 =	vbroadcast v55, $0xF;
	v57 =	vnsel vm4, $0x0, v20  }
0x339: {  	vm15 =	vmand vm5, vm14;
	v22 =	vadd.s32 v56, v22;
	v58 =	vsel vm4, $0x1, v2  }
0x33a: {  	vm11 =	vmor vm12, vm15;
	vm12 =	vlt.s32 v22, $0x9;
	v60, _, _ =	vpop (xrf0);
	vm15 =	vgt.f32 v16, v23  }
0x33b: {  	vm4 =	veq.f32 v4, v26;
	v59, _, _ =	vpop (xrf1);
	v61 =	vnsel vm11, $0x0, v19;
	vm5 =	vmand vm7, vm12  }
0x33c: {  	v24 =	vadd.s32 v60, v24;
	vm7 =	veq.f32 v14, v26;
	v22 =	vperm.xlane v59, v1  }
0x33d: {  	vm13 =	vmor vm10, vm5;
	vm5 =	veq.f32 v13, v26;
	v31 =	vsel vm7, $0x1, v2  }
0x33e: {  	v62 =	vsel vm11, $0x1, v2;
	vm12 =	vmor vm1, vm3;
	v28, _, _ =	vpop (xrf1);
	v33 =	vsel vm5, $0x1, v2;
	(xrf0) =	vadd.scan.msk.s32 $0xffff, v31  }
0x33f: {  	vm1 =	vgt.f32 v21, v26;
	vm3 =	veq.f32 v3, v26;
	v22 =	vmax.f32 v28, v22;
	(xrf0) =	vadd.scan.msk.s32 $0xffff, v33  }
0x340: {  	v43 =	vsel vm4, $0x1, v2;
	vm14 =	vlt.s32 v24, $0x9;
	v38 =	vmpcnt.ones.xlane vm7;
	(xrf1) =	vsort.dscd.msk.f32 $0xffff, v22, v0;
	v34, _, _ =	vpop (xrf1)  }
0x341: {  	v21 =	vmpcnt.ones.xlane vm1;
	v39 =	vsel vm3, $0x1, v2;
	v37 =	vsel vm0, $0xBF800000, v34  }
0x342: {  	v41 =	vmpcnt.ones.xlane vm3;
	vm1 =	vgt.f32 v4, v26;
	v11 =	vnsel vm12, $0x0, v11;
	(xrf0) =	vmax.scan.msk.f32 $0xffff, v37  }
0x343: {  	[tilespmem:s0+$0xFFFFFFA0] =	vst v15;
	v49 =	vsel vm12, $0x1, v2;
	v63 =	vnsel vm13, $0x0, v17;
	vm8 =	vmand vm8, vm14  }
0x344: {  	[tilespmem:s31+$0xFFFFFFA0] =	vst v45;
	v32 =	vsel vm13, $0x1, v2;
	v40 =	vmpcnt.ones.xlane vm5;
	vm13 =	vgt.f32 v14, v26  }
0x345: {  	vm14 =	vgt.f32 v13, v26;
	vm11 =	vmor vm15, vm8;
	v20 =	vadd.s32 v21, v38;
	v42, _, _ =	vpop (xrf0);
	(xrf0) =	vadd.scan.msk.s32 $0xffff, v39  }
0x346: {  	s1 =	sadd.s32 $0x100, s30;
	vm15 =	vgt.f32 v3, v26;
	v35 =	vnsel vm11, $0x0, v16;
	v21 =	vadd.s32 v21, v42;
	v44, _, _ =	vpop (xrf0);
	(xrf0) =	vadd.scan.msk.s32 $0xffff, v43  }
0x347: {  	s16 =	sadd.s32 $0x100, s29;
	[tilespmem:s1+$0x0] =	vst v57;
	v36 =	vsel vm11, $0x1, v2;
	vm2 =	vlt.s32 v21, $0x9;
	v47 =	vadd.s32 v44, v20  }
0x348: {  	[tilespmem:s16+$0x0] =	vst v58;
	v25 =	vadd.s32 v40, v20;
	vm2 =	vmand vm7, vm2;
	vm12 =	vlt.s32 v47, $0x9;
	v46, _, _ =	vpop (xrf0)  }
0x349: {  	[tilespmem:s1+$0x10] =	vst v61;
	vm2 =	vmor vm13, vm2;
	vm5 =	vmand vm5, vm12;
	v48 =	vbroadcast v46, $0xF  }
0x34a: {  	[tilespmem:s16+$0x10] =	vst v62;
	v19 =	vadd.s32 v41, v25;
	v50 =	vnsel vm2, $0x0, v14;
	vm5 =	vmor vm14, vm5  }
0x34b: {  	[tilespmem:s0+$0xFFFFFFB0] =	vst v11;
	v53 =	vsel vm2, $0x1, v2;
	v54 =	vnsel vm5, $0x0, v13;
	v55, _, _ =	vpop (xrf0);
	vm8 =	veq.f32 v18, v48  }
0x34c: {  	[tilespmem:s1+$0x20] =	vst v63;
	v56 =	vsel vm5, $0x1, v2;
	v57 =	vadd.s32 v55, v25;
	v58, _, _ =	vpop (xrf0);
	v52 =	vsel vm8, $0x1, v2  }
0x34d: {  	vm7 =	veq.f32 v9, v48;
	vm2 =	vlt.s32 v57, $0x9;
	v61 =	vadd.s32 v58, v19;
	(xrf0) =	vadd.scan.msk.s32 $0xffff, v52  }
0x34e: {  	[tilespmem:s31+$0xFFFFFFB0] =	vst v49;
	v51, _, _ =	vpop (xrf1);
	vm5 =	veq.f32 v10, v48;
	vm13 =	vgt.f32 v34, v48;
	v59 =	vsel vm7, $0x1, v2  }
0x34f: {  	vm14 =	vgt.f32 v18, v48;
	vm12 =	vgt.f32 v10, v48;
	v60 =	vsel vm0, $0xBF800000, v51;
	(xrf0) =	vadd.scan.msk.s32 $0xffff, v59  }
0x350: {  	vm2 =	vmand vm3, vm2;
	vm3 =	vlt.s32 v61, $0x9;
	v62 =	vsel vm5, $0x1, v2;
	(xrf0) =	vmax.scan.msk.f32 $0xffff, v60  }
0x351: {  	v63 =	vmpcnt.ones.xlane vm13;
	vm3 =	vmand vm4, vm3;
	vm4 =	veq.f32 v6, v48;
	(xrf0) =	vadd.scan.msk.s32 $0xffff, v62  }
0x352: {  	[tilespmem:s16+$0x20] =	vst v32;
	v25 =	vmpcnt.ones.xlane vm8;
	v28 =	vmpcnt.ones.xlane vm7;
	v24 =	vsel vm4, $0x1, v2  }
0x353: {  	v31 =	vmpcnt.ones.xlane vm5;
	vm2 =	vmor vm15, vm2;
	vm15 =	vgt.f32 v9, v48;
	v26, _, _ =	vpop (xrf0);
	(xrf0) =	vadd.scan.msk.s32 $0xffff, v24  }
0x354: {  	[tilespmem:s1+$0x30] =	vst v35;
	v29 =	vadd.s32 v63, v25;
	v3 =	vnsel vm2, $0x0, v3;
	v27 =	vadd.s32 v63, v26  }
0x355: {  	[tilespmem:s1+$0xFFFFFF80] =	vst v50;
	v50 =	vsel vm2, $0x1, v2;
	v11 =	vadd.s32 v28, v29;
	v30, _, _ =	vpop (xrf0);
	vm13 =	vlt.s32 v27, $0x9  }
0x356: {  	[tilespmem:s16+$0x30] =	vst v36;
	v33 =	vadd.s32 v31, v11;
	v17 =	vadd.s32 v30, v29;
	v32, _, _ =	vpop (xrf0);
	vm8 =	vmand vm8, vm13  }
0x357: {  	[tilespmem:s16+$0xFFFFFF80] =	vst v53;
	v34, _, _ =	vpop (xrf0);
	v39 =	vbroadcast v32, $0xF;
	vm8 =	vmor vm14, vm8;
	vm14 =	vlt.s32 v17, $0x9  }
0x358: {  	[tilespmem:s1+$0xFFFFFF90] =	vst v54;
	vm13 =	vgt.f32 v6, v48;
	v11 =	vadd.s32 v34, v11;
	vm7 =	vmand vm7, vm14  }
0x359: {  	[tilespmem:s16+$0xFFFFFF90] =	vst v56;
	v35 =	vnsel vm8, $0x0, v18;
	vm7 =	vmor vm15, vm7;
	vm15 =	vlt.s32 v11, $0x9;
	v37, _, _ =	vpop (xrf0)  }
0x35a: {  	[tilespmem:s1+$0xFFFFFFA0] =	vst v3;
	v36 =	vsel vm8, $0x1, v2;
	vm5 =	vmand vm5, vm15;
	v11 =	vadd.s32 v37, v33  }
0x35b: {  	s31 =	sadd.s32 $0x100, s1;
	[tilespmem:s16+$0xFFFFFFA0] =	vst v50;
	vm6 =	vmor vm12, vm5;
	vm12 =	vlt.s32 v11, $0x9;
	vm5 =	veq.f32 v12, v39  }
0x35c: {  	[tilespmem:s31+$0x0] =	vst v35;
	v38 =	vnsel vm7, $0x0, v9;
	vm4 =	vmand vm4, vm12;
	v41 =	vsel vm5, $0x1, v2  }
0x35d: {  	s29 =	sadd.s32 $0x100, s16;
	v40 =	vsel vm7, $0x1, v2;
	vm7 =	vmor vm13, vm4;
	vm4 =	veq.f32 v8, v39;
	(xrf0) =	vadd.scan.msk.s32 $0xffff, v41  }
0x35e: {  	vm14 =	vgt.f32 v51, v39;
	[tilespmem:s29+$0x0] =	vst v36;
	v42 =	vnsel vm6, $0x0, v10;
	v45 =	vsel vm4, $0x1, v2  }
0x35f: {  	v43 =	vsel vm6, $0x1, v2;
	vm6 =	vmor vm1, vm3;
	vm3 =	veq.f32 v7, v39;
	(xrf0) =	vadd.scan.msk.s32 $0xffff, v45  }
0x360: {  	vm2 =	vgt.f32 v12, v39;
	v49 =	vmpcnt.ones.xlane vm14;
	[tilespmem:s31+$0x10] =	vst v38;
	v47 =	vsel vm3, $0x1, v2  }
0x361: {  	vm15 =	vgt.f32 v8, v39;
	[tilespmem:s29+$0x10] =	vst v40;
	vm1 =	veq.f32 v5, v39;
	(xrf0) =	vadd.scan.msk.s32 $0xffff, v47  }
0x362: {  	v48 =	vmpcnt.ones.xlane vm5;
	vm12 =	vgt.f32 v7, v39;
	[tilespmem:s31+$0x20] =	vst v42;
	v51 =	vsel vm1, $0x1, v2  }
0x363: {  	v53 =	vmpcnt.ones.xlane vm3;
	v3 =	vnsel vm6, $0x0, v4;
	v44 =	vnsel vm7, $0x0, v6;
	v54, _, _ =	vpop (xrf0);
	(xrf0) =	vadd.scan.msk.s32 $0xffff, v51  }
0x364: {  	v46 =	vsel vm7, $0x1, v2;
	[tilespmem:s29+$0x20] =	vst v43;
	v52 =	vmpcnt.ones.xlane vm4;
	v56 =	vadd.s32 v49, v54  }
0x365: {  	v10 =	vadd.s32 v49, v48;
	[tilespmem:s1+$0xFFFFFFB0] =	vst v3;
	v3 =	vsel vm6, $0x1, v2;
	v57, _, _ =	vpop (xrf0);
	vm13 =	vlt.s32 v56, $0x9  }
0x366: {  	[tilespmem:s31+$0x30] =	vst v44;
	v55 =	vadd.s32 v52, v10;
	v4 =	vadd.s32 v57, v10;
	vm5 =	vmand vm5, vm13  }
0x367: {  	[tilespmem:s16+$0xFFFFFFB0] =	vst v3;
	v58 =	vadd.s32 v53, v55;
	v59, _, _ =	vpop (xrf0);
	vm14 =	vlt.s32 v4, $0x9;
	vm2 =	vmor vm2, vm5  }
0x368: {  	[tilespmem:s29+$0x30] =	vst v46;
	v4 =	vadd.s32 v59, v55;
	vm4 =	vmand vm4, vm14;
	v3 =	vnsel vm2, $0x0, v12  }
0x369: {  	vm4 =	vmor vm15, vm4;
	[tilespmem:s31+$0xFFFFFF80] =	vst v3;
	v3 =	vsel vm2, $0x1, v2;
	v60, _, _ =	vpop (xrf0);
	vm2 =	vlt.s32 v4, $0x9  }
0x36a: {  	v61 =	vnsel vm4, $0x0, v8;
	[tilespmem:s29+$0xFFFFFF80] =	vst v3;
	v3 =	vadd.s32 v60, v58;
	vm2 =	vmand vm3, vm2  }
0x36b: {  	v62 =	vsel vm4, $0x1, v2;
	[tilespmem:s31+$0xFFFFFF90] =	vst v61;
	vm3 =	vlt.s32 v3, $0x9;
	vm2 =	vmor vm12, vm2  }
0x36c: {  	vm15 =	vgt.f32 v5, v39;
	[tilespmem:s29+$0xFFFFFF90] =	vst v62;
	vm1 =	vmand vm1, vm3;
	v3 =	vnsel vm2, $0x0, v7  }
0x36d: {  	v63 =	vsel vm2, $0x1, v2;
	vm1 =	vmor vm15, vm1;
	[tilespmem:s31+$0xFFFFFFA0] =	vst v3  }
0x36e: {  	v3 =	vnsel vm1, $0x0, v5;
	[tilespmem:s29+$0xFFFFFFA0] =	vst v63  }
0x36f: {  	[tilespmem:s31+$0xFFFFFFB0] =	vst v3;
	v3 =	vsel vm1, $0x1, v2  }
0x370: {  	[tilespmem:s29+$0xFFFFFFB0] =	vst v3  }
0x371: {  	[hbm4b:s13+s2] =	stream.linear.scatter [tilespmem:s21], [sflag:$0x4], $0x4000, $0x38;
	[tilespmem:$0x18000] =	vst v63  }
0x372: {  	_ = 	snop  }
0x373: {  	[hbm4b:s14+s2] =	stream.linear.scatter [tilespmem:s22], [sflag:$0x6], $0x4000, $0x38;
	[tilespmem:$0x18000] =	vst v63  }
0x374: {  	_ =	swait.ge [sflag:s23], $0x4000  }
0x375: {  	[sflag:s23] =	ssyncset.done $0x0  }
0x376: {  	[sflag:s23] =	ssyncadd.s32 $0xFFFFC000  }
0x377: {  	_ =	swait.ge [sflag:s24], $0x4000  }
0x378: {  	[sflag:s24] =	ssyncset.done $0x0  }
0x379: {  	s28 =	sadd.s32 $0x1, s28;
	[sflag:s24] =	ssyncadd.s32 $0xFFFFC000  }
0x37a: {  	p0 =	sne.s32 s28, s15;
	_ =	swait.ge [sflag:s25], $0x4000  }
.Ltmp4:
0x37b: {  	[sflag:s25] =	ssyncset.done $0x0;
	(pc) =	sbr.rel @p0 .LBB2_1-.Ltmp4, $4  }
0x37c: {  	[sflag:s25] =	ssyncadd.s32 $0xFFFFC000  }
0x37d: {  	_ =	swait.ge [sflag:s26], $0x4000  }
0x37e: {  	[sflag:s26] =	ssyncset.done $0x0  }
0x37f: {  	[sflag:s26] =	ssyncadd.s32 $0xFFFFC000  }
0x380: {  	_ =	sfence.sel $0x180000  }
0x381: {  	[bflag:$0x0] =	sbarrier.arrive $0xFFFF  }
0x382: {  	_ =	strace $0x9000004A  }
0x383: {  	s0 =	stileid.u32;
	[bflag:$0x2] =	sbarrier.arrive $0xFFFF  }
0x384: {  	p0 =	sne.s32 s0, $0x0;
	s0 =	rddreg [dreg:$0x2]  }
0x385: {  	s0 =	sadd.s32 @!p0 $0x100000, s0  }
0x386: {  	[sflag:s0] =	ssyncadd.tile.s32 @!p0 $0x1;
	_ =	shalt  }
.Lfunc_end2:
_tile_overlayer_lowered:
.L_overlay_start_2:
0x387: {  	(tag) =	ssettag $0x2  }
0x388: {  	s0 =	rddreg [dreg:$0x0];
	s2 =	stileid.u32  }
0x389: {  	s1 =	rddreg [dreg:$0x1];
	p0 =	sne.s32 s2, $0x0  }
0x38a: {  	s3 =	rddreg [dreg:$0x2];
	[bflag:$0x3] =	sbarrier.arrive $0xFFFF;
	s2 =	simm.s32 @!p0 $0x1C07  }
0x38b: {  	[timem:s3], [sflag:s2] =	dma.local @!p0 [hbm:s0], s1  }
0x38c: {  	s0 =	simm.s32 @!p0 $0x7  }
0x38d: {  	_ =	swait.ge @!p0 [sflag:s0], s1  }
0x38e: {  	s1 =	ssub.s32 @!p0 $0x0, s1;
	[sflag:s0] =	ssyncset.done @!p0 $0x0  }
0x38f: {  	[sflag:s0] =	ssyncadd.s32 @!p0 s1  }
0x390: {  	[bflag:$0x3] =	sbarrier.arrive $0xFFFF  }
0x391: {  	_ =	shalt  }

</sc_bundles>
